<compile_context>
chip_gen: v7x
topology: tpu7x:2x2x1
jax: 0.10.2.dev20260603
libtpu: 0.0.44.dev20260713+nightly
codegen_flags: <defaults>
</compile_context>

<pallas_src>
import functools

import jax
import jax.numpy as jnp
from jax import lax
from jax.experimental import pallas as pl
from jax.experimental.pallas import tpu as pltpu
from jax.experimental.pallas import tpu_sc as plsc

K = 2
NW = 32
ROW_CH = 32


def _sigmoid(a):
    return 1.0 / (1.0 + jnp.exp(-a))



def _router_body(x_ref, gw_ref, w_ref, eid_ref, r_ref, counts_ref, starts_ref,
                 base_ref, *, E, BT):
    i = pl.program_id(0)

    @pl.when(i == 0)
    def _init():
        base_ref[...] = jnp.zeros_like(base_ref)

    x = x_ref[...]
    gw = gw_ref[...]
    logits = jnp.dot(x, gw, preferred_element_type=jnp.float32)
    m = jnp.max(logits, axis=-1, keepdims=True)
    ex = jnp.exp(logits - m)
    probs = ex / jnp.sum(ex, axis=-1, keepdims=True)
    iota = lax.broadcasted_iota(jnp.int32, probs.shape, 1)
    m1 = jnp.max(probs, axis=-1, keepdims=True)
    i1 = jnp.min(jnp.where(probs == m1, iota, E), axis=-1, keepdims=True)
    mask1 = iota == i1
    probs2 = jnp.where(mask1, -1.0, probs)
    m2 = jnp.max(probs2, axis=-1, keepdims=True)
    i2 = jnp.min(jnp.where(probs2 == m2, iota, E), axis=-1, keepdims=True)
    mask2 = iota == i2

    w_ref[...] = jnp.concatenate([m1, m2], axis=1)
    eid_ref[...] = jnp.concatenate([i1, i2], axis=1)

    oh1 = mask1.astype(jnp.float32)
    oh2 = mask2.astype(jnp.float32)
    oh = oh1 + oh2
    ri = lax.broadcasted_iota(jnp.int32, (BT, BT), 0)
    ci = lax.broadcasted_iota(jnp.int32, (BT, BT), 1)
    L = (ci < ri).astype(jnp.float32)
    cum = jnp.dot(L, oh, preferred_element_type=jnp.float32) + base_ref[...]
    r0 = jnp.sum(oh1 * cum, axis=-1, keepdims=True)
    r1 = jnp.sum(oh2 * cum, axis=-1, keepdims=True)
    r_ref[...] = jnp.concatenate([r0, r1], axis=1).astype(jnp.int32)

    newbase = base_ref[...] + jnp.sum(oh, axis=0, keepdims=True)
    base_ref[...] = newbase
    counts_ref[...] = newbase.astype(jnp.int32)
    fi = lax.broadcasted_iota(jnp.int32, (E, E), 0)
    ei = lax.broadcasted_iota(jnp.int32, (E, E), 1)
    U = (fi < ei).astype(jnp.float32)
    starts_ref[...] = jnp.dot(newbase, U, preferred_element_type=jnp.float32,
                              precision=lax.Precision.HIGHEST).astype(jnp.int32)



def _pos_body(eid_ref, r_ref, starts_ref, w_ref, pos_ref, wrep_ref, *, E):
    eid = eid_ref[...]
    r = r_ref[...]
    starts = starts_ref[...]
    iota = lax.broadcasted_iota(jnp.int32, (eid.shape[0], E), 1)
    p0 = jnp.sum(jnp.where(iota == eid[:, 0:1], starts, 0), axis=-1,
                 keepdims=True)
    p1 = jnp.sum(jnp.where(iota == eid[:, 1:2], starts, 0), axis=-1,
                 keepdims=True)
    pos_ref[...] = r + jnp.concatenate([p0, p1], axis=1)
    w = w_ref[...]
    BT2 = w.shape[0]
    wrep_ref[...] = jnp.broadcast_to(w[:, :, None],
                                     (BT2, K, 128)).reshape(BT2 * K, 128)



def _dispatch_body(pos_hbm, wrep_hbm, x_hbm, xa_hbm, ws_hbm,
                   pos_m, wrep_v, tok_m, rows_a, rows_b, semw, semg, sems,
                   *, PPW, D):
    wid = lax.axis_index("s") * 2 + lax.axis_index("c")
    base = wid * PPW
    nch = PPW // ROW_CH
    for ch in range(nch):
        pltpu.sync_copy(pos_hbm.at[pl.ds(base + ch * ROW_CH, ROW_CH)],
                        pos_m.at[ch])
    pltpu.sync_copy(wrep_hbm.at[pl.ds(base, PPW)], wrep_v)
    for j in range(PPW // 16):
        iv = lax.iota(jnp.int32, 16)
        tok_m[j // 2, pl.ds((j % 2) * 16, 16)] = (
            lax.shift_right_logical(base + j * 16 + iv, 1))
    cw = [pltpu.async_copy(wrep_v.at[pl.ds(ch * ROW_CH, ROW_CH)],
                           ws_hbm.at[pos_m.at[ch]], semw)
          for ch in range(nch)]
    bufs = (rows_a, rows_b)
    cg = [None] * nch
    cs = [None] * nch
    cg[0] = pltpu.async_copy(x_hbm.at[tok_m.at[0]], bufs[0], semg)
    for ch in range(nch):
        cg[ch].wait()
        cs[ch] = pltpu.async_copy(bufs[ch % 2], xa_hbm.at[pos_m.at[ch]], sems)
        if ch + 1 < nch:
            if ch >= 1:
                cs[ch - 1].wait()
            cg[ch + 1] = pltpu.async_copy(x_hbm.at[tok_m.at[ch + 1]],
                                          bufs[(ch + 1) % 2], semg)
    cs[nch - 1].wait()
    if nch >= 2:
        cs[nch - 2].wait()
    for c in cw:
        c.wait()



def _gmm_body(e_ref, mt_ref, lo_ref, hi_ref, first_ref,
              xa_ref, x_ref, wg_ref, wu_ref, wd_ref, bg_ref, bu_ref, bd_ref,
              ws_ref, ys_ref, *, BM, E):
    u = pl.program_id(0)
    e = e_ref[u]
    mt = mt_ref[u]
    lo = lo_ref[u]
    hi = hi_ref[u]
    first = first_ref[u]
    is_res = (e == E)
    xs = jnp.where(is_res, x_ref[...], xa_ref[...]).astype(jnp.bfloat16)
    row = mt * BM + lax.broadcasted_iota(jnp.int32, (BM, 1), 0)
    valid = (row >= lo) & (row < hi)
    a = jnp.dot(xs, wg_ref[0], preferred_element_type=jnp.float32) + bg_ref[0]
    uu = jnp.dot(xs, wu_ref[0], preferred_element_type=jnp.float32) + bu_ref[0]
    h = (a * _sigmoid(a)) * uu
    h = jnp.where(valid, h, 0.0).astype(jnp.bfloat16)
    y = jnp.dot(h, wd_ref[0], preferred_element_type=jnp.float32)
    y = y + jnp.where(valid, bd_ref[0], 0.0)
    wsv = ws_ref[...][:, 0:1]
    y = y * jnp.where(is_res, jnp.ones_like(wsv), wsv)

    @pl.when(first == 1)
    def _init():
        ys_ref[...] = y

    @pl.when(first == 0)
    def _acc():
        ys_ref[...] += y



def _combine_body(ys_hbm, pos_hbm, out_hbm,
                  pos_m, rows_a, rows_b, acc_a, acc_b, semg, semr, semo,
                  *, TPW, D, RES0):
    wid = lax.axis_index("s") * 2 + lax.axis_index("c")
    tbase = wid * TPW
    pbase = K * tbase
    nch = TPW // 16
    for ch in range(nch):
        pltpu.sync_copy(pos_hbm.at[pl.ds(pbase + ch * 32, 32)], pos_m.at[ch])
    rows = (rows_a, rows_b)
    accs = (acc_a, acc_b)

    def fire(ch):
        cg = pltpu.async_copy(ys_hbm.at[pos_m.at[ch]], rows[ch % 2], semg)
        cr = pltpu.async_copy(ys_hbm.at[pl.ds(RES0 + tbase + ch * 16, 16)],
                              accs[ch % 2], semr)
        return cg, cr

    pend = fire(0)
    co = [None] * nch
    for ch in range(nch):
        pend[0].wait()
        pend[1].wait()
        if ch + 1 < nch:
            if ch >= 1:
                co[ch - 1].wait()
            pend = fire(ch + 1)
        rv = rows[ch % 2]
        av = accs[ch % 2]

        def jbody(j, _, rv=rv, av=av):
            def dbody(dq, _):
                for q in range(4):
                    sl = pl.ds(dq * 64 + q * 16, 16)
                    av[j, sl] += rv[2 * j, sl] + rv[2 * j + 1, sl]
                return 0

            lax.fori_loop(0, D // 64, dbody, 0)
            return 0

        lax.fori_loop(0, 16, jbody, 0)
        co[ch] = pltpu.async_copy(av, out_hbm.at[pl.ds(tbase + ch * 16, 16)],
                                  semo)
    co[nch - 1].wait()
    if nch >= 2:
        co[nch - 2].wait()



def kernel(x, gate_W, W_gate, W_up, W_down, b_gate, b_up, b_down,
           Wr_gate, Wr_up, Wr_down, br_gate, br_up, br_down):
    T, D = x.shape
    E = gate_W.shape[1]
    HE = W_gate.shape[2]
    P = T * K

    BT = min(T, 512)
    w_pair, eid, rank, counts, starts_arr = pl.pallas_call(
        functools.partial(_router_body, E=E, BT=BT),
        grid=(T // BT,),
        in_specs=[
            pl.BlockSpec((BT, D), lambda i: (i, 0)),
            pl.BlockSpec((D, E), lambda i: (0, 0)),
        ],
        out_specs=[
            pl.BlockSpec((BT, K), lambda i: (i, 0)),
            pl.BlockSpec((BT, K), lambda i: (i, 0)),
            pl.BlockSpec((BT, K), lambda i: (i, 0)),
            pl.BlockSpec((1, E), lambda i: (0, 0)),
            pl.BlockSpec((1, E), lambda i: (0, 0)),
        ],
        out_shape=[
            jax.ShapeDtypeStruct((T, K), jnp.float32),
            jax.ShapeDtypeStruct((T, K), jnp.int32),
            jax.ShapeDtypeStruct((T, K), jnp.int32),
            jax.ShapeDtypeStruct((1, E), jnp.int32),
            jax.ShapeDtypeStruct((1, E), jnp.int32),
        ],
        scratch_shapes=[pltpu.VMEM((1, E), jnp.float32)],
    )(x, gate_W)

    BT2 = min(T, 2048)
    pos, wrep = pl.pallas_call(
        functools.partial(_pos_body, E=E),
        grid=(T // BT2,),
        in_specs=[
            pl.BlockSpec((BT2, K), lambda i: (i, 0)),
            pl.BlockSpec((BT2, K), lambda i: (i, 0)),
            pl.BlockSpec((1, E), lambda i: (0, 0)),
            pl.BlockSpec((BT2, K), lambda i: (i, 0)),
        ],
        out_specs=[
            pl.BlockSpec((BT2, K), lambda i: (i, 0)),
            pl.BlockSpec((BT2 * K, 128), lambda i: (i, 0)),
        ],
        out_shape=[
            jax.ShapeDtypeStruct((T, K), jnp.int32),
            jax.ShapeDtypeStruct((P, 128), jnp.float32),
        ],
    )(eid, rank, starts_arr, w_pair)

    pos = pos.reshape(P)
    xa, ws = _run_dispatch(pos, wrep, x)

    BM = 512
    MT_S = P // BM
    MT_R = T // BM
    G_MOE = MT_S + E - 1
    cnt = counts.reshape(E)
    starts = jnp.cumsum(cnt) - cnt
    ends = starts + cnt
    first_tile = starts // BM
    last_tile = jnp.maximum(ends - 1, 0) // BM
    mt_ar = jnp.arange(MT_S)[:, None]
    ov = ((mt_ar >= first_tile[None, :]) & (mt_ar <= last_tile[None, :])
          & (cnt > 0)[None, :])
    flat = ov.reshape(-1)
    idx = jnp.nonzero(flat, size=G_MOE, fill_value=0)[0]
    nreal = jnp.sum(flat.astype(jnp.int32))
    uvalid = jnp.arange(G_MOE) < nreal
    mtu = idx // E
    eu = idx % E
    lo = jnp.maximum(starts[eu], mtu * BM)
    hi = jnp.minimum(ends[eu], (mtu + 1) * BM)
    mtu = jnp.where(uvalid, mtu, MT_S - 1)
    eu = jnp.where(uvalid, eu, 0)
    lo = jnp.where(uvalid, lo, 0)
    hi = jnp.where(uvalid, hi, 0)
    mtr = MT_S + jnp.arange(MT_R)
    e_arr = jnp.concatenate([eu, jnp.full((MT_R,), E)]).astype(jnp.int32)
    mt_arr = jnp.concatenate([mtu, mtr]).astype(jnp.int32)
    lo_arr = jnp.concatenate([lo, mtr * BM]).astype(jnp.int32)
    hi_arr = jnp.concatenate([hi, (mtr + 1) * BM]).astype(jnp.int32)
    first_arr = jnp.concatenate(
        [jnp.array([1]), (mt_arr[1:] != mt_arr[:-1]).astype(jnp.int32)])
    G = G_MOE + MT_R

    Wg_all = jnp.concatenate([W_gate, Wr_gate[None]], axis=0).astype(jnp.bfloat16)
    Wu_all = jnp.concatenate([W_up, Wr_up[None]], axis=0).astype(jnp.bfloat16)
    Wd_all = jnp.concatenate([W_down, Wr_down[None]], axis=0).astype(jnp.bfloat16)
    bg_all = jnp.concatenate([b_gate, br_gate[None]], axis=0).reshape(E + 1, 1, HE)
    bu_all = jnp.concatenate([b_up, br_up[None]], axis=0).reshape(E + 1, 1, HE)
    bd_all = jnp.concatenate([b_down, br_down[None]], axis=0).reshape(E + 1, 1, D)

    ys = pl.pallas_call(
        functools.partial(_gmm_body, BM=BM, E=E),
        grid_spec=pltpu.PrefetchScalarGridSpec(
            num_scalar_prefetch=5,
            grid=(G,),
            in_specs=[
                pl.BlockSpec((BM, D),
                             lambda u, es, mts, los, his, fs:
                             (jnp.minimum(mts[u], MT_S - 1), 0)),
                pl.BlockSpec((BM, D),
                             lambda u, es, mts, los, his, fs:
                             (jnp.maximum(mts[u] - MT_S, 0), 0)),
                pl.BlockSpec((1, D, HE),
                             lambda u, es, mts, los, his, fs: (es[u], 0, 0)),
                pl.BlockSpec((1, D, HE),
                             lambda u, es, mts, los, his, fs: (es[u], 0, 0)),
                pl.BlockSpec((1, HE, D),
                             lambda u, es, mts, los, his, fs: (es[u], 0, 0)),
                pl.BlockSpec((1, 1, HE),
                             lambda u, es, mts, los, his, fs: (es[u], 0, 0)),
                pl.BlockSpec((1, 1, HE),
                             lambda u, es, mts, los, his, fs: (es[u], 0, 0)),
                pl.BlockSpec((1, 1, D),
                             lambda u, es, mts, los, his, fs: (es[u], 0, 0)),
                pl.BlockSpec((BM, 128),
                             lambda u, es, mts, los, his, fs:
                             (jnp.minimum(mts[u], MT_S - 1), 0)),
            ],
            out_specs=pl.BlockSpec((BM, D),
                                   lambda u, es, mts, los, his, fs:
                                   (mts[u], 0)),
        ),
        out_shape=jax.ShapeDtypeStruct((P + T, D), jnp.float32),
        compiler_params=pltpu.CompilerParams(
            dimension_semantics=("arbitrary",)),
    )(e_arr, mt_arr, lo_arr, hi_arr, first_arr,
      xa, x, Wg_all, Wu_all, Wd_all, bg_all, bu_all, bd_all, ws)

    out = _run_combine(ys, pos)
    return out


def _run_dispatch(posf, wrep, x):
    P = posf.shape[0]
    T, D = x.shape
    PPW = P // NW
    dispatch = pl.kernel(
        functools.partial(_dispatch_body, PPW=PPW, D=D),
        out_type=[
            jax.ShapeDtypeStruct((P, D), jnp.float32),
            jax.ShapeDtypeStruct((P, 128), jnp.float32),
        ],
        mesh=plsc.VectorSubcoreMesh(core_axis_name="c", subcore_axis_name="s"),
        scratch_types=[
            pltpu.VMEM((PPW // ROW_CH, ROW_CH), jnp.int32),
            pltpu.VMEM((PPW, 128), jnp.float32),
            pltpu.VMEM((PPW // ROW_CH, ROW_CH), jnp.int32),
            pltpu.VMEM((ROW_CH, D), jnp.float32),
            pltpu.VMEM((ROW_CH, D), jnp.float32),
            pltpu.SemaphoreType.DMA,
            pltpu.SemaphoreType.DMA,
            pltpu.SemaphoreType.DMA,
        ],
    )
    return dispatch(posf, wrep, x)


def _run_combine(ys, pos):
    P = pos.shape[0]
    T = P // K
    D = ys.shape[1]
    TPW = T // NW
    combine = pl.kernel(
        functools.partial(_combine_body, TPW=TPW, D=D, RES0=P),
        out_type=jax.ShapeDtypeStruct((T, D), jnp.float32),
        mesh=plsc.VectorSubcoreMesh(core_axis_name="c", subcore_axis_name="s"),
        scratch_types=[
            pltpu.VMEM((TPW // 16, 32), jnp.int32),
            pltpu.VMEM((32, D), jnp.float32),
            pltpu.VMEM((32, D), jnp.float32),
            pltpu.VMEM((16, D), jnp.float32),
            pltpu.VMEM((16, D), jnp.float32),
            pltpu.SemaphoreType.DMA,
            pltpu.SemaphoreType.DMA,
            pltpu.SemaphoreType.DMA,
        ],
    )
    return combine(ys, pos)

# --- scband reference (transcript-rebuilt; emitter-appended) ---
"""Pipeline reference for scband-linear-glumo-eresidual-layer-25254407700729 (READ-ONLY COPY).

The authoritative reference and input builder live on the scoring server;
editing this copy changes nothing except your own understanding.
"""

import jax, jax.numpy as jnp
import numpy as np

D = 1024
H = 4096
E = 16
HE = H // E  # 256 per-expert hidden
K = 2
T = 4096
HR = HE * 1  # residual hidden = hidden_size // num_experts * num_experts_residual


def setup_inputs(seed: int = 0) -> dict:
    key = jax.random.key(seed)
    ks = jax.random.split(key, 16)
    s = 0.02
    inp = {
        "x": jax.random.normal(ks[0], (T, D), dtype=jnp.float32),
        "gate_W": jax.random.normal(ks[1], (D, E), dtype=jnp.float32) * s,
        "W_gate": jax.random.normal(ks[2], (E, D, HE), dtype=jnp.float32) * s,
        "W_up": jax.random.normal(ks[3], (E, D, HE), dtype=jnp.float32) * s,
        "W_down": jax.random.normal(ks[4], (E, HE, D), dtype=jnp.float32) * s,
        "b_gate": jnp.zeros((E, HE), dtype=jnp.float32),
        "b_up": jnp.zeros((E, HE), dtype=jnp.float32),
        "b_down": jnp.zeros((E, D), dtype=jnp.float32),
        "Wr_gate": jax.random.normal(ks[5], (D, HR), dtype=jnp.float32) * s,
        "Wr_up": jax.random.normal(ks[6], (D, HR), dtype=jnp.float32) * s,
        "Wr_down": jax.random.normal(ks[7], (HR, D), dtype=jnp.float32) * s,
        "br_gate": jnp.zeros((HR,), dtype=jnp.float32),
        "br_up": jnp.zeros((HR,), dtype=jnp.float32),
        "br_down": jnp.zeros((D,), dtype=jnp.float32),
    }
    return inp


def reference(x, gate_W, W_gate, W_up, W_down, b_gate, b_up, b_down,
              Wr_gate, Wr_up, Wr_down, br_gate, br_up, br_down):
    # --- main MoE layer: TopK softmax gate + GLU experts, multiply_gate_scores ---
    logits = x @ gate_W                      # [T, E]
    probs = jax.nn.softmax(logits, axis=-1)  # gate_use_softmax=True
    top_vals, top_idx = jax.lax.top_k(probs, K)  # [T, K]
    # combine weights: softmax prob at selected experts, zero elsewhere
    combine = jnp.sum(jax.nn.one_hot(top_idx, E, dtype=x.dtype) * top_vals[..., None], axis=1)  # [T, E]
    # dense per-expert GLU (mathematically identical to sparse dispatch; zero weight for unselected)
    g = jax.nn.silu(jnp.einsum('td,edh->teh', x, W_gate) + b_gate[None])   # [T, E, HE]
    u = jnp.einsum('td,edh->teh', x, W_up) + b_up[None]                     # [T, E, HE]
    y = jnp.einsum('teh,ehd->ted', g * u, W_down) + b_down[None]            # [T, E, D]
    moe_out = jnp.einsum('ted,te->td', y, combine)                          # [T, D]
    # --- residual block: 1 expert, UniformPlainGate(softmax of uniform) -> weight 1.0, scale 1.0 ---
    rg = jax.nn.silu(x @ Wr_gate + br_gate)
    ru = x @ Wr_up + br_up
    res = (rg * ru) @ Wr_down + br_down                                      # [T, D]
    return moe_out + res

if __name__ == "__main__":
    import jax
    _d = setup_inputs()
    print(jax.jit(kernel)(*tuple(_d.values())))

</pallas_src>

<mosaic_0001>
#map = affine_map<(d0, d1) -> (0, 0)>
#map1 = affine_map<(d0, d1) -> (0)>
module attributes {stable_mosaic.version = 14 : i64} {
  func.func @_combine_body(%arg0: i32, %arg1: i32, %arg2: memref<12288x1024xf32, #tpu.memory_space<hbm>>, %arg3: memref<8192xi32, #tpu.memory_space<hbm>>, %arg4: memref<4096x1024xf32, #tpu.memory_space<hbm>>, %arg5: memref<8x32xi32, #tpu.memory_space<vmem>>, %arg6: memref<32x1024xf32, #tpu.memory_space<vmem>>, %arg7: memref<32x1024xf32, #tpu.memory_space<vmem>>, %arg8: memref<16x1024xf32, #tpu.memory_space<vmem>>, %arg9: memref<16x1024xf32, #tpu.memory_space<vmem>>, %arg10: memref<!tpu.dma_semaphore, #tpu.memory_space<semaphore_mem>>, %arg11: memref<!tpu.dma_semaphore, #tpu.memory_space<semaphore_mem>>, %arg12: memref<!tpu.dma_semaphore, #tpu.memory_space<semaphore_mem>>) attributes {dimension_semantics = [#tpu.dimension_semantics<core_parallel>, #tpu.dimension_semantics<subcore_parallel>], iteration_bounds = array<i64: 2, 16>, scalar_prefetch = 0 : i64, scratch_operands = 8 : i64, tpu.core_type = #tpu.core_type<sc_vector_subcore>, window_params = [{transform_indices = #map}, {transform_indices = #map1}, {transform_indices = #map}]} {
    %mul3A = arith.constant 2 : i32
    %mul3A_0 = arith.muli %arg1, %mul3A : i32
    %add3A = arith.addi %mul3A_0, %arg0 : i32
    %mul3A_1 = arith.constant 128 : i32
    %mul3A_2 = arith.muli %add3A, %mul3A_1 : i32
    %mul3A_3 = arith.constant 2 : i32
    %mul3A_4 = arith.muli %mul3A_3, %mul3A_2 : i32
    %add3A_5 = arith.constant 0 : i32
    %add3A_6 = arith.addi %mul3A_4, %add3A_5 : i32
    %run_scoped3A = arith.constant 0 : i32
    "tpu.region"() ({
      %run_scoped3A_369 = tpu.sem_alloc : memref<!tpu.dma_semaphore, #tpu.memory_space<semaphore_mem>>
      %dma_start3A_370 = arith.constant 0 : i32
      %dma_start3A_371 = tpu.memref_slice %arg5[%run_scoped3A, %dma_start3A_370] : memref<8x32xi32, #tpu.memory_space<vmem>> -> memref<1x32xi32, #tpu.memory_space<vmem>>
      %dma_start3A_372 = tpu.memref_squeeze %dma_start3A_371 : memref<1x32xi32, #tpu.memory_space<vmem>> -> memref<32xi32, #tpu.memory_space<vmem>>
      %dma_start3A_373 = tpu.memref_slice %arg3[%add3A_6] : memref<8192xi32, #tpu.memory_space<hbm>> -> memref<32xi32, #tpu.memory_space<hbm>>
      %dma_start3A_374 = arith.constant 0 : i32
      %dma_start3A_375 = tpu.memref_slice %arg5[%run_scoped3A, %dma_start3A_374] : memref<8x32xi32, #tpu.memory_space<vmem>> -> memref<1x32xi32, #tpu.memory_space<vmem>>
      %dma_start3A_376 = tpu.memref_squeeze %dma_start3A_375 : memref<1x32xi32, #tpu.memory_space<vmem>> -> memref<32xi32, #tpu.memory_space<vmem>>
      %dma_start3A_377 = tpu.memref_slice %arg3[%add3A_6] : memref<8192xi32, #tpu.memory_space<hbm>> -> memref<32xi32, #tpu.memory_space<hbm>>
      tpu.enqueue_dma source(%dma_start3A_377 : memref<32xi32, #tpu.memory_space<hbm>>) target(%dma_start3A_376 : memref<32xi32, #tpu.memory_space<vmem>>) target_semaphore(%run_scoped3A_369 : memref<!tpu.dma_semaphore, #tpu.memory_space<semaphore_mem>>)
      %dma_wait3A_378 = arith.constant 0 : i32
      %dma_wait3A_379 = tpu.memref_slice %arg5[%run_scoped3A, %dma_wait3A_378] : memref<8x32xi32, #tpu.memory_space<vmem>> -> memref<1x32xi32, #tpu.memory_space<vmem>>
      %dma_wait3A_380 = tpu.memref_squeeze %dma_wait3A_379 : memref<1x32xi32, #tpu.memory_space<vmem>> -> memref<32xi32, #tpu.memory_space<vmem>>
      %dma_wait3A_381 = tpu.memref_slice %arg3[%add3A_6] : memref<8192xi32, #tpu.memory_space<hbm>> -> memref<32xi32, #tpu.memory_space<hbm>>
      %dma_wait3A_382 = arith.constant 0 : i32
      %dma_wait3A_383 = tpu.memref_slice %arg5[%run_scoped3A, %dma_wait3A_382] : memref<8x32xi32, #tpu.memory_space<vmem>> -> memref<1x32xi32, #tpu.memory_space<vmem>>
      %dma_wait3A_384 = tpu.memref_squeeze %dma_wait3A_383 : memref<1x32xi32, #tpu.memory_space<vmem>> -> memref<32xi32, #tpu.memory_space<vmem>>
      %dma_wait3A_385 = tpu.memref_slice %arg3[%add3A_6] : memref<8192xi32, #tpu.memory_space<hbm>> -> memref<32xi32, #tpu.memory_space<hbm>>
      tpu.wait_dma2 semaphore(%run_scoped3A_369 : memref<!tpu.dma_semaphore, #tpu.memory_space<semaphore_mem>>) src(%dma_wait3A_385 : memref<32xi32, #tpu.memory_space<hbm>>) dst(%dma_wait3A_384 : memref<32xi32, #tpu.memory_space<vmem>>)
      tpu.yield
    }) : () -> ()
    %add3A_7 = arith.constant 32 : i32
    %add3A_8 = arith.addi %mul3A_4, %add3A_7 : i32
    %run_scoped3A_9 = arith.constant 1 : i32
    "tpu.region"() ({
      %run_scoped3A_369 = tpu.sem_alloc : memref<!tpu.dma_semaphore, #tpu.memory_space<semaphore_mem>>
      %dma_start3A_370 = arith.constant 0 : i32
      %dma_start3A_371 = tpu.memref_slice %arg5[%run_scoped3A_9, %dma_start3A_370] : memref<8x32xi32, #tpu.memory_space<vmem>> -> memref<1x32xi32, #tpu.memory_space<vmem>>
      %dma_start3A_372 = tpu.memref_squeeze %dma_start3A_371 : memref<1x32xi32, #tpu.memory_space<vmem>> -> memref<32xi32, #tpu.memory_space<vmem>>
      %dma_start3A_373 = tpu.memref_slice %arg3[%add3A_8] : memref<8192xi32, #tpu.memory_space<hbm>> -> memref<32xi32, #tpu.memory_space<hbm>>
      %dma_start3A_374 = arith.constant 0 : i32
      %dma_start3A_375 = tpu.memref_slice %arg5[%run_scoped3A_9, %dma_start3A_374] : memref<8x32xi32, #tpu.memory_space<vmem>> -> memref<1x32xi32, #tpu.memory_space<vmem>>
      %dma_start3A_376 = tpu.memref_squeeze %dma_start3A_375 : memref<1x32xi32, #tpu.memory_space<vmem>> -> memref<32xi32, #tpu.memory_space<vmem>>
      %dma_start3A_377 = tpu.memref_slice %arg3[%add3A_8] : memref<8192xi32, #tpu.memory_space<hbm>> -> memref<32xi32, #tpu.memory_space<hbm>>
      tpu.enqueue_dma source(%dma_start3A_377 : memref<32xi32, #tpu.memory_space<hbm>>) target(%dma_start3A_376 : memref<32xi32, #tpu.memory_space<vmem>>) target_semaphore(%run_scoped3A_369 : memref<!tpu.dma_semaphore, #tpu.memory_space<semaphore_mem>>)
      %dma_wait3A_378 = arith.constant 0 : i32
      %dma_wait3A_379 = tpu.memref_slice %arg5[%run_scoped3A_9, %dma_wait3A_378] : memref<8x32xi32, #tpu.memory_space<vmem>> -> memref<1x32xi32, #tpu.memory_space<vmem>>
      %dma_wait3A_380 = tpu.memref_squeeze %dma_wait3A_379 : memref<1x32xi32, #tpu.memory_space<vmem>> -> memref<32xi32, #tpu.memory_space<vmem>>
      %dma_wait3A_381 = tpu.memref_slice %arg3[%add3A_8] : memref<8192xi32, #tpu.memory_space<hbm>> -> memref<32xi32, #tpu.memory_space<hbm>>
      %dma_wait3A_382 = arith.constant 0 : i32
      %dma_wait3A_383 = tpu.memref_slice %arg5[%run_scoped3A_9, %dma_wait3A_382] : memref<8x32xi32, #tpu.memory_space<vmem>> -> memref<1x32xi32, #tpu.memory_space<vmem>>
      %dma_wait3A_384 = tpu.memref_squeeze %dma_wait3A_383 : memref<1x32xi32, #tpu.memory_space<vmem>> -> memref<32xi32, #tpu.memory_space<vmem>>
      %dma_wait3A_385 = tpu.memref_slice %arg3[%add3A_8] : memref<8192xi32, #tpu.memory_space<hbm>> -> memref<32xi32, #tpu.memory_space<hbm>>
      tpu.wait_dma2 semaphore(%run_scoped3A_369 : memref<!tpu.dma_semaphore, #tpu.memory_space<semaphore_mem>>) src(%dma_wait3A_385 : memref<32xi32, #tpu.memory_space<hbm>>) dst(%dma_wait3A_384 : memref<32xi32, #tpu.memory_space<vmem>>)
      tpu.yield
    }) : () -> ()
    %add3A_10 = arith.constant 64 : i32
    %add3A_11 = arith.addi %mul3A_4, %add3A_10 : i32
    %run_scoped3A_12 = arith.constant 2 : i32
    "tpu.region"() ({
      %run_scoped3A_369 = tpu.sem_alloc : memref<!tpu.dma_semaphore, #tpu.memory_space<semaphore_mem>>
      %dma_start3A_370 = arith.constant 0 : i32
      %dma_start3A_371 = tpu.memref_slice %arg5[%run_scoped3A_12, %dma_start3A_370] : memref<8x32xi32, #tpu.memory_space<vmem>> -> memref<1x32xi32, #tpu.memory_space<vmem>>
      %dma_start3A_372 = tpu.memref_squeeze %dma_start3A_371 : memref<1x32xi32, #tpu.memory_space<vmem>> -> memref<32xi32, #tpu.memory_space<vmem>>
      %dma_start3A_373 = tpu.memref_slice %arg3[%add3A_11] : memref<8192xi32, #tpu.memory_space<hbm>> -> memref<32xi32, #tpu.memory_space<hbm>>
      %dma_start3A_374 = arith.constant 0 : i32
      %dma_start3A_375 = tpu.memref_slice %arg5[%run_scoped3A_12, %dma_start3A_374] : memref<8x32xi32, #tpu.memory_space<vmem>> -> memref<1x32xi32, #tpu.memory_space<vmem>>
      %dma_start3A_376 = tpu.memref_squeeze %dma_start3A_375 : memref<1x32xi32, #tpu.memory_space<vmem>> -> memref<32xi32, #tpu.memory_space<vmem>>
      %dma_start3A_377 = tpu.memref_slice %arg3[%add3A_11] : memref<8192xi32, #tpu.memory_space<hbm>> -> memref<32xi32, #tpu.memory_space<hbm>>
      tpu.enqueue_dma source(%dma_start3A_377 : memref<32xi32, #tpu.memory_space<hbm>>) target(%dma_start3A_376 : memref<32xi32, #tpu.memory_space<vmem>>) target_semaphore(%run_scoped3A_369 : memref<!tpu.dma_semaphore, #tpu.memory_space<semaphore_mem>>)
      %dma_wait3A_378 = arith.constant 0 : i32
      %dma_wait3A_379 = tpu.memref_slice %arg5[%run_scoped3A_12, %dma_wait3A_378] : memref<8x32xi32, #tpu.memory_space<vmem>> -> memref<1x32xi32, #tpu.memory_space<vmem>>
      %dma_wait3A_380 = tpu.memref_squeeze %dma_wait3A_379 : memref<1x32xi32, #tpu.memory_space<vmem>> -> memref<32xi32, #tpu.memory_space<vmem>>
      %dma_wait3A_381 = tpu.memref_slice %arg3[%add3A_11] : memref<8192xi32, #tpu.memory_space<hbm>> -> memref<32xi32, #tpu.memory_space<hbm>>
      %dma_wait3A_382 = arith.constant 0 : i32
      %dma_wait3A_383 = tpu.memref_slice %arg5[%run_scoped3A_12, %dma_wait3A_382] : memref<8x32xi32, #tpu.memory_space<vmem>> -> memref<1x32xi32, #tpu.memory_space<vmem>>
      %dma_wait3A_384 = tpu.memref_squeeze %dma_wait3A_383 : memref<1x32xi32, #tpu.memory_space<vmem>> -> memref<32xi32, #tpu.memory_space<vmem>>
      %dma_wait3A_385 = tpu.memref_slice %arg3[%add3A_11] : memref<8192xi32, #tpu.memory_space<hbm>> -> memref<32xi32, #tpu.memory_space<hbm>>
      tpu.wait_dma2 semaphore(%run_scoped3A_369 : memref<!tpu.dma_semaphore, #tpu.memory_space<semaphore_mem>>) src(%dma_wait3A_385 : memref<32xi32, #tpu.memory_space<hbm>>) dst(%dma_wait3A_384 : memref<32xi32, #tpu.memory_space<vmem>>)
      tpu.yield
    }) : () -> ()
    %add3A_13 = arith.constant 96 : i32
    %add3A_14 = arith.addi %mul3A_4, %add3A_13 : i32
    %run_scoped3A_15 = arith.constant 3 : i32
    "tpu.region"() ({
      %run_scoped3A_369 = tpu.sem_alloc : memref<!tpu.dma_semaphore, #tpu.memory_space<semaphore_mem>>
      %dma_start3A_370 = arith.constant 0 : i32
      %dma_start3A_371 = tpu.memref_slice %arg5[%run_scoped3A_15, %dma_start3A_370] : memref<8x32xi32, #tpu.memory_space<vmem>> -> memref<1x32xi32, #tpu.memory_space<vmem>>
      %dma_start3A_372 = tpu.memref_squeeze %dma_start3A_371 : memref<1x32xi32, #tpu.memory_space<vmem>> -> memref<32xi32, #tpu.memory_space<vmem>>
      %dma_start3A_373 = tpu.memref_slice %arg3[%add3A_14] : memref<8192xi32, #tpu.memory_space<hbm>> -> memref<32xi32, #tpu.memory_space<hbm>>
      %dma_start3A_374 = arith.constant 0 : i32
      %dma_start3A_375 = tpu.memref_slice %arg5[%run_scoped3A_15, %dma_start3A_374] : memref<8x32xi32, #tpu.memory_space<vmem>> -> memref<1x32xi32, #tpu.memory_space<vmem>>
      %dma_start3A_376 = tpu.memref_squeeze %dma_start3A_375 : memref<1x32xi32, #tpu.memory_space<vmem>> -> memref<32xi32, #tpu.memory_space<vmem>>
      %dma_start3A_377 = tpu.memref_slice %arg3[%add3A_14] : memref<8192xi32, #tpu.memory_space<hbm>> -> memref<32xi32, #tpu.memory_space<hbm>>
      tpu.enqueue_dma source(%dma_start3A_377 : memref<32xi32, #tpu.memory_space<hbm>>) target(%dma_start3A_376 : memref<32xi32, #tpu.memory_space<vmem>>) target_semaphore(%run_scoped3A_369 : memref<!tpu.dma_semaphore, #tpu.memory_space<semaphore_mem>>)
      %dma_wait3A_378 = arith.constant 0 : i32
      %dma_wait3A_379 = tpu.memref_slice %arg5[%run_scoped3A_15, %dma_wait3A_378] : memref<8x32xi32, #tpu.memory_space<vmem>> -> memref<1x32xi32, #tpu.memory_space<vmem>>
      %dma_wait3A_380 = tpu.memref_squeeze %dma_wait3A_379 : memref<1x32xi32, #tpu.memory_space<vmem>> -> memref<32xi32, #tpu.memory_space<vmem>>
      %dma_wait3A_381 = tpu.memref_slice %arg3[%add3A_14] : memref<8192xi32, #tpu.memory_space<hbm>> -> memref<32xi32, #tpu.memory_space<hbm>>
      %dma_wait3A_382 = arith.constant 0 : i32
      %dma_wait3A_383 = tpu.memref_slice %arg5[%run_scoped3A_15, %dma_wait3A_382] : memref<8x32xi32, #tpu.memory_space<vmem>> -> memref<1x32xi32, #tpu.memory_space<vmem>>
      %dma_wait3A_384 = tpu.memref_squeeze %dma_wait3A_383 : memref<1x32xi32, #tpu.memory_space<vmem>> -> memref<32xi32, #tpu.memory_space<vmem>>
      %dma_wait3A_385 = tpu.memref_slice %arg3[%add3A_14] : memref<8192xi32, #tpu.memory_space<hbm>> -> memref<32xi32, #tpu.memory_space<hbm>>
      tpu.wait_dma2 semaphore(%run_scoped3A_369 : memref<!tpu.dma_semaphore, #tpu.memory_space<semaphore_mem>>) src(%dma_wait3A_385 : memref<32xi32, #tpu.memory_space<hbm>>) dst(%dma_wait3A_384 : memref<32xi32, #tpu.memory_space<vmem>>)
      tpu.yield
    }) : () -> ()
    %add3A_16 = arith.constant 128 : i32
    %add3A_17 = arith.addi %mul3A_4, %add3A_16 : i32
    %run_scoped3A_18 = arith.constant 4 : i32
    "tpu.region"() ({
      %run_scoped3A_369 = tpu.sem_alloc : memref<!tpu.dma_semaphore, #tpu.memory_space<semaphore_mem>>
      %dma_start3A_370 = arith.constant 0 : i32
      %dma_start3A_371 = tpu.memref_slice %arg5[%run_scoped3A_18, %dma_start3A_370] : memref<8x32xi32, #tpu.memory_space<vmem>> -> memref<1x32xi32, #tpu.memory_space<vmem>>
      %dma_start3A_372 = tpu.memref_squeeze %dma_start3A_371 : memref<1x32xi32, #tpu.memory_space<vmem>> -> memref<32xi32, #tpu.memory_space<vmem>>
      %dma_start3A_373 = tpu.memref_slice %arg3[%add3A_17] : memref<8192xi32, #tpu.memory_space<hbm>> -> memref<32xi32, #tpu.memory_space<hbm>>
      %dma_start3A_374 = arith.constant 0 : i32
      %dma_start3A_375 = tpu.memref_slice %arg5[%run_scoped3A_18, %dma_start3A_374] : memref<8x32xi32, #tpu.memory_space<vmem>> -> memref<1x32xi32, #tpu.memory_space<vmem>>
      %dma_start3A_376 = tpu.memref_squeeze %dma_start3A_375 : memref<1x32xi32, #tpu.memory_space<vmem>> -> memref<32xi32, #tpu.memory_space<vmem>>
      %dma_start3A_377 = tpu.memref_slice %arg3[%add3A_17] : memref<8192xi32, #tpu.memory_space<hbm>> -> memref<32xi32, #tpu.memory_space<hbm>>
      tpu.enqueue_dma source(%dma_start3A_377 : memref<32xi32, #tpu.memory_space<hbm>>) target(%dma_start3A_376 : memref<32xi32, #tpu.memory_space<vmem>>) target_semaphore(%run_scoped3A_369 : memref<!tpu.dma_semaphore, #tpu.memory_space<semaphore_mem>>)
      %dma_wait3A_378 = arith.constant 0 : i32
      %dma_wait3A_379 = tpu.memref_slice %arg5[%run_scoped3A_18, %dma_wait3A_378] : memref<8x32xi32, #tpu.memory_space<vmem>> -> memref<1x32xi32, #tpu.memory_space<vmem>>
      %dma_wait3A_380 = tpu.memref_squeeze %dma_wait3A_379 : memref<1x32xi32, #tpu.memory_space<vmem>> -> memref<32xi32, #tpu.memory_space<vmem>>
      %dma_wait3A_381 = tpu.memref_slice %arg3[%add3A_17] : memref<8192xi32, #tpu.memory_space<hbm>> -> memref<32xi32, #tpu.memory_space<hbm>>
      %dma_wait3A_382 = arith.constant 0 : i32
      %dma_wait3A_383 = tpu.memref_slice %arg5[%run_scoped3A_18, %dma_wait3A_382] : memref<8x32xi32, #tpu.memory_space<vmem>> -> memref<1x32xi32, #tpu.memory_space<vmem>>
      %dma_wait3A_384 = tpu.memref_squeeze %dma_wait3A_383 : memref<1x32xi32, #tpu.memory_space<vmem>> -> memref<32xi32, #tpu.memory_space<vmem>>
      %dma_wait3A_385 = tpu.memref_slice %arg3[%add3A_17] : memref<8192xi32, #tpu.memory_space<hbm>> -> memref<32xi32, #tpu.memory_space<hbm>>
      tpu.wait_dma2 semaphore(%run_scoped3A_369 : memref<!tpu.dma_semaphore, #tpu.memory_space<semaphore_mem>>) src(%dma_wait3A_385 : memref<32xi32, #tpu.memory_space<hbm>>) dst(%dma_wait3A_384 : memref<32xi32, #tpu.memory_space<vmem>>)
      tpu.yield
    }) : () -> ()
    %add3A_19 = arith.constant 160 : i32
    %add3A_20 = arith.addi %mul3A_4, %add3A_19 : i32
    %run_scoped3A_21 = arith.constant 5 : i32
    "tpu.region"() ({
      %run_scoped3A_369 = tpu.sem_alloc : memref<!tpu.dma_semaphore, #tpu.memory_space<semaphore_mem>>
      %dma_start3A_370 = arith.constant 0 : i32
      %dma_start3A_371 = tpu.memref_slice %arg5[%run_scoped3A_21, %dma_start3A_370] : memref<8x32xi32, #tpu.memory_space<vmem>> -> memref<1x32xi32, #tpu.memory_space<vmem>>
      %dma_start3A_372 = tpu.memref_squeeze %dma_start3A_371 : memref<1x32xi32, #tpu.memory_space<vmem>> -> memref<32xi32, #tpu.memory_space<vmem>>
      %dma_start3A_373 = tpu.memref_slice %arg3[%add3A_20] : memref<8192xi32, #tpu.memory_space<hbm>> -> memref<32xi32, #tpu.memory_space<hbm>>
      %dma_start3A_374 = arith.constant 0 : i32
      %dma_start3A_375 = tpu.memref_slice %arg5[%run_scoped3A_21, %dma_start3A_374] : memref<8x32xi32, #tpu.memory_space<vmem>> -> memref<1x32xi32, #tpu.memory_space<vmem>>
      %dma_start3A_376 = tpu.memref_squeeze %dma_start3A_375 : memref<1x32xi32, #tpu.memory_space<vmem>> -> memref<32xi32, #tpu.memory_space<vmem>>
      %dma_start3A_377 = tpu.memref_slice %arg3[%add3A_20] : memref<8192xi32, #tpu.memory_space<hbm>> -> memref<32xi32, #tpu.memory_space<hbm>>
      tpu.enqueue_dma source(%dma_start3A_377 : memref<32xi32, #tpu.memory_space<hbm>>) target(%dma_start3A_376 : memref<32xi32, #tpu.memory_space<vmem>>) target_semaphore(%run_scoped3A_369 : memref<!tpu.dma_semaphore, #tpu.memory_space<semaphore_mem>>)
      %dma_wait3A_378 = arith.constant 0 : i32
      %dma_wait3A_379 = tpu.memref_slice %arg5[%run_scoped3A_21, %dma_wait3A_378] : memref<8x32xi32, #tpu.memory_space<vmem>> -> memref<1x32xi32, #tpu.memory_space<vmem>>
      %dma_wait3A_380 = tpu.memref_squeeze %dma_wait3A_379 : memref<1x32xi32, #tpu.memory_space<vmem>> -> memref<32xi32, #tpu.memory_space<vmem>>
      %dma_wait3A_381 = tpu.memref_slice %arg3[%add3A_20] : memref<8192xi32, #tpu.memory_space<hbm>> -> memref<32xi32, #tpu.memory_space<hbm>>
      %dma_wait3A_382 = arith.constant 0 : i32
      %dma_wait3A_383 = tpu.memref_slice %arg5[%run_scoped3A_21, %dma_wait3A_382] : memref<8x32xi32, #tpu.memory_space<vmem>> -> memref<1x32xi32, #tpu.memory_space<vmem>>
      %dma_wait3A_384 = tpu.memref_squeeze %dma_wait3A_383 : memref<1x32xi32, #tpu.memory_space<vmem>> -> memref<32xi32, #tpu.memory_space<vmem>>
      %dma_wait3A_385 = tpu.memref_slice %arg3[%add3A_20] : memref<8192xi32, #tpu.memory_space<hbm>> -> memref<32xi32, #tpu.memory_space<hbm>>
      tpu.wait_dma2 semaphore(%run_scoped3A_369 : memref<!tpu.dma_semaphore, #tpu.memory_space<semaphore_mem>>) src(%dma_wait3A_385 : memref<32xi32, #tpu.memory_space<hbm>>) dst(%dma_wait3A_384 : memref<32xi32, #tpu.memory_space<vmem>>)
      tpu.yield
    }) : () -> ()
    %add3A_22 = arith.constant 192 : i32
    %add3A_23 = arith.addi %mul3A_4, %add3A_22 : i32
    %run_scoped3A_24 = arith.constant 6 : i32
    "tpu.region"() ({
      %run_scoped3A_369 = tpu.sem_alloc : memref<!tpu.dma_semaphore, #tpu.memory_space<semaphore_mem>>
      %dma_start3A_370 = arith.constant 0 : i32
      %dma_start3A_371 = tpu.memref_slice %arg5[%run_scoped3A_24, %dma_start3A_370] : memref<8x32xi32, #tpu.memory_space<vmem>> -> memref<1x32xi32, #tpu.memory_space<vmem>>
      %dma_start3A_372 = tpu.memref_squeeze %dma_start3A_371 : memref<1x32xi32, #tpu.memory_space<vmem>> -> memref<32xi32, #tpu.memory_space<vmem>>
      %dma_start3A_373 = tpu.memref_slice %arg3[%add3A_23] : memref<8192xi32, #tpu.memory_space<hbm>> -> memref<32xi32, #tpu.memory_space<hbm>>
      %dma_start3A_374 = arith.constant 0 : i32
      %dma_start3A_375 = tpu.memref_slice %arg5[%run_scoped3A_24, %dma_start3A_374] : memref<8x32xi32, #tpu.memory_space<vmem>> -> memref<1x32xi32, #tpu.memory_space<vmem>>
      %dma_start3A_376 = tpu.memref_squeeze %dma_start3A_375 : memref<1x32xi32, #tpu.memory_space<vmem>> -> memref<32xi32, #tpu.memory_space<vmem>>
      %dma_start3A_377 = tpu.memref_slice %arg3[%add3A_23] : memref<8192xi32, #tpu.memory_space<hbm>> -> memref<32xi32, #tpu.memory_space<hbm>>
      tpu.enqueue_dma source(%dma_start3A_377 : memref<32xi32, #tpu.memory_space<hbm>>) target(%dma_start3A_376 : memref<32xi32, #tpu.memory_space<vmem>>) target_semaphore(%run_scoped3A_369 : memref<!tpu.dma_semaphore, #tpu.memory_space<semaphore_mem>>)
      %dma_wait3A_378 = arith.constant 0 : i32
      %dma_wait3A_379 = tpu.memref_slice %arg5[%run_scoped3A_24, %dma_wait3A_378] : memref<8x32xi32, #tpu.memory_space<vmem>> -> memref<1x32xi32, #tpu.memory_space<vmem>>
      %dma_wait3A_380 = tpu.memref_squeeze %dma_wait3A_379 : memref<1x32xi32, #tpu.memory_space<vmem>> -> memref<32xi32, #tpu.memory_space<vmem>>
      %dma_wait3A_381 = tpu.memref_slice %arg3[%add3A_23] : memref<8192xi32, #tpu.memory_space<hbm>> -> memref<32xi32, #tpu.memory_space<hbm>>
      %dma_wait3A_382 = arith.constant 0 : i32
      %dma_wait3A_383 = tpu.memref_slice %arg5[%run_scoped3A_24, %dma_wait3A_382] : memref<8x32xi32, #tpu.memory_space<vmem>> -> memref<1x32xi32, #tpu.memory_space<vmem>>
      %dma_wait3A_384 = tpu.memref_squeeze %dma_wait3A_383 : memref<1x32xi32, #tpu.memory_space<vmem>> -> memref<32xi32, #tpu.memory_space<vmem>>
      %dma_wait3A_385 = tpu.memref_slice %arg3[%add3A_23] : memref<8192xi32, #tpu.memory_space<hbm>> -> memref<32xi32, #tpu.memory_space<hbm>>
      tpu.wait_dma2 semaphore(%run_scoped3A_369 : memref<!tpu.dma_semaphore, #tpu.memory_space<semaphore_mem>>) src(%dma_wait3A_385 : memref<32xi32, #tpu.memory_space<hbm>>) dst(%dma_wait3A_384 : memref<32xi32, #tpu.memory_space<vmem>>)
      tpu.yield
    }) : () -> ()
    %add3A_25 = arith.constant 224 : i32
    %add3A_26 = arith.addi %mul3A_4, %add3A_25 : i32
    %run_scoped3A_27 = arith.constant 7 : i32
    "tpu.region"() ({
      %run_scoped3A_369 = tpu.sem_alloc : memref<!tpu.dma_semaphore, #tpu.memory_space<semaphore_mem>>
      %dma_start3A_370 = arith.constant 0 : i32
      %dma_start3A_371 = tpu.memref_slice %arg5[%run_scoped3A_27, %dma_start3A_370] : memref<8x32xi32, #tpu.memory_space<vmem>> -> memref<1x32xi32, #tpu.memory_space<vmem>>
      %dma_start3A_372 = tpu.memref_squeeze %dma_start3A_371 : memref<1x32xi32, #tpu.memory_space<vmem>> -> memref<32xi32, #tpu.memory_space<vmem>>
      %dma_start3A_373 = tpu.memref_slice %arg3[%add3A_26] : memref<8192xi32, #tpu.memory_space<hbm>> -> memref<32xi32, #tpu.memory_space<hbm>>
      %dma_start3A_374 = arith.constant 0 : i32
      %dma_start3A_375 = tpu.memref_slice %arg5[%run_scoped3A_27, %dma_start3A_374] : memref<8x32xi32, #tpu.memory_space<vmem>> -> memref<1x32xi32, #tpu.memory_space<vmem>>
      %dma_start3A_376 = tpu.memref_squeeze %dma_start3A_375 : memref<1x32xi32, #tpu.memory_space<vmem>> -> memref<32xi32, #tpu.memory_space<vmem>>
      %dma_start3A_377 = tpu.memref_slice %arg3[%add3A_26] : memref<8192xi32, #tpu.memory_space<hbm>> -> memref<32xi32, #tpu.memory_space<hbm>>
      tpu.enqueue_dma source(%dma_start3A_377 : memref<32xi32, #tpu.memory_space<hbm>>) target(%dma_start3A_376 : memref<32xi32, #tpu.memory_space<vmem>>) target_semaphore(%run_scoped3A_369 : memref<!tpu.dma_semaphore, #tpu.memory_space<semaphore_mem>>)
      %dma_wait3A_378 = arith.constant 0 : i32
      %dma_wait3A_379 = tpu.memref_slice %arg5[%run_scoped3A_27, %dma_wait3A_378] : memref<8x32xi32, #tpu.memory_space<vmem>> -> memref<1x32xi32, #tpu.memory_space<vmem>>
      %dma_wait3A_380 = tpu.memref_squeeze %dma_wait3A_379 : memref<1x32xi32, #tpu.memory_space<vmem>> -> memref<32xi32, #tpu.memory_space<vmem>>
      %dma_wait3A_381 = tpu.memref_slice %arg3[%add3A_26] : memref<8192xi32, #tpu.memory_space<hbm>> -> memref<32xi32, #tpu.memory_space<hbm>>
      %dma_wait3A_382 = arith.constant 0 : i32
      %dma_wait3A_383 = tpu.memref_slice %arg5[%run_scoped3A_27, %dma_wait3A_382] : memref<8x32xi32, #tpu.memory_space<vmem>> -> memref<1x32xi32, #tpu.memory_space<vmem>>
      %dma_wait3A_384 = tpu.memref_squeeze %dma_wait3A_383 : memref<1x32xi32, #tpu.memory_space<vmem>> -> memref<32xi32, #tpu.memory_space<vmem>>
      %dma_wait3A_385 = tpu.memref_slice %arg3[%add3A_26] : memref<8192xi32, #tpu.memory_space<hbm>> -> memref<32xi32, #tpu.memory_space<hbm>>
      tpu.wait_dma2 semaphore(%run_scoped3A_369 : memref<!tpu.dma_semaphore, #tpu.memory_space<semaphore_mem>>) src(%dma_wait3A_385 : memref<32xi32, #tpu.memory_space<hbm>>) dst(%dma_wait3A_384 : memref<32xi32, #tpu.memory_space<vmem>>)
      tpu.yield
    }) : () -> ()
    %dma_start3A = arith.constant 0 : i32
    %dma_start3A_28 = arith.constant 0 : i32
    %dma_start3A_29 = tpu.memref_slice %arg5[%dma_start3A, %dma_start3A_28] : memref<8x32xi32, #tpu.memory_space<vmem>> -> memref<1x32xi32, #tpu.memory_space<vmem>>
    %dma_start3A_30 = tpu.memref_squeeze %dma_start3A_29 : memref<1x32xi32, #tpu.memory_space<vmem>> -> memref<32xi32, #tpu.memory_space<vmem>>
    %dma_start3A_31 = arith.constant 0 : i32
    %dma_start3A_32 = arith.constant 0 : i32
    %dma_start3A_33 = tpu.memref_slice %arg2[%dma_start3A_31, %dma_start3A_32] : memref<12288x1024xf32, #tpu.memory_space<hbm>> -> memref<12288x1024xf32, #tpu.memory_space<hbm>>
    tpu.enqueue_indirect_dma source(%dma_start3A_33 : memref<12288x1024xf32, #tpu.memory_space<hbm>>) target(%arg6 : memref<32x1024xf32, #tpu.memory_space<vmem>>) offsets(%dma_start3A_30 : memref<32xi32, #tpu.memory_space<vmem>>) semaphore(%arg10 : memref<!tpu.dma_semaphore, #tpu.memory_space<semaphore_mem>>)
    %add3A_34 = arith.constant 8192 : i32
    %add3A_35 = arith.addi %add3A_34, %mul3A_2 : i32
    %add3A_36 = arith.constant 0 : i32
    %add3A_37 = arith.addi %add3A_35, %add3A_36 : i32
    %dma_start3A_38 = arith.constant 0 : i32
    %dma_start3A_39 = tpu.memref_slice %arg2[%add3A_37, %dma_start3A_38] : memref<12288x1024xf32, #tpu.memory_space<hbm>> -> memref<16x1024xf32, #tpu.memory_space<hbm>>
    %dma_start3A_40 = arith.constant 0 : i32
    %dma_start3A_41 = tpu.memref_slice %arg2[%add3A_37, %dma_start3A_40] : memref<12288x1024xf32, #tpu.memory_space<hbm>> -> memref<16x1024xf32, #tpu.memory_space<hbm>>
    tpu.enqueue_dma source(%dma_start3A_41 : memref<16x1024xf32, #tpu.memory_space<hbm>>) target(%arg8 : memref<16x1024xf32, #tpu.memory_space<vmem>>) target_semaphore(%arg11 : memref<!tpu.dma_semaphore, #tpu.memory_space<semaphore_mem>>)
    %dma_wait3A = arith.constant 0 : i32
    %dma_wait3A_42 = arith.constant 0 : i32
    %dma_wait3A_43 = tpu.memref_slice %arg5[%dma_wait3A, %dma_wait3A_42] : memref<8x32xi32, #tpu.memory_space<vmem>> -> memref<1x32xi32, #tpu.memory_space<vmem>>
    %dma_wait3A_44 = tpu.memref_squeeze %dma_wait3A_43 : memref<1x32xi32, #tpu.memory_space<vmem>> -> memref<32xi32, #tpu.memory_space<vmem>>
    %dma_wait3A_45 = arith.constant 0 : i32
    %dma_wait3A_46 = arith.constant 0 : i32
    %dma_wait3A_47 = tpu.memref_slice %arg2[%dma_wait3A_45, %dma_wait3A_46] : memref<12288x1024xf32, #tpu.memory_space<hbm>> -> memref<12288x1024xf32, #tpu.memory_space<hbm>>
    tpu.wait_indirect_dma semaphore(%arg10 : memref<!tpu.dma_semaphore, #tpu.memory_space<semaphore_mem>>) src(%dma_wait3A_47 : memref<12288x1024xf32, #tpu.memory_space<hbm>>) dst(%arg6 : memref<32x1024xf32, #tpu.memory_space<vmem>>)
    %dma_wait3A_48 = arith.constant 0 : i32
    %dma_wait3A_49 = tpu.memref_slice %arg2[%add3A_37, %dma_wait3A_48] : memref<12288x1024xf32, #tpu.memory_space<hbm>> -> memref<16x1024xf32, #tpu.memory_space<hbm>>
    %dma_wait3A_50 = arith.constant 0 : i32
    %dma_wait3A_51 = tpu.memref_slice %arg2[%add3A_37, %dma_wait3A_50] : memref<12288x1024xf32, #tpu.memory_space<hbm>> -> memref<16x1024xf32, #tpu.memory_space<hbm>>
    tpu.wait_dma2 semaphore(%arg11 : memref<!tpu.dma_semaphore, #tpu.memory_space<semaphore_mem>>) src(%dma_wait3A_51 : memref<16x1024xf32, #tpu.memory_space<hbm>>) dst(%arg8 : memref<16x1024xf32, #tpu.memory_space<vmem>>)
    %dma_start3A_52 = arith.constant 1 : i32
    %dma_start3A_53 = arith.constant 0 : i32
    %dma_start3A_54 = tpu.memref_slice %arg5[%dma_start3A_52, %dma_start3A_53] : memref<8x32xi32, #tpu.memory_space<vmem>> -> memref<1x32xi32, #tpu.memory_space<vmem>>
    %dma_start3A_55 = tpu.memref_squeeze %dma_start3A_54 : memref<1x32xi32, #tpu.memory_space<vmem>> -> memref<32xi32, #tpu.memory_space<vmem>>
    %dma_start3A_56 = arith.constant 0 : i32
    %dma_start3A_57 = arith.constant 0 : i32
    %dma_start3A_58 = tpu.memref_slice %arg2[%dma_start3A_56, %dma_start3A_57] : memref<12288x1024xf32, #tpu.memory_space<hbm>> -> memref<12288x1024xf32, #tpu.memory_space<hbm>>
    tpu.enqueue_indirect_dma source(%dma_start3A_58 : memref<12288x1024xf32, #tpu.memory_space<hbm>>) target(%arg7 : memref<32x1024xf32, #tpu.memory_space<vmem>>) offsets(%dma_start3A_55 : memref<32xi32, #tpu.memory_space<vmem>>) semaphore(%arg10 : memref<!tpu.dma_semaphore, #tpu.memory_space<semaphore_mem>>)
    %add3A_59 = arith.constant 8192 : i32
    %add3A_60 = arith.addi %add3A_59, %mul3A_2 : i32
    %add3A_61 = arith.constant 16 : i32
    %add3A_62 = arith.addi %add3A_60, %add3A_61 : i32
    %dma_start3A_63 = arith.constant 0 : i32
    %dma_start3A_64 = tpu.memref_slice %arg2[%add3A_62, %dma_start3A_63] : memref<12288x1024xf32, #tpu.memory_space<hbm>> -> memref<16x1024xf32, #tpu.memory_space<hbm>>
    %dma_start3A_65 = arith.constant 0 : i32
    %dma_start3A_66 = tpu.memref_slice %arg2[%add3A_62, %dma_start3A_65] : memref<12288x1024xf32, #tpu.memory_space<hbm>> -> memref<16x1024xf32, #tpu.memory_space<hbm>>
    tpu.enqueue_dma source(%dma_start3A_66 : memref<16x1024xf32, #tpu.memory_space<hbm>>) target(%arg9 : memref<16x1024xf32, #tpu.memory_space<vmem>>) target_semaphore(%arg11 : memref<!tpu.dma_semaphore, #tpu.memory_space<semaphore_mem>>)
    %scan3A = arith.constant 0 : i32
    %scan3A_67 = arith.constant 0 : i32
    %scan3A_68 = arith.constant 16 : i32
    %scan3A_69 = arith.addi %scan3A_67, %scan3A_68 : i32
    %scan3A_70 = arith.constant 1 : i32
    %scan3A_71 = scf.for %scan3A_369 = %scan3A_67 to %scan3A_69 step %scan3A_70 iter_args(%scan3A_370 = %scan3A) -> (i32)  : i32 {
      %scan3A_371 = arith.constant 0 : i32
      %scan3A_372 = arith.constant 0 : i32
      %scan3A_373 = arith.constant 16 : i32
      %scan3A_374 = arith.addi %scan3A_372, %scan3A_373 : i32
      %scan3A_375 = arith.constant 1 : i32
      %scan3A_376 = scf.for %scan3A_379 = %scan3A_372 to %scan3A_374 step %scan3A_375 iter_args(%scan3A_380 = %scan3A_371) -> (i32)  : i32 {
        %mul3A_381 = arith.constant 64 : i32
        %mul3A_382 = arith.muli %scan3A_379, %mul3A_381 : i32
        %add3A_383 = arith.constant 0 : i32
        %add3A_384 = arith.addi %mul3A_382, %add3A_383 : i32
        %get3A = arith.index_cast %scan3A_369 : i32 to index
        %get3A_385 = arith.index_cast %add3A_384 : i32 to index
        %get3A_386 = tpu.vector_load %arg8[%get3A, %get3A_385] {strides = array<i32>} : memref<16x1024xf32, #tpu.memory_space<vmem>>, vector<1x16xf32>,
        %get3A_387 = vector.shape_cast %get3A_386 : vector<1x16xf32> to vector<16xf32>
        %mul3A_388 = arith.constant 2 : i32
        %mul3A_389 = arith.muli %mul3A_388, %scan3A_369 : i32
        %get3A_390 = arith.index_cast %mul3A_389 : i32 to index
        %get3A_391 = arith.index_cast %add3A_384 : i32 to index
        %get3A_392 = tpu.vector_load %arg6[%get3A_390, %get3A_391] {strides = array<i32>} : memref<32x1024xf32, #tpu.memory_space<vmem>>, vector<1x16xf32>,
        %get3A_393 = vector.shape_cast %get3A_392 : vector<1x16xf32> to vector<16xf32>
        %mul3A_394 = arith.constant 2 : i32
        %mul3A_395 = arith.muli %mul3A_394, %scan3A_369 : i32
        %add3A_396 = arith.constant 1 : i32
        %add3A_397 = arith.addi %mul3A_395, %add3A_396 : i32
        %get3A_398 = arith.index_cast %add3A_397 : i32 to index
        %get3A_399 = arith.index_cast %add3A_384 : i32 to index
        %get3A_400 = tpu.vector_load %arg6[%get3A_398, %get3A_399] {strides = array<i32>} : memref<32x1024xf32, #tpu.memory_space<vmem>>, vector<1x16xf32>,
        %get3A_401 = vector.shape_cast %get3A_400 : vector<1x16xf32> to vector<16xf32>
        %add3A_402 = arith.addf %get3A_393, %get3A_401 : vector<16xf32>
        %add3A_403 = arith.addf %get3A_387, %add3A_402 : vector<16xf32>
        %swap3A = arith.index_cast %scan3A_369 : i32 to index
        %swap3A_404 = arith.index_cast %add3A_384 : i32 to index
        %swap3A_405 = tpu.vector_load %arg8[%swap3A, %swap3A_404] {strides = array<i32>} : memref<16x1024xf32, #tpu.memory_space<vmem>>, vector<1x16xf32>,
        %swap3A_406 = vector.shape_cast %swap3A_405 : vector<1x16xf32> to vector<16xf32>
        %swap3A_407 = vector.shape_cast %add3A_403 : vector<16xf32> to vector<1x16xf32>
        tpu.vector_store %arg8[%swap3A, %swap3A_404], %swap3A_407 {strides = array<i32>} : memref<16x1024xf32, #tpu.memory_space<vmem>>, vector<1x16xf32>,
        %mul3A_408 = arith.constant 64 : i32
        %mul3A_409 = arith.muli %scan3A_379, %mul3A_408 : i32
        %add3A_410 = arith.constant 16 : i32
        %add3A_411 = arith.addi %mul3A_409, %add3A_410 : i32
        %get3A_412 = arith.index_cast %scan3A_369 : i32 to index
        %get3A_413 = arith.index_cast %add3A_411 : i32 to index
        %get3A_414 = tpu.vector_load %arg8[%get3A_412, %get3A_413] {strides = array<i32>} : memref<16x1024xf32, #tpu.memory_space<vmem>>, vector<1x16xf32>,
        %get3A_415 = vector.shape_cast %get3A_414 : vector<1x16xf32> to vector<16xf32>
        %mul3A_416 = arith.constant 2 : i32
        %mul3A_417 = arith.muli %mul3A_416, %scan3A_369 : i32
        %get3A_418 = arith.index_cast %mul3A_417 : i32 to index
        %get3A_419 = arith.index_cast %add3A_411 : i32 to index
        %get3A_420 = tpu.vector_load %arg6[%get3A_418, %get3A_419] {strides = array<i32>} : memref<32x1024xf32, #tpu.memory_space<vmem>>, vector<1x16xf32>,
        %get3A_421 = vector.shape_cast %get3A_420 : vector<1x16xf32> to vector<16xf32>
        %mul3A_422 = arith.constant 2 : i32
        %mul3A_423 = arith.muli %mul3A_422, %scan3A_369 : i32
        %add3A_424 = arith.constant 1 : i32
        %add3A_425 = arith.addi %mul3A_423, %add3A_424 : i32
        %get3A_426 = arith.index_cast %add3A_425 : i32 to index
        %get3A_427 = arith.index_cast %add3A_411 : i32 to index
        %get3A_428 = tpu.vector_load %arg6[%get3A_426, %get3A_427] {strides = array<i32>} : memref<32x1024xf32, #tpu.memory_space<vmem>>, vector<1x16xf32>,
        %get3A_429 = vector.shape_cast %get3A_428 : vector<1x16xf32> to vector<16xf32>
        %add3A_430 = arith.addf %get3A_421, %get3A_429 : vector<16xf32>
        %add3A_431 = arith.addf %get3A_415, %add3A_430 : vector<16xf32>
        %swap3A_432 = arith.index_cast %scan3A_369 : i32 to index
        %swap3A_433 = arith.index_cast %add3A_411 : i32 to index
        %swap3A_434 = tpu.vector_load %arg8[%swap3A_432, %swap3A_433] {strides = array<i32>} : memref<16x1024xf32, #tpu.memory_space<vmem>>, vector<1x16xf32>,
        %swap3A_435 = vector.shape_cast %swap3A_434 : vector<1x16xf32> to vector<16xf32>
        %swap3A_436 = vector.shape_cast %add3A_431 : vector<16xf32> to vector<1x16xf32>
        tpu.vector_store %arg8[%swap3A_432, %swap3A_433], %swap3A_436 {strides = array<i32>} : memref<16x1024xf32, #tpu.memory_space<vmem>>, vector<1x16xf32>,
        %mul3A_437 = arith.constant 64 : i32
        %mul3A_438 = arith.muli %scan3A_379, %mul3A_437 : i32
        %add3A_439 = arith.constant 32 : i32
        %add3A_440 = arith.addi %mul3A_438, %add3A_439 : i32
        %get3A_441 = arith.index_cast %scan3A_369 : i32 to index
        %get3A_442 = arith.index_cast %add3A_440 : i32 to index
        %get3A_443 = tpu.vector_load %arg8[%get3A_441, %get3A_442] {strides = array<i32>} : memref<16x1024xf32, #tpu.memory_space<vmem>>, vector<1x16xf32>,
        %get3A_444 = vector.shape_cast %get3A_443 : vector<1x16xf32> to vector<16xf32>
        %mul3A_445 = arith.constant 2 : i32
        %mul3A_446 = arith.muli %mul3A_445, %scan3A_369 : i32
        %get3A_447 = arith.index_cast %mul3A_446 : i32 to index
        %get3A_448 = arith.index_cast %add3A_440 : i32 to index
        %get3A_449 = tpu.vector_load %arg6[%get3A_447, %get3A_448] {strides = array<i32>} : memref<32x1024xf32, #tpu.memory_space<vmem>>, vector<1x16xf32>,
        %get3A_450 = vector.shape_cast %get3A_449 : vector<1x16xf32> to vector<16xf32>
        %mul3A_451 = arith.constant 2 : i32
        %mul3A_452 = arith.muli %mul3A_451, %scan3A_369 : i32
        %add3A_453 = arith.constant 1 : i32
        %add3A_454 = arith.addi %mul3A_452, %add3A_453 : i32
        %get3A_455 = arith.index_cast %add3A_454 : i32 to index
        %get3A_456 = arith.index_cast %add3A_440 : i32 to index
        %get3A_457 = tpu.vector_load %arg6[%get3A_455, %get3A_456] {strides = array<i32>} : memref<32x1024xf32, #tpu.memory_space<vmem>>, vector<1x16xf32>,
        %get3A_458 = vector.shape_cast %get3A_457 : vector<1x16xf32> to vector<16xf32>
        %add3A_459 = arith.addf %get3A_450, %get3A_458 : vector<16xf32>
        %add3A_460 = arith.addf %get3A_444, %add3A_459 : vector<16xf32>
        %swap3A_461 = arith.index_cast %scan3A_369 : i32 to index
        %swap3A_462 = arith.index_cast %add3A_440 : i32 to index
        %swap3A_463 = tpu.vector_load %arg8[%swap3A_461, %swap3A_462] {strides = array<i32>} : memref<16x1024xf32, #tpu.memory_space<vmem>>, vector<1x16xf32>,
        %swap3A_464 = vector.shape_cast %swap3A_463 : vector<1x16xf32> to vector<16xf32>
        %swap3A_465 = vector.shape_cast %add3A_460 : vector<16xf32> to vector<1x16xf32>
        tpu.vector_store %arg8[%swap3A_461, %swap3A_462], %swap3A_465 {strides = array<i32>} : memref<16x1024xf32, #tpu.memory_space<vmem>>, vector<1x16xf32>,
        %mul3A_466 = arith.constant 64 : i32
        %mul3A_467 = arith.muli %scan3A_379, %mul3A_466 : i32
        %add3A_468 = arith.constant 48 : i32
        %add3A_469 = arith.addi %mul3A_467, %add3A_468 : i32
        %get3A_470 = arith.index_cast %scan3A_369 : i32 to index
        %get3A_471 = arith.index_cast %add3A_469 : i32 to index
        %get3A_472 = tpu.vector_load %arg8[%get3A_470, %get3A_471] {strides = array<i32>} : memref<16x1024xf32, #tpu.memory_space<vmem>>, vector<1x16xf32>,
        %get3A_473 = vector.shape_cast %get3A_472 : vector<1x16xf32> to vector<16xf32>
        %mul3A_474 = arith.constant 2 : i32
        %mul3A_475 = arith.muli %mul3A_474, %scan3A_369 : i32
        %get3A_476 = arith.index_cast %mul3A_475 : i32 to index
        %get3A_477 = arith.index_cast %add3A_469 : i32 to index
        %get3A_478 = tpu.vector_load %arg6[%get3A_476, %get3A_477] {strides = array<i32>} : memref<32x1024xf32, #tpu.memory_space<vmem>>, vector<1x16xf32>,
        %get3A_479 = vector.shape_cast %get3A_478 : vector<1x16xf32> to vector<16xf32>
        %mul3A_480 = arith.constant 2 : i32
        %mul3A_481 = arith.muli %mul3A_480, %scan3A_369 : i32
        %add3A_482 = arith.constant 1 : i32
        %add3A_483 = arith.addi %mul3A_481, %add3A_482 : i32
        %get3A_484 = arith.index_cast %add3A_483 : i32 to index
        %get3A_485 = arith.index_cast %add3A_469 : i32 to index
        %get3A_486 = tpu.vector_load %arg6[%get3A_484, %get3A_485] {strides = array<i32>} : memref<32x1024xf32, #tpu.memory_space<vmem>>, vector<1x16xf32>,
        %get3A_487 = vector.shape_cast %get3A_486 : vector<1x16xf32> to vector<16xf32>
        %add3A_488 = arith.addf %get3A_479, %get3A_487 : vector<16xf32>
        %add3A_489 = arith.addf %get3A_473, %add3A_488 : vector<16xf32>
        %swap3A_490 = arith.index_cast %scan3A_369 : i32 to index
        %swap3A_491 = arith.index_cast %add3A_469 : i32 to index
        %swap3A_492 = tpu.vector_load %arg8[%swap3A_490, %swap3A_491] {strides = array<i32>} : memref<16x1024xf32, #tpu.memory_space<vmem>>, vector<1x16xf32>,
        %swap3A_493 = vector.shape_cast %swap3A_492 : vector<1x16xf32> to vector<16xf32>
        %swap3A_494 = vector.shape_cast %add3A_489 : vector<16xf32> to vector<1x16xf32>
        tpu.vector_store %arg8[%swap3A_490, %swap3A_491], %swap3A_494 {strides = array<i32>} : memref<16x1024xf32, #tpu.memory_space<vmem>>, vector<1x16xf32>,
        %scan3A_495 = arith.constant 0 : i32
        scf.yield %scan3A_495 : i32
      }
      %scan3A_377 = arith.constant 16 : i32
      %scan3A_378 = arith.constant 0 : i32
      scf.yield %scan3A_378 : i32
    }
    %scan3A_72 = arith.constant 16 : i32
    %add3A_73 = arith.constant 0 : i32
    %add3A_74 = arith.addi %mul3A_2, %add3A_73 : i32
    %dma_start3A_75 = arith.constant 0 : i32
    %dma_start3A_76 = tpu.memref_slice %arg4[%add3A_74, %dma_start3A_75] : memref<4096x1024xf32, #tpu.memory_space<hbm>> -> memref<16x1024xf32, #tpu.memory_space<hbm>>
    %dma_start3A_77 = arith.constant 0 : i32
    %dma_start3A_78 = tpu.memref_slice %arg4[%add3A_74, %dma_start3A_77] : memref<4096x1024xf32, #tpu.memory_space<hbm>> -> memref<16x1024xf32, #tpu.memory_space<hbm>>
    tpu.enqueue_dma source(%arg8 : memref<16x1024xf32, #tpu.memory_space<vmem>>) target(%dma_start3A_78 : memref<16x1024xf32, #tpu.memory_space<hbm>>) target_semaphore(%arg12 : memref<!tpu.dma_semaphore, #tpu.memory_space<semaphore_mem>>)
    %dma_wait3A_79 = arith.constant 1 : i32
    %dma_wait3A_80 = arith.constant 0 : i32
    %dma_wait3A_81 = tpu.memref_slice %arg5[%dma_wait3A_79, %dma_wait3A_80] : memref<8x32xi32, #tpu.memory_space<vmem>> -> memref<1x32xi32, #tpu.memory_space<vmem>>
    %dma_wait3A_82 = tpu.memref_squeeze %dma_wait3A_81 : memref<1x32xi32, #tpu.memory_space<vmem>> -> memref<32xi32, #tpu.memory_space<vmem>>
    %dma_wait3A_83 = arith.constant 0 : i32
    %dma_wait3A_84 = arith.constant 0 : i32
    %dma_wait3A_85 = tpu.memref_slice %arg2[%dma_wait3A_83, %dma_wait3A_84] : memref<12288x1024xf32, #tpu.memory_space<hbm>> -> memref<12288x1024xf32, #tpu.memory_space<hbm>>
    tpu.wait_indirect_dma semaphore(%arg10 : memref<!tpu.dma_semaphore, #tpu.memory_space<semaphore_mem>>) src(%dma_wait3A_85 : memref<12288x1024xf32, #tpu.memory_space<hbm>>) dst(%arg7 : memref<32x1024xf32, #tpu.memory_space<vmem>>)
    %dma_wait3A_86 = arith.constant 0 : i32
    %dma_wait3A_87 = tpu.memref_slice %arg2[%add3A_62, %dma_wait3A_86] : memref<12288x1024xf32, #tpu.memory_space<hbm>> -> memref<16x1024xf32, #tpu.memory_space<hbm>>
    %dma_wait3A_88 = arith.constant 0 : i32
    %dma_wait3A_89 = tpu.memref_slice %arg2[%add3A_62, %dma_wait3A_88] : memref<12288x1024xf32, #tpu.memory_space<hbm>> -> memref<16x1024xf32, #tpu.memory_space<hbm>>
    tpu.wait_dma2 semaphore(%arg11 : memref<!tpu.dma_semaphore, #tpu.memory_space<semaphore_mem>>) src(%dma_wait3A_89 : memref<16x1024xf32, #tpu.memory_space<hbm>>) dst(%arg9 : memref<16x1024xf32, #tpu.memory_space<vmem>>)
    %dma_wait3A_90 = arith.constant 0 : i32
    %dma_wait3A_91 = tpu.memref_slice %arg4[%add3A_74, %dma_wait3A_90] : memref<4096x1024xf32, #tpu.memory_space<hbm>> -> memref<16x1024xf32, #tpu.memory_space<hbm>>
    %dma_wait3A_92 = arith.constant 0 : i32
    %dma_wait3A_93 = tpu.memref_slice %arg4[%add3A_74, %dma_wait3A_92] : memref<4096x1024xf32, #tpu.memory_space<hbm>> -> memref<16x1024xf32, #tpu.memory_space<hbm>>
    tpu.wait_dma2 semaphore(%arg12 : memref<!tpu.dma_semaphore, #tpu.memory_space<semaphore_mem>>) src(%arg8 : memref<16x1024xf32, #tpu.memory_space<vmem>>) dst(%dma_wait3A_93 : memref<16x1024xf32, #tpu.memory_space<hbm>>)
    %dma_start3A_94 = arith.constant 2 : i32
    %dma_start3A_95 = arith.constant 0 : i32
    %dma_start3A_96 = tpu.memref_slice %arg5[%dma_start3A_94, %dma_start3A_95] : memref<8x32xi32, #tpu.memory_space<vmem>> -> memref<1x32xi32, #tpu.memory_space<vmem>>
    %dma_start3A_97 = tpu.memref_squeeze %dma_start3A_96 : memref<1x32xi32, #tpu.memory_space<vmem>> -> memref<32xi32, #tpu.memory_space<vmem>>
    %dma_start3A_98 = arith.constant 0 : i32
    %dma_start3A_99 = arith.constant 0 : i32
    %dma_start3A_100 = tpu.memref_slice %arg2[%dma_start3A_98, %dma_start3A_99] : memref<12288x1024xf32, #tpu.memory_space<hbm>> -> memref<12288x1024xf32, #tpu.memory_space<hbm>>
    tpu.enqueue_indirect_dma source(%dma_start3A_100 : memref<12288x1024xf32, #tpu.memory_space<hbm>>) target(%arg6 : memref<32x1024xf32, #tpu.memory_space<vmem>>) offsets(%dma_start3A_97 : memref<32xi32, #tpu.memory_space<vmem>>) semaphore(%arg10 : memref<!tpu.dma_semaphore, #tpu.memory_space<semaphore_mem>>)
    %add3A_101 = arith.constant 8192 : i32
    %add3A_102 = arith.addi %add3A_101, %mul3A_2 : i32
    %add3A_103 = arith.constant 32 : i32
    %add3A_104 = arith.addi %add3A_102, %add3A_103 : i32
    %dma_start3A_105 = arith.constant 0 : i32
    %dma_start3A_106 = tpu.memref_slice %arg2[%add3A_104, %dma_start3A_105] : memref<12288x1024xf32, #tpu.memory_space<hbm>> -> memref<16x1024xf32, #tpu.memory_space<hbm>>
    %dma_start3A_107 = arith.constant 0 : i32
    %dma_start3A_108 = tpu.memref_slice %arg2[%add3A_104, %dma_start3A_107] : memref<12288x1024xf32, #tpu.memory_space<hbm>> -> memref<16x1024xf32, #tpu.memory_space<hbm>>
    tpu.enqueue_dma source(%dma_start3A_108 : memref<16x1024xf32, #tpu.memory_space<hbm>>) target(%arg8 : memref<16x1024xf32, #tpu.memory_space<vmem>>) target_semaphore(%arg11 : memref<!tpu.dma_semaphore, #tpu.memory_space<semaphore_mem>>)
    %scan3A_109 = arith.constant 0 : i32
    %scan3A_110 = arith.constant 0 : i32
    %scan3A_111 = arith.constant 16 : i32
    %scan3A_112 = arith.addi %scan3A_110, %scan3A_111 : i32
    %scan3A_113 = arith.constant 1 : i32
    %scan3A_114 = scf.for %scan3A_369 = %scan3A_110 to %scan3A_112 step %scan3A_113 iter_args(%scan3A_370 = %scan3A_109) -> (i32)  : i32 {
      %scan3A_371 = arith.constant 0 : i32
      %scan3A_372 = arith.constant 0 : i32
      %scan3A_373 = arith.constant 16 : i32
      %scan3A_374 = arith.addi %scan3A_372, %scan3A_373 : i32
      %scan3A_375 = arith.constant 1 : i32
      %scan3A_376 = scf.for %scan3A_379 = %scan3A_372 to %scan3A_374 step %scan3A_375 iter_args(%scan3A_380 = %scan3A_371) -> (i32)  : i32 {
        %mul3A_381 = arith.constant 64 : i32
        %mul3A_382 = arith.muli %scan3A_379, %mul3A_381 : i32
        %add3A_383 = arith.constant 0 : i32
        %add3A_384 = arith.addi %mul3A_382, %add3A_383 : i32
        %get3A = arith.index_cast %scan3A_369 : i32 to index
        %get3A_385 = arith.index_cast %add3A_384 : i32 to index
        %get3A_386 = tpu.vector_load %arg9[%get3A, %get3A_385] {strides = array<i32>} : memref<16x1024xf32, #tpu.memory_space<vmem>>, vector<1x16xf32>,
        %get3A_387 = vector.shape_cast %get3A_386 : vector<1x16xf32> to vector<16xf32>
        %mul3A_388 = arith.constant 2 : i32
        %mul3A_389 = arith.muli %mul3A_388, %scan3A_369 : i32
        %get3A_390 = arith.index_cast %mul3A_389 : i32 to index
        %get3A_391 = arith.index_cast %add3A_384 : i32 to index
        %get3A_392 = tpu.vector_load %arg7[%get3A_390, %get3A_391] {strides = array<i32>} : memref<32x1024xf32, #tpu.memory_space<vmem>>, vector<1x16xf32>,
        %get3A_393 = vector.shape_cast %get3A_392 : vector<1x16xf32> to vector<16xf32>
        %mul3A_394 = arith.constant 2 : i32
        %mul3A_395 = arith.muli %mul3A_394, %scan3A_369 : i32
        %add3A_396 = arith.constant 1 : i32
        %add3A_397 = arith.addi %mul3A_395, %add3A_396 : i32
        %get3A_398 = arith.index_cast %add3A_397 : i32 to index
        %get3A_399 = arith.index_cast %add3A_384 : i32 to index
        %get3A_400 = tpu.vector_load %arg7[%get3A_398, %get3A_399] {strides = array<i32>} : memref<32x1024xf32, #tpu.memory_space<vmem>>, vector<1x16xf32>,
        %get3A_401 = vector.shape_cast %get3A_400 : vector<1x16xf32> to vector<16xf32>
        %add3A_402 = arith.addf %get3A_393, %get3A_401 : vector<16xf32>
        %add3A_403 = arith.addf %get3A_387, %add3A_402 : vector<16xf32>
        %swap3A = arith.index_cast %scan3A_369 : i32 to index
        %swap3A_404 = arith.index_cast %add3A_384 : i32 to index
        %swap3A_405 = tpu.vector_load %arg9[%swap3A, %swap3A_404] {strides = array<i32>} : memref<16x1024xf32, #tpu.memory_space<vmem>>, vector<1x16xf32>,
        %swap3A_406 = vector.shape_cast %swap3A_405 : vector<1x16xf32> to vector<16xf32>
        %swap3A_407 = vector.shape_cast %add3A_403 : vector<16xf32> to vector<1x16xf32>
        tpu.vector_store %arg9[%swap3A, %swap3A_404], %swap3A_407 {strides = array<i32>} : memref<16x1024xf32, #tpu.memory_space<vmem>>, vector<1x16xf32>,
        %mul3A_408 = arith.constant 64 : i32
        %mul3A_409 = arith.muli %scan3A_379, %mul3A_408 : i32
        %add3A_410 = arith.constant 16 : i32
        %add3A_411 = arith.addi %mul3A_409, %add3A_410 : i32
        %get3A_412 = arith.index_cast %scan3A_369 : i32 to index
        %get3A_413 = arith.index_cast %add3A_411 : i32 to index
        %get3A_414 = tpu.vector_load %arg9[%get3A_412, %get3A_413] {strides = array<i32>} : memref<16x1024xf32, #tpu.memory_space<vmem>>, vector<1x16xf32>,
        %get3A_415 = vector.shape_cast %get3A_414 : vector<1x16xf32> to vector<16xf32>
        %mul3A_416 = arith.constant 2 : i32
        %mul3A_417 = arith.muli %mul3A_416, %scan3A_369 : i32
        %get3A_418 = arith.index_cast %mul3A_417 : i32 to index
        %get3A_419 = arith.index_cast %add3A_411 : i32 to index
        %get3A_420 = tpu.vector_load %arg7[%get3A_418, %get3A_419] {strides = array<i32>} : memref<32x1024xf32, #tpu.memory_space<vmem>>, vector<1x16xf32>,
        %get3A_421 = vector.shape_cast %get3A_420 : vector<1x16xf32> to vector<16xf32>
        %mul3A_422 = arith.constant 2 : i32
        %mul3A_423 = arith.muli %mul3A_422, %scan3A_369 : i32
        %add3A_424 = arith.constant 1 : i32
        %add3A_425 = arith.addi %mul3A_423, %add3A_424 : i32
        %get3A_426 = arith.index_cast %add3A_425 : i32 to index
        %get3A_427 = arith.index_cast %add3A_411 : i32 to index
        %get3A_428 = tpu.vector_load %arg7[%get3A_426, %get3A_427] {strides = array<i32>} : memref<32x1024xf32, #tpu.memory_space<vmem>>, vector<1x16xf32>,
        %get3A_429 = vector.shape_cast %get3A_428 : vector<1x16xf32> to vector<16xf32>
        %add3A_430 = arith.addf %get3A_421, %get3A_429 : vector<16xf32>
        %add3A_431 = arith.addf %get3A_415, %add3A_430 : vector<16xf32>
        %swap3A_432 = arith.index_cast %scan3A_369 : i32 to index
        %swap3A_433 = arith.index_cast %add3A_411 : i32 to index
        %swap3A_434 = tpu.vector_load %arg9[%swap3A_432, %swap3A_433] {strides = array<i32>} : memref<16x1024xf32, #tpu.memory_space<vmem>>, vector<1x16xf32>,
        %swap3A_435 = vector.shape_cast %swap3A_434 : vector<1x16xf32> to vector<16xf32>
        %swap3A_436 = vector.shape_cast %add3A_431 : vector<16xf32> to vector<1x16xf32>
        tpu.vector_store %arg9[%swap3A_432, %swap3A_433], %swap3A_436 {strides = array<i32>} : memref<16x1024xf32, #tpu.memory_space<vmem>>, vector<1x16xf32>,
        %mul3A_437 = arith.constant 64 : i32
        %mul3A_438 = arith.muli %scan3A_379, %mul3A_437 : i32
        %add3A_439 = arith.constant 32 : i32
        %add3A_440 = arith.addi %mul3A_438, %add3A_439 : i32
        %get3A_441 = arith.index_cast %scan3A_369 : i32 to index
        %get3A_442 = arith.index_cast %add3A_440 : i32 to index
        %get3A_443 = tpu.vector_load %arg9[%get3A_441, %get3A_442] {strides = array<i32>} : memref<16x1024xf32, #tpu.memory_space<vmem>>, vector<1x16xf32>,
        %get3A_444 = vector.shape_cast %get3A_443 : vector<1x16xf32> to vector<16xf32>
        %mul3A_445 = arith.constant 2 : i32
        %mul3A_446 = arith.muli %mul3A_445, %scan3A_369 : i32
        %get3A_447 = arith.index_cast %mul3A_446 : i32 to index
        %get3A_448 = arith.index_cast %add3A_440 : i32 to index
        %get3A_449 = tpu.vector_load %arg7[%get3A_447, %get3A_448] {strides = array<i32>} : memref<32x1024xf32, #tpu.memory_space<vmem>>, vector<1x16xf32>,
        %get3A_450 = vector.shape_cast %get3A_449 : vector<1x16xf32> to vector<16xf32>
        %mul3A_451 = arith.constant 2 : i32
        %mul3A_452 = arith.muli %mul3A_451, %scan3A_369 : i32
        %add3A_453 = arith.constant 1 : i32
        %add3A_454 = arith.addi %mul3A_452, %add3A_453 : i32
        %get3A_455 = arith.index_cast %add3A_454 : i32 to index
        %get3A_456 = arith.index_cast %add3A_440 : i32 to index
        %get3A_457 = tpu.vector_load %arg7[%get3A_455, %get3A_456] {strides = array<i32>} : memref<32x1024xf32, #tpu.memory_space<vmem>>, vector<1x16xf32>,
        %get3A_458 = vector.shape_cast %get3A_457 : vector<1x16xf32> to vector<16xf32>
        %add3A_459 = arith.addf %get3A_450, %get3A_458 : vector<16xf32>
        %add3A_460 = arith.addf %get3A_444, %add3A_459 : vector<16xf32>
        %swap3A_461 = arith.index_cast %scan3A_369 : i32 to index
        %swap3A_462 = arith.index_cast %add3A_440 : i32 to index
        %swap3A_463 = tpu.vector_load %arg9[%swap3A_461, %swap3A_462] {strides = array<i32>} : memref<16x1024xf32, #tpu.memory_space<vmem>>, vector<1x16xf32>,
        %swap3A_464 = vector.shape_cast %swap3A_463 : vector<1x16xf32> to vector<16xf32>
        %swap3A_465 = vector.shape_cast %add3A_460 : vector<16xf32> to vector<1x16xf32>
        tpu.vector_store %arg9[%swap3A_461, %swap3A_462], %swap3A_465 {strides = array<i32>} : memref<16x1024xf32, #tpu.memory_space<vmem>>, vector<1x16xf32>,
        %mul3A_466 = arith.constant 64 : i32
        %mul3A_467 = arith.muli %scan3A_379, %mul3A_466 : i32
        %add3A_468 = arith.constant 48 : i32
        %add3A_469 = arith.addi %mul3A_467, %add3A_468 : i32
        %get3A_470 = arith.index_cast %scan3A_369 : i32 to index
        %get3A_471 = arith.index_cast %add3A_469 : i32 to index
        %get3A_472 = tpu.vector_load %arg9[%get3A_470, %get3A_471] {strides = array<i32>} : memref<16x1024xf32, #tpu.memory_space<vmem>>, vector<1x16xf32>,
        %get3A_473 = vector.shape_cast %get3A_472 : vector<1x16xf32> to vector<16xf32>
        %mul3A_474 = arith.constant 2 : i32
        %mul3A_475 = arith.muli %mul3A_474, %scan3A_369 : i32
        %get3A_476 = arith.index_cast %mul3A_475 : i32 to index
        %get3A_477 = arith.index_cast %add3A_469 : i32 to index
        %get3A_478 = tpu.vector_load %arg7[%get3A_476, %get3A_477] {strides = array<i32>} : memref<32x1024xf32, #tpu.memory_space<vmem>>, vector<1x16xf32>,
        %get3A_479 = vector.shape_cast %get3A_478 : vector<1x16xf32> to vector<16xf32>
        %mul3A_480 = arith.constant 2 : i32
        %mul3A_481 = arith.muli %mul3A_480, %scan3A_369 : i32
        %add3A_482 = arith.constant 1 : i32
        %add3A_483 = arith.addi %mul3A_481, %add3A_482 : i32
        %get3A_484 = arith.index_cast %add3A_483 : i32 to index
        %get3A_485 = arith.index_cast %add3A_469 : i32 to index
        %get3A_486 = tpu.vector_load %arg7[%get3A_484, %get3A_485] {strides = array<i32>} : memref<32x1024xf32, #tpu.memory_space<vmem>>, vector<1x16xf32>,
        %get3A_487 = vector.shape_cast %get3A_486 : vector<1x16xf32> to vector<16xf32>
        %add3A_488 = arith.addf %get3A_479, %get3A_487 : vector<16xf32>
        %add3A_489 = arith.addf %get3A_473, %add3A_488 : vector<16xf32>
        %swap3A_490 = arith.index_cast %scan3A_369 : i32 to index
        %swap3A_491 = arith.index_cast %add3A_469 : i32 to index
        %swap3A_492 = tpu.vector_load %arg9[%swap3A_490, %swap3A_491] {strides = array<i32>} : memref<16x1024xf32, #tpu.memory_space<vmem>>, vector<1x16xf32>,
        %swap3A_493 = vector.shape_cast %swap3A_492 : vector<1x16xf32> to vector<16xf32>
        %swap3A_494 = vector.shape_cast %add3A_489 : vector<16xf32> to vector<1x16xf32>
        tpu.vector_store %arg9[%swap3A_490, %swap3A_491], %swap3A_494 {strides = array<i32>} : memref<16x1024xf32, #tpu.memory_space<vmem>>, vector<1x16xf32>,
        %scan3A_495 = arith.constant 0 : i32
        scf.yield %scan3A_495 : i32
      }
      %scan3A_377 = arith.constant 16 : i32
      %scan3A_378 = arith.constant 0 : i32
      scf.yield %scan3A_378 : i32
    }
    %scan3A_115 = arith.constant 16 : i32
    %add3A_116 = arith.constant 16 : i32
    %add3A_117 = arith.addi %mul3A_2, %add3A_116 : i32
    %dma_start3A_118 = arith.constant 0 : i32
    %dma_start3A_119 = tpu.memref_slice %arg4[%add3A_117, %dma_start3A_118] : memref<4096x1024xf32, #tpu.memory_space<hbm>> -> memref<16x1024xf32, #tpu.memory_space<hbm>>
    %dma_start3A_120 = arith.constant 0 : i32
    %dma_start3A_121 = tpu.memref_slice %arg4[%add3A_117, %dma_start3A_120] : memref<4096x1024xf32, #tpu.memory_space<hbm>> -> memref<16x1024xf32, #tpu.memory_space<hbm>>
    tpu.enqueue_dma source(%arg9 : memref<16x1024xf32, #tpu.memory_space<vmem>>) target(%dma_start3A_121 : memref<16x1024xf32, #tpu.memory_space<hbm>>) target_semaphore(%arg12 : memref<!tpu.dma_semaphore, #tpu.memory_space<semaphore_mem>>)
    %dma_wait3A_122 = arith.constant 2 : i32
    %dma_wait3A_123 = arith.constant 0 : i32
    %dma_wait3A_124 = tpu.memref_slice %arg5[%dma_wait3A_122, %dma_wait3A_123] : memref<8x32xi32, #tpu.memory_space<vmem>> -> memref<1x32xi32, #tpu.memory_space<vmem>>
    %dma_wait3A_125 = tpu.memref_squeeze %dma_wait3A_124 : memref<1x32xi32, #tpu.memory_space<vmem>> -> memref<32xi32, #tpu.memory_space<vmem>>
    %dma_wait3A_126 = arith.constant 0 : i32
    %dma_wait3A_127 = arith.constant 0 : i32
    %dma_wait3A_128 = tpu.memref_slice %arg2[%dma_wait3A_126, %dma_wait3A_127] : memref<12288x1024xf32, #tpu.memory_space<hbm>> -> memref<12288x1024xf32, #tpu.memory_space<hbm>>
    tpu.wait_indirect_dma semaphore(%arg10 : memref<!tpu.dma_semaphore, #tpu.memory_space<semaphore_mem>>) src(%dma_wait3A_128 : memref<12288x1024xf32, #tpu.memory_space<hbm>>) dst(%arg6 : memref<32x1024xf32, #tpu.memory_space<vmem>>)
    %dma_wait3A_129 = arith.constant 0 : i32
    %dma_wait3A_130 = tpu.memref_slice %arg2[%add3A_104, %dma_wait3A_129] : memref<12288x1024xf32, #tpu.memory_space<hbm>> -> memref<16x1024xf32, #tpu.memory_space<hbm>>
    %dma_wait3A_131 = arith.constant 0 : i32
    %dma_wait3A_132 = tpu.memref_slice %arg2[%add3A_104, %dma_wait3A_131] : memref<12288x1024xf32, #tpu.memory_space<hbm>> -> memref<16x1024xf32, #tpu.memory_space<hbm>>
    tpu.wait_dma2 semaphore(%arg11 : memref<!tpu.dma_semaphore, #tpu.memory_space<semaphore_mem>>) src(%dma_wait3A_132 : memref<16x1024xf32, #tpu.memory_space<hbm>>) dst(%arg8 : memref<16x1024xf32, #tpu.memory_space<vmem>>)
    %dma_wait3A_133 = arith.constant 0 : i32
    %dma_wait3A_134 = tpu.memref_slice %arg4[%add3A_117, %dma_wait3A_133] : memref<4096x1024xf32, #tpu.memory_space<hbm>> -> memref<16x1024xf32, #tpu.memory_space<hbm>>
    %dma_wait3A_135 = arith.constant 0 : i32
    %dma_wait3A_136 = tpu.memref_slice %arg4[%add3A_117, %dma_wait3A_135] : memref<4096x1024xf32, #tpu.memory_space<hbm>> -> memref<16x1024xf32, #tpu.memory_space<hbm>>
    tpu.wait_dma2 semaphore(%arg12 : memref<!tpu.dma_semaphore, #tpu.memory_space<semaphore_mem>>) src(%arg9 : memref<16x1024xf32, #tpu.memory_space<vmem>>) dst(%dma_wait3A_136 : memref<16x1024xf32, #tpu.memory_space<hbm>>)
    %dma_start3A_137 = arith.constant 3 : i32
    %dma_start3A_138 = arith.constant 0 : i32
    %dma_start3A_139 = tpu.memref_slice %arg5[%dma_start3A_137, %dma_start3A_138] : memref<8x32xi32, #tpu.memory_space<vmem>> -> memref<1x32xi32, #tpu.memory_space<vmem>>
    %dma_start3A_140 = tpu.memref_squeeze %dma_start3A_139 : memref<1x32xi32, #tpu.memory_space<vmem>> -> memref<32xi32, #tpu.memory_space<vmem>>
    %dma_start3A_141 = arith.constant 0 : i32
    %dma_start3A_142 = arith.constant 0 : i32
    %dma_start3A_143 = tpu.memref_slice %arg2[%dma_start3A_141, %dma_start3A_142] : memref<12288x1024xf32, #tpu.memory_space<hbm>> -> memref<12288x1024xf32, #tpu.memory_space<hbm>>
    tpu.enqueue_indirect_dma source(%dma_start3A_143 : memref<12288x1024xf32, #tpu.memory_space<hbm>>) target(%arg7 : memref<32x1024xf32, #tpu.memory_space<vmem>>) offsets(%dma_start3A_140 : memref<32xi32, #tpu.memory_space<vmem>>) semaphore(%arg10 : memref<!tpu.dma_semaphore, #tpu.memory_space<semaphore_mem>>)
    %add3A_144 = arith.constant 8192 : i32
    %add3A_145 = arith.addi %add3A_144, %mul3A_2 : i32
    %add3A_146 = arith.constant 48 : i32
    %add3A_147 = arith.addi %add3A_145, %add3A_146 : i32
    %dma_start3A_148 = arith.constant 0 : i32
    %dma_start3A_149 = tpu.memref_slice %arg2[%add3A_147, %dma_start3A_148] : memref<12288x1024xf32, #tpu.memory_space<hbm>> -> memref<16x1024xf32, #tpu.memory_space<hbm>>
    %dma_start3A_150 = arith.constant 0 : i32
    %dma_start3A_151 = tpu.memref_slice %arg2[%add3A_147, %dma_start3A_150] : memref<12288x1024xf32, #tpu.memory_space<hbm>> -> memref<16x1024xf32, #tpu.memory_space<hbm>>
    tpu.enqueue_dma source(%dma_start3A_151 : memref<16x1024xf32, #tpu.memory_space<hbm>>) target(%arg9 : memref<16x1024xf32, #tpu.memory_space<vmem>>) target_semaphore(%arg11 : memref<!tpu.dma_semaphore, #tpu.memory_space<semaphore_mem>>)
    %scan3A_152 = arith.constant 0 : i32
    %scan3A_153 = arith.constant 0 : i32
    %scan3A_154 = arith.constant 16 : i32
    %scan3A_155 = arith.addi %scan3A_153, %scan3A_154 : i32
    %scan3A_156 = arith.constant 1 : i32
    %scan3A_157 = scf.for %scan3A_369 = %scan3A_153 to %scan3A_155 step %scan3A_156 iter_args(%scan3A_370 = %scan3A_152) -> (i32)  : i32 {
      %scan3A_371 = arith.constant 0 : i32
      %scan3A_372 = arith.constant 0 : i32
      %scan3A_373 = arith.constant 16 : i32
      %scan3A_374 = arith.addi %scan3A_372, %scan3A_373 : i32
      %scan3A_375 = arith.constant 1 : i32
      %scan3A_376 = scf.for %scan3A_379 = %scan3A_372 to %scan3A_374 step %scan3A_375 iter_args(%scan3A_380 = %scan3A_371) -> (i32)  : i32 {
        %mul3A_381 = arith.constant 64 : i32
        %mul3A_382 = arith.muli %scan3A_379, %mul3A_381 : i32
        %add3A_383 = arith.constant 0 : i32
        %add3A_384 = arith.addi %mul3A_382, %add3A_383 : i32
        %get3A = arith.index_cast %scan3A_369 : i32 to index
        %get3A_385 = arith.index_cast %add3A_384 : i32 to index
        %get3A_386 = tpu.vector_load %arg8[%get3A, %get3A_385] {strides = array<i32>} : memref<16x1024xf32, #tpu.memory_space<vmem>>, vector<1x16xf32>,
        %get3A_387 = vector.shape_cast %get3A_386 : vector<1x16xf32> to vector<16xf32>
        %mul3A_388 = arith.constant 2 : i32
        %mul3A_389 = arith.muli %mul3A_388, %scan3A_369 : i32
        %get3A_390 = arith.index_cast %mul3A_389 : i32 to index
        %get3A_391 = arith.index_cast %add3A_384 : i32 to index
        %get3A_392 = tpu.vector_load %arg6[%get3A_390, %get3A_391] {strides = array<i32>} : memref<32x1024xf32, #tpu.memory_space<vmem>>, vector<1x16xf32>,
        %get3A_393 = vector.shape_cast %get3A_392 : vector<1x16xf32> to vector<16xf32>
        %mul3A_394 = arith.constant 2 : i32
        %mul3A_395 = arith.muli %mul3A_394, %scan3A_369 : i32
        %add3A_396 = arith.constant 1 : i32
        %add3A_397 = arith.addi %mul3A_395, %add3A_396 : i32
        %get3A_398 = arith.index_cast %add3A_397 : i32 to index
        %get3A_399 = arith.index_cast %add3A_384 : i32 to index
        %get3A_400 = tpu.vector_load %arg6[%get3A_398, %get3A_399] {strides = array<i32>} : memref<32x1024xf32, #tpu.memory_space<vmem>>, vector<1x16xf32>,
        %get3A_401 = vector.shape_cast %get3A_400 : vector<1x16xf32> to vector<16xf32>
        %add3A_402 = arith.addf %get3A_393, %get3A_401 : vector<16xf32>
        %add3A_403 = arith.addf %get3A_387, %add3A_402 : vector<16xf32>
        %swap3A = arith.index_cast %scan3A_369 : i32 to index
        %swap3A_404 = arith.index_cast %add3A_384 : i32 to index
        %swap3A_405 = tpu.vector_load %arg8[%swap3A, %swap3A_404] {strides = array<i32>} : memref<16x1024xf32, #tpu.memory_space<vmem>>, vector<1x16xf32>,
        %swap3A_406 = vector.shape_cast %swap3A_405 : vector<1x16xf32> to vector<16xf32>
        %swap3A_407 = vector.shape_cast %add3A_403 : vector<16xf32> to vector<1x16xf32>
        tpu.vector_store %arg8[%swap3A, %swap3A_404], %swap3A_407 {strides = array<i32>} : memref<16x1024xf32, #tpu.memory_space<vmem>>, vector<1x16xf32>,
        %mul3A_408 = arith.constant 64 : i32
        %mul3A_409 = arith.muli %scan3A_379, %mul3A_408 : i32
        %add3A_410 = arith.constant 16 : i32
        %add3A_411 = arith.addi %mul3A_409, %add3A_410 : i32
        %get3A_412 = arith.index_cast %scan3A_369 : i32 to index
        %get3A_413 = arith.index_cast %add3A_411 : i32 to index
        %get3A_414 = tpu.vector_load %arg8[%get3A_412, %get3A_413] {strides = array<i32>} : memref<16x1024xf32, #tpu.memory_space<vmem>>, vector<1x16xf32>,
        %get3A_415 = vector.shape_cast %get3A_414 : vector<1x16xf32> to vector<16xf32>
        %mul3A_416 = arith.constant 2 : i32
        %mul3A_417 = arith.muli %mul3A_416, %scan3A_369 : i32
        %get3A_418 = arith.index_cast %mul3A_417 : i32 to index
        %get3A_419 = arith.index_cast %add3A_411 : i32 to index
        %get3A_420 = tpu.vector_load %arg6[%get3A_418, %get3A_419] {strides = array<i32>} : memref<32x1024xf32, #tpu.memory_space<vmem>>, vector<1x16xf32>,
        %get3A_421 = vector.shape_cast %get3A_420 : vector<1x16xf32> to vector<16xf32>
        %mul3A_422 = arith.constant 2 : i32
        %mul3A_423 = arith.muli %mul3A_422, %scan3A_369 : i32
        %add3A_424 = arith.constant 1 : i32
        %add3A_425 = arith.addi %mul3A_423, %add3A_424 : i32
        %get3A_426 = arith.index_cast %add3A_425 : i32 to index
        %get3A_427 = arith.index_cast %add3A_411 : i32 to index
        %get3A_428 = tpu.vector_load %arg6[%get3A_426, %get3A_427] {strides = array<i32>} : memref<32x1024xf32, #tpu.memory_space<vmem>>, vector<1x16xf32>,
        %get3A_429 = vector.shape_cast %get3A_428 : vector<1x16xf32> to vector<16xf32>
        %add3A_430 = arith.addf %get3A_421, %get3A_429 : vector<16xf32>
        %add3A_431 = arith.addf %get3A_415, %add3A_430 : vector<16xf32>
        %swap3A_432 = arith.index_cast %scan3A_369 : i32 to index
        %swap3A_433 = arith.index_cast %add3A_411 : i32 to index
        %swap3A_434 = tpu.vector_load %arg8[%swap3A_432, %swap3A_433] {strides = array<i32>} : memref<16x1024xf32, #tpu.memory_space<vmem>>, vector<1x16xf32>,
        %swap3A_435 = vector.shape_cast %swap3A_434 : vector<1x16xf32> to vector<16xf32>
        %swap3A_436 = vector.shape_cast %add3A_431 : vector<16xf32> to vector<1x16xf32>
        tpu.vector_store %arg8[%swap3A_432, %swap3A_433], %swap3A_436 {strides = array<i32>} : memref<16x1024xf32, #tpu.memory_space<vmem>>, vector<1x16xf32>,
        %mul3A_437 = arith.constant 64 : i32
        %mul3A_438 = arith.muli %scan3A_379, %mul3A_437 : i32
        %add3A_439 = arith.constant 32 : i32
        %add3A_440 = arith.addi %mul3A_438, %add3A_439 : i32
        %get3A_441 = arith.index_cast %scan3A_369 : i32 to index
        %get3A_442 = arith.index_cast %add3A_440 : i32 to index
        %get3A_443 = tpu.vector_load %arg8[%get3A_441, %get3A_442] {strides = array<i32>} : memref<16x1024xf32, #tpu.memory_space<vmem>>, vector<1x16xf32>,
        %get3A_444 = vector.shape_cast %get3A_443 : vector<1x16xf32> to vector<16xf32>
        %mul3A_445 = arith.constant 2 : i32
        %mul3A_446 = arith.muli %mul3A_445, %scan3A_369 : i32
        %get3A_447 = arith.index_cast %mul3A_446 : i32 to index
        %get3A_448 = arith.index_cast %add3A_440 : i32 to index
        %get3A_449 = tpu.vector_load %arg6[%get3A_447, %get3A_448] {strides = array<i32>} : memref<32x1024xf32, #tpu.memory_space<vmem>>, vector<1x16xf32>,
        %get3A_450 = vector.shape_cast %get3A_449 : vector<1x16xf32> to vector<16xf32>
        %mul3A_451 = arith.constant 2 : i32
        %mul3A_452 = arith.muli %mul3A_451, %scan3A_369 : i32
        %add3A_453 = arith.constant 1 : i32
        %add3A_454 = arith.addi %mul3A_452, %add3A_453 : i32
        %get3A_455 = arith.index_cast %add3A_454 : i32 to index
        %get3A_456 = arith.index_cast %add3A_440 : i32 to index
        %get3A_457 = tpu.vector_load %arg6[%get3A_455, %get3A_456] {strides = array<i32>} : memref<32x1024xf32, #tpu.memory_space<vmem>>, vector<1x16xf32>,
        %get3A_458 = vector.shape_cast %get3A_457 : vector<1x16xf32> to vector<16xf32>
        %add3A_459 = arith.addf %get3A_450, %get3A_458 : vector<16xf32>
        %add3A_460 = arith.addf %get3A_444, %add3A_459 : vector<16xf32>
        %swap3A_461 = arith.index_cast %scan3A_369 : i32 to index
        %swap3A_462 = arith.index_cast %add3A_440 : i32 to index
        %swap3A_463 = tpu.vector_load %arg8[%swap3A_461, %swap3A_462] {strides = array<i32>} : memref<16x1024xf32, #tpu.memory_space<vmem>>, vector<1x16xf32>,
        %swap3A_464 = vector.shape_cast %swap3A_463 : vector<1x16xf32> to vector<16xf32>
        %swap3A_465 = vector.shape_cast %add3A_460 : vector<16xf32> to vector<1x16xf32>
        tpu.vector_store %arg8[%swap3A_461, %swap3A_462], %swap3A_465 {strides = array<i32>} : memref<16x1024xf32, #tpu.memory_space<vmem>>, vector<1x16xf32>,
        %mul3A_466 = arith.constant 64 : i32
        %mul3A_467 = arith.muli %scan3A_379, %mul3A_466 : i32
        %add3A_468 = arith.constant 48 : i32
        %add3A_469 = arith.addi %mul3A_467, %add3A_468 : i32
        %get3A_470 = arith.index_cast %scan3A_369 : i32 to index
        %get3A_471 = arith.index_cast %add3A_469 : i32 to index
        %get3A_472 = tpu.vector_load %arg8[%get3A_470, %get3A_471] {strides = array<i32>} : memref<16x1024xf32, #tpu.memory_space<vmem>>, vector<1x16xf32>,
        %get3A_473 = vector.shape_cast %get3A_472 : vector<1x16xf32> to vector<16xf32>
        %mul3A_474 = arith.constant 2 : i32
        %mul3A_475 = arith.muli %mul3A_474, %scan3A_369 : i32
        %get3A_476 = arith.index_cast %mul3A_475 : i32 to index
        %get3A_477 = arith.index_cast %add3A_469 : i32 to index
        %get3A_478 = tpu.vector_load %arg6[%get3A_476, %get3A_477] {strides = array<i32>} : memref<32x1024xf32, #tpu.memory_space<vmem>>, vector<1x16xf32>,
        %get3A_479 = vector.shape_cast %get3A_478 : vector<1x16xf32> to vector<16xf32>
        %mul3A_480 = arith.constant 2 : i32
        %mul3A_481 = arith.muli %mul3A_480, %scan3A_369 : i32
        %add3A_482 = arith.constant 1 : i32
        %add3A_483 = arith.addi %mul3A_481, %add3A_482 : i32
        %get3A_484 = arith.index_cast %add3A_483 : i32 to index
        %get3A_485 = arith.index_cast %add3A_469 : i32 to index
        %get3A_486 = tpu.vector_load %arg6[%get3A_484, %get3A_485] {strides = array<i32>} : memref<32x1024xf32, #tpu.memory_space<vmem>>, vector<1x16xf32>,
        %get3A_487 = vector.shape_cast %get3A_486 : vector<1x16xf32> to vector<16xf32>
        %add3A_488 = arith.addf %get3A_479, %get3A_487 : vector<16xf32>
        %add3A_489 = arith.addf %get3A_473, %add3A_488 : vector<16xf32>
        %swap3A_490 = arith.index_cast %scan3A_369 : i32 to index
        %swap3A_491 = arith.index_cast %add3A_469 : i32 to index
        %swap3A_492 = tpu.vector_load %arg8[%swap3A_490, %swap3A_491] {strides = array<i32>} : memref<16x1024xf32, #tpu.memory_space<vmem>>, vector<1x16xf32>,
        %swap3A_493 = vector.shape_cast %swap3A_492 : vector<1x16xf32> to vector<16xf32>
        %swap3A_494 = vector.shape_cast %add3A_489 : vector<16xf32> to vector<1x16xf32>
        tpu.vector_store %arg8[%swap3A_490, %swap3A_491], %swap3A_494 {strides = array<i32>} : memref<16x1024xf32, #tpu.memory_space<vmem>>, vector<1x16xf32>,
        %scan3A_495 = arith.constant 0 : i32
        scf.yield %scan3A_495 : i32
      }
      %scan3A_377 = arith.constant 16 : i32
      %scan3A_378 = arith.constant 0 : i32
      scf.yield %scan3A_378 : i32
    }
    %scan3A_158 = arith.constant 16 : i32
    %add3A_159 = arith.constant 32 : i32
    %add3A_160 = arith.addi %mul3A_2, %add3A_159 : i32
    %dma_start3A_161 = arith.constant 0 : i32
    %dma_start3A_162 = tpu.memref_slice %arg4[%add3A_160, %dma_start3A_161] : memref<4096x1024xf32, #tpu.memory_space<hbm>> -> memref<16x1024xf32, #tpu.memory_space<hbm>>
    %dma_start3A_163 = arith.constant 0 : i32
    %dma_start3A_164 = tpu.memref_slice %arg4[%add3A_160, %dma_start3A_163] : memref<4096x1024xf32, #tpu.memory_space<hbm>> -> memref<16x1024xf32, #tpu.memory_space<hbm>>
    tpu.enqueue_dma source(%arg8 : memref<16x1024xf32, #tpu.memory_space<vmem>>) target(%dma_start3A_164 : memref<16x1024xf32, #tpu.memory_space<hbm>>) target_semaphore(%arg12 : memref<!tpu.dma_semaphore, #tpu.memory_space<semaphore_mem>>)
    %dma_wait3A_165 = arith.constant 3 : i32
    %dma_wait3A_166 = arith.constant 0 : i32
    %dma_wait3A_167 = tpu.memref_slice %arg5[%dma_wait3A_165, %dma_wait3A_166] : memref<8x32xi32, #tpu.memory_space<vmem>> -> memref<1x32xi32, #tpu.memory_space<vmem>>
    %dma_wait3A_168 = tpu.memref_squeeze %dma_wait3A_167 : memref<1x32xi32, #tpu.memory_space<vmem>> -> memref<32xi32, #tpu.memory_space<vmem>>
    %dma_wait3A_169 = arith.constant 0 : i32
    %dma_wait3A_170 = arith.constant 0 : i32
    %dma_wait3A_171 = tpu.memref_slice %arg2[%dma_wait3A_169, %dma_wait3A_170] : memref<12288x1024xf32, #tpu.memory_space<hbm>> -> memref<12288x1024xf32, #tpu.memory_space<hbm>>
    tpu.wait_indirect_dma semaphore(%arg10 : memref<!tpu.dma_semaphore, #tpu.memory_space<semaphore_mem>>) src(%dma_wait3A_171 : memref<12288x1024xf32, #tpu.memory_space<hbm>>) dst(%arg7 : memref<32x1024xf32, #tpu.memory_space<vmem>>)
    %dma_wait3A_172 = arith.constant 0 : i32
    %dma_wait3A_173 = tpu.memref_slice %arg2[%add3A_147, %dma_wait3A_172] : memref<12288x1024xf32, #tpu.memory_space<hbm>> -> memref<16x1024xf32, #tpu.memory_space<hbm>>
    %dma_wait3A_174 = arith.constant 0 : i32
    %dma_wait3A_175 = tpu.memref_slice %arg2[%add3A_147, %dma_wait3A_174] : memref<12288x1024xf32, #tpu.memory_space<hbm>> -> memref<16x1024xf32, #tpu.memory_space<hbm>>
    tpu.wait_dma2 semaphore(%arg11 : memref<!tpu.dma_semaphore, #tpu.memory_space<semaphore_mem>>) src(%dma_wait3A_175 : memref<16x1024xf32, #tpu.memory_space<hbm>>) dst(%arg9 : memref<16x1024xf32, #tpu.memory_space<vmem>>)
    %dma_wait3A_176 = arith.constant 0 : i32
    %dma_wait3A_177 = tpu.memref_slice %arg4[%add3A_160, %dma_wait3A_176] : memref<4096x1024xf32, #tpu.memory_space<hbm>> -> memref<16x1024xf32, #tpu.memory_space<hbm>>
    %dma_wait3A_178 = arith.constant 0 : i32
    %dma_wait3A_179 = tpu.memref_slice %arg4[%add3A_160, %dma_wait3A_178] : memref<4096x1024xf32, #tpu.memory_space<hbm>> -> memref<16x1024xf32, #tpu.memory_space<hbm>>
    tpu.wait_dma2 semaphore(%arg12 : memref<!tpu.dma_semaphore, #tpu.memory_space<semaphore_mem>>) src(%arg8 : memref<16x1024xf32, #tpu.memory_space<vmem>>) dst(%dma_wait3A_179 : memref<16x1024xf32, #tpu.memory_space<hbm>>)
    %dma_start3A_180 = arith.constant 4 : i32
    %dma_start3A_181 = arith.constant 0 : i32
    %dma_start3A_182 = tpu.memref_slice %arg5[%dma_start3A_180, %dma_start3A_181] : memref<8x32xi32, #tpu.memory_space<vmem>> -> memref<1x32xi32, #tpu.memory_space<vmem>>
    %dma_start3A_183 = tpu.memref_squeeze %dma_start3A_182 : memref<1x32xi32, #tpu.memory_space<vmem>> -> memref<32xi32, #tpu.memory_space<vmem>>
    %dma_start3A_184 = arith.constant 0 : i32
    %dma_start3A_185 = arith.constant 0 : i32
    %dma_start3A_186 = tpu.memref_slice %arg2[%dma_start3A_184, %dma_start3A_185] : memref<12288x1024xf32, #tpu.memory_space<hbm>> -> memref<12288x1024xf32, #tpu.memory_space<hbm>>
    tpu.enqueue_indirect_dma source(%dma_start3A_186 : memref<12288x1024xf32, #tpu.memory_space<hbm>>) target(%arg6 : memref<32x1024xf32, #tpu.memory_space<vmem>>) offsets(%dma_start3A_183 : memref<32xi32, #tpu.memory_space<vmem>>) semaphore(%arg10 : memref<!tpu.dma_semaphore, #tpu.memory_space<semaphore_mem>>)
    %add3A_187 = arith.constant 8192 : i32
    %add3A_188 = arith.addi %add3A_187, %mul3A_2 : i32
    %add3A_189 = arith.constant 64 : i32
    %add3A_190 = arith.addi %add3A_188, %add3A_189 : i32
    %dma_start3A_191 = arith.constant 0 : i32
    %dma_start3A_192 = tpu.memref_slice %arg2[%add3A_190, %dma_start3A_191] : memref<12288x1024xf32, #tpu.memory_space<hbm>> -> memref<16x1024xf32, #tpu.memory_space<hbm>>
    %dma_start3A_193 = arith.constant 0 : i32
    %dma_start3A_194 = tpu.memref_slice %arg2[%add3A_190, %dma_start3A_193] : memref<12288x1024xf32, #tpu.memory_space<hbm>> -> memref<16x1024xf32, #tpu.memory_space<hbm>>
    tpu.enqueue_dma source(%dma_start3A_194 : memref<16x1024xf32, #tpu.memory_space<hbm>>) target(%arg8 : memref<16x1024xf32, #tpu.memory_space<vmem>>) target_semaphore(%arg11 : memref<!tpu.dma_semaphore, #tpu.memory_space<semaphore_mem>>)
    %scan3A_195 = arith.constant 0 : i32
    %scan3A_196 = arith.constant 0 : i32
    %scan3A_197 = arith.constant 16 : i32
    %scan3A_198 = arith.addi %scan3A_196, %scan3A_197 : i32
    %scan3A_199 = arith.constant 1 : i32
    %scan3A_200 = scf.for %scan3A_369 = %scan3A_196 to %scan3A_198 step %scan3A_199 iter_args(%scan3A_370 = %scan3A_195) -> (i32)  : i32 {
      %scan3A_371 = arith.constant 0 : i32
      %scan3A_372 = arith.constant 0 : i32
      %scan3A_373 = arith.constant 16 : i32
      %scan3A_374 = arith.addi %scan3A_372, %scan3A_373 : i32
      %scan3A_375 = arith.constant 1 : i32
      %scan3A_376 = scf.for %scan3A_379 = %scan3A_372 to %scan3A_374 step %scan3A_375 iter_args(%scan3A_380 = %scan3A_371) -> (i32)  : i32 {
        %mul3A_381 = arith.constant 64 : i32
        %mul3A_382 = arith.muli %scan3A_379, %mul3A_381 : i32
        %add3A_383 = arith.constant 0 : i32
        %add3A_384 = arith.addi %mul3A_382, %add3A_383 : i32
        %get3A = arith.index_cast %scan3A_369 : i32 to index
        %get3A_385 = arith.index_cast %add3A_384 : i32 to index
        %get3A_386 = tpu.vector_load %arg9[%get3A, %get3A_385] {strides = array<i32>} : memref<16x1024xf32, #tpu.memory_space<vmem>>, vector<1x16xf32>,
        %get3A_387 = vector.shape_cast %get3A_386 : vector<1x16xf32> to vector<16xf32>
        %mul3A_388 = arith.constant 2 : i32
        %mul3A_389 = arith.muli %mul3A_388, %scan3A_369 : i32
        %get3A_390 = arith.index_cast %mul3A_389 : i32 to index
        %get3A_391 = arith.index_cast %add3A_384 : i32 to index
        %get3A_392 = tpu.vector_load %arg7[%get3A_390, %get3A_391] {strides = array<i32>} : memref<32x1024xf32, #tpu.memory_space<vmem>>, vector<1x16xf32>,
        %get3A_393 = vector.shape_cast %get3A_392 : vector<1x16xf32> to vector<16xf32>
        %mul3A_394 = arith.constant 2 : i32
        %mul3A_395 = arith.muli %mul3A_394, %scan3A_369 : i32
        %add3A_396 = arith.constant 1 : i32
        %add3A_397 = arith.addi %mul3A_395, %add3A_396 : i32
        %get3A_398 = arith.index_cast %add3A_397 : i32 to index
        %get3A_399 = arith.index_cast %add3A_384 : i32 to index
        %get3A_400 = tpu.vector_load %arg7[%get3A_398, %get3A_399] {strides = array<i32>} : memref<32x1024xf32, #tpu.memory_space<vmem>>, vector<1x16xf32>,
        %get3A_401 = vector.shape_cast %get3A_400 : vector<1x16xf32> to vector<16xf32>
        %add3A_402 = arith.addf %get3A_393, %get3A_401 : vector<16xf32>
        %add3A_403 = arith.addf %get3A_387, %add3A_402 : vector<16xf32>
        %swap3A = arith.index_cast %scan3A_369 : i32 to index
        %swap3A_404 = arith.index_cast %add3A_384 : i32 to index
        %swap3A_405 = tpu.vector_load %arg9[%swap3A, %swap3A_404] {strides = array<i32>} : memref<16x1024xf32, #tpu.memory_space<vmem>>, vector<1x16xf32>,
        %swap3A_406 = vector.shape_cast %swap3A_405 : vector<1x16xf32> to vector<16xf32>
        %swap3A_407 = vector.shape_cast %add3A_403 : vector<16xf32> to vector<1x16xf32>
        tpu.vector_store %arg9[%swap3A, %swap3A_404], %swap3A_407 {strides = array<i32>} : memref<16x1024xf32, #tpu.memory_space<vmem>>, vector<1x16xf32>,
        %mul3A_408 = arith.constant 64 : i32
        %mul3A_409 = arith.muli %scan3A_379, %mul3A_408 : i32
        %add3A_410 = arith.constant 16 : i32
        %add3A_411 = arith.addi %mul3A_409, %add3A_410 : i32
        %get3A_412 = arith.index_cast %scan3A_369 : i32 to index
        %get3A_413 = arith.index_cast %add3A_411 : i32 to index
        %get3A_414 = tpu.vector_load %arg9[%get3A_412, %get3A_413] {strides = array<i32>} : memref<16x1024xf32, #tpu.memory_space<vmem>>, vector<1x16xf32>,
        %get3A_415 = vector.shape_cast %get3A_414 : vector<1x16xf32> to vector<16xf32>
        %mul3A_416 = arith.constant 2 : i32
        %mul3A_417 = arith.muli %mul3A_416, %scan3A_369 : i32
        %get3A_418 = arith.index_cast %mul3A_417 : i32 to index
        %get3A_419 = arith.index_cast %add3A_411 : i32 to index
        %get3A_420 = tpu.vector_load %arg7[%get3A_418, %get3A_419] {strides = array<i32>} : memref<32x1024xf32, #tpu.memory_space<vmem>>, vector<1x16xf32>,
        %get3A_421 = vector.shape_cast %get3A_420 : vector<1x16xf32> to vector<16xf32>
        %mul3A_422 = arith.constant 2 : i32
        %mul3A_423 = arith.muli %mul3A_422, %scan3A_369 : i32
        %add3A_424 = arith.constant 1 : i32
        %add3A_425 = arith.addi %mul3A_423, %add3A_424 : i32
        %get3A_426 = arith.index_cast %add3A_425 : i32 to index
        %get3A_427 = arith.index_cast %add3A_411 : i32 to index
        %get3A_428 = tpu.vector_load %arg7[%get3A_426, %get3A_427] {strides = array<i32>} : memref<32x1024xf32, #tpu.memory_space<vmem>>, vector<1x16xf32>,
        %get3A_429 = vector.shape_cast %get3A_428 : vector<1x16xf32> to vector<16xf32>
        %add3A_430 = arith.addf %get3A_421, %get3A_429 : vector<16xf32>
        %add3A_431 = arith.addf %get3A_415, %add3A_430 : vector<16xf32>
        %swap3A_432 = arith.index_cast %scan3A_369 : i32 to index
        %swap3A_433 = arith.index_cast %add3A_411 : i32 to index
        %swap3A_434 = tpu.vector_load %arg9[%swap3A_432, %swap3A_433] {strides = array<i32>} : memref<16x1024xf32, #tpu.memory_space<vmem>>, vector<1x16xf32>,
        %swap3A_435 = vector.shape_cast %swap3A_434 : vector<1x16xf32> to vector<16xf32>
        %swap3A_436 = vector.shape_cast %add3A_431 : vector<16xf32> to vector<1x16xf32>
        tpu.vector_store %arg9[%swap3A_432, %swap3A_433], %swap3A_436 {strides = array<i32>} : memref<16x1024xf32, #tpu.memory_space<vmem>>, vector<1x16xf32>,
        %mul3A_437 = arith.constant 64 : i32
        %mul3A_438 = arith.muli %scan3A_379, %mul3A_437 : i32
        %add3A_439 = arith.constant 32 : i32
        %add3A_440 = arith.addi %mul3A_438, %add3A_439 : i32
        %get3A_441 = arith.index_cast %scan3A_369 : i32 to index
        %get3A_442 = arith.index_cast %add3A_440 : i32 to index
        %get3A_443 = tpu.vector_load %arg9[%get3A_441, %get3A_442] {strides = array<i32>} : memref<16x1024xf32, #tpu.memory_space<vmem>>, vector<1x16xf32>,
        %get3A_444 = vector.shape_cast %get3A_443 : vector<1x16xf32> to vector<16xf32>
        %mul3A_445 = arith.constant 2 : i32
        %mul3A_446 = arith.muli %mul3A_445, %scan3A_369 : i32
        %get3A_447 = arith.index_cast %mul3A_446 : i32 to index
        %get3A_448 = arith.index_cast %add3A_440 : i32 to index
        %get3A_449 = tpu.vector_load %arg7[%get3A_447, %get3A_448] {strides = array<i32>} : memref<32x1024xf32, #tpu.memory_space<vmem>>, vector<1x16xf32>,
        %get3A_450 = vector.shape_cast %get3A_449 : vector<1x16xf32> to vector<16xf32>
        %mul3A_451 = arith.constant 2 : i32
        %mul3A_452 = arith.muli %mul3A_451, %scan3A_369 : i32
        %add3A_453 = arith.constant 1 : i32
        %add3A_454 = arith.addi %mul3A_452, %add3A_453 : i32
        %get3A_455 = arith.index_cast %add3A_454 : i32 to index
        %get3A_456 = arith.index_cast %add3A_440 : i32 to index
        %get3A_457 = tpu.vector_load %arg7[%get3A_455, %get3A_456] {strides = array<i32>} : memref<32x1024xf32, #tpu.memory_space<vmem>>, vector<1x16xf32>,
        %get3A_458 = vector.shape_cast %get3A_457 : vector<1x16xf32> to vector<16xf32>
        %add3A_459 = arith.addf %get3A_450, %get3A_458 : vector<16xf32>
        %add3A_460 = arith.addf %get3A_444, %add3A_459 : vector<16xf32>
        %swap3A_461 = arith.index_cast %scan3A_369 : i32 to index
        %swap3A_462 = arith.index_cast %add3A_440 : i32 to index
        %swap3A_463 = tpu.vector_load %arg9[%swap3A_461, %swap3A_462] {strides = array<i32>} : memref<16x1024xf32, #tpu.memory_space<vmem>>, vector<1x16xf32>,
        %swap3A_464 = vector.shape_cast %swap3A_463 : vector<1x16xf32> to vector<16xf32>
        %swap3A_465 = vector.shape_cast %add3A_460 : vector<16xf32> to vector<1x16xf32>
        tpu.vector_store %arg9[%swap3A_461, %swap3A_462], %swap3A_465 {strides = array<i32>} : memref<16x1024xf32, #tpu.memory_space<vmem>>, vector<1x16xf32>,
        %mul3A_466 = arith.constant 64 : i32
        %mul3A_467 = arith.muli %scan3A_379, %mul3A_466 : i32
        %add3A_468 = arith.constant 48 : i32
        %add3A_469 = arith.addi %mul3A_467, %add3A_468 : i32
        %get3A_470 = arith.index_cast %scan3A_369 : i32 to index
        %get3A_471 = arith.index_cast %add3A_469 : i32 to index
        %get3A_472 = tpu.vector_load %arg9[%get3A_470, %get3A_471] {strides = array<i32>} : memref<16x1024xf32, #tpu.memory_space<vmem>>, vector<1x16xf32>,
        %get3A_473 = vector.shape_cast %get3A_472 : vector<1x16xf32> to vector<16xf32>
        %mul3A_474 = arith.constant 2 : i32
        %mul3A_475 = arith.muli %mul3A_474, %scan3A_369 : i32
        %get3A_476 = arith.index_cast %mul3A_475 : i32 to index
        %get3A_477 = arith.index_cast %add3A_469 : i32 to index
        %get3A_478 = tpu.vector_load %arg7[%get3A_476, %get3A_477] {strides = array<i32>} : memref<32x1024xf32, #tpu.memory_space<vmem>>, vector<1x16xf32>,
        %get3A_479 = vector.shape_cast %get3A_478 : vector<1x16xf32> to vector<16xf32>
        %mul3A_480 = arith.constant 2 : i32
        %mul3A_481 = arith.muli %mul3A_480, %scan3A_369 : i32
        %add3A_482 = arith.constant 1 : i32
        %add3A_483 = arith.addi %mul3A_481, %add3A_482 : i32
        %get3A_484 = arith.index_cast %add3A_483 : i32 to index
        %get3A_485 = arith.index_cast %add3A_469 : i32 to index
        %get3A_486 = tpu.vector_load %arg7[%get3A_484, %get3A_485] {strides = array<i32>} : memref<32x1024xf32, #tpu.memory_space<vmem>>, vector<1x16xf32>,
        %get3A_487 = vector.shape_cast %get3A_486 : vector<1x16xf32> to vector<16xf32>
        %add3A_488 = arith.addf %get3A_479, %get3A_487 : vector<16xf32>
        %add3A_489 = arith.addf %get3A_473, %add3A_488 : vector<16xf32>
        %swap3A_490 = arith.index_cast %scan3A_369 : i32 to index
        %swap3A_491 = arith.index_cast %add3A_469 : i32 to index
        %swap3A_492 = tpu.vector_load %arg9[%swap3A_490, %swap3A_491] {strides = array<i32>} : memref<16x1024xf32, #tpu.memory_space<vmem>>, vector<1x16xf32>,
        %swap3A_493 = vector.shape_cast %swap3A_492 : vector<1x16xf32> to vector<16xf32>
        %swap3A_494 = vector.shape_cast %add3A_489 : vector<16xf32> to vector<1x16xf32>
        tpu.vector_store %arg9[%swap3A_490, %swap3A_491], %swap3A_494 {strides = array<i32>} : memref<16x1024xf32, #tpu.memory_space<vmem>>, vector<1x16xf32>,
        %scan3A_495 = arith.constant 0 : i32
        scf.yield %scan3A_495 : i32
      }
      %scan3A_377 = arith.constant 16 : i32
      %scan3A_378 = arith.constant 0 : i32
      scf.yield %scan3A_378 : i32
    }
    %scan3A_201 = arith.constant 16 : i32
    %add3A_202 = arith.constant 48 : i32
    %add3A_203 = arith.addi %mul3A_2, %add3A_202 : i32
    %dma_start3A_204 = arith.constant 0 : i32
    %dma_start3A_205 = tpu.memref_slice %arg4[%add3A_203, %dma_start3A_204] : memref<4096x1024xf32, #tpu.memory_space<hbm>> -> memref<16x1024xf32, #tpu.memory_space<hbm>>
    %dma_start3A_206 = arith.constant 0 : i32
    %dma_start3A_207 = tpu.memref_slice %arg4[%add3A_203, %dma_start3A_206] : memref<4096x1024xf32, #tpu.memory_space<hbm>> -> memref<16x1024xf32, #tpu.memory_space<hbm>>
    tpu.enqueue_dma source(%arg9 : memref<16x1024xf32, #tpu.memory_space<vmem>>) target(%dma_start3A_207 : memref<16x1024xf32, #tpu.memory_space<hbm>>) target_semaphore(%arg12 : memref<!tpu.dma_semaphore, #tpu.memory_space<semaphore_mem>>)
    %dma_wait3A_208 = arith.constant 4 : i32
    %dma_wait3A_209 = arith.constant 0 : i32
    %dma_wait3A_210 = tpu.memref_slice %arg5[%dma_wait3A_208, %dma_wait3A_209] : memref<8x32xi32, #tpu.memory_space<vmem>> -> memref<1x32xi32, #tpu.memory_space<vmem>>
    %dma_wait3A_211 = tpu.memref_squeeze %dma_wait3A_210 : memref<1x32xi32, #tpu.memory_space<vmem>> -> memref<32xi32, #tpu.memory_space<vmem>>
    %dma_wait3A_212 = arith.constant 0 : i32
    %dma_wait3A_213 = arith.constant 0 : i32
    %dma_wait3A_214 = tpu.memref_slice %arg2[%dma_wait3A_212, %dma_wait3A_213] : memref<12288x1024xf32, #tpu.memory_space<hbm>> -> memref<12288x1024xf32, #tpu.memory_space<hbm>>
    tpu.wait_indirect_dma semaphore(%arg10 : memref<!tpu.dma_semaphore, #tpu.memory_space<semaphore_mem>>) src(%dma_wait3A_214 : memref<12288x1024xf32, #tpu.memory_space<hbm>>) dst(%arg6 : memref<32x1024xf32, #tpu.memory_space<vmem>>)
    %dma_wait3A_215 = arith.constant 0 : i32
    %dma_wait3A_216 = tpu.memref_slice %arg2[%add3A_190, %dma_wait3A_215] : memref<12288x1024xf32, #tpu.memory_space<hbm>> -> memref<16x1024xf32, #tpu.memory_space<hbm>>
    %dma_wait3A_217 = arith.constant 0 : i32
    %dma_wait3A_218 = tpu.memref_slice %arg2[%add3A_190, %dma_wait3A_217] : memref<12288x1024xf32, #tpu.memory_space<hbm>> -> memref<16x1024xf32, #tpu.memory_space<hbm>>
    tpu.wait_dma2 semaphore(%arg11 : memref<!tpu.dma_semaphore, #tpu.memory_space<semaphore_mem>>) src(%dma_wait3A_218 : memref<16x1024xf32, #tpu.memory_space<hbm>>) dst(%arg8 : memref<16x1024xf32, #tpu.memory_space<vmem>>)
    %dma_wait3A_219 = arith.constant 0 : i32
    %dma_wait3A_220 = tpu.memref_slice %arg4[%add3A_203, %dma_wait3A_219] : memref<4096x1024xf32, #tpu.memory_space<hbm>> -> memref<16x1024xf32, #tpu.memory_space<hbm>>
    %dma_wait3A_221 = arith.constant 0 : i32
    %dma_wait3A_222 = tpu.memref_slice %arg4[%add3A_203, %dma_wait3A_221] : memref<4096x1024xf32, #tpu.memory_space<hbm>> -> memref<16x1024xf32, #tpu.memory_space<hbm>>
    tpu.wait_dma2 semaphore(%arg12 : memref<!tpu.dma_semaphore, #tpu.memory_space<semaphore_mem>>) src(%arg9 : memref<16x1024xf32, #tpu.memory_space<vmem>>) dst(%dma_wait3A_222 : memref<16x1024xf32, #tpu.memory_space<hbm>>)
    %dma_start3A_223 = arith.constant 5 : i32
    %dma_start3A_224 = arith.constant 0 : i32
    %dma_start3A_225 = tpu.memref_slice %arg5[%dma_start3A_223, %dma_start3A_224] : memref<8x32xi32, #tpu.memory_space<vmem>> -> memref<1x32xi32, #tpu.memory_space<vmem>>
    %dma_start3A_226 = tpu.memref_squeeze %dma_start3A_225 : memref<1x32xi32, #tpu.memory_space<vmem>> -> memref<32xi32, #tpu.memory_space<vmem>>
    %dma_start3A_227 = arith.constant 0 : i32
    %dma_start3A_228 = arith.constant 0 : i32
    %dma_start3A_229 = tpu.memref_slice %arg2[%dma_start3A_227, %dma_start3A_228] : memref<12288x1024xf32, #tpu.memory_space<hbm>> -> memref<12288x1024xf32, #tpu.memory_space<hbm>>
    tpu.enqueue_indirect_dma source(%dma_start3A_229 : memref<12288x1024xf32, #tpu.memory_space<hbm>>) target(%arg7 : memref<32x1024xf32, #tpu.memory_space<vmem>>) offsets(%dma_start3A_226 : memref<32xi32, #tpu.memory_space<vmem>>) semaphore(%arg10 : memref<!tpu.dma_semaphore, #tpu.memory_space<semaphore_mem>>)
    %add3A_230 = arith.constant 8192 : i32
    %add3A_231 = arith.addi %add3A_230, %mul3A_2 : i32
    %add3A_232 = arith.constant 80 : i32
    %add3A_233 = arith.addi %add3A_231, %add3A_232 : i32
    %dma_start3A_234 = arith.constant 0 : i32
    %dma_start3A_235 = tpu.memref_slice %arg2[%add3A_233, %dma_start3A_234] : memref<12288x1024xf32, #tpu.memory_space<hbm>> -> memref<16x1024xf32, #tpu.memory_space<hbm>>
    %dma_start3A_236 = arith.constant 0 : i32
    %dma_start3A_237 = tpu.memref_slice %arg2[%add3A_233, %dma_start3A_236] : memref<12288x1024xf32, #tpu.memory_space<hbm>> -> memref<16x1024xf32, #tpu.memory_space<hbm>>
    tpu.enqueue_dma source(%dma_start3A_237 : memref<16x1024xf32, #tpu.memory_space<hbm>>) target(%arg9 : memref<16x1024xf32, #tpu.memory_space<vmem>>) target_semaphore(%arg11 : memref<!tpu.dma_semaphore, #tpu.memory_space<semaphore_mem>>)
    %scan3A_238 = arith.constant 0 : i32
    %scan3A_239 = arith.constant 0 : i32
    %scan3A_240 = arith.constant 16 : i32
    %scan3A_241 = arith.addi %scan3A_239, %scan3A_240 : i32
    %scan3A_242 = arith.constant 1 : i32
    %scan3A_243 = scf.for %scan3A_369 = %scan3A_239 to %scan3A_241 step %scan3A_242 iter_args(%scan3A_370 = %scan3A_238) -> (i32)  : i32 {
      %scan3A_371 = arith.constant 0 : i32
      %scan3A_372 = arith.constant 0 : i32
      %scan3A_373 = arith.constant 16 : i32
      %scan3A_374 = arith.addi %scan3A_372, %scan3A_373 : i32
      %scan3A_375 = arith.constant 1 : i32
      %scan3A_376 = scf.for %scan3A_379 = %scan3A_372 to %scan3A_374 step %scan3A_375 iter_args(%scan3A_380 = %scan3A_371) -> (i32)  : i32 {
        %mul3A_381 = arith.constant 64 : i32
        %mul3A_382 = arith.muli %scan3A_379, %mul3A_381 : i32
        %add3A_383 = arith.constant 0 : i32
        %add3A_384 = arith.addi %mul3A_382, %add3A_383 : i32
        %get3A = arith.index_cast %scan3A_369 : i32 to index
        %get3A_385 = arith.index_cast %add3A_384 : i32 to index
        %get3A_386 = tpu.vector_load %arg8[%get3A, %get3A_385] {strides = array<i32>} : memref<16x1024xf32, #tpu.memory_space<vmem>>, vector<1x16xf32>,
        %get3A_387 = vector.shape_cast %get3A_386 : vector<1x16xf32> to vector<16xf32>
        %mul3A_388 = arith.constant 2 : i32
        %mul3A_389 = arith.muli %mul3A_388, %scan3A_369 : i32
        %get3A_390 = arith.index_cast %mul3A_389 : i32 to index
        %get3A_391 = arith.index_cast %add3A_384 : i32 to index
        %get3A_392 = tpu.vector_load %arg6[%get3A_390, %get3A_391] {strides = array<i32>} : memref<32x1024xf32, #tpu.memory_space<vmem>>, vector<1x16xf32>,
        %get3A_393 = vector.shape_cast %get3A_392 : vector<1x16xf32> to vector<16xf32>
        %mul3A_394 = arith.constant 2 : i32
        %mul3A_395 = arith.muli %mul3A_394, %scan3A_369 : i32
        %add3A_396 = arith.constant 1 : i32
        %add3A_397 = arith.addi %mul3A_395, %add3A_396 : i32
        %get3A_398 = arith.index_cast %add3A_397 : i32 to index
        %get3A_399 = arith.index_cast %add3A_384 : i32 to index
        %get3A_400 = tpu.vector_load %arg6[%get3A_398, %get3A_399] {strides = array<i32>} : memref<32x1024xf32, #tpu.memory_space<vmem>>, vector<1x16xf32>,
        %get3A_401 = vector.shape_cast %get3A_400 : vector<1x16xf32> to vector<16xf32>
        %add3A_402 = arith.addf %get3A_393, %get3A_401 : vector<16xf32>
        %add3A_403 = arith.addf %get3A_387, %add3A_402 : vector<16xf32>
        %swap3A = arith.index_cast %scan3A_369 : i32 to index
        %swap3A_404 = arith.index_cast %add3A_384 : i32 to index
        %swap3A_405 = tpu.vector_load %arg8[%swap3A, %swap3A_404] {strides = array<i32>} : memref<16x1024xf32, #tpu.memory_space<vmem>>, vector<1x16xf32>,
        %swap3A_406 = vector.shape_cast %swap3A_405 : vector<1x16xf32> to vector<16xf32>
        %swap3A_407 = vector.shape_cast %add3A_403 : vector<16xf32> to vector<1x16xf32>
        tpu.vector_store %arg8[%swap3A, %swap3A_404], %swap3A_407 {strides = array<i32>} : memref<16x1024xf32, #tpu.memory_space<vmem>>, vector<1x16xf32>,
        %mul3A_408 = arith.constant 64 : i32
        %mul3A_409 = arith.muli %scan3A_379, %mul3A_408 : i32
        %add3A_410 = arith.constant 16 : i32
        %add3A_411 = arith.addi %mul3A_409, %add3A_410 : i32
        %get3A_412 = arith.index_cast %scan3A_369 : i32 to index
        %get3A_413 = arith.index_cast %add3A_411 : i32 to index
        %get3A_414 = tpu.vector_load %arg8[%get3A_412, %get3A_413] {strides = array<i32>} : memref<16x1024xf32, #tpu.memory_space<vmem>>, vector<1x16xf32>,
        %get3A_415 = vector.shape_cast %get3A_414 : vector<1x16xf32> to vector<16xf32>
        %mul3A_416 = arith.constant 2 : i32
        %mul3A_417 = arith.muli %mul3A_416, %scan3A_369 : i32
        %get3A_418 = arith.index_cast %mul3A_417 : i32 to index
        %get3A_419 = arith.index_cast %add3A_411 : i32 to index
        %get3A_420 = tpu.vector_load %arg6[%get3A_418, %get3A_419] {strides = array<i32>} : memref<32x1024xf32, #tpu.memory_space<vmem>>, vector<1x16xf32>,
        %get3A_421 = vector.shape_cast %get3A_420 : vector<1x16xf32> to vector<16xf32>
        %mul3A_422 = arith.constant 2 : i32
        %mul3A_423 = arith.muli %mul3A_422, %scan3A_369 : i32
        %add3A_424 = arith.constant 1 : i32
        %add3A_425 = arith.addi %mul3A_423, %add3A_424 : i32
        %get3A_426 = arith.index_cast %add3A_425 : i32 to index
        %get3A_427 = arith.index_cast %add3A_411 : i32 to index
        %get3A_428 = tpu.vector_load %arg6[%get3A_426, %get3A_427] {strides = array<i32>} : memref<32x1024xf32, #tpu.memory_space<vmem>>, vector<1x16xf32>,
        %get3A_429 = vector.shape_cast %get3A_428 : vector<1x16xf32> to vector<16xf32>
        %add3A_430 = arith.addf %get3A_421, %get3A_429 : vector<16xf32>
        %add3A_431 = arith.addf %get3A_415, %add3A_430 : vector<16xf32>
        %swap3A_432 = arith.index_cast %scan3A_369 : i32 to index
        %swap3A_433 = arith.index_cast %add3A_411 : i32 to index
        %swap3A_434 = tpu.vector_load %arg8[%swap3A_432, %swap3A_433] {strides = array<i32>} : memref<16x1024xf32, #tpu.memory_space<vmem>>, vector<1x16xf32>,
        %swap3A_435 = vector.shape_cast %swap3A_434 : vector<1x16xf32> to vector<16xf32>
        %swap3A_436 = vector.shape_cast %add3A_431 : vector<16xf32> to vector<1x16xf32>
        tpu.vector_store %arg8[%swap3A_432, %swap3A_433], %swap3A_436 {strides = array<i32>} : memref<16x1024xf32, #tpu.memory_space<vmem>>, vector<1x16xf32>,
        %mul3A_437 = arith.constant 64 : i32
        %mul3A_438 = arith.muli %scan3A_379, %mul3A_437 : i32
        %add3A_439 = arith.constant 32 : i32
        %add3A_440 = arith.addi %mul3A_438, %add3A_439 : i32
        %get3A_441 = arith.index_cast %scan3A_369 : i32 to index
        %get3A_442 = arith.index_cast %add3A_440 : i32 to index
        %get3A_443 = tpu.vector_load %arg8[%get3A_441, %get3A_442] {strides = array<i32>} : memref<16x1024xf32, #tpu.memory_space<vmem>>, vector<1x16xf32>,
        %get3A_444 = vector.shape_cast %get3A_443 : vector<1x16xf32> to vector<16xf32>
        %mul3A_445 = arith.constant 2 : i32
        %mul3A_446 = arith.muli %mul3A_445, %scan3A_369 : i32
        %get3A_447 = arith.index_cast %mul3A_446 : i32 to index
        %get3A_448 = arith.index_cast %add3A_440 : i32 to index
        %get3A_449 = tpu.vector_load %arg6[%get3A_447, %get3A_448] {strides = array<i32>} : memref<32x1024xf32, #tpu.memory_space<vmem>>, vector<1x16xf32>,
        %get3A_450 = vector.shape_cast %get3A_449 : vector<1x16xf32> to vector<16xf32>
        %mul3A_451 = arith.constant 2 : i32
        %mul3A_452 = arith.muli %mul3A_451, %scan3A_369 : i32
        %add3A_453 = arith.constant 1 : i32
        %add3A_454 = arith.addi %mul3A_452, %add3A_453 : i32
        %get3A_455 = arith.index_cast %add3A_454 : i32 to index
        %get3A_456 = arith.index_cast %add3A_440 : i32 to index
        %get3A_457 = tpu.vector_load %arg6[%get3A_455, %get3A_456] {strides = array<i32>} : memref<32x1024xf32, #tpu.memory_space<vmem>>, vector<1x16xf32>,
        %get3A_458 = vector.shape_cast %get3A_457 : vector<1x16xf32> to vector<16xf32>
        %add3A_459 = arith.addf %get3A_450, %get3A_458 : vector<16xf32>
        %add3A_460 = arith.addf %get3A_444, %add3A_459 : vector<16xf32>
        %swap3A_461 = arith.index_cast %scan3A_369 : i32 to index
        %swap3A_462 = arith.index_cast %add3A_440 : i32 to index
        %swap3A_463 = tpu.vector_load %arg8[%swap3A_461, %swap3A_462] {strides = array<i32>} : memref<16x1024xf32, #tpu.memory_space<vmem>>, vector<1x16xf32>,
        %swap3A_464 = vector.shape_cast %swap3A_463 : vector<1x16xf32> to vector<16xf32>
        %swap3A_465 = vector.shape_cast %add3A_460 : vector<16xf32> to vector<1x16xf32>
        tpu.vector_store %arg8[%swap3A_461, %swap3A_462], %swap3A_465 {strides = array<i32>} : memref<16x1024xf32, #tpu.memory_space<vmem>>, vector<1x16xf32>,
        %mul3A_466 = arith.constant 64 : i32
        %mul3A_467 = arith.muli %scan3A_379, %mul3A_466 : i32
        %add3A_468 = arith.constant 48 : i32
        %add3A_469 = arith.addi %mul3A_467, %add3A_468 : i32
        %get3A_470 = arith.index_cast %scan3A_369 : i32 to index
        %get3A_471 = arith.index_cast %add3A_469 : i32 to index
        %get3A_472 = tpu.vector_load %arg8[%get3A_470, %get3A_471] {strides = array<i32>} : memref<16x1024xf32, #tpu.memory_space<vmem>>, vector<1x16xf32>,
        %get3A_473 = vector.shape_cast %get3A_472 : vector<1x16xf32> to vector<16xf32>
        %mul3A_474 = arith.constant 2 : i32
        %mul3A_475 = arith.muli %mul3A_474, %scan3A_369 : i32
        %get3A_476 = arith.index_cast %mul3A_475 : i32 to index
        %get3A_477 = arith.index_cast %add3A_469 : i32 to index
        %get3A_478 = tpu.vector_load %arg6[%get3A_476, %get3A_477] {strides = array<i32>} : memref<32x1024xf32, #tpu.memory_space<vmem>>, vector<1x16xf32>,
        %get3A_479 = vector.shape_cast %get3A_478 : vector<1x16xf32> to vector<16xf32>
        %mul3A_480 = arith.constant 2 : i32
        %mul3A_481 = arith.muli %mul3A_480, %scan3A_369 : i32
        %add3A_482 = arith.constant 1 : i32
        %add3A_483 = arith.addi %mul3A_481, %add3A_482 : i32
        %get3A_484 = arith.index_cast %add3A_483 : i32 to index
        %get3A_485 = arith.index_cast %add3A_469 : i32 to index
        %get3A_486 = tpu.vector_load %arg6[%get3A_484, %get3A_485] {strides = array<i32>} : memref<32x1024xf32, #tpu.memory_space<vmem>>, vector<1x16xf32>,
        %get3A_487 = vector.shape_cast %get3A_486 : vector<1x16xf32> to vector<16xf32>
        %add3A_488 = arith.addf %get3A_479, %get3A_487 : vector<16xf32>
        %add3A_489 = arith.addf %get3A_473, %add3A_488 : vector<16xf32>
        %swap3A_490 = arith.index_cast %scan3A_369 : i32 to index
        %swap3A_491 = arith.index_cast %add3A_469 : i32 to index
        %swap3A_492 = tpu.vector_load %arg8[%swap3A_490, %swap3A_491] {strides = array<i32>} : memref<16x1024xf32, #tpu.memory_space<vmem>>, vector<1x16xf32>,
        %swap3A_493 = vector.shape_cast %swap3A_492 : vector<1x16xf32> to vector<16xf32>
        %swap3A_494 = vector.shape_cast %add3A_489 : vector<16xf32> to vector<1x16xf32>
        tpu.vector_store %arg8[%swap3A_490, %swap3A_491], %swap3A_494 {strides = array<i32>} : memref<16x1024xf32, #tpu.memory_space<vmem>>, vector<1x16xf32>,
        %scan3A_495 = arith.constant 0 : i32
        scf.yield %scan3A_495 : i32
      }
      %scan3A_377 = arith.constant 16 : i32
      %scan3A_378 = arith.constant 0 : i32
      scf.yield %scan3A_378 : i32
    }
    %scan3A_244 = arith.constant 16 : i32
    %add3A_245 = arith.constant 64 : i32
    %add3A_246 = arith.addi %mul3A_2, %add3A_245 : i32
    %dma_start3A_247 = arith.constant 0 : i32
    %dma_start3A_248 = tpu.memref_slice %arg4[%add3A_246, %dma_start3A_247] : memref<4096x1024xf32, #tpu.memory_space<hbm>> -> memref<16x1024xf32, #tpu.memory_space<hbm>>
    %dma_start3A_249 = arith.constant 0 : i32
    %dma_start3A_250 = tpu.memref_slice %arg4[%add3A_246, %dma_start3A_249] : memref<4096x1024xf32, #tpu.memory_space<hbm>> -> memref<16x1024xf32, #tpu.memory_space<hbm>>
    tpu.enqueue_dma source(%arg8 : memref<16x1024xf32, #tpu.memory_space<vmem>>) target(%dma_start3A_250 : memref<16x1024xf32, #tpu.memory_space<hbm>>) target_semaphore(%arg12 : memref<!tpu.dma_semaphore, #tpu.memory_space<semaphore_mem>>)
    %dma_wait3A_251 = arith.constant 5 : i32
    %dma_wait3A_252 = arith.constant 0 : i32
    %dma_wait3A_253 = tpu.memref_slice %arg5[%dma_wait3A_251, %dma_wait3A_252] : memref<8x32xi32, #tpu.memory_space<vmem>> -> memref<1x32xi32, #tpu.memory_space<vmem>>
    %dma_wait3A_254 = tpu.memref_squeeze %dma_wait3A_253 : memref<1x32xi32, #tpu.memory_space<vmem>> -> memref<32xi32, #tpu.memory_space<vmem>>
    %dma_wait3A_255 = arith.constant 0 : i32
    %dma_wait3A_256 = arith.constant 0 : i32
    %dma_wait3A_257 = tpu.memref_slice %arg2[%dma_wait3A_255, %dma_wait3A_256] : memref<12288x1024xf32, #tpu.memory_space<hbm>> -> memref<12288x1024xf32, #tpu.memory_space<hbm>>
    tpu.wait_indirect_dma semaphore(%arg10 : memref<!tpu.dma_semaphore, #tpu.memory_space<semaphore_mem>>) src(%dma_wait3A_257 : memref<12288x1024xf32, #tpu.memory_space<hbm>>) dst(%arg7 : memref<32x1024xf32, #tpu.memory_space<vmem>>)
    %dma_wait3A_258 = arith.constant 0 : i32
    %dma_wait3A_259 = tpu.memref_slice %arg2[%add3A_233, %dma_wait3A_258] : memref<12288x1024xf32, #tpu.memory_space<hbm>> -> memref<16x1024xf32, #tpu.memory_space<hbm>>
    %dma_wait3A_260 = arith.constant 0 : i32
    %dma_wait3A_261 = tpu.memref_slice %arg2[%add3A_233, %dma_wait3A_260] : memref<12288x1024xf32, #tpu.memory_space<hbm>> -> memref<16x1024xf32, #tpu.memory_space<hbm>>
    tpu.wait_dma2 semaphore(%arg11 : memref<!tpu.dma_semaphore, #tpu.memory_space<semaphore_mem>>) src(%dma_wait3A_261 : memref<16x1024xf32, #tpu.memory_space<hbm>>) dst(%arg9 : memref<16x1024xf32, #tpu.memory_space<vmem>>)
    %dma_wait3A_262 = arith.constant 0 : i32
    %dma_wait3A_263 = tpu.memref_slice %arg4[%add3A_246, %dma_wait3A_262] : memref<4096x1024xf32, #tpu.memory_space<hbm>> -> memref<16x1024xf32, #tpu.memory_space<hbm>>
    %dma_wait3A_264 = arith.constant 0 : i32
    %dma_wait3A_265 = tpu.memref_slice %arg4[%add3A_246, %dma_wait3A_264] : memref<4096x1024xf32, #tpu.memory_space<hbm>> -> memref<16x1024xf32, #tpu.memory_space<hbm>>
    tpu.wait_dma2 semaphore(%arg12 : memref<!tpu.dma_semaphore, #tpu.memory_space<semaphore_mem>>) src(%arg8 : memref<16x1024xf32, #tpu.memory_space<vmem>>) dst(%dma_wait3A_265 : memref<16x1024xf32, #tpu.memory_space<hbm>>)
    %dma_start3A_266 = arith.constant 6 : i32
    %dma_start3A_267 = arith.constant 0 : i32
    %dma_start3A_268 = tpu.memref_slice %arg5[%dma_start3A_266, %dma_start3A_267] : memref<8x32xi32, #tpu.memory_space<vmem>> -> memref<1x32xi32, #tpu.memory_space<vmem>>
    %dma_start3A_269 = tpu.memref_squeeze %dma_start3A_268 : memref<1x32xi32, #tpu.memory_space<vmem>> -> memref<32xi32, #tpu.memory_space<vmem>>
    %dma_start3A_270 = arith.constant 0 : i32
    %dma_start3A_271 = arith.constant 0 : i32
    %dma_start3A_272 = tpu.memref_slice %arg2[%dma_start3A_270, %dma_start3A_271] : memref<12288x1024xf32, #tpu.memory_space<hbm>> -> memref<12288x1024xf32, #tpu.memory_space<hbm>>
    tpu.enqueue_indirect_dma source(%dma_start3A_272 : memref<12288x1024xf32, #tpu.memory_space<hbm>>) target(%arg6 : memref<32x1024xf32, #tpu.memory_space<vmem>>) offsets(%dma_start3A_269 : memref<32xi32, #tpu.memory_space<vmem>>) semaphore(%arg10 : memref<!tpu.dma_semaphore, #tpu.memory_space<semaphore_mem>>)
    %add3A_273 = arith.constant 8192 : i32
    %add3A_274 = arith.addi %add3A_273, %mul3A_2 : i32
    %add3A_275 = arith.constant 96 : i32
    %add3A_276 = arith.addi %add3A_274, %add3A_275 : i32
    %dma_start3A_277 = arith.constant 0 : i32
    %dma_start3A_278 = tpu.memref_slice %arg2[%add3A_276, %dma_start3A_277] : memref<12288x1024xf32, #tpu.memory_space<hbm>> -> memref<16x1024xf32, #tpu.memory_space<hbm>>
    %dma_start3A_279 = arith.constant 0 : i32
    %dma_start3A_280 = tpu.memref_slice %arg2[%add3A_276, %dma_start3A_279] : memref<12288x1024xf32, #tpu.memory_space<hbm>> -> memref<16x1024xf32, #tpu.memory_space<hbm>>
    tpu.enqueue_dma source(%dma_start3A_280 : memref<16x1024xf32, #tpu.memory_space<hbm>>) target(%arg8 : memref<16x1024xf32, #tpu.memory_space<vmem>>) target_semaphore(%arg11 : memref<!tpu.dma_semaphore, #tpu.memory_space<semaphore_mem>>)
    %scan3A_281 = arith.constant 0 : i32
    %scan3A_282 = arith.constant 0 : i32
    %scan3A_283 = arith.constant 16 : i32
    %scan3A_284 = arith.addi %scan3A_282, %scan3A_283 : i32
    %scan3A_285 = arith.constant 1 : i32
    %scan3A_286 = scf.for %scan3A_369 = %scan3A_282 to %scan3A_284 step %scan3A_285 iter_args(%scan3A_370 = %scan3A_281) -> (i32)  : i32 {
      %scan3A_371 = arith.constant 0 : i32
      %scan3A_372 = arith.constant 0 : i32
      %scan3A_373 = arith.constant 16 : i32
      %scan3A_374 = arith.addi %scan3A_372, %scan3A_373 : i32
      %scan3A_375 = arith.constant 1 : i32
      %scan3A_376 = scf.for %scan3A_379 = %scan3A_372 to %scan3A_374 step %scan3A_375 iter_args(%scan3A_380 = %scan3A_371) -> (i32)  : i32 {
        %mul3A_381 = arith.constant 64 : i32
        %mul3A_382 = arith.muli %scan3A_379, %mul3A_381 : i32
        %add3A_383 = arith.constant 0 : i32
        %add3A_384 = arith.addi %mul3A_382, %add3A_383 : i32
        %get3A = arith.index_cast %scan3A_369 : i32 to index
        %get3A_385 = arith.index_cast %add3A_384 : i32 to index
        %get3A_386 = tpu.vector_load %arg9[%get3A, %get3A_385] {strides = array<i32>} : memref<16x1024xf32, #tpu.memory_space<vmem>>, vector<1x16xf32>,
        %get3A_387 = vector.shape_cast %get3A_386 : vector<1x16xf32> to vector<16xf32>
        %mul3A_388 = arith.constant 2 : i32
        %mul3A_389 = arith.muli %mul3A_388, %scan3A_369 : i32
        %get3A_390 = arith.index_cast %mul3A_389 : i32 to index
        %get3A_391 = arith.index_cast %add3A_384 : i32 to index
        %get3A_392 = tpu.vector_load %arg7[%get3A_390, %get3A_391] {strides = array<i32>} : memref<32x1024xf32, #tpu.memory_space<vmem>>, vector<1x16xf32>,
        %get3A_393 = vector.shape_cast %get3A_392 : vector<1x16xf32> to vector<16xf32>
        %mul3A_394 = arith.constant 2 : i32
        %mul3A_395 = arith.muli %mul3A_394, %scan3A_369 : i32
        %add3A_396 = arith.constant 1 : i32
        %add3A_397 = arith.addi %mul3A_395, %add3A_396 : i32
        %get3A_398 = arith.index_cast %add3A_397 : i32 to index
        %get3A_399 = arith.index_cast %add3A_384 : i32 to index
        %get3A_400 = tpu.vector_load %arg7[%get3A_398, %get3A_399] {strides = array<i32>} : memref<32x1024xf32, #tpu.memory_space<vmem>>, vector<1x16xf32>,
        %get3A_401 = vector.shape_cast %get3A_400 : vector<1x16xf32> to vector<16xf32>
        %add3A_402 = arith.addf %get3A_393, %get3A_401 : vector<16xf32>
        %add3A_403 = arith.addf %get3A_387, %add3A_402 : vector<16xf32>
        %swap3A = arith.index_cast %scan3A_369 : i32 to index
        %swap3A_404 = arith.index_cast %add3A_384 : i32 to index
        %swap3A_405 = tpu.vector_load %arg9[%swap3A, %swap3A_404] {strides = array<i32>} : memref<16x1024xf32, #tpu.memory_space<vmem>>, vector<1x16xf32>,
        %swap3A_406 = vector.shape_cast %swap3A_405 : vector<1x16xf32> to vector<16xf32>
        %swap3A_407 = vector.shape_cast %add3A_403 : vector<16xf32> to vector<1x16xf32>
        tpu.vector_store %arg9[%swap3A, %swap3A_404], %swap3A_407 {strides = array<i32>} : memref<16x1024xf32, #tpu.memory_space<vmem>>, vector<1x16xf32>,
        %mul3A_408 = arith.constant 64 : i32
        %mul3A_409 = arith.muli %scan3A_379, %mul3A_408 : i32
        %add3A_410 = arith.constant 16 : i32
        %add3A_411 = arith.addi %mul3A_409, %add3A_410 : i32
        %get3A_412 = arith.index_cast %scan3A_369 : i32 to index
        %get3A_413 = arith.index_cast %add3A_411 : i32 to index
        %get3A_414 = tpu.vector_load %arg9[%get3A_412, %get3A_413] {strides = array<i32>} : memref<16x1024xf32, #tpu.memory_space<vmem>>, vector<1x16xf32>,
        %get3A_415 = vector.shape_cast %get3A_414 : vector<1x16xf32> to vector<16xf32>
        %mul3A_416 = arith.constant 2 : i32
        %mul3A_417 = arith.muli %mul3A_416, %scan3A_369 : i32
        %get3A_418 = arith.index_cast %mul3A_417 : i32 to index
        %get3A_419 = arith.index_cast %add3A_411 : i32 to index
        %get3A_420 = tpu.vector_load %arg7[%get3A_418, %get3A_419] {strides = array<i32>} : memref<32x1024xf32, #tpu.memory_space<vmem>>, vector<1x16xf32>,
        %get3A_421 = vector.shape_cast %get3A_420 : vector<1x16xf32> to vector<16xf32>
        %mul3A_422 = arith.constant 2 : i32
        %mul3A_423 = arith.muli %mul3A_422, %scan3A_369 : i32
        %add3A_424 = arith.constant 1 : i32
        %add3A_425 = arith.addi %mul3A_423, %add3A_424 : i32
        %get3A_426 = arith.index_cast %add3A_425 : i32 to index
        %get3A_427 = arith.index_cast %add3A_411 : i32 to index
        %get3A_428 = tpu.vector_load %arg7[%get3A_426, %get3A_427] {strides = array<i32>} : memref<32x1024xf32, #tpu.memory_space<vmem>>, vector<1x16xf32>,
        %get3A_429 = vector.shape_cast %get3A_428 : vector<1x16xf32> to vector<16xf32>
        %add3A_430 = arith.addf %get3A_421, %get3A_429 : vector<16xf32>
        %add3A_431 = arith.addf %get3A_415, %add3A_430 : vector<16xf32>
        %swap3A_432 = arith.index_cast %scan3A_369 : i32 to index
        %swap3A_433 = arith.index_cast %add3A_411 : i32 to index
        %swap3A_434 = tpu.vector_load %arg9[%swap3A_432, %swap3A_433] {strides = array<i32>} : memref<16x1024xf32, #tpu.memory_space<vmem>>, vector<1x16xf32>,
        %swap3A_435 = vector.shape_cast %swap3A_434 : vector<1x16xf32> to vector<16xf32>
        %swap3A_436 = vector.shape_cast %add3A_431 : vector<16xf32> to vector<1x16xf32>
        tpu.vector_store %arg9[%swap3A_432, %swap3A_433], %swap3A_436 {strides = array<i32>} : memref<16x1024xf32, #tpu.memory_space<vmem>>, vector<1x16xf32>,
        %mul3A_437 = arith.constant 64 : i32
        %mul3A_438 = arith.muli %scan3A_379, %mul3A_437 : i32
        %add3A_439 = arith.constant 32 : i32
        %add3A_440 = arith.addi %mul3A_438, %add3A_439 : i32
        %get3A_441 = arith.index_cast %scan3A_369 : i32 to index
        %get3A_442 = arith.index_cast %add3A_440 : i32 to index
        %get3A_443 = tpu.vector_load %arg9[%get3A_441, %get3A_442] {strides = array<i32>} : memref<16x1024xf32, #tpu.memory_space<vmem>>, vector<1x16xf32>,
        %get3A_444 = vector.shape_cast %get3A_443 : vector<1x16xf32> to vector<16xf32>
        %mul3A_445 = arith.constant 2 : i32
        %mul3A_446 = arith.muli %mul3A_445, %scan3A_369 : i32
        %get3A_447 = arith.index_cast %mul3A_446 : i32 to index
        %get3A_448 = arith.index_cast %add3A_440 : i32 to index
        %get3A_449 = tpu.vector_load %arg7[%get3A_447, %get3A_448] {strides = array<i32>} : memref<32x1024xf32, #tpu.memory_space<vmem>>, vector<1x16xf32>,
        %get3A_450 = vector.shape_cast %get3A_449 : vector<1x16xf32> to vector<16xf32>
        %mul3A_451 = arith.constant 2 : i32
        %mul3A_452 = arith.muli %mul3A_451, %scan3A_369 : i32
        %add3A_453 = arith.constant 1 : i32
        %add3A_454 = arith.addi %mul3A_452, %add3A_453 : i32
        %get3A_455 = arith.index_cast %add3A_454 : i32 to index
        %get3A_456 = arith.index_cast %add3A_440 : i32 to index
        %get3A_457 = tpu.vector_load %arg7[%get3A_455, %get3A_456] {strides = array<i32>} : memref<32x1024xf32, #tpu.memory_space<vmem>>, vector<1x16xf32>,
        %get3A_458 = vector.shape_cast %get3A_457 : vector<1x16xf32> to vector<16xf32>
        %add3A_459 = arith.addf %get3A_450, %get3A_458 : vector<16xf32>
        %add3A_460 = arith.addf %get3A_444, %add3A_459 : vector<16xf32>
        %swap3A_461 = arith.index_cast %scan3A_369 : i32 to index
        %swap3A_462 = arith.index_cast %add3A_440 : i32 to index
        %swap3A_463 = tpu.vector_load %arg9[%swap3A_461, %swap3A_462] {strides = array<i32>} : memref<16x1024xf32, #tpu.memory_space<vmem>>, vector<1x16xf32>,
        %swap3A_464 = vector.shape_cast %swap3A_463 : vector<1x16xf32> to vector<16xf32>
        %swap3A_465 = vector.shape_cast %add3A_460 : vector<16xf32> to vector<1x16xf32>
        tpu.vector_store %arg9[%swap3A_461, %swap3A_462], %swap3A_465 {strides = array<i32>} : memref<16x1024xf32, #tpu.memory_space<vmem>>, vector<1x16xf32>,
        %mul3A_466 = arith.constant 64 : i32
        %mul3A_467 = arith.muli %scan3A_379, %mul3A_466 : i32
        %add3A_468 = arith.constant 48 : i32
        %add3A_469 = arith.addi %mul3A_467, %add3A_468 : i32
        %get3A_470 = arith.index_cast %scan3A_369 : i32 to index
        %get3A_471 = arith.index_cast %add3A_469 : i32 to index
        %get3A_472 = tpu.vector_load %arg9[%get3A_470, %get3A_471] {strides = array<i32>} : memref<16x1024xf32, #tpu.memory_space<vmem>>, vector<1x16xf32>,
        %get3A_473 = vector.shape_cast %get3A_472 : vector<1x16xf32> to vector<16xf32>
        %mul3A_474 = arith.constant 2 : i32
        %mul3A_475 = arith.muli %mul3A_474, %scan3A_369 : i32
        %get3A_476 = arith.index_cast %mul3A_475 : i32 to index
        %get3A_477 = arith.index_cast %add3A_469 : i32 to index
        %get3A_478 = tpu.vector_load %arg7[%get3A_476, %get3A_477] {strides = array<i32>} : memref<32x1024xf32, #tpu.memory_space<vmem>>, vector<1x16xf32>,
        %get3A_479 = vector.shape_cast %get3A_478 : vector<1x16xf32> to vector<16xf32>
        %mul3A_480 = arith.constant 2 : i32
        %mul3A_481 = arith.muli %mul3A_480, %scan3A_369 : i32
        %add3A_482 = arith.constant 1 : i32
        %add3A_483 = arith.addi %mul3A_481, %add3A_482 : i32
        %get3A_484 = arith.index_cast %add3A_483 : i32 to index
        %get3A_485 = arith.index_cast %add3A_469 : i32 to index
        %get3A_486 = tpu.vector_load %arg7[%get3A_484, %get3A_485] {strides = array<i32>} : memref<32x1024xf32, #tpu.memory_space<vmem>>, vector<1x16xf32>,
        %get3A_487 = vector.shape_cast %get3A_486 : vector<1x16xf32> to vector<16xf32>
        %add3A_488 = arith.addf %get3A_479, %get3A_487 : vector<16xf32>
        %add3A_489 = arith.addf %get3A_473, %add3A_488 : vector<16xf32>
        %swap3A_490 = arith.index_cast %scan3A_369 : i32 to index
        %swap3A_491 = arith.index_cast %add3A_469 : i32 to index
        %swap3A_492 = tpu.vector_load %arg9[%swap3A_490, %swap3A_491] {strides = array<i32>} : memref<16x1024xf32, #tpu.memory_space<vmem>>, vector<1x16xf32>,
        %swap3A_493 = vector.shape_cast %swap3A_492 : vector<1x16xf32> to vector<16xf32>
        %swap3A_494 = vector.shape_cast %add3A_489 : vector<16xf32> to vector<1x16xf32>
        tpu.vector_store %arg9[%swap3A_490, %swap3A_491], %swap3A_494 {strides = array<i32>} : memref<16x1024xf32, #tpu.memory_space<vmem>>, vector<1x16xf32>,
        %scan3A_495 = arith.constant 0 : i32
        scf.yield %scan3A_495 : i32
      }
      %scan3A_377 = arith.constant 16 : i32
      %scan3A_378 = arith.constant 0 : i32
      scf.yield %scan3A_378 : i32
    }
    %scan3A_287 = arith.constant 16 : i32
    %add3A_288 = arith.constant 80 : i32
    %add3A_289 = arith.addi %mul3A_2, %add3A_288 : i32
    %dma_start3A_290 = arith.constant 0 : i32
    %dma_start3A_291 = tpu.memref_slice %arg4[%add3A_289, %dma_start3A_290] : memref<4096x1024xf32, #tpu.memory_space<hbm>> -> memref<16x1024xf32, #tpu.memory_space<hbm>>
    %dma_start3A_292 = arith.constant 0 : i32
    %dma_start3A_293 = tpu.memref_slice %arg4[%add3A_289, %dma_start3A_292] : memref<4096x1024xf32, #tpu.memory_space<hbm>> -> memref<16x1024xf32, #tpu.memory_space<hbm>>
    tpu.enqueue_dma source(%arg9 : memref<16x1024xf32, #tpu.memory_space<vmem>>) target(%dma_start3A_293 : memref<16x1024xf32, #tpu.memory_space<hbm>>) target_semaphore(%arg12 : memref<!tpu.dma_semaphore, #tpu.memory_space<semaphore_mem>>)
    %dma_wait3A_294 = arith.constant 6 : i32
    %dma_wait3A_295 = arith.constant 0 : i32
    %dma_wait3A_296 = tpu.memref_slice %arg5[%dma_wait3A_294, %dma_wait3A_295] : memref<8x32xi32, #tpu.memory_space<vmem>> -> memref<1x32xi32, #tpu.memory_space<vmem>>
    %dma_wait3A_297 = tpu.memref_squeeze %dma_wait3A_296 : memref<1x32xi32, #tpu.memory_space<vmem>> -> memref<32xi32, #tpu.memory_space<vmem>>
    %dma_wait3A_298 = arith.constant 0 : i32
    %dma_wait3A_299 = arith.constant 0 : i32
    %dma_wait3A_300 = tpu.memref_slice %arg2[%dma_wait3A_298, %dma_wait3A_299] : memref<12288x1024xf32, #tpu.memory_space<hbm>> -> memref<12288x1024xf32, #tpu.memory_space<hbm>>
    tpu.wait_indirect_dma semaphore(%arg10 : memref<!tpu.dma_semaphore, #tpu.memory_space<semaphore_mem>>) src(%dma_wait3A_300 : memref<12288x1024xf32, #tpu.memory_space<hbm>>) dst(%arg6 : memref<32x1024xf32, #tpu.memory_space<vmem>>)
    %dma_wait3A_301 = arith.constant 0 : i32
    %dma_wait3A_302 = tpu.memref_slice %arg2[%add3A_276, %dma_wait3A_301] : memref<12288x1024xf32, #tpu.memory_space<hbm>> -> memref<16x1024xf32, #tpu.memory_space<hbm>>
    %dma_wait3A_303 = arith.constant 0 : i32
    %dma_wait3A_304 = tpu.memref_slice %arg2[%add3A_276, %dma_wait3A_303] : memref<12288x1024xf32, #tpu.memory_space<hbm>> -> memref<16x1024xf32, #tpu.memory_space<hbm>>
    tpu.wait_dma2 semaphore(%arg11 : memref<!tpu.dma_semaphore, #tpu.memory_space<semaphore_mem>>) src(%dma_wait3A_304 : memref<16x1024xf32, #tpu.memory_space<hbm>>) dst(%arg8 : memref<16x1024xf32, #tpu.memory_space<vmem>>)
    %dma_wait3A_305 = arith.constant 0 : i32
    %dma_wait3A_306 = tpu.memref_slice %arg4[%add3A_289, %dma_wait3A_305] : memref<4096x1024xf32, #tpu.memory_space<hbm>> -> memref<16x1024xf32, #tpu.memory_space<hbm>>
    %dma_wait3A_307 = arith.constant 0 : i32
    %dma_wait3A_308 = tpu.memref_slice %arg4[%add3A_289, %dma_wait3A_307] : memref<4096x1024xf32, #tpu.memory_space<hbm>> -> memref<16x1024xf32, #tpu.memory_space<hbm>>
    tpu.wait_dma2 semaphore(%arg12 : memref<!tpu.dma_semaphore, #tpu.memory_space<semaphore_mem>>) src(%arg9 : memref<16x1024xf32, #tpu.memory_space<vmem>>) dst(%dma_wait3A_308 : memref<16x1024xf32, #tpu.memory_space<hbm>>)
    %dma_start3A_309 = arith.constant 7 : i32
    %dma_start3A_310 = arith.constant 0 : i32
    %dma_start3A_311 = tpu.memref_slice %arg5[%dma_start3A_309, %dma_start3A_310] : memref<8x32xi32, #tpu.memory_space<vmem>> -> memref<1x32xi32, #tpu.memory_space<vmem>>
    %dma_start3A_312 = tpu.memref_squeeze %dma_start3A_311 : memref<1x32xi32, #tpu.memory_space<vmem>> -> memref<32xi32, #tpu.memory_space<vmem>>
    %dma_start3A_313 = arith.constant 0 : i32
    %dma_start3A_314 = arith.constant 0 : i32
    %dma_start3A_315 = tpu.memref_slice %arg2[%dma_start3A_313, %dma_start3A_314] : memref<12288x1024xf32, #tpu.memory_space<hbm>> -> memref<12288x1024xf32, #tpu.memory_space<hbm>>
    tpu.enqueue_indirect_dma source(%dma_start3A_315 : memref<12288x1024xf32, #tpu.memory_space<hbm>>) target(%arg7 : memref<32x1024xf32, #tpu.memory_space<vmem>>) offsets(%dma_start3A_312 : memref<32xi32, #tpu.memory_space<vmem>>) semaphore(%arg10 : memref<!tpu.dma_semaphore, #tpu.memory_space<semaphore_mem>>)
    %add3A_316 = arith.constant 8192 : i32
    %add3A_317 = arith.addi %add3A_316, %mul3A_2 : i32
    %add3A_318 = arith.constant 112 : i32
    %add3A_319 = arith.addi %add3A_317, %add3A_318 : i32
    %dma_start3A_320 = arith.constant 0 : i32
    %dma_start3A_321 = tpu.memref_slice %arg2[%add3A_319, %dma_start3A_320] : memref<12288x1024xf32, #tpu.memory_space<hbm>> -> memref<16x1024xf32, #tpu.memory_space<hbm>>
    %dma_start3A_322 = arith.constant 0 : i32
    %dma_start3A_323 = tpu.memref_slice %arg2[%add3A_319, %dma_start3A_322] : memref<12288x1024xf32, #tpu.memory_space<hbm>> -> memref<16x1024xf32, #tpu.memory_space<hbm>>
    tpu.enqueue_dma source(%dma_start3A_323 : memref<16x1024xf32, #tpu.memory_space<hbm>>) target(%arg9 : memref<16x1024xf32, #tpu.memory_space<vmem>>) target_semaphore(%arg11 : memref<!tpu.dma_semaphore, #tpu.memory_space<semaphore_mem>>)
    %scan3A_324 = arith.constant 0 : i32
    %scan3A_325 = arith.constant 0 : i32
    %scan3A_326 = arith.constant 16 : i32
    %scan3A_327 = arith.addi %scan3A_325, %scan3A_326 : i32
    %scan3A_328 = arith.constant 1 : i32
    %scan3A_329 = scf.for %scan3A_369 = %scan3A_325 to %scan3A_327 step %scan3A_328 iter_args(%scan3A_370 = %scan3A_324) -> (i32)  : i32 {
      %scan3A_371 = arith.constant 0 : i32
      %scan3A_372 = arith.constant 0 : i32
      %scan3A_373 = arith.constant 16 : i32
      %scan3A_374 = arith.addi %scan3A_372, %scan3A_373 : i32
      %scan3A_375 = arith.constant 1 : i32
      %scan3A_376 = scf.for %scan3A_379 = %scan3A_372 to %scan3A_374 step %scan3A_375 iter_args(%scan3A_380 = %scan3A_371) -> (i32)  : i32 {
        %mul3A_381 = arith.constant 64 : i32
        %mul3A_382 = arith.muli %scan3A_379, %mul3A_381 : i32
        %add3A_383 = arith.constant 0 : i32
        %add3A_384 = arith.addi %mul3A_382, %add3A_383 : i32
        %get3A = arith.index_cast %scan3A_369 : i32 to index
        %get3A_385 = arith.index_cast %add3A_384 : i32 to index
        %get3A_386 = tpu.vector_load %arg8[%get3A, %get3A_385] {strides = array<i32>} : memref<16x1024xf32, #tpu.memory_space<vmem>>, vector<1x16xf32>,
        %get3A_387 = vector.shape_cast %get3A_386 : vector<1x16xf32> to vector<16xf32>
        %mul3A_388 = arith.constant 2 : i32
        %mul3A_389 = arith.muli %mul3A_388, %scan3A_369 : i32
        %get3A_390 = arith.index_cast %mul3A_389 : i32 to index
        %get3A_391 = arith.index_cast %add3A_384 : i32 to index
        %get3A_392 = tpu.vector_load %arg6[%get3A_390, %get3A_391] {strides = array<i32>} : memref<32x1024xf32, #tpu.memory_space<vmem>>, vector<1x16xf32>,
        %get3A_393 = vector.shape_cast %get3A_392 : vector<1x16xf32> to vector<16xf32>
        %mul3A_394 = arith.constant 2 : i32
        %mul3A_395 = arith.muli %mul3A_394, %scan3A_369 : i32
        %add3A_396 = arith.constant 1 : i32
        %add3A_397 = arith.addi %mul3A_395, %add3A_396 : i32
        %get3A_398 = arith.index_cast %add3A_397 : i32 to index
        %get3A_399 = arith.index_cast %add3A_384 : i32 to index
        %get3A_400 = tpu.vector_load %arg6[%get3A_398, %get3A_399] {strides = array<i32>} : memref<32x1024xf32, #tpu.memory_space<vmem>>, vector<1x16xf32>,
        %get3A_401 = vector.shape_cast %get3A_400 : vector<1x16xf32> to vector<16xf32>
        %add3A_402 = arith.addf %get3A_393, %get3A_401 : vector<16xf32>
        %add3A_403 = arith.addf %get3A_387, %add3A_402 : vector<16xf32>
        %swap3A = arith.index_cast %scan3A_369 : i32 to index
        %swap3A_404 = arith.index_cast %add3A_384 : i32 to index
        %swap3A_405 = tpu.vector_load %arg8[%swap3A, %swap3A_404] {strides = array<i32>} : memref<16x1024xf32, #tpu.memory_space<vmem>>, vector<1x16xf32>,
        %swap3A_406 = vector.shape_cast %swap3A_405 : vector<1x16xf32> to vector<16xf32>
        %swap3A_407 = vector.shape_cast %add3A_403 : vector<16xf32> to vector<1x16xf32>
        tpu.vector_store %arg8[%swap3A, %swap3A_404], %swap3A_407 {strides = array<i32>} : memref<16x1024xf32, #tpu.memory_space<vmem>>, vector<1x16xf32>,
        %mul3A_408 = arith.constant 64 : i32
        %mul3A_409 = arith.muli %scan3A_379, %mul3A_408 : i32
        %add3A_410 = arith.constant 16 : i32
        %add3A_411 = arith.addi %mul3A_409, %add3A_410 : i32
        %get3A_412 = arith.index_cast %scan3A_369 : i32 to index
        %get3A_413 = arith.index_cast %add3A_411 : i32 to index
        %get3A_414 = tpu.vector_load %arg8[%get3A_412, %get3A_413] {strides = array<i32>} : memref<16x1024xf32, #tpu.memory_space<vmem>>, vector<1x16xf32>,
        %get3A_415 = vector.shape_cast %get3A_414 : vector<1x16xf32> to vector<16xf32>
        %mul3A_416 = arith.constant 2 : i32
        %mul3A_417 = arith.muli %mul3A_416, %scan3A_369 : i32
        %get3A_418 = arith.index_cast %mul3A_417 : i32 to index
        %get3A_419 = arith.index_cast %add3A_411 : i32 to index
        %get3A_420 = tpu.vector_load %arg6[%get3A_418, %get3A_419] {strides = array<i32>} : memref<32x1024xf32, #tpu.memory_space<vmem>>, vector<1x16xf32>,
        %get3A_421 = vector.shape_cast %get3A_420 : vector<1x16xf32> to vector<16xf32>
        %mul3A_422 = arith.constant 2 : i32
        %mul3A_423 = arith.muli %mul3A_422, %scan3A_369 : i32
        %add3A_424 = arith.constant 1 : i32
        %add3A_425 = arith.addi %mul3A_423, %add3A_424 : i32
        %get3A_426 = arith.index_cast %add3A_425 : i32 to index
        %get3A_427 = arith.index_cast %add3A_411 : i32 to index
        %get3A_428 = tpu.vector_load %arg6[%get3A_426, %get3A_427] {strides = array<i32>} : memref<32x1024xf32, #tpu.memory_space<vmem>>, vector<1x16xf32>,
        %get3A_429 = vector.shape_cast %get3A_428 : vector<1x16xf32> to vector<16xf32>
        %add3A_430 = arith.addf %get3A_421, %get3A_429 : vector<16xf32>
        %add3A_431 = arith.addf %get3A_415, %add3A_430 : vector<16xf32>
        %swap3A_432 = arith.index_cast %scan3A_369 : i32 to index
        %swap3A_433 = arith.index_cast %add3A_411 : i32 to index
        %swap3A_434 = tpu.vector_load %arg8[%swap3A_432, %swap3A_433] {strides = array<i32>} : memref<16x1024xf32, #tpu.memory_space<vmem>>, vector<1x16xf32>,
        %swap3A_435 = vector.shape_cast %swap3A_434 : vector<1x16xf32> to vector<16xf32>
        %swap3A_436 = vector.shape_cast %add3A_431 : vector<16xf32> to vector<1x16xf32>
        tpu.vector_store %arg8[%swap3A_432, %swap3A_433], %swap3A_436 {strides = array<i32>} : memref<16x1024xf32, #tpu.memory_space<vmem>>, vector<1x16xf32>,
        %mul3A_437 = arith.constant 64 : i32
        %mul3A_438 = arith.muli %scan3A_379, %mul3A_437 : i32
        %add3A_439 = arith.constant 32 : i32
        %add3A_440 = arith.addi %mul3A_438, %add3A_439 : i32
        %get3A_441 = arith.index_cast %scan3A_369 : i32 to index
        %get3A_442 = arith.index_cast %add3A_440 : i32 to index
        %get3A_443 = tpu.vector_load %arg8[%get3A_441, %get3A_442] {strides = array<i32>} : memref<16x1024xf32, #tpu.memory_space<vmem>>, vector<1x16xf32>,
        %get3A_444 = vector.shape_cast %get3A_443 : vector<1x16xf32> to vector<16xf32>
        %mul3A_445 = arith.constant 2 : i32
        %mul3A_446 = arith.muli %mul3A_445, %scan3A_369 : i32
        %get3A_447 = arith.index_cast %mul3A_446 : i32 to index
        %get3A_448 = arith.index_cast %add3A_440 : i32 to index
        %get3A_449 = tpu.vector_load %arg6[%get3A_447, %get3A_448] {strides = array<i32>} : memref<32x1024xf32, #tpu.memory_space<vmem>>, vector<1x16xf32>,
        %get3A_450 = vector.shape_cast %get3A_449 : vector<1x16xf32> to vector<16xf32>
        %mul3A_451 = arith.constant 2 : i32
        %mul3A_452 = arith.muli %mul3A_451, %scan3A_369 : i32
        %add3A_453 = arith.constant 1 : i32
        %add3A_454 = arith.addi %mul3A_452, %add3A_453 : i32
        %get3A_455 = arith.index_cast %add3A_454 : i32 to index
        %get3A_456 = arith.index_cast %add3A_440 : i32 to index
        %get3A_457 = tpu.vector_load %arg6[%get3A_455, %get3A_456] {strides = array<i32>} : memref<32x1024xf32, #tpu.memory_space<vmem>>, vector<1x16xf32>,
        %get3A_458 = vector.shape_cast %get3A_457 : vector<1x16xf32> to vector<16xf32>
        %add3A_459 = arith.addf %get3A_450, %get3A_458 : vector<16xf32>
        %add3A_460 = arith.addf %get3A_444, %add3A_459 : vector<16xf32>
        %swap3A_461 = arith.index_cast %scan3A_369 : i32 to index
        %swap3A_462 = arith.index_cast %add3A_440 : i32 to index
        %swap3A_463 = tpu.vector_load %arg8[%swap3A_461, %swap3A_462] {strides = array<i32>} : memref<16x1024xf32, #tpu.memory_space<vmem>>, vector<1x16xf32>,
        %swap3A_464 = vector.shape_cast %swap3A_463 : vector<1x16xf32> to vector<16xf32>
        %swap3A_465 = vector.shape_cast %add3A_460 : vector<16xf32> to vector<1x16xf32>
        tpu.vector_store %arg8[%swap3A_461, %swap3A_462], %swap3A_465 {strides = array<i32>} : memref<16x1024xf32, #tpu.memory_space<vmem>>, vector<1x16xf32>,
        %mul3A_466 = arith.constant 64 : i32
        %mul3A_467 = arith.muli %scan3A_379, %mul3A_466 : i32
        %add3A_468 = arith.constant 48 : i32
        %add3A_469 = arith.addi %mul3A_467, %add3A_468 : i32
        %get3A_470 = arith.index_cast %scan3A_369 : i32 to index
        %get3A_471 = arith.index_cast %add3A_469 : i32 to index
        %get3A_472 = tpu.vector_load %arg8[%get3A_470, %get3A_471] {strides = array<i32>} : memref<16x1024xf32, #tpu.memory_space<vmem>>, vector<1x16xf32>,
        %get3A_473 = vector.shape_cast %get3A_472 : vector<1x16xf32> to vector<16xf32>
        %mul3A_474 = arith.constant 2 : i32
        %mul3A_475 = arith.muli %mul3A_474, %scan3A_369 : i32
        %get3A_476 = arith.index_cast %mul3A_475 : i32 to index
        %get3A_477 = arith.index_cast %add3A_469 : i32 to index
        %get3A_478 = tpu.vector_load %arg6[%get3A_476, %get3A_477] {strides = array<i32>} : memref<32x1024xf32, #tpu.memory_space<vmem>>, vector<1x16xf32>,
        %get3A_479 = vector.shape_cast %get3A_478 : vector<1x16xf32> to vector<16xf32>
        %mul3A_480 = arith.constant 2 : i32
        %mul3A_481 = arith.muli %mul3A_480, %scan3A_369 : i32
        %add3A_482 = arith.constant 1 : i32
        %add3A_483 = arith.addi %mul3A_481, %add3A_482 : i32
        %get3A_484 = arith.index_cast %add3A_483 : i32 to index
        %get3A_485 = arith.index_cast %add3A_469 : i32 to index
        %get3A_486 = tpu.vector_load %arg6[%get3A_484, %get3A_485] {strides = array<i32>} : memref<32x1024xf32, #tpu.memory_space<vmem>>, vector<1x16xf32>,
        %get3A_487 = vector.shape_cast %get3A_486 : vector<1x16xf32> to vector<16xf32>
        %add3A_488 = arith.addf %get3A_479, %get3A_487 : vector<16xf32>
        %add3A_489 = arith.addf %get3A_473, %add3A_488 : vector<16xf32>
        %swap3A_490 = arith.index_cast %scan3A_369 : i32 to index
        %swap3A_491 = arith.index_cast %add3A_469 : i32 to index
        %swap3A_492 = tpu.vector_load %arg8[%swap3A_490, %swap3A_491] {strides = array<i32>} : memref<16x1024xf32, #tpu.memory_space<vmem>>, vector<1x16xf32>,
        %swap3A_493 = vector.shape_cast %swap3A_492 : vector<1x16xf32> to vector<16xf32>
        %swap3A_494 = vector.shape_cast %add3A_489 : vector<16xf32> to vector<1x16xf32>
        tpu.vector_store %arg8[%swap3A_490, %swap3A_491], %swap3A_494 {strides = array<i32>} : memref<16x1024xf32, #tpu.memory_space<vmem>>, vector<1x16xf32>,
        %scan3A_495 = arith.constant 0 : i32
        scf.yield %scan3A_495 : i32
      }
      %scan3A_377 = arith.constant 16 : i32
      %scan3A_378 = arith.constant 0 : i32
      scf.yield %scan3A_378 : i32
    }
    %scan3A_330 = arith.constant 16 : i32
    %add3A_331 = arith.constant 96 : i32
    %add3A_332 = arith.addi %mul3A_2, %add3A_331 : i32
    %dma_start3A_333 = arith.constant 0 : i32
    %dma_start3A_334 = tpu.memref_slice %arg4[%add3A_332, %dma_start3A_333] : memref<4096x1024xf32, #tpu.memory_space<hbm>> -> memref<16x1024xf32, #tpu.memory_space<hbm>>
    %dma_start3A_335 = arith.constant 0 : i32
    %dma_start3A_336 = tpu.memref_slice %arg4[%add3A_332, %dma_start3A_335] : memref<4096x1024xf32, #tpu.memory_space<hbm>> -> memref<16x1024xf32, #tpu.memory_space<hbm>>
    tpu.enqueue_dma source(%arg8 : memref<16x1024xf32, #tpu.memory_space<vmem>>) target(%dma_start3A_336 : memref<16x1024xf32, #tpu.memory_space<hbm>>) target_semaphore(%arg12 : memref<!tpu.dma_semaphore, #tpu.memory_space<semaphore_mem>>)
    %dma_wait3A_337 = arith.constant 7 : i32
    %dma_wait3A_338 = arith.constant 0 : i32
    %dma_wait3A_339 = tpu.memref_slice %arg5[%dma_wait3A_337, %dma_wait3A_338] : memref<8x32xi32, #tpu.memory_space<vmem>> -> memref<1x32xi32, #tpu.memory_space<vmem>>
    %dma_wait3A_340 = tpu.memref_squeeze %dma_wait3A_339 : memref<1x32xi32, #tpu.memory_space<vmem>> -> memref<32xi32, #tpu.memory_space<vmem>>
    %dma_wait3A_341 = arith.constant 0 : i32
    %dma_wait3A_342 = arith.constant 0 : i32
    %dma_wait3A_343 = tpu.memref_slice %arg2[%dma_wait3A_341, %dma_wait3A_342] : memref<12288x1024xf32, #tpu.memory_space<hbm>> -> memref<12288x1024xf32, #tpu.memory_space<hbm>>
    tpu.wait_indirect_dma semaphore(%arg10 : memref<!tpu.dma_semaphore, #tpu.memory_space<semaphore_mem>>) src(%dma_wait3A_343 : memref<12288x1024xf32, #tpu.memory_space<hbm>>) dst(%arg7 : memref<32x1024xf32, #tpu.memory_space<vmem>>)
    %dma_wait3A_344 = arith.constant 0 : i32
    %dma_wait3A_345 = tpu.memref_slice %arg2[%add3A_319, %dma_wait3A_344] : memref<12288x1024xf32, #tpu.memory_space<hbm>> -> memref<16x1024xf32, #tpu.memory_space<hbm>>
    %dma_wait3A_346 = arith.constant 0 : i32
    %dma_wait3A_347 = tpu.memref_slice %arg2[%add3A_319, %dma_wait3A_346] : memref<12288x1024xf32, #tpu.memory_space<hbm>> -> memref<16x1024xf32, #tpu.memory_space<hbm>>
    tpu.wait_dma2 semaphore(%arg11 : memref<!tpu.dma_semaphore, #tpu.memory_space<semaphore_mem>>) src(%dma_wait3A_347 : memref<16x1024xf32, #tpu.memory_space<hbm>>) dst(%arg9 : memref<16x1024xf32, #tpu.memory_space<vmem>>)
    %scan3A_348 = arith.constant 0 : i32
    %scan3A_349 = arith.constant 0 : i32
    %scan3A_350 = arith.constant 16 : i32
    %scan3A_351 = arith.addi %scan3A_349, %scan3A_350 : i32
    %scan3A_352 = arith.constant 1 : i32
    %scan3A_353 = scf.for %scan3A_369 = %scan3A_349 to %scan3A_351 step %scan3A_352 iter_args(%scan3A_370 = %scan3A_348) -> (i32)  : i32 {
      %scan3A_371 = arith.constant 0 : i32
      %scan3A_372 = arith.constant 0 : i32
      %scan3A_373 = arith.constant 16 : i32
      %scan3A_374 = arith.addi %scan3A_372, %scan3A_373 : i32
      %scan3A_375 = arith.constant 1 : i32
      %scan3A_376 = scf.for %scan3A_379 = %scan3A_372 to %scan3A_374 step %scan3A_375 iter_args(%scan3A_380 = %scan3A_371) -> (i32)  : i32 {
        %mul3A_381 = arith.constant 64 : i32
        %mul3A_382 = arith.muli %scan3A_379, %mul3A_381 : i32
        %add3A_383 = arith.constant 0 : i32
        %add3A_384 = arith.addi %mul3A_382, %add3A_383 : i32
        %get3A = arith.index_cast %scan3A_369 : i32 to index
        %get3A_385 = arith.index_cast %add3A_384 : i32 to index
        %get3A_386 = tpu.vector_load %arg9[%get3A, %get3A_385] {strides = array<i32>} : memref<16x1024xf32, #tpu.memory_space<vmem>>, vector<1x16xf32>,
        %get3A_387 = vector.shape_cast %get3A_386 : vector<1x16xf32> to vector<16xf32>
        %mul3A_388 = arith.constant 2 : i32
        %mul3A_389 = arith.muli %mul3A_388, %scan3A_369 : i32
        %get3A_390 = arith.index_cast %mul3A_389 : i32 to index
        %get3A_391 = arith.index_cast %add3A_384 : i32 to index
        %get3A_392 = tpu.vector_load %arg7[%get3A_390, %get3A_391] {strides = array<i32>} : memref<32x1024xf32, #tpu.memory_space<vmem>>, vector<1x16xf32>,
        %get3A_393 = vector.shape_cast %get3A_392 : vector<1x16xf32> to vector<16xf32>
        %mul3A_394 = arith.constant 2 : i32
        %mul3A_395 = arith.muli %mul3A_394, %scan3A_369 : i32
        %add3A_396 = arith.constant 1 : i32
        %add3A_397 = arith.addi %mul3A_395, %add3A_396 : i32
        %get3A_398 = arith.index_cast %add3A_397 : i32 to index
        %get3A_399 = arith.index_cast %add3A_384 : i32 to index
        %get3A_400 = tpu.vector_load %arg7[%get3A_398, %get3A_399] {strides = array<i32>} : memref<32x1024xf32, #tpu.memory_space<vmem>>, vector<1x16xf32>,
        %get3A_401 = vector.shape_cast %get3A_400 : vector<1x16xf32> to vector<16xf32>
        %add3A_402 = arith.addf %get3A_393, %get3A_401 : vector<16xf32>
        %add3A_403 = arith.addf %get3A_387, %add3A_402 : vector<16xf32>
        %swap3A = arith.index_cast %scan3A_369 : i32 to index
        %swap3A_404 = arith.index_cast %add3A_384 : i32 to index
        %swap3A_405 = tpu.vector_load %arg9[%swap3A, %swap3A_404] {strides = array<i32>} : memref<16x1024xf32, #tpu.memory_space<vmem>>, vector<1x16xf32>,
        %swap3A_406 = vector.shape_cast %swap3A_405 : vector<1x16xf32> to vector<16xf32>
        %swap3A_407 = vector.shape_cast %add3A_403 : vector<16xf32> to vector<1x16xf32>
        tpu.vector_store %arg9[%swap3A, %swap3A_404], %swap3A_407 {strides = array<i32>} : memref<16x1024xf32, #tpu.memory_space<vmem>>, vector<1x16xf32>,
        %mul3A_408 = arith.constant 64 : i32
        %mul3A_409 = arith.muli %scan3A_379, %mul3A_408 : i32
        %add3A_410 = arith.constant 16 : i32
        %add3A_411 = arith.addi %mul3A_409, %add3A_410 : i32
        %get3A_412 = arith.index_cast %scan3A_369 : i32 to index
        %get3A_413 = arith.index_cast %add3A_411 : i32 to index
        %get3A_414 = tpu.vector_load %arg9[%get3A_412, %get3A_413] {strides = array<i32>} : memref<16x1024xf32, #tpu.memory_space<vmem>>, vector<1x16xf32>,
        %get3A_415 = vector.shape_cast %get3A_414 : vector<1x16xf32> to vector<16xf32>
        %mul3A_416 = arith.constant 2 : i32
        %mul3A_417 = arith.muli %mul3A_416, %scan3A_369 : i32
        %get3A_418 = arith.index_cast %mul3A_417 : i32 to index
        %get3A_419 = arith.index_cast %add3A_411 : i32 to index
        %get3A_420 = tpu.vector_load %arg7[%get3A_418, %get3A_419] {strides = array<i32>} : memref<32x1024xf32, #tpu.memory_space<vmem>>, vector<1x16xf32>,
        %get3A_421 = vector.shape_cast %get3A_420 : vector<1x16xf32> to vector<16xf32>
        %mul3A_422 = arith.constant 2 : i32
        %mul3A_423 = arith.muli %mul3A_422, %scan3A_369 : i32
        %add3A_424 = arith.constant 1 : i32
        %add3A_425 = arith.addi %mul3A_423, %add3A_424 : i32
        %get3A_426 = arith.index_cast %add3A_425 : i32 to index
        %get3A_427 = arith.index_cast %add3A_411 : i32 to index
        %get3A_428 = tpu.vector_load %arg7[%get3A_426, %get3A_427] {strides = array<i32>} : memref<32x1024xf32, #tpu.memory_space<vmem>>, vector<1x16xf32>,
        %get3A_429 = vector.shape_cast %get3A_428 : vector<1x16xf32> to vector<16xf32>
        %add3A_430 = arith.addf %get3A_421, %get3A_429 : vector<16xf32>
        %add3A_431 = arith.addf %get3A_415, %add3A_430 : vector<16xf32>
        %swap3A_432 = arith.index_cast %scan3A_369 : i32 to index
        %swap3A_433 = arith.index_cast %add3A_411 : i32 to index
        %swap3A_434 = tpu.vector_load %arg9[%swap3A_432, %swap3A_433] {strides = array<i32>} : memref<16x1024xf32, #tpu.memory_space<vmem>>, vector<1x16xf32>,
        %swap3A_435 = vector.shape_cast %swap3A_434 : vector<1x16xf32> to vector<16xf32>
        %swap3A_436 = vector.shape_cast %add3A_431 : vector<16xf32> to vector<1x16xf32>
        tpu.vector_store %arg9[%swap3A_432, %swap3A_433], %swap3A_436 {strides = array<i32>} : memref<16x1024xf32, #tpu.memory_space<vmem>>, vector<1x16xf32>,
        %mul3A_437 = arith.constant 64 : i32
        %mul3A_438 = arith.muli %scan3A_379, %mul3A_437 : i32
        %add3A_439 = arith.constant 32 : i32
        %add3A_440 = arith.addi %mul3A_438, %add3A_439 : i32
        %get3A_441 = arith.index_cast %scan3A_369 : i32 to index
        %get3A_442 = arith.index_cast %add3A_440 : i32 to index
        %get3A_443 = tpu.vector_load %arg9[%get3A_441, %get3A_442] {strides = array<i32>} : memref<16x1024xf32, #tpu.memory_space<vmem>>, vector<1x16xf32>,
        %get3A_444 = vector.shape_cast %get3A_443 : vector<1x16xf32> to vector<16xf32>
        %mul3A_445 = arith.constant 2 : i32
        %mul3A_446 = arith.muli %mul3A_445, %scan3A_369 : i32
        %get3A_447 = arith.index_cast %mul3A_446 : i32 to index
        %get3A_448 = arith.index_cast %add3A_440 : i32 to index
        %get3A_449 = tpu.vector_load %arg7[%get3A_447, %get3A_448] {strides = array<i32>} : memref<32x1024xf32, #tpu.memory_space<vmem>>, vector<1x16xf32>,
        %get3A_450 = vector.shape_cast %get3A_449 : vector<1x16xf32> to vector<16xf32>
        %mul3A_451 = arith.constant 2 : i32
        %mul3A_452 = arith.muli %mul3A_451, %scan3A_369 : i32
        %add3A_453 = arith.constant 1 : i32
        %add3A_454 = arith.addi %mul3A_452, %add3A_453 : i32
        %get3A_455 = arith.index_cast %add3A_454 : i32 to index
        %get3A_456 = arith.index_cast %add3A_440 : i32 to index
        %get3A_457 = tpu.vector_load %arg7[%get3A_455, %get3A_456] {strides = array<i32>} : memref<32x1024xf32, #tpu.memory_space<vmem>>, vector<1x16xf32>,
        %get3A_458 = vector.shape_cast %get3A_457 : vector<1x16xf32> to vector<16xf32>
        %add3A_459 = arith.addf %get3A_450, %get3A_458 : vector<16xf32>
        %add3A_460 = arith.addf %get3A_444, %add3A_459 : vector<16xf32>
        %swap3A_461 = arith.index_cast %scan3A_369 : i32 to index
        %swap3A_462 = arith.index_cast %add3A_440 : i32 to index
        %swap3A_463 = tpu.vector_load %arg9[%swap3A_461, %swap3A_462] {strides = array<i32>} : memref<16x1024xf32, #tpu.memory_space<vmem>>, vector<1x16xf32>,
        %swap3A_464 = vector.shape_cast %swap3A_463 : vector<1x16xf32> to vector<16xf32>
        %swap3A_465 = vector.shape_cast %add3A_460 : vector<16xf32> to vector<1x16xf32>
        tpu.vector_store %arg9[%swap3A_461, %swap3A_462], %swap3A_465 {strides = array<i32>} : memref<16x1024xf32, #tpu.memory_space<vmem>>, vector<1x16xf32>,
        %mul3A_466 = arith.constant 64 : i32
        %mul3A_467 = arith.muli %scan3A_379, %mul3A_466 : i32
        %add3A_468 = arith.constant 48 : i32
        %add3A_469 = arith.addi %mul3A_467, %add3A_468 : i32
        %get3A_470 = arith.index_cast %scan3A_369 : i32 to index
        %get3A_471 = arith.index_cast %add3A_469 : i32 to index
        %get3A_472 = tpu.vector_load %arg9[%get3A_470, %get3A_471] {strides = array<i32>} : memref<16x1024xf32, #tpu.memory_space<vmem>>, vector<1x16xf32>,
        %get3A_473 = vector.shape_cast %get3A_472 : vector<1x16xf32> to vector<16xf32>
        %mul3A_474 = arith.constant 2 : i32
        %mul3A_475 = arith.muli %mul3A_474, %scan3A_369 : i32
        %get3A_476 = arith.index_cast %mul3A_475 : i32 to index
        %get3A_477 = arith.index_cast %add3A_469 : i32 to index
        %get3A_478 = tpu.vector_load %arg7[%get3A_476, %get3A_477] {strides = array<i32>} : memref<32x1024xf32, #tpu.memory_space<vmem>>, vector<1x16xf32>,
        %get3A_479 = vector.shape_cast %get3A_478 : vector<1x16xf32> to vector<16xf32>
        %mul3A_480 = arith.constant 2 : i32
        %mul3A_481 = arith.muli %mul3A_480, %scan3A_369 : i32
        %add3A_482 = arith.constant 1 : i32
        %add3A_483 = arith.addi %mul3A_481, %add3A_482 : i32
        %get3A_484 = arith.index_cast %add3A_483 : i32 to index
        %get3A_485 = arith.index_cast %add3A_469 : i32 to index
        %get3A_486 = tpu.vector_load %arg7[%get3A_484, %get3A_485] {strides = array<i32>} : memref<32x1024xf32, #tpu.memory_space<vmem>>, vector<1x16xf32>,
        %get3A_487 = vector.shape_cast %get3A_486 : vector<1x16xf32> to vector<16xf32>
        %add3A_488 = arith.addf %get3A_479, %get3A_487 : vector<16xf32>
        %add3A_489 = arith.addf %get3A_473, %add3A_488 : vector<16xf32>
        %swap3A_490 = arith.index_cast %scan3A_369 : i32 to index
        %swap3A_491 = arith.index_cast %add3A_469 : i32 to index
        %swap3A_492 = tpu.vector_load %arg9[%swap3A_490, %swap3A_491] {strides = array<i32>} : memref<16x1024xf32, #tpu.memory_space<vmem>>, vector<1x16xf32>,
        %swap3A_493 = vector.shape_cast %swap3A_492 : vector<1x16xf32> to vector<16xf32>
        %swap3A_494 = vector.shape_cast %add3A_489 : vector<16xf32> to vector<1x16xf32>
        tpu.vector_store %arg9[%swap3A_490, %swap3A_491], %swap3A_494 {strides = array<i32>} : memref<16x1024xf32, #tpu.memory_space<vmem>>, vector<1x16xf32>,
        %scan3A_495 = arith.constant 0 : i32
        scf.yield %scan3A_495 : i32
      }
      %scan3A_377 = arith.constant 16 : i32
      %scan3A_378 = arith.constant 0 : i32
      scf.yield %scan3A_378 : i32
    }
    %scan3A_354 = arith.constant 16 : i32
    %add3A_355 = arith.constant 112 : i32
    %add3A_356 = arith.addi %mul3A_2, %add3A_355 : i32
    %dma_start3A_357 = arith.constant 0 : i32
    %dma_start3A_358 = tpu.memref_slice %arg4[%add3A_356, %dma_start3A_357] : memref<4096x1024xf32, #tpu.memory_space<hbm>> -> memref<16x1024xf32, #tpu.memory_space<hbm>>
    %dma_start3A_359 = arith.constant 0 : i32
    %dma_start3A_360 = tpu.memref_slice %arg4[%add3A_356, %dma_start3A_359] : memref<4096x1024xf32, #tpu.memory_space<hbm>> -> memref<16x1024xf32, #tpu.memory_space<hbm>>
    tpu.enqueue_dma source(%arg9 : memref<16x1024xf32, #tpu.memory_space<vmem>>) target(%dma_start3A_360 : memref<16x1024xf32, #tpu.memory_space<hbm>>) target_semaphore(%arg12 : memref<!tpu.dma_semaphore, #tpu.memory_space<semaphore_mem>>)
    %dma_wait3A_361 = arith.constant 0 : i32
    %dma_wait3A_362 = tpu.memref_slice %arg4[%add3A_356, %dma_wait3A_361] : memref<4096x1024xf32, #tpu.memory_space<hbm>> -> memref<16x1024xf32, #tpu.memory_space<hbm>>
    %dma_wait3A_363 = arith.constant 0 : i32
    %dma_wait3A_364 = tpu.memref_slice %arg4[%add3A_356, %dma_wait3A_363] : memref<4096x1024xf32, #tpu.memory_space<hbm>> -> memref<16x1024xf32, #tpu.memory_space<hbm>>
    tpu.wait_dma2 semaphore(%arg12 : memref<!tpu.dma_semaphore, #tpu.memory_space<semaphore_mem>>) src(%arg9 : memref<16x1024xf32, #tpu.memory_space<vmem>>) dst(%dma_wait3A_364 : memref<16x1024xf32, #tpu.memory_space<hbm>>)
    %dma_wait3A_365 = arith.constant 0 : i32
    %dma_wait3A_366 = tpu.memref_slice %arg4[%add3A_332, %dma_wait3A_365] : memref<4096x1024xf32, #tpu.memory_space<hbm>> -> memref<16x1024xf32, #tpu.memory_space<hbm>>
    %dma_wait3A_367 = arith.constant 0 : i32
    %dma_wait3A_368 = tpu.memref_slice %arg4[%add3A_332, %dma_wait3A_367] : memref<4096x1024xf32, #tpu.memory_space<hbm>> -> memref<16x1024xf32, #tpu.memory_space<hbm>>
    tpu.wait_dma2 semaphore(%arg12 : memref<!tpu.dma_semaphore, #tpu.memory_space<semaphore_mem>>) src(%arg8 : memref<16x1024xf32, #tpu.memory_space<vmem>>) dst(%dma_wait3A_368 : memref<16x1024xf32, #tpu.memory_space<hbm>>)
    return
  }
}

#map = affine_map<(d0, d1) -> (0)>
#map1 = affine_map<(d0, d1) -> (0, 0)>
module attributes {stable_mosaic.version = 14 : i64} {
  func.func @_dispatch_body(%arg0: i32, %arg1: i32, %arg2: memref<8192xi32, #tpu.memory_space<hbm>>, %arg3: memref<8192x128xf32, #tpu.memory_space<hbm>>, %arg4: memref<4096x1024xf32, #tpu.memory_space<hbm>>, %arg5: memref<8192x1024xf32, #tpu.memory_space<hbm>>, %arg6: memref<8192x128xf32, #tpu.memory_space<hbm>>, %arg7: memref<8x32xi32, #tpu.memory_space<vmem>>, %arg8: memref<256x128xf32, #tpu.memory_space<vmem>>, %arg9: memref<8x32xi32, #tpu.memory_space<vmem>>, %arg10: memref<32x1024xf32, #tpu.memory_space<vmem>>, %arg11: memref<32x1024xf32, #tpu.memory_space<vmem>>, %arg12: memref<!tpu.dma_semaphore, #tpu.memory_space<semaphore_mem>>, %arg13: memref<!tpu.dma_semaphore, #tpu.memory_space<semaphore_mem>>, %arg14: memref<!tpu.dma_semaphore, #tpu.memory_space<semaphore_mem>>) attributes {dimension_semantics = [#tpu.dimension_semantics<core_parallel>, #tpu.dimension_semantics<subcore_parallel>], iteration_bounds = array<i64: 2, 16>, scalar_prefetch = 0 : i64, scratch_operands = 8 : i64, tpu.core_type = #tpu.core_type<sc_vector_subcore>, window_params = [{transform_indices = #map}, {transform_indices = #map1}, {transform_indices = #map1}, {transform_indices = #map1}, {transform_indices = #map1}]} {
    %mul3A = arith.constant 2 : i32
    %mul3A_0 = arith.muli %arg1, %mul3A : i32
    %add3A = arith.addi %mul3A_0, %arg0 : i32
    %mul3A_1 = arith.constant 256 : i32
    %mul3A_2 = arith.muli %add3A, %mul3A_1 : i32
    %add3A_3 = arith.constant 0 : i32
    %add3A_4 = arith.addi %mul3A_2, %add3A_3 : i32
    %run_scoped3A = arith.constant 0 : i32
    "tpu.region"() ({
      %run_scoped3A_629 = tpu.sem_alloc : memref<!tpu.dma_semaphore, #tpu.memory_space<semaphore_mem>>
      %dma_start3A_630 = arith.constant 0 : i32
      %dma_start3A_631 = tpu.memref_slice %arg7[%run_scoped3A, %dma_start3A_630] : memref<8x32xi32, #tpu.memory_space<vmem>> -> memref<1x32xi32, #tpu.memory_space<vmem>>
      %dma_start3A_632 = tpu.memref_squeeze %dma_start3A_631 : memref<1x32xi32, #tpu.memory_space<vmem>> -> memref<32xi32, #tpu.memory_space<vmem>>
      %dma_start3A_633 = tpu.memref_slice %arg2[%add3A_4] : memref<8192xi32, #tpu.memory_space<hbm>> -> memref<32xi32, #tpu.memory_space<hbm>>
      %dma_start3A_634 = arith.constant 0 : i32
      %dma_start3A_635 = tpu.memref_slice %arg7[%run_scoped3A, %dma_start3A_634] : memref<8x32xi32, #tpu.memory_space<vmem>> -> memref<1x32xi32, #tpu.memory_space<vmem>>
      %dma_start3A_636 = tpu.memref_squeeze %dma_start3A_635 : memref<1x32xi32, #tpu.memory_space<vmem>> -> memref<32xi32, #tpu.memory_space<vmem>>
      %dma_start3A_637 = tpu.memref_slice %arg2[%add3A_4] : memref<8192xi32, #tpu.memory_space<hbm>> -> memref<32xi32, #tpu.memory_space<hbm>>
      tpu.enqueue_dma source(%dma_start3A_637 : memref<32xi32, #tpu.memory_space<hbm>>) target(%dma_start3A_636 : memref<32xi32, #tpu.memory_space<vmem>>) target_semaphore(%run_scoped3A_629 : memref<!tpu.dma_semaphore, #tpu.memory_space<semaphore_mem>>)
      %dma_wait3A_638 = arith.constant 0 : i32
      %dma_wait3A_639 = tpu.memref_slice %arg7[%run_scoped3A, %dma_wait3A_638] : memref<8x32xi32, #tpu.memory_space<vmem>> -> memref<1x32xi32, #tpu.memory_space<vmem>>
      %dma_wait3A_640 = tpu.memref_squeeze %dma_wait3A_639 : memref<1x32xi32, #tpu.memory_space<vmem>> -> memref<32xi32, #tpu.memory_space<vmem>>
      %dma_wait3A_641 = tpu.memref_slice %arg2[%add3A_4] : memref<8192xi32, #tpu.memory_space<hbm>> -> memref<32xi32, #tpu.memory_space<hbm>>
      %dma_wait3A_642 = arith.constant 0 : i32
      %dma_wait3A_643 = tpu.memref_slice %arg7[%run_scoped3A, %dma_wait3A_642] : memref<8x32xi32, #tpu.memory_space<vmem>> -> memref<1x32xi32, #tpu.memory_space<vmem>>
      %dma_wait3A_644 = tpu.memref_squeeze %dma_wait3A_643 : memref<1x32xi32, #tpu.memory_space<vmem>> -> memref<32xi32, #tpu.memory_space<vmem>>
      %dma_wait3A_645 = tpu.memref_slice %arg2[%add3A_4] : memref<8192xi32, #tpu.memory_space<hbm>> -> memref<32xi32, #tpu.memory_space<hbm>>
      tpu.wait_dma2 semaphore(%run_scoped3A_629 : memref<!tpu.dma_semaphore, #tpu.memory_space<semaphore_mem>>) src(%dma_wait3A_645 : memref<32xi32, #tpu.memory_space<hbm>>) dst(%dma_wait3A_644 : memref<32xi32, #tpu.memory_space<vmem>>)
      tpu.yield
    }) : () -> ()
    %add3A_5 = arith.constant 32 : i32
    %add3A_6 = arith.addi %mul3A_2, %add3A_5 : i32
    %run_scoped3A_7 = arith.constant 1 : i32
    "tpu.region"() ({
      %run_scoped3A_629 = tpu.sem_alloc : memref<!tpu.dma_semaphore, #tpu.memory_space<semaphore_mem>>
      %dma_start3A_630 = arith.constant 0 : i32
      %dma_start3A_631 = tpu.memref_slice %arg7[%run_scoped3A_7, %dma_start3A_630] : memref<8x32xi32, #tpu.memory_space<vmem>> -> memref<1x32xi32, #tpu.memory_space<vmem>>
      %dma_start3A_632 = tpu.memref_squeeze %dma_start3A_631 : memref<1x32xi32, #tpu.memory_space<vmem>> -> memref<32xi32, #tpu.memory_space<vmem>>
      %dma_start3A_633 = tpu.memref_slice %arg2[%add3A_6] : memref<8192xi32, #tpu.memory_space<hbm>> -> memref<32xi32, #tpu.memory_space<hbm>>
      %dma_start3A_634 = arith.constant 0 : i32
      %dma_start3A_635 = tpu.memref_slice %arg7[%run_scoped3A_7, %dma_start3A_634] : memref<8x32xi32, #tpu.memory_space<vmem>> -> memref<1x32xi32, #tpu.memory_space<vmem>>
      %dma_start3A_636 = tpu.memref_squeeze %dma_start3A_635 : memref<1x32xi32, #tpu.memory_space<vmem>> -> memref<32xi32, #tpu.memory_space<vmem>>
      %dma_start3A_637 = tpu.memref_slice %arg2[%add3A_6] : memref<8192xi32, #tpu.memory_space<hbm>> -> memref<32xi32, #tpu.memory_space<hbm>>
      tpu.enqueue_dma source(%dma_start3A_637 : memref<32xi32, #tpu.memory_space<hbm>>) target(%dma_start3A_636 : memref<32xi32, #tpu.memory_space<vmem>>) target_semaphore(%run_scoped3A_629 : memref<!tpu.dma_semaphore, #tpu.memory_space<semaphore_mem>>)
      %dma_wait3A_638 = arith.constant 0 : i32
      %dma_wait3A_639 = tpu.memref_slice %arg7[%run_scoped3A_7, %dma_wait3A_638] : memref<8x32xi32, #tpu.memory_space<vmem>> -> memref<1x32xi32, #tpu.memory_space<vmem>>
      %dma_wait3A_640 = tpu.memref_squeeze %dma_wait3A_639 : memref<1x32xi32, #tpu.memory_space<vmem>> -> memref<32xi32, #tpu.memory_space<vmem>>
      %dma_wait3A_641 = tpu.memref_slice %arg2[%add3A_6] : memref<8192xi32, #tpu.memory_space<hbm>> -> memref<32xi32, #tpu.memory_space<hbm>>
      %dma_wait3A_642 = arith.constant 0 : i32
      %dma_wait3A_643 = tpu.memref_slice %arg7[%run_scoped3A_7, %dma_wait3A_642] : memref<8x32xi32, #tpu.memory_space<vmem>> -> memref<1x32xi32, #tpu.memory_space<vmem>>
      %dma_wait3A_644 = tpu.memref_squeeze %dma_wait3A_643 : memref<1x32xi32, #tpu.memory_space<vmem>> -> memref<32xi32, #tpu.memory_space<vmem>>
      %dma_wait3A_645 = tpu.memref_slice %arg2[%add3A_6] : memref<8192xi32, #tpu.memory_space<hbm>> -> memref<32xi32, #tpu.memory_space<hbm>>
      tpu.wait_dma2 semaphore(%run_scoped3A_629 : memref<!tpu.dma_semaphore, #tpu.memory_space<semaphore_mem>>) src(%dma_wait3A_645 : memref<32xi32, #tpu.memory_space<hbm>>) dst(%dma_wait3A_644 : memref<32xi32, #tpu.memory_space<vmem>>)
      tpu.yield
    }) : () -> ()
    %add3A_8 = arith.constant 64 : i32
    %add3A_9 = arith.addi %mul3A_2, %add3A_8 : i32
    %run_scoped3A_10 = arith.constant 2 : i32
    "tpu.region"() ({
      %run_scoped3A_629 = tpu.sem_alloc : memref<!tpu.dma_semaphore, #tpu.memory_space<semaphore_mem>>
      %dma_start3A_630 = arith.constant 0 : i32
      %dma_start3A_631 = tpu.memref_slice %arg7[%run_scoped3A_10, %dma_start3A_630] : memref<8x32xi32, #tpu.memory_space<vmem>> -> memref<1x32xi32, #tpu.memory_space<vmem>>
      %dma_start3A_632 = tpu.memref_squeeze %dma_start3A_631 : memref<1x32xi32, #tpu.memory_space<vmem>> -> memref<32xi32, #tpu.memory_space<vmem>>
      %dma_start3A_633 = tpu.memref_slice %arg2[%add3A_9] : memref<8192xi32, #tpu.memory_space<hbm>> -> memref<32xi32, #tpu.memory_space<hbm>>
      %dma_start3A_634 = arith.constant 0 : i32
      %dma_start3A_635 = tpu.memref_slice %arg7[%run_scoped3A_10, %dma_start3A_634] : memref<8x32xi32, #tpu.memory_space<vmem>> -> memref<1x32xi32, #tpu.memory_space<vmem>>
      %dma_start3A_636 = tpu.memref_squeeze %dma_start3A_635 : memref<1x32xi32, #tpu.memory_space<vmem>> -> memref<32xi32, #tpu.memory_space<vmem>>
      %dma_start3A_637 = tpu.memref_slice %arg2[%add3A_9] : memref<8192xi32, #tpu.memory_space<hbm>> -> memref<32xi32, #tpu.memory_space<hbm>>
      tpu.enqueue_dma source(%dma_start3A_637 : memref<32xi32, #tpu.memory_space<hbm>>) target(%dma_start3A_636 : memref<32xi32, #tpu.memory_space<vmem>>) target_semaphore(%run_scoped3A_629 : memref<!tpu.dma_semaphore, #tpu.memory_space<semaphore_mem>>)
      %dma_wait3A_638 = arith.constant 0 : i32
      %dma_wait3A_639 = tpu.memref_slice %arg7[%run_scoped3A_10, %dma_wait3A_638] : memref<8x32xi32, #tpu.memory_space<vmem>> -> memref<1x32xi32, #tpu.memory_space<vmem>>
      %dma_wait3A_640 = tpu.memref_squeeze %dma_wait3A_639 : memref<1x32xi32, #tpu.memory_space<vmem>> -> memref<32xi32, #tpu.memory_space<vmem>>
      %dma_wait3A_641 = tpu.memref_slice %arg2[%add3A_9] : memref<8192xi32, #tpu.memory_space<hbm>> -> memref<32xi32, #tpu.memory_space<hbm>>
      %dma_wait3A_642 = arith.constant 0 : i32
      %dma_wait3A_643 = tpu.memref_slice %arg7[%run_scoped3A_10, %dma_wait3A_642] : memref<8x32xi32, #tpu.memory_space<vmem>> -> memref<1x32xi32, #tpu.memory_space<vmem>>
      %dma_wait3A_644 = tpu.memref_squeeze %dma_wait3A_643 : memref<1x32xi32, #tpu.memory_space<vmem>> -> memref<32xi32, #tpu.memory_space<vmem>>
      %dma_wait3A_645 = tpu.memref_slice %arg2[%add3A_9] : memref<8192xi32, #tpu.memory_space<hbm>> -> memref<32xi32, #tpu.memory_space<hbm>>
      tpu.wait_dma2 semaphore(%run_scoped3A_629 : memref<!tpu.dma_semaphore, #tpu.memory_space<semaphore_mem>>) src(%dma_wait3A_645 : memref<32xi32, #tpu.memory_space<hbm>>) dst(%dma_wait3A_644 : memref<32xi32, #tpu.memory_space<vmem>>)
      tpu.yield
    }) : () -> ()
    %add3A_11 = arith.constant 96 : i32
    %add3A_12 = arith.addi %mul3A_2, %add3A_11 : i32
    %run_scoped3A_13 = arith.constant 3 : i32
    "tpu.region"() ({
      %run_scoped3A_629 = tpu.sem_alloc : memref<!tpu.dma_semaphore, #tpu.memory_space<semaphore_mem>>
      %dma_start3A_630 = arith.constant 0 : i32
      %dma_start3A_631 = tpu.memref_slice %arg7[%run_scoped3A_13, %dma_start3A_630] : memref<8x32xi32, #tpu.memory_space<vmem>> -> memref<1x32xi32, #tpu.memory_space<vmem>>
      %dma_start3A_632 = tpu.memref_squeeze %dma_start3A_631 : memref<1x32xi32, #tpu.memory_space<vmem>> -> memref<32xi32, #tpu.memory_space<vmem>>
      %dma_start3A_633 = tpu.memref_slice %arg2[%add3A_12] : memref<8192xi32, #tpu.memory_space<hbm>> -> memref<32xi32, #tpu.memory_space<hbm>>
      %dma_start3A_634 = arith.constant 0 : i32
      %dma_start3A_635 = tpu.memref_slice %arg7[%run_scoped3A_13, %dma_start3A_634] : memref<8x32xi32, #tpu.memory_space<vmem>> -> memref<1x32xi32, #tpu.memory_space<vmem>>
      %dma_start3A_636 = tpu.memref_squeeze %dma_start3A_635 : memref<1x32xi32, #tpu.memory_space<vmem>> -> memref<32xi32, #tpu.memory_space<vmem>>
      %dma_start3A_637 = tpu.memref_slice %arg2[%add3A_12] : memref<8192xi32, #tpu.memory_space<hbm>> -> memref<32xi32, #tpu.memory_space<hbm>>
      tpu.enqueue_dma source(%dma_start3A_637 : memref<32xi32, #tpu.memory_space<hbm>>) target(%dma_start3A_636 : memref<32xi32, #tpu.memory_space<vmem>>) target_semaphore(%run_scoped3A_629 : memref<!tpu.dma_semaphore, #tpu.memory_space<semaphore_mem>>)
      %dma_wait3A_638 = arith.constant 0 : i32
      %dma_wait3A_639 = tpu.memref_slice %arg7[%run_scoped3A_13, %dma_wait3A_638] : memref<8x32xi32, #tpu.memory_space<vmem>> -> memref<1x32xi32, #tpu.memory_space<vmem>>
      %dma_wait3A_640 = tpu.memref_squeeze %dma_wait3A_639 : memref<1x32xi32, #tpu.memory_space<vmem>> -> memref<32xi32, #tpu.memory_space<vmem>>
      %dma_wait3A_641 = tpu.memref_slice %arg2[%add3A_12] : memref<8192xi32, #tpu.memory_space<hbm>> -> memref<32xi32, #tpu.memory_space<hbm>>
      %dma_wait3A_642 = arith.constant 0 : i32
      %dma_wait3A_643 = tpu.memref_slice %arg7[%run_scoped3A_13, %dma_wait3A_642] : memref<8x32xi32, #tpu.memory_space<vmem>> -> memref<1x32xi32, #tpu.memory_space<vmem>>
      %dma_wait3A_644 = tpu.memref_squeeze %dma_wait3A_643 : memref<1x32xi32, #tpu.memory_space<vmem>> -> memref<32xi32, #tpu.memory_space<vmem>>
      %dma_wait3A_645 = tpu.memref_slice %arg2[%add3A_12] : memref<8192xi32, #tpu.memory_space<hbm>> -> memref<32xi32, #tpu.memory_space<hbm>>
      tpu.wait_dma2 semaphore(%run_scoped3A_629 : memref<!tpu.dma_semaphore, #tpu.memory_space<semaphore_mem>>) src(%dma_wait3A_645 : memref<32xi32, #tpu.memory_space<hbm>>) dst(%dma_wait3A_644 : memref<32xi32, #tpu.memory_space<vmem>>)
      tpu.yield
    }) : () -> ()
    %add3A_14 = arith.constant 128 : i32
    %add3A_15 = arith.addi %mul3A_2, %add3A_14 : i32
    %run_scoped3A_16 = arith.constant 4 : i32
    "tpu.region"() ({
      %run_scoped3A_629 = tpu.sem_alloc : memref<!tpu.dma_semaphore, #tpu.memory_space<semaphore_mem>>
      %dma_start3A_630 = arith.constant 0 : i32
      %dma_start3A_631 = tpu.memref_slice %arg7[%run_scoped3A_16, %dma_start3A_630] : memref<8x32xi32, #tpu.memory_space<vmem>> -> memref<1x32xi32, #tpu.memory_space<vmem>>
      %dma_start3A_632 = tpu.memref_squeeze %dma_start3A_631 : memref<1x32xi32, #tpu.memory_space<vmem>> -> memref<32xi32, #tpu.memory_space<vmem>>
      %dma_start3A_633 = tpu.memref_slice %arg2[%add3A_15] : memref<8192xi32, #tpu.memory_space<hbm>> -> memref<32xi32, #tpu.memory_space<hbm>>
      %dma_start3A_634 = arith.constant 0 : i32
      %dma_start3A_635 = tpu.memref_slice %arg7[%run_scoped3A_16, %dma_start3A_634] : memref<8x32xi32, #tpu.memory_space<vmem>> -> memref<1x32xi32, #tpu.memory_space<vmem>>
      %dma_start3A_636 = tpu.memref_squeeze %dma_start3A_635 : memref<1x32xi32, #tpu.memory_space<vmem>> -> memref<32xi32, #tpu.memory_space<vmem>>
      %dma_start3A_637 = tpu.memref_slice %arg2[%add3A_15] : memref<8192xi32, #tpu.memory_space<hbm>> -> memref<32xi32, #tpu.memory_space<hbm>>
      tpu.enqueue_dma source(%dma_start3A_637 : memref<32xi32, #tpu.memory_space<hbm>>) target(%dma_start3A_636 : memref<32xi32, #tpu.memory_space<vmem>>) target_semaphore(%run_scoped3A_629 : memref<!tpu.dma_semaphore, #tpu.memory_space<semaphore_mem>>)
      %dma_wait3A_638 = arith.constant 0 : i32
      %dma_wait3A_639 = tpu.memref_slice %arg7[%run_scoped3A_16, %dma_wait3A_638] : memref<8x32xi32, #tpu.memory_space<vmem>> -> memref<1x32xi32, #tpu.memory_space<vmem>>
      %dma_wait3A_640 = tpu.memref_squeeze %dma_wait3A_639 : memref<1x32xi32, #tpu.memory_space<vmem>> -> memref<32xi32, #tpu.memory_space<vmem>>
      %dma_wait3A_641 = tpu.memref_slice %arg2[%add3A_15] : memref<8192xi32, #tpu.memory_space<hbm>> -> memref<32xi32, #tpu.memory_space<hbm>>
      %dma_wait3A_642 = arith.constant 0 : i32
      %dma_wait3A_643 = tpu.memref_slice %arg7[%run_scoped3A_16, %dma_wait3A_642] : memref<8x32xi32, #tpu.memory_space<vmem>> -> memref<1x32xi32, #tpu.memory_space<vmem>>
      %dma_wait3A_644 = tpu.memref_squeeze %dma_wait3A_643 : memref<1x32xi32, #tpu.memory_space<vmem>> -> memref<32xi32, #tpu.memory_space<vmem>>
      %dma_wait3A_645 = tpu.memref_slice %arg2[%add3A_15] : memref<8192xi32, #tpu.memory_space<hbm>> -> memref<32xi32, #tpu.memory_space<hbm>>
      tpu.wait_dma2 semaphore(%run_scoped3A_629 : memref<!tpu.dma_semaphore, #tpu.memory_space<semaphore_mem>>) src(%dma_wait3A_645 : memref<32xi32, #tpu.memory_space<hbm>>) dst(%dma_wait3A_644 : memref<32xi32, #tpu.memory_space<vmem>>)
      tpu.yield
    }) : () -> ()
    %add3A_17 = arith.constant 160 : i32
    %add3A_18 = arith.addi %mul3A_2, %add3A_17 : i32
    %run_scoped3A_19 = arith.constant 5 : i32
    "tpu.region"() ({
      %run_scoped3A_629 = tpu.sem_alloc : memref<!tpu.dma_semaphore, #tpu.memory_space<semaphore_mem>>
      %dma_start3A_630 = arith.constant 0 : i32
      %dma_start3A_631 = tpu.memref_slice %arg7[%run_scoped3A_19, %dma_start3A_630] : memref<8x32xi32, #tpu.memory_space<vmem>> -> memref<1x32xi32, #tpu.memory_space<vmem>>
      %dma_start3A_632 = tpu.memref_squeeze %dma_start3A_631 : memref<1x32xi32, #tpu.memory_space<vmem>> -> memref<32xi32, #tpu.memory_space<vmem>>
      %dma_start3A_633 = tpu.memref_slice %arg2[%add3A_18] : memref<8192xi32, #tpu.memory_space<hbm>> -> memref<32xi32, #tpu.memory_space<hbm>>
      %dma_start3A_634 = arith.constant 0 : i32
      %dma_start3A_635 = tpu.memref_slice %arg7[%run_scoped3A_19, %dma_start3A_634] : memref<8x32xi32, #tpu.memory_space<vmem>> -> memref<1x32xi32, #tpu.memory_space<vmem>>
      %dma_start3A_636 = tpu.memref_squeeze %dma_start3A_635 : memref<1x32xi32, #tpu.memory_space<vmem>> -> memref<32xi32, #tpu.memory_space<vmem>>
      %dma_start3A_637 = tpu.memref_slice %arg2[%add3A_18] : memref<8192xi32, #tpu.memory_space<hbm>> -> memref<32xi32, #tpu.memory_space<hbm>>
      tpu.enqueue_dma source(%dma_start3A_637 : memref<32xi32, #tpu.memory_space<hbm>>) target(%dma_start3A_636 : memref<32xi32, #tpu.memory_space<vmem>>) target_semaphore(%run_scoped3A_629 : memref<!tpu.dma_semaphore, #tpu.memory_space<semaphore_mem>>)
      %dma_wait3A_638 = arith.constant 0 : i32
      %dma_wait3A_639 = tpu.memref_slice %arg7[%run_scoped3A_19, %dma_wait3A_638] : memref<8x32xi32, #tpu.memory_space<vmem>> -> memref<1x32xi32, #tpu.memory_space<vmem>>
      %dma_wait3A_640 = tpu.memref_squeeze %dma_wait3A_639 : memref<1x32xi32, #tpu.memory_space<vmem>> -> memref<32xi32, #tpu.memory_space<vmem>>
      %dma_wait3A_641 = tpu.memref_slice %arg2[%add3A_18] : memref<8192xi32, #tpu.memory_space<hbm>> -> memref<32xi32, #tpu.memory_space<hbm>>
      %dma_wait3A_642 = arith.constant 0 : i32
      %dma_wait3A_643 = tpu.memref_slice %arg7[%run_scoped3A_19, %dma_wait3A_642] : memref<8x32xi32, #tpu.memory_space<vmem>> -> memref<1x32xi32, #tpu.memory_space<vmem>>
      %dma_wait3A_644 = tpu.memref_squeeze %dma_wait3A_643 : memref<1x32xi32, #tpu.memory_space<vmem>> -> memref<32xi32, #tpu.memory_space<vmem>>
      %dma_wait3A_645 = tpu.memref_slice %arg2[%add3A_18] : memref<8192xi32, #tpu.memory_space<hbm>> -> memref<32xi32, #tpu.memory_space<hbm>>
      tpu.wait_dma2 semaphore(%run_scoped3A_629 : memref<!tpu.dma_semaphore, #tpu.memory_space<semaphore_mem>>) src(%dma_wait3A_645 : memref<32xi32, #tpu.memory_space<hbm>>) dst(%dma_wait3A_644 : memref<32xi32, #tpu.memory_space<vmem>>)
      tpu.yield
    }) : () -> ()
    %add3A_20 = arith.constant 192 : i32
    %add3A_21 = arith.addi %mul3A_2, %add3A_20 : i32
    %run_scoped3A_22 = arith.constant 6 : i32
    "tpu.region"() ({
      %run_scoped3A_629 = tpu.sem_alloc : memref<!tpu.dma_semaphore, #tpu.memory_space<semaphore_mem>>
      %dma_start3A_630 = arith.constant 0 : i32
      %dma_start3A_631 = tpu.memref_slice %arg7[%run_scoped3A_22, %dma_start3A_630] : memref<8x32xi32, #tpu.memory_space<vmem>> -> memref<1x32xi32, #tpu.memory_space<vmem>>
      %dma_start3A_632 = tpu.memref_squeeze %dma_start3A_631 : memref<1x32xi32, #tpu.memory_space<vmem>> -> memref<32xi32, #tpu.memory_space<vmem>>
      %dma_start3A_633 = tpu.memref_slice %arg2[%add3A_21] : memref<8192xi32, #tpu.memory_space<hbm>> -> memref<32xi32, #tpu.memory_space<hbm>>
      %dma_start3A_634 = arith.constant 0 : i32
      %dma_start3A_635 = tpu.memref_slice %arg7[%run_scoped3A_22, %dma_start3A_634] : memref<8x32xi32, #tpu.memory_space<vmem>> -> memref<1x32xi32, #tpu.memory_space<vmem>>
      %dma_start3A_636 = tpu.memref_squeeze %dma_start3A_635 : memref<1x32xi32, #tpu.memory_space<vmem>> -> memref<32xi32, #tpu.memory_space<vmem>>
      %dma_start3A_637 = tpu.memref_slice %arg2[%add3A_21] : memref<8192xi32, #tpu.memory_space<hbm>> -> memref<32xi32, #tpu.memory_space<hbm>>
      tpu.enqueue_dma source(%dma_start3A_637 : memref<32xi32, #tpu.memory_space<hbm>>) target(%dma_start3A_636 : memref<32xi32, #tpu.memory_space<vmem>>) target_semaphore(%run_scoped3A_629 : memref<!tpu.dma_semaphore, #tpu.memory_space<semaphore_mem>>)
      %dma_wait3A_638 = arith.constant 0 : i32
      %dma_wait3A_639 = tpu.memref_slice %arg7[%run_scoped3A_22, %dma_wait3A_638] : memref<8x32xi32, #tpu.memory_space<vmem>> -> memref<1x32xi32, #tpu.memory_space<vmem>>
      %dma_wait3A_640 = tpu.memref_squeeze %dma_wait3A_639 : memref<1x32xi32, #tpu.memory_space<vmem>> -> memref<32xi32, #tpu.memory_space<vmem>>
      %dma_wait3A_641 = tpu.memref_slice %arg2[%add3A_21] : memref<8192xi32, #tpu.memory_space<hbm>> -> memref<32xi32, #tpu.memory_space<hbm>>
      %dma_wait3A_642 = arith.constant 0 : i32
      %dma_wait3A_643 = tpu.memref_slice %arg7[%run_scoped3A_22, %dma_wait3A_642] : memref<8x32xi32, #tpu.memory_space<vmem>> -> memref<1x32xi32, #tpu.memory_space<vmem>>
      %dma_wait3A_644 = tpu.memref_squeeze %dma_wait3A_643 : memref<1x32xi32, #tpu.memory_space<vmem>> -> memref<32xi32, #tpu.memory_space<vmem>>
      %dma_wait3A_645 = tpu.memref_slice %arg2[%add3A_21] : memref<8192xi32, #tpu.memory_space<hbm>> -> memref<32xi32, #tpu.memory_space<hbm>>
      tpu.wait_dma2 semaphore(%run_scoped3A_629 : memref<!tpu.dma_semaphore, #tpu.memory_space<semaphore_mem>>) src(%dma_wait3A_645 : memref<32xi32, #tpu.memory_space<hbm>>) dst(%dma_wait3A_644 : memref<32xi32, #tpu.memory_space<vmem>>)
      tpu.yield
    }) : () -> ()
    %add3A_23 = arith.constant 224 : i32
    %add3A_24 = arith.addi %mul3A_2, %add3A_23 : i32
    %run_scoped3A_25 = arith.constant 7 : i32
    "tpu.region"() ({
      %run_scoped3A_629 = tpu.sem_alloc : memref<!tpu.dma_semaphore, #tpu.memory_space<semaphore_mem>>
      %dma_start3A_630 = arith.constant 0 : i32
      %dma_start3A_631 = tpu.memref_slice %arg7[%run_scoped3A_25, %dma_start3A_630] : memref<8x32xi32, #tpu.memory_space<vmem>> -> memref<1x32xi32, #tpu.memory_space<vmem>>
      %dma_start3A_632 = tpu.memref_squeeze %dma_start3A_631 : memref<1x32xi32, #tpu.memory_space<vmem>> -> memref<32xi32, #tpu.memory_space<vmem>>
      %dma_start3A_633 = tpu.memref_slice %arg2[%add3A_24] : memref<8192xi32, #tpu.memory_space<hbm>> -> memref<32xi32, #tpu.memory_space<hbm>>
      %dma_start3A_634 = arith.constant 0 : i32
      %dma_start3A_635 = tpu.memref_slice %arg7[%run_scoped3A_25, %dma_start3A_634] : memref<8x32xi32, #tpu.memory_space<vmem>> -> memref<1x32xi32, #tpu.memory_space<vmem>>
      %dma_start3A_636 = tpu.memref_squeeze %dma_start3A_635 : memref<1x32xi32, #tpu.memory_space<vmem>> -> memref<32xi32, #tpu.memory_space<vmem>>
      %dma_start3A_637 = tpu.memref_slice %arg2[%add3A_24] : memref<8192xi32, #tpu.memory_space<hbm>> -> memref<32xi32, #tpu.memory_space<hbm>>
      tpu.enqueue_dma source(%dma_start3A_637 : memref<32xi32, #tpu.memory_space<hbm>>) target(%dma_start3A_636 : memref<32xi32, #tpu.memory_space<vmem>>) target_semaphore(%run_scoped3A_629 : memref<!tpu.dma_semaphore, #tpu.memory_space<semaphore_mem>>)
      %dma_wait3A_638 = arith.constant 0 : i32
      %dma_wait3A_639 = tpu.memref_slice %arg7[%run_scoped3A_25, %dma_wait3A_638] : memref<8x32xi32, #tpu.memory_space<vmem>> -> memref<1x32xi32, #tpu.memory_space<vmem>>
      %dma_wait3A_640 = tpu.memref_squeeze %dma_wait3A_639 : memref<1x32xi32, #tpu.memory_space<vmem>> -> memref<32xi32, #tpu.memory_space<vmem>>
      %dma_wait3A_641 = tpu.memref_slice %arg2[%add3A_24] : memref<8192xi32, #tpu.memory_space<hbm>> -> memref<32xi32, #tpu.memory_space<hbm>>
      %dma_wait3A_642 = arith.constant 0 : i32
      %dma_wait3A_643 = tpu.memref_slice %arg7[%run_scoped3A_25, %dma_wait3A_642] : memref<8x32xi32, #tpu.memory_space<vmem>> -> memref<1x32xi32, #tpu.memory_space<vmem>>
      %dma_wait3A_644 = tpu.memref_squeeze %dma_wait3A_643 : memref<1x32xi32, #tpu.memory_space<vmem>> -> memref<32xi32, #tpu.memory_space<vmem>>
      %dma_wait3A_645 = tpu.memref_slice %arg2[%add3A_24] : memref<8192xi32, #tpu.memory_space<hbm>> -> memref<32xi32, #tpu.memory_space<hbm>>
      tpu.wait_dma2 semaphore(%run_scoped3A_629 : memref<!tpu.dma_semaphore, #tpu.memory_space<semaphore_mem>>) src(%dma_wait3A_645 : memref<32xi32, #tpu.memory_space<hbm>>) dst(%dma_wait3A_644 : memref<32xi32, #tpu.memory_space<vmem>>)
      tpu.yield
    }) : () -> ()
    "tpu.region"() ({
      %run_scoped3A_629 = tpu.sem_alloc : memref<!tpu.dma_semaphore, #tpu.memory_space<semaphore_mem>>
      %dma_start3A_630 = arith.constant 0 : i32
      %dma_start3A_631 = tpu.memref_slice %arg3[%mul3A_2, %dma_start3A_630] : memref<8192x128xf32, #tpu.memory_space<hbm>> -> memref<256x128xf32, #tpu.memory_space<hbm>>
      %dma_start3A_632 = arith.constant 0 : i32
      %dma_start3A_633 = tpu.memref_slice %arg3[%mul3A_2, %dma_start3A_632] : memref<8192x128xf32, #tpu.memory_space<hbm>> -> memref<256x128xf32, #tpu.memory_space<hbm>>
      tpu.enqueue_dma source(%dma_start3A_633 : memref<256x128xf32, #tpu.memory_space<hbm>>) target(%arg8 : memref<256x128xf32, #tpu.memory_space<vmem>>) target_semaphore(%run_scoped3A_629 : memref<!tpu.dma_semaphore, #tpu.memory_space<semaphore_mem>>)
      %dma_wait3A_634 = arith.constant 0 : i32
      %dma_wait3A_635 = tpu.memref_slice %arg3[%mul3A_2, %dma_wait3A_634] : memref<8192x128xf32, #tpu.memory_space<hbm>> -> memref<256x128xf32, #tpu.memory_space<hbm>>
      %dma_wait3A_636 = arith.constant 0 : i32
      %dma_wait3A_637 = tpu.memref_slice %arg3[%mul3A_2, %dma_wait3A_636] : memref<8192x128xf32, #tpu.memory_space<hbm>> -> memref<256x128xf32, #tpu.memory_space<hbm>>
      tpu.wait_dma2 semaphore(%run_scoped3A_629 : memref<!tpu.dma_semaphore, #tpu.memory_space<semaphore_mem>>) src(%dma_wait3A_637 : memref<256x128xf32, #tpu.memory_space<hbm>>) dst(%arg8 : memref<256x128xf32, #tpu.memory_space<vmem>>)
      tpu.yield
    }) : () -> ()
    %iota3A = tpu.iota {dimensions = array<i32: 0>} : vector<16xi32>
    %add3A_26 = arith.constant 0 : i32
    %add3A_27 = arith.addi %mul3A_2, %add3A_26 : i32
    %add3A_28 = vector.broadcast %add3A_27 : i32 to vector<16xi32>
    %add3A_29 = arith.addi %add3A_28, %iota3A : vector<16xi32>
    %shift_right_logical3A = arith.constant 1 : i32
    %shift_right_logical3A_30 = vector.broadcast %shift_right_logical3A : i32 to vector<16xi32>
    %shift_right_logical3A_31 = arith.shrui %add3A_29, %shift_right_logical3A_30 : vector<16xi32>
    %swap3A = arith.constant 0 : i32
    %swap3A_32 = arith.index_cast %swap3A : i32 to index
    %swap3A_33 = arith.constant 0 : index
    %swap3A_34 = tpu.vector_load %arg9[%swap3A_32, %swap3A_33] {strides = array<i32>} : memref<8x32xi32, #tpu.memory_space<vmem>>, vector<1x16xi32>,
    %swap3A_35 = vector.shape_cast %swap3A_34 : vector<1x16xi32> to vector<16xi32>
    %swap3A_36 = vector.shape_cast %shift_right_logical3A_31 : vector<16xi32> to vector<1x16xi32>
    tpu.vector_store %arg9[%swap3A_32, %swap3A_33], %swap3A_36 {strides = array<i32>} : memref<8x32xi32, #tpu.memory_space<vmem>>, vector<1x16xi32>,
    %iota3A_37 = tpu.iota {dimensions = array<i32: 0>} : vector<16xi32>
    %add3A_38 = arith.constant 16 : i32
    %add3A_39 = arith.addi %mul3A_2, %add3A_38 : i32
    %add3A_40 = vector.broadcast %add3A_39 : i32 to vector<16xi32>
    %add3A_41 = arith.addi %add3A_40, %iota3A_37 : vector<16xi32>
    %shift_right_logical3A_42 = arith.constant 1 : i32
    %shift_right_logical3A_43 = vector.broadcast %shift_right_logical3A_42 : i32 to vector<16xi32>
    %shift_right_logical3A_44 = arith.shrui %add3A_41, %shift_right_logical3A_43 : vector<16xi32>
    %swap3A_45 = arith.constant 0 : i32
    %swap3A_46 = arith.index_cast %swap3A_45 : i32 to index
    %swap3A_47 = arith.constant 16 : index
    %swap3A_48 = tpu.vector_load %arg9[%swap3A_46, %swap3A_47] {strides = array<i32>} : memref<8x32xi32, #tpu.memory_space<vmem>>, vector<1x16xi32>,
    %swap3A_49 = vector.shape_cast %swap3A_48 : vector<1x16xi32> to vector<16xi32>
    %swap3A_50 = vector.shape_cast %shift_right_logical3A_44 : vector<16xi32> to vector<1x16xi32>
    tpu.vector_store %arg9[%swap3A_46, %swap3A_47], %swap3A_50 {strides = array<i32>} : memref<8x32xi32, #tpu.memory_space<vmem>>, vector<1x16xi32>,
    %iota3A_51 = tpu.iota {dimensions = array<i32: 0>} : vector<16xi32>
    %add3A_52 = arith.constant 32 : i32
    %add3A_53 = arith.addi %mul3A_2, %add3A_52 : i32
    %add3A_54 = vector.broadcast %add3A_53 : i32 to vector<16xi32>
    %add3A_55 = arith.addi %add3A_54, %iota3A_51 : vector<16xi32>
    %shift_right_logical3A_56 = arith.constant 1 : i32
    %shift_right_logical3A_57 = vector.broadcast %shift_right_logical3A_56 : i32 to vector<16xi32>
    %shift_right_logical3A_58 = arith.shrui %add3A_55, %shift_right_logical3A_57 : vector<16xi32>
    %swap3A_59 = arith.constant 1 : i32
    %swap3A_60 = arith.index_cast %swap3A_59 : i32 to index
    %swap3A_61 = arith.constant 0 : index
    %swap3A_62 = tpu.vector_load %arg9[%swap3A_60, %swap3A_61] {strides = array<i32>} : memref<8x32xi32, #tpu.memory_space<vmem>>, vector<1x16xi32>,
    %swap3A_63 = vector.shape_cast %swap3A_62 : vector<1x16xi32> to vector<16xi32>
    %swap3A_64 = vector.shape_cast %shift_right_logical3A_58 : vector<16xi32> to vector<1x16xi32>
    tpu.vector_store %arg9[%swap3A_60, %swap3A_61], %swap3A_64 {strides = array<i32>} : memref<8x32xi32, #tpu.memory_space<vmem>>, vector<1x16xi32>,
    %iota3A_65 = tpu.iota {dimensions = array<i32: 0>} : vector<16xi32>
    %add3A_66 = arith.constant 48 : i32
    %add3A_67 = arith.addi %mul3A_2, %add3A_66 : i32
    %add3A_68 = vector.broadcast %add3A_67 : i32 to vector<16xi32>
    %add3A_69 = arith.addi %add3A_68, %iota3A_65 : vector<16xi32>
    %shift_right_logical3A_70 = arith.constant 1 : i32
    %shift_right_logical3A_71 = vector.broadcast %shift_right_logical3A_70 : i32 to vector<16xi32>
    %shift_right_logical3A_72 = arith.shrui %add3A_69, %shift_right_logical3A_71 : vector<16xi32>
    %swap3A_73 = arith.constant 1 : i32
    %swap3A_74 = arith.index_cast %swap3A_73 : i32 to index
    %swap3A_75 = arith.constant 16 : index
    %swap3A_76 = tpu.vector_load %arg9[%swap3A_74, %swap3A_75] {strides = array<i32>} : memref<8x32xi32, #tpu.memory_space<vmem>>, vector<1x16xi32>,
    %swap3A_77 = vector.shape_cast %swap3A_76 : vector<1x16xi32> to vector<16xi32>
    %swap3A_78 = vector.shape_cast %shift_right_logical3A_72 : vector<16xi32> to vector<1x16xi32>
    tpu.vector_store %arg9[%swap3A_74, %swap3A_75], %swap3A_78 {strides = array<i32>} : memref<8x32xi32, #tpu.memory_space<vmem>>, vector<1x16xi32>,
    %iota3A_79 = tpu.iota {dimensions = array<i32: 0>} : vector<16xi32>
    %add3A_80 = arith.constant 64 : i32
    %add3A_81 = arith.addi %mul3A_2, %add3A_80 : i32
    %add3A_82 = vector.broadcast %add3A_81 : i32 to vector<16xi32>
    %add3A_83 = arith.addi %add3A_82, %iota3A_79 : vector<16xi32>
    %shift_right_logical3A_84 = arith.constant 1 : i32
    %shift_right_logical3A_85 = vector.broadcast %shift_right_logical3A_84 : i32 to vector<16xi32>
    %shift_right_logical3A_86 = arith.shrui %add3A_83, %shift_right_logical3A_85 : vector<16xi32>
    %swap3A_87 = arith.constant 2 : i32
    %swap3A_88 = arith.index_cast %swap3A_87 : i32 to index
    %swap3A_89 = arith.constant 0 : index
    %swap3A_90 = tpu.vector_load %arg9[%swap3A_88, %swap3A_89] {strides = array<i32>} : memref<8x32xi32, #tpu.memory_space<vmem>>, vector<1x16xi32>,
    %swap3A_91 = vector.shape_cast %swap3A_90 : vector<1x16xi32> to vector<16xi32>
    %swap3A_92 = vector.shape_cast %shift_right_logical3A_86 : vector<16xi32> to vector<1x16xi32>
    tpu.vector_store %arg9[%swap3A_88, %swap3A_89], %swap3A_92 {strides = array<i32>} : memref<8x32xi32, #tpu.memory_space<vmem>>, vector<1x16xi32>,
    %iota3A_93 = tpu.iota {dimensions = array<i32: 0>} : vector<16xi32>
    %add3A_94 = arith.constant 80 : i32
    %add3A_95 = arith.addi %mul3A_2, %add3A_94 : i32
    %add3A_96 = vector.broadcast %add3A_95 : i32 to vector<16xi32>
    %add3A_97 = arith.addi %add3A_96, %iota3A_93 : vector<16xi32>
    %shift_right_logical3A_98 = arith.constant 1 : i32
    %shift_right_logical3A_99 = vector.broadcast %shift_right_logical3A_98 : i32 to vector<16xi32>
    %shift_right_logical3A_100 = arith.shrui %add3A_97, %shift_right_logical3A_99 : vector<16xi32>
    %swap3A_101 = arith.constant 2 : i32
    %swap3A_102 = arith.index_cast %swap3A_101 : i32 to index
    %swap3A_103 = arith.constant 16 : index
    %swap3A_104 = tpu.vector_load %arg9[%swap3A_102, %swap3A_103] {strides = array<i32>} : memref<8x32xi32, #tpu.memory_space<vmem>>, vector<1x16xi32>,
    %swap3A_105 = vector.shape_cast %swap3A_104 : vector<1x16xi32> to vector<16xi32>
    %swap3A_106 = vector.shape_cast %shift_right_logical3A_100 : vector<16xi32> to vector<1x16xi32>
    tpu.vector_store %arg9[%swap3A_102, %swap3A_103], %swap3A_106 {strides = array<i32>} : memref<8x32xi32, #tpu.memory_space<vmem>>, vector<1x16xi32>,
    %iota3A_107 = tpu.iota {dimensions = array<i32: 0>} : vector<16xi32>
    %add3A_108 = arith.constant 96 : i32
    %add3A_109 = arith.addi %mul3A_2, %add3A_108 : i32
    %add3A_110 = vector.broadcast %add3A_109 : i32 to vector<16xi32>
    %add3A_111 = arith.addi %add3A_110, %iota3A_107 : vector<16xi32>
    %shift_right_logical3A_112 = arith.constant 1 : i32
    %shift_right_logical3A_113 = vector.broadcast %shift_right_logical3A_112 : i32 to vector<16xi32>
    %shift_right_logical3A_114 = arith.shrui %add3A_111, %shift_right_logical3A_113 : vector<16xi32>
    %swap3A_115 = arith.constant 3 : i32
    %swap3A_116 = arith.index_cast %swap3A_115 : i32 to index
    %swap3A_117 = arith.constant 0 : index
    %swap3A_118 = tpu.vector_load %arg9[%swap3A_116, %swap3A_117] {strides = array<i32>} : memref<8x32xi32, #tpu.memory_space<vmem>>, vector<1x16xi32>,
    %swap3A_119 = vector.shape_cast %swap3A_118 : vector<1x16xi32> to vector<16xi32>
    %swap3A_120 = vector.shape_cast %shift_right_logical3A_114 : vector<16xi32> to vector<1x16xi32>
    tpu.vector_store %arg9[%swap3A_116, %swap3A_117], %swap3A_120 {strides = array<i32>} : memref<8x32xi32, #tpu.memory_space<vmem>>, vector<1x16xi32>,
    %iota3A_121 = tpu.iota {dimensions = array<i32: 0>} : vector<16xi32>
    %add3A_122 = arith.constant 112 : i32
    %add3A_123 = arith.addi %mul3A_2, %add3A_122 : i32
    %add3A_124 = vector.broadcast %add3A_123 : i32 to vector<16xi32>
    %add3A_125 = arith.addi %add3A_124, %iota3A_121 : vector<16xi32>
    %shift_right_logical3A_126 = arith.constant 1 : i32
    %shift_right_logical3A_127 = vector.broadcast %shift_right_logical3A_126 : i32 to vector<16xi32>
    %shift_right_logical3A_128 = arith.shrui %add3A_125, %shift_right_logical3A_127 : vector<16xi32>
    %swap3A_129 = arith.constant 3 : i32
    %swap3A_130 = arith.index_cast %swap3A_129 : i32 to index
    %swap3A_131 = arith.constant 16 : index
    %swap3A_132 = tpu.vector_load %arg9[%swap3A_130, %swap3A_131] {strides = array<i32>} : memref<8x32xi32, #tpu.memory_space<vmem>>, vector<1x16xi32>,
    %swap3A_133 = vector.shape_cast %swap3A_132 : vector<1x16xi32> to vector<16xi32>
    %swap3A_134 = vector.shape_cast %shift_right_logical3A_128 : vector<16xi32> to vector<1x16xi32>
    tpu.vector_store %arg9[%swap3A_130, %swap3A_131], %swap3A_134 {strides = array<i32>} : memref<8x32xi32, #tpu.memory_space<vmem>>, vector<1x16xi32>,
    %iota3A_135 = tpu.iota {dimensions = array<i32: 0>} : vector<16xi32>
    %add3A_136 = arith.constant 128 : i32
    %add3A_137 = arith.addi %mul3A_2, %add3A_136 : i32
    %add3A_138 = vector.broadcast %add3A_137 : i32 to vector<16xi32>
    %add3A_139 = arith.addi %add3A_138, %iota3A_135 : vector<16xi32>
    %shift_right_logical3A_140 = arith.constant 1 : i32
    %shift_right_logical3A_141 = vector.broadcast %shift_right_logical3A_140 : i32 to vector<16xi32>
    %shift_right_logical3A_142 = arith.shrui %add3A_139, %shift_right_logical3A_141 : vector<16xi32>
    %swap3A_143 = arith.constant 4 : i32
    %swap3A_144 = arith.index_cast %swap3A_143 : i32 to index
    %swap3A_145 = arith.constant 0 : index
    %swap3A_146 = tpu.vector_load %arg9[%swap3A_144, %swap3A_145] {strides = array<i32>} : memref<8x32xi32, #tpu.memory_space<vmem>>, vector<1x16xi32>,
    %swap3A_147 = vector.shape_cast %swap3A_146 : vector<1x16xi32> to vector<16xi32>
    %swap3A_148 = vector.shape_cast %shift_right_logical3A_142 : vector<16xi32> to vector<1x16xi32>
    tpu.vector_store %arg9[%swap3A_144, %swap3A_145], %swap3A_148 {strides = array<i32>} : memref<8x32xi32, #tpu.memory_space<vmem>>, vector<1x16xi32>,
    %iota3A_149 = tpu.iota {dimensions = array<i32: 0>} : vector<16xi32>
    %add3A_150 = arith.constant 144 : i32
    %add3A_151 = arith.addi %mul3A_2, %add3A_150 : i32
    %add3A_152 = vector.broadcast %add3A_151 : i32 to vector<16xi32>
    %add3A_153 = arith.addi %add3A_152, %iota3A_149 : vector<16xi32>
    %shift_right_logical3A_154 = arith.constant 1 : i32
    %shift_right_logical3A_155 = vector.broadcast %shift_right_logical3A_154 : i32 to vector<16xi32>
    %shift_right_logical3A_156 = arith.shrui %add3A_153, %shift_right_logical3A_155 : vector<16xi32>
    %swap3A_157 = arith.constant 4 : i32
    %swap3A_158 = arith.index_cast %swap3A_157 : i32 to index
    %swap3A_159 = arith.constant 16 : index
    %swap3A_160 = tpu.vector_load %arg9[%swap3A_158, %swap3A_159] {strides = array<i32>} : memref<8x32xi32, #tpu.memory_space<vmem>>, vector<1x16xi32>,
    %swap3A_161 = vector.shape_cast %swap3A_160 : vector<1x16xi32> to vector<16xi32>
    %swap3A_162 = vector.shape_cast %shift_right_logical3A_156 : vector<16xi32> to vector<1x16xi32>
    tpu.vector_store %arg9[%swap3A_158, %swap3A_159], %swap3A_162 {strides = array<i32>} : memref<8x32xi32, #tpu.memory_space<vmem>>, vector<1x16xi32>,
    %iota3A_163 = tpu.iota {dimensions = array<i32: 0>} : vector<16xi32>
    %add3A_164 = arith.constant 160 : i32
    %add3A_165 = arith.addi %mul3A_2, %add3A_164 : i32
    %add3A_166 = vector.broadcast %add3A_165 : i32 to vector<16xi32>
    %add3A_167 = arith.addi %add3A_166, %iota3A_163 : vector<16xi32>
    %shift_right_logical3A_168 = arith.constant 1 : i32
    %shift_right_logical3A_169 = vector.broadcast %shift_right_logical3A_168 : i32 to vector<16xi32>
    %shift_right_logical3A_170 = arith.shrui %add3A_167, %shift_right_logical3A_169 : vector<16xi32>
    %swap3A_171 = arith.constant 5 : i32
    %swap3A_172 = arith.index_cast %swap3A_171 : i32 to index
    %swap3A_173 = arith.constant 0 : index
    %swap3A_174 = tpu.vector_load %arg9[%swap3A_172, %swap3A_173] {strides = array<i32>} : memref<8x32xi32, #tpu.memory_space<vmem>>, vector<1x16xi32>,
    %swap3A_175 = vector.shape_cast %swap3A_174 : vector<1x16xi32> to vector<16xi32>
    %swap3A_176 = vector.shape_cast %shift_right_logical3A_170 : vector<16xi32> to vector<1x16xi32>
    tpu.vector_store %arg9[%swap3A_172, %swap3A_173], %swap3A_176 {strides = array<i32>} : memref<8x32xi32, #tpu.memory_space<vmem>>, vector<1x16xi32>,
    %iota3A_177 = tpu.iota {dimensions = array<i32: 0>} : vector<16xi32>
    %add3A_178 = arith.constant 176 : i32
    %add3A_179 = arith.addi %mul3A_2, %add3A_178 : i32
    %add3A_180 = vector.broadcast %add3A_179 : i32 to vector<16xi32>
    %add3A_181 = arith.addi %add3A_180, %iota3A_177 : vector<16xi32>
    %shift_right_logical3A_182 = arith.constant 1 : i32
    %shift_right_logical3A_183 = vector.broadcast %shift_right_logical3A_182 : i32 to vector<16xi32>
    %shift_right_logical3A_184 = arith.shrui %add3A_181, %shift_right_logical3A_183 : vector<16xi32>
    %swap3A_185 = arith.constant 5 : i32
    %swap3A_186 = arith.index_cast %swap3A_185 : i32 to index
    %swap3A_187 = arith.constant 16 : index
    %swap3A_188 = tpu.vector_load %arg9[%swap3A_186, %swap3A_187] {strides = array<i32>} : memref<8x32xi32, #tpu.memory_space<vmem>>, vector<1x16xi32>,
    %swap3A_189 = vector.shape_cast %swap3A_188 : vector<1x16xi32> to vector<16xi32>
    %swap3A_190 = vector.shape_cast %shift_right_logical3A_184 : vector<16xi32> to vector<1x16xi32>
    tpu.vector_store %arg9[%swap3A_186, %swap3A_187], %swap3A_190 {strides = array<i32>} : memref<8x32xi32, #tpu.memory_space<vmem>>, vector<1x16xi32>,
    %iota3A_191 = tpu.iota {dimensions = array<i32: 0>} : vector<16xi32>
    %add3A_192 = arith.constant 192 : i32
    %add3A_193 = arith.addi %mul3A_2, %add3A_192 : i32
    %add3A_194 = vector.broadcast %add3A_193 : i32 to vector<16xi32>
    %add3A_195 = arith.addi %add3A_194, %iota3A_191 : vector<16xi32>
    %shift_right_logical3A_196 = arith.constant 1 : i32
    %shift_right_logical3A_197 = vector.broadcast %shift_right_logical3A_196 : i32 to vector<16xi32>
    %shift_right_logical3A_198 = arith.shrui %add3A_195, %shift_right_logical3A_197 : vector<16xi32>
    %swap3A_199 = arith.constant 6 : i32
    %swap3A_200 = arith.index_cast %swap3A_199 : i32 to index
    %swap3A_201 = arith.constant 0 : index
    %swap3A_202 = tpu.vector_load %arg9[%swap3A_200, %swap3A_201] {strides = array<i32>} : memref<8x32xi32, #tpu.memory_space<vmem>>, vector<1x16xi32>,
    %swap3A_203 = vector.shape_cast %swap3A_202 : vector<1x16xi32> to vector<16xi32>
    %swap3A_204 = vector.shape_cast %shift_right_logical3A_198 : vector<16xi32> to vector<1x16xi32>
    tpu.vector_store %arg9[%swap3A_200, %swap3A_201], %swap3A_204 {strides = array<i32>} : memref<8x32xi32, #tpu.memory_space<vmem>>, vector<1x16xi32>,
    %iota3A_205 = tpu.iota {dimensions = array<i32: 0>} : vector<16xi32>
    %add3A_206 = arith.constant 208 : i32
    %add3A_207 = arith.addi %mul3A_2, %add3A_206 : i32
    %add3A_208 = vector.broadcast %add3A_207 : i32 to vector<16xi32>
    %add3A_209 = arith.addi %add3A_208, %iota3A_205 : vector<16xi32>
    %shift_right_logical3A_210 = arith.constant 1 : i32
    %shift_right_logical3A_211 = vector.broadcast %shift_right_logical3A_210 : i32 to vector<16xi32>
    %shift_right_logical3A_212 = arith.shrui %add3A_209, %shift_right_logical3A_211 : vector<16xi32>
    %swap3A_213 = arith.constant 6 : i32
    %swap3A_214 = arith.index_cast %swap3A_213 : i32 to index
    %swap3A_215 = arith.constant 16 : index
    %swap3A_216 = tpu.vector_load %arg9[%swap3A_214, %swap3A_215] {strides = array<i32>} : memref<8x32xi32, #tpu.memory_space<vmem>>, vector<1x16xi32>,
    %swap3A_217 = vector.shape_cast %swap3A_216 : vector<1x16xi32> to vector<16xi32>
    %swap3A_218 = vector.shape_cast %shift_right_logical3A_212 : vector<16xi32> to vector<1x16xi32>
    tpu.vector_store %arg9[%swap3A_214, %swap3A_215], %swap3A_218 {strides = array<i32>} : memref<8x32xi32, #tpu.memory_space<vmem>>, vector<1x16xi32>,
    %iota3A_219 = tpu.iota {dimensions = array<i32: 0>} : vector<16xi32>
    %add3A_220 = arith.constant 224 : i32
    %add3A_221 = arith.addi %mul3A_2, %add3A_220 : i32
    %add3A_222 = vector.broadcast %add3A_221 : i32 to vector<16xi32>
    %add3A_223 = arith.addi %add3A_222, %iota3A_219 : vector<16xi32>
    %shift_right_logical3A_224 = arith.constant 1 : i32
    %shift_right_logical3A_225 = vector.broadcast %shift_right_logical3A_224 : i32 to vector<16xi32>
    %shift_right_logical3A_226 = arith.shrui %add3A_223, %shift_right_logical3A_225 : vector<16xi32>
    %swap3A_227 = arith.constant 7 : i32
    %swap3A_228 = arith.index_cast %swap3A_227 : i32 to index
    %swap3A_229 = arith.constant 0 : index
    %swap3A_230 = tpu.vector_load %arg9[%swap3A_228, %swap3A_229] {strides = array<i32>} : memref<8x32xi32, #tpu.memory_space<vmem>>, vector<1x16xi32>,
    %swap3A_231 = vector.shape_cast %swap3A_230 : vector<1x16xi32> to vector<16xi32>
    %swap3A_232 = vector.shape_cast %shift_right_logical3A_226 : vector<16xi32> to vector<1x16xi32>
    tpu.vector_store %arg9[%swap3A_228, %swap3A_229], %swap3A_232 {strides = array<i32>} : memref<8x32xi32, #tpu.memory_space<vmem>>, vector<1x16xi32>,
    %iota3A_233 = tpu.iota {dimensions = array<i32: 0>} : vector<16xi32>
    %add3A_234 = arith.constant 240 : i32
    %add3A_235 = arith.addi %mul3A_2, %add3A_234 : i32
    %add3A_236 = vector.broadcast %add3A_235 : i32 to vector<16xi32>
    %add3A_237 = arith.addi %add3A_236, %iota3A_233 : vector<16xi32>
    %shift_right_logical3A_238 = arith.constant 1 : i32
    %shift_right_logical3A_239 = vector.broadcast %shift_right_logical3A_238 : i32 to vector<16xi32>
    %shift_right_logical3A_240 = arith.shrui %add3A_237, %shift_right_logical3A_239 : vector<16xi32>
    %swap3A_241 = arith.constant 7 : i32
    %swap3A_242 = arith.index_cast %swap3A_241 : i32 to index
    %swap3A_243 = arith.constant 16 : index
    %swap3A_244 = tpu.vector_load %arg9[%swap3A_242, %swap3A_243] {strides = array<i32>} : memref<8x32xi32, #tpu.memory_space<vmem>>, vector<1x16xi32>,
    %swap3A_245 = vector.shape_cast %swap3A_244 : vector<1x16xi32> to vector<16xi32>
    %swap3A_246 = vector.shape_cast %shift_right_logical3A_240 : vector<16xi32> to vector<1x16xi32>
    tpu.vector_store %arg9[%swap3A_242, %swap3A_243], %swap3A_246 {strides = array<i32>} : memref<8x32xi32, #tpu.memory_space<vmem>>, vector<1x16xi32>,
    %dma_start3A = arith.constant 0 : i32
    %dma_start3A_247 = arith.constant 0 : i32
    %dma_start3A_248 = arith.constant 0 : i32
    %dma_start3A_249 = tpu.memref_slice %arg8[%dma_start3A_247, %dma_start3A_248] : memref<256x128xf32, #tpu.memory_space<vmem>> -> memref<32x128xf32, #tpu.memory_space<vmem>>
    %dma_start3A_250 = arith.constant 0 : i32
    %dma_start3A_251 = tpu.memref_slice %arg7[%dma_start3A, %dma_start3A_250] : memref<8x32xi32, #tpu.memory_space<vmem>> -> memref<1x32xi32, #tpu.memory_space<vmem>>
    %dma_start3A_252 = tpu.memref_squeeze %dma_start3A_251 : memref<1x32xi32, #tpu.memory_space<vmem>> -> memref<32xi32, #tpu.memory_space<vmem>>
    %dma_start3A_253 = arith.constant 0 : i32
    %dma_start3A_254 = arith.constant 0 : i32
    %dma_start3A_255 = tpu.memref_slice %arg6[%dma_start3A_253, %dma_start3A_254] : memref<8192x128xf32, #tpu.memory_space<hbm>> -> memref<8192x128xf32, #tpu.memory_space<hbm>>
    tpu.enqueue_indirect_dma source(%dma_start3A_249 : memref<32x128xf32, #tpu.memory_space<vmem>>) target(%dma_start3A_255 : memref<8192x128xf32, #tpu.memory_space<hbm>>) offsets(%dma_start3A_252 : memref<32xi32, #tpu.memory_space<vmem>>) semaphore(%arg12 : memref<!tpu.dma_semaphore, #tpu.memory_space<semaphore_mem>>)
    %dma_start3A_256 = arith.constant 1 : i32
    %dma_start3A_257 = arith.constant 32 : i32
    %dma_start3A_258 = arith.constant 0 : i32
    %dma_start3A_259 = tpu.memref_slice %arg8[%dma_start3A_257, %dma_start3A_258] : memref<256x128xf32, #tpu.memory_space<vmem>> -> memref<32x128xf32, #tpu.memory_space<vmem>>
    %dma_start3A_260 = arith.constant 0 : i32
    %dma_start3A_261 = tpu.memref_slice %arg7[%dma_start3A_256, %dma_start3A_260] : memref<8x32xi32, #tpu.memory_space<vmem>> -> memref<1x32xi32, #tpu.memory_space<vmem>>
    %dma_start3A_262 = tpu.memref_squeeze %dma_start3A_261 : memref<1x32xi32, #tpu.memory_space<vmem>> -> memref<32xi32, #tpu.memory_space<vmem>>
    %dma_start3A_263 = arith.constant 0 : i32
    %dma_start3A_264 = arith.constant 0 : i32
    %dma_start3A_265 = tpu.memref_slice %arg6[%dma_start3A_263, %dma_start3A_264] : memref<8192x128xf32, #tpu.memory_space<hbm>> -> memref<8192x128xf32, #tpu.memory_space<hbm>>
    tpu.enqueue_indirect_dma source(%dma_start3A_259 : memref<32x128xf32, #tpu.memory_space<vmem>>) target(%dma_start3A_265 : memref<8192x128xf32, #tpu.memory_space<hbm>>) offsets(%dma_start3A_262 : memref<32xi32, #tpu.memory_space<vmem>>) semaphore(%arg12 : memref<!tpu.dma_semaphore, #tpu.memory_space<semaphore_mem>>)
    %dma_start3A_266 = arith.constant 2 : i32
    %dma_start3A_267 = arith.constant 64 : i32
    %dma_start3A_268 = arith.constant 0 : i32
    %dma_start3A_269 = tpu.memref_slice %arg8[%dma_start3A_267, %dma_start3A_268] : memref<256x128xf32, #tpu.memory_space<vmem>> -> memref<32x128xf32, #tpu.memory_space<vmem>>
    %dma_start3A_270 = arith.constant 0 : i32
    %dma_start3A_271 = tpu.memref_slice %arg7[%dma_start3A_266, %dma_start3A_270] : memref<8x32xi32, #tpu.memory_space<vmem>> -> memref<1x32xi32, #tpu.memory_space<vmem>>
    %dma_start3A_272 = tpu.memref_squeeze %dma_start3A_271 : memref<1x32xi32, #tpu.memory_space<vmem>> -> memref<32xi32, #tpu.memory_space<vmem>>
    %dma_start3A_273 = arith.constant 0 : i32
    %dma_start3A_274 = arith.constant 0 : i32
    %dma_start3A_275 = tpu.memref_slice %arg6[%dma_start3A_273, %dma_start3A_274] : memref<8192x128xf32, #tpu.memory_space<hbm>> -> memref<8192x128xf32, #tpu.memory_space<hbm>>
    tpu.enqueue_indirect_dma source(%dma_start3A_269 : memref<32x128xf32, #tpu.memory_space<vmem>>) target(%dma_start3A_275 : memref<8192x128xf32, #tpu.memory_space<hbm>>) offsets(%dma_start3A_272 : memref<32xi32, #tpu.memory_space<vmem>>) semaphore(%arg12 : memref<!tpu.dma_semaphore, #tpu.memory_space<semaphore_mem>>)
    %dma_start3A_276 = arith.constant 3 : i32
    %dma_start3A_277 = arith.constant 96 : i32
    %dma_start3A_278 = arith.constant 0 : i32
    %dma_start3A_279 = tpu.memref_slice %arg8[%dma_start3A_277, %dma_start3A_278] : memref<256x128xf32, #tpu.memory_space<vmem>> -> memref<32x128xf32, #tpu.memory_space<vmem>>
    %dma_start3A_280 = arith.constant 0 : i32
    %dma_start3A_281 = tpu.memref_slice %arg7[%dma_start3A_276, %dma_start3A_280] : memref<8x32xi32, #tpu.memory_space<vmem>> -> memref<1x32xi32, #tpu.memory_space<vmem>>
    %dma_start3A_282 = tpu.memref_squeeze %dma_start3A_281 : memref<1x32xi32, #tpu.memory_space<vmem>> -> memref<32xi32, #tpu.memory_space<vmem>>
    %dma_start3A_283 = arith.constant 0 : i32
    %dma_start3A_284 = arith.constant 0 : i32
    %dma_start3A_285 = tpu.memref_slice %arg6[%dma_start3A_283, %dma_start3A_284] : memref<8192x128xf32, #tpu.memory_space<hbm>> -> memref<8192x128xf32, #tpu.memory_space<hbm>>
    tpu.enqueue_indirect_dma source(%dma_start3A_279 : memref<32x128xf32, #tpu.memory_space<vmem>>) target(%dma_start3A_285 : memref<8192x128xf32, #tpu.memory_space<hbm>>) offsets(%dma_start3A_282 : memref<32xi32, #tpu.memory_space<vmem>>) semaphore(%arg12 : memref<!tpu.dma_semaphore, #tpu.memory_space<semaphore_mem>>)
    %dma_start3A_286 = arith.constant 4 : i32
    %dma_start3A_287 = arith.constant 128 : i32
    %dma_start3A_288 = arith.constant 0 : i32
    %dma_start3A_289 = tpu.memref_slice %arg8[%dma_start3A_287, %dma_start3A_288] : memref<256x128xf32, #tpu.memory_space<vmem>> -> memref<32x128xf32, #tpu.memory_space<vmem>>
    %dma_start3A_290 = arith.constant 0 : i32
    %dma_start3A_291 = tpu.memref_slice %arg7[%dma_start3A_286, %dma_start3A_290] : memref<8x32xi32, #tpu.memory_space<vmem>> -> memref<1x32xi32, #tpu.memory_space<vmem>>
    %dma_start3A_292 = tpu.memref_squeeze %dma_start3A_291 : memref<1x32xi32, #tpu.memory_space<vmem>> -> memref<32xi32, #tpu.memory_space<vmem>>
    %dma_start3A_293 = arith.constant 0 : i32
    %dma_start3A_294 = arith.constant 0 : i32
    %dma_start3A_295 = tpu.memref_slice %arg6[%dma_start3A_293, %dma_start3A_294] : memref<8192x128xf32, #tpu.memory_space<hbm>> -> memref<8192x128xf32, #tpu.memory_space<hbm>>
    tpu.enqueue_indirect_dma source(%dma_start3A_289 : memref<32x128xf32, #tpu.memory_space<vmem>>) target(%dma_start3A_295 : memref<8192x128xf32, #tpu.memory_space<hbm>>) offsets(%dma_start3A_292 : memref<32xi32, #tpu.memory_space<vmem>>) semaphore(%arg12 : memref<!tpu.dma_semaphore, #tpu.memory_space<semaphore_mem>>)
    %dma_start3A_296 = arith.constant 5 : i32
    %dma_start3A_297 = arith.constant 160 : i32
    %dma_start3A_298 = arith.constant 0 : i32
    %dma_start3A_299 = tpu.memref_slice %arg8[%dma_start3A_297, %dma_start3A_298] : memref<256x128xf32, #tpu.memory_space<vmem>> -> memref<32x128xf32, #tpu.memory_space<vmem>>
    %dma_start3A_300 = arith.constant 0 : i32
    %dma_start3A_301 = tpu.memref_slice %arg7[%dma_start3A_296, %dma_start3A_300] : memref<8x32xi32, #tpu.memory_space<vmem>> -> memref<1x32xi32, #tpu.memory_space<vmem>>
    %dma_start3A_302 = tpu.memref_squeeze %dma_start3A_301 : memref<1x32xi32, #tpu.memory_space<vmem>> -> memref<32xi32, #tpu.memory_space<vmem>>
    %dma_start3A_303 = arith.constant 0 : i32
    %dma_start3A_304 = arith.constant 0 : i32
    %dma_start3A_305 = tpu.memref_slice %arg6[%dma_start3A_303, %dma_start3A_304] : memref<8192x128xf32, #tpu.memory_space<hbm>> -> memref<8192x128xf32, #tpu.memory_space<hbm>>
    tpu.enqueue_indirect_dma source(%dma_start3A_299 : memref<32x128xf32, #tpu.memory_space<vmem>>) target(%dma_start3A_305 : memref<8192x128xf32, #tpu.memory_space<hbm>>) offsets(%dma_start3A_302 : memref<32xi32, #tpu.memory_space<vmem>>) semaphore(%arg12 : memref<!tpu.dma_semaphore, #tpu.memory_space<semaphore_mem>>)
    %dma_start3A_306 = arith.constant 6 : i32
    %dma_start3A_307 = arith.constant 192 : i32
    %dma_start3A_308 = arith.constant 0 : i32
    %dma_start3A_309 = tpu.memref_slice %arg8[%dma_start3A_307, %dma_start3A_308] : memref<256x128xf32, #tpu.memory_space<vmem>> -> memref<32x128xf32, #tpu.memory_space<vmem>>
    %dma_start3A_310 = arith.constant 0 : i32
    %dma_start3A_311 = tpu.memref_slice %arg7[%dma_start3A_306, %dma_start3A_310] : memref<8x32xi32, #tpu.memory_space<vmem>> -> memref<1x32xi32, #tpu.memory_space<vmem>>
    %dma_start3A_312 = tpu.memref_squeeze %dma_start3A_311 : memref<1x32xi32, #tpu.memory_space<vmem>> -> memref<32xi32, #tpu.memory_space<vmem>>
    %dma_start3A_313 = arith.constant 0 : i32
    %dma_start3A_314 = arith.constant 0 : i32
    %dma_start3A_315 = tpu.memref_slice %arg6[%dma_start3A_313, %dma_start3A_314] : memref<8192x128xf32, #tpu.memory_space<hbm>> -> memref<8192x128xf32, #tpu.memory_space<hbm>>
    tpu.enqueue_indirect_dma source(%dma_start3A_309 : memref<32x128xf32, #tpu.memory_space<vmem>>) target(%dma_start3A_315 : memref<8192x128xf32, #tpu.memory_space<hbm>>) offsets(%dma_start3A_312 : memref<32xi32, #tpu.memory_space<vmem>>) semaphore(%arg12 : memref<!tpu.dma_semaphore, #tpu.memory_space<semaphore_mem>>)
    %dma_start3A_316 = arith.constant 7 : i32
    %dma_start3A_317 = arith.constant 224 : i32
    %dma_start3A_318 = arith.constant 0 : i32
    %dma_start3A_319 = tpu.memref_slice %arg8[%dma_start3A_317, %dma_start3A_318] : memref<256x128xf32, #tpu.memory_space<vmem>> -> memref<32x128xf32, #tpu.memory_space<vmem>>
    %dma_start3A_320 = arith.constant 0 : i32
    %dma_start3A_321 = tpu.memref_slice %arg7[%dma_start3A_316, %dma_start3A_320] : memref<8x32xi32, #tpu.memory_space<vmem>> -> memref<1x32xi32, #tpu.memory_space<vmem>>
    %dma_start3A_322 = tpu.memref_squeeze %dma_start3A_321 : memref<1x32xi32, #tpu.memory_space<vmem>> -> memref<32xi32, #tpu.memory_space<vmem>>
    %dma_start3A_323 = arith.constant 0 : i32
    %dma_start3A_324 = arith.constant 0 : i32
    %dma_start3A_325 = tpu.memref_slice %arg6[%dma_start3A_323, %dma_start3A_324] : memref<8192x128xf32, #tpu.memory_space<hbm>> -> memref<8192x128xf32, #tpu.memory_space<hbm>>
    tpu.enqueue_indirect_dma source(%dma_start3A_319 : memref<32x128xf32, #tpu.memory_space<vmem>>) target(%dma_start3A_325 : memref<8192x128xf32, #tpu.memory_space<hbm>>) offsets(%dma_start3A_322 : memref<32xi32, #tpu.memory_space<vmem>>) semaphore(%arg12 : memref<!tpu.dma_semaphore, #tpu.memory_space<semaphore_mem>>)
    %dma_start3A_326 = arith.constant 0 : i32
    %dma_start3A_327 = arith.constant 0 : i32
    %dma_start3A_328 = tpu.memref_slice %arg9[%dma_start3A_326, %dma_start3A_327] : memref<8x32xi32, #tpu.memory_space<vmem>> -> memref<1x32xi32, #tpu.memory_space<vmem>>
    %dma_start3A_329 = tpu.memref_squeeze %dma_start3A_328 : memref<1x32xi32, #tpu.memory_space<vmem>> -> memref<32xi32, #tpu.memory_space<vmem>>
    %dma_start3A_330 = arith.constant 0 : i32
    %dma_start3A_331 = arith.constant 0 : i32
    %dma_start3A_332 = tpu.memref_slice %arg4[%dma_start3A_330, %dma_start3A_331] : memref<4096x1024xf32, #tpu.memory_space<hbm>> -> memref<4096x1024xf32, #tpu.memory_space<hbm>>
    tpu.enqueue_indirect_dma source(%dma_start3A_332 : memref<4096x1024xf32, #tpu.memory_space<hbm>>) target(%arg10 : memref<32x1024xf32, #tpu.memory_space<vmem>>) offsets(%dma_start3A_329 : memref<32xi32, #tpu.memory_space<vmem>>) semaphore(%arg13 : memref<!tpu.dma_semaphore, #tpu.memory_space<semaphore_mem>>)
    %dma_wait3A = arith.constant 0 : i32
    %dma_wait3A_333 = arith.constant 0 : i32
    %dma_wait3A_334 = tpu.memref_slice %arg9[%dma_wait3A, %dma_wait3A_333] : memref<8x32xi32, #tpu.memory_space<vmem>> -> memref<1x32xi32, #tpu.memory_space<vmem>>
    %dma_wait3A_335 = tpu.memref_squeeze %dma_wait3A_334 : memref<1x32xi32, #tpu.memory_space<vmem>> -> memref<32xi32, #tpu.memory_space<vmem>>
    %dma_wait3A_336 = arith.constant 0 : i32
    %dma_wait3A_337 = arith.constant 0 : i32
    %dma_wait3A_338 = tpu.memref_slice %arg4[%dma_wait3A_336, %dma_wait3A_337] : memref<4096x1024xf32, #tpu.memory_space<hbm>> -> memref<4096x1024xf32, #tpu.memory_space<hbm>>
    tpu.wait_indirect_dma semaphore(%arg13 : memref<!tpu.dma_semaphore, #tpu.memory_space<semaphore_mem>>) src(%dma_wait3A_338 : memref<4096x1024xf32, #tpu.memory_space<hbm>>) dst(%arg10 : memref<32x1024xf32, #tpu.memory_space<vmem>>)
    %dma_start3A_339 = arith.constant 0 : i32
    %dma_start3A_340 = arith.constant 0 : i32
    %dma_start3A_341 = tpu.memref_slice %arg7[%dma_start3A_339, %dma_start3A_340] : memref<8x32xi32, #tpu.memory_space<vmem>> -> memref<1x32xi32, #tpu.memory_space<vmem>>
    %dma_start3A_342 = tpu.memref_squeeze %dma_start3A_341 : memref<1x32xi32, #tpu.memory_space<vmem>> -> memref<32xi32, #tpu.memory_space<vmem>>
    %dma_start3A_343 = arith.constant 0 : i32
    %dma_start3A_344 = arith.constant 0 : i32
    %dma_start3A_345 = tpu.memref_slice %arg5[%dma_start3A_343, %dma_start3A_344] : memref<8192x1024xf32, #tpu.memory_space<hbm>> -> memref<8192x1024xf32, #tpu.memory_space<hbm>>
    tpu.enqueue_indirect_dma source(%arg10 : memref<32x1024xf32, #tpu.memory_space<vmem>>) target(%dma_start3A_345 : memref<8192x1024xf32, #tpu.memory_space<hbm>>) offsets(%dma_start3A_342 : memref<32xi32, #tpu.memory_space<vmem>>) semaphore(%arg14 : memref<!tpu.dma_semaphore, #tpu.memory_space<semaphore_mem>>)
    %dma_start3A_346 = arith.constant 1 : i32
    %dma_start3A_347 = arith.constant 0 : i32
    %dma_start3A_348 = tpu.memref_slice %arg9[%dma_start3A_346, %dma_start3A_347] : memref<8x32xi32, #tpu.memory_space<vmem>> -> memref<1x32xi32, #tpu.memory_space<vmem>>
    %dma_start3A_349 = tpu.memref_squeeze %dma_start3A_348 : memref<1x32xi32, #tpu.memory_space<vmem>> -> memref<32xi32, #tpu.memory_space<vmem>>
    %dma_start3A_350 = arith.constant 0 : i32
    %dma_start3A_351 = arith.constant 0 : i32
    %dma_start3A_352 = tpu.memref_slice %arg4[%dma_start3A_350, %dma_start3A_351] : memref<4096x1024xf32, #tpu.memory_space<hbm>> -> memref<4096x1024xf32, #tpu.memory_space<hbm>>
    tpu.enqueue_indirect_dma source(%dma_start3A_352 : memref<4096x1024xf32, #tpu.memory_space<hbm>>) target(%arg11 : memref<32x1024xf32, #tpu.memory_space<vmem>>) offsets(%dma_start3A_349 : memref<32xi32, #tpu.memory_space<vmem>>) semaphore(%arg13 : memref<!tpu.dma_semaphore, #tpu.memory_space<semaphore_mem>>)
    %dma_wait3A_353 = arith.constant 1 : i32
    %dma_wait3A_354 = arith.constant 0 : i32
    %dma_wait3A_355 = tpu.memref_slice %arg9[%dma_wait3A_353, %dma_wait3A_354] : memref<8x32xi32, #tpu.memory_space<vmem>> -> memref<1x32xi32, #tpu.memory_space<vmem>>
    %dma_wait3A_356 = tpu.memref_squeeze %dma_wait3A_355 : memref<1x32xi32, #tpu.memory_space<vmem>> -> memref<32xi32, #tpu.memory_space<vmem>>
    %dma_wait3A_357 = arith.constant 0 : i32
    %dma_wait3A_358 = arith.constant 0 : i32
    %dma_wait3A_359 = tpu.memref_slice %arg4[%dma_wait3A_357, %dma_wait3A_358] : memref<4096x1024xf32, #tpu.memory_space<hbm>> -> memref<4096x1024xf32, #tpu.memory_space<hbm>>
    tpu.wait_indirect_dma semaphore(%arg13 : memref<!tpu.dma_semaphore, #tpu.memory_space<semaphore_mem>>) src(%dma_wait3A_359 : memref<4096x1024xf32, #tpu.memory_space<hbm>>) dst(%arg11 : memref<32x1024xf32, #tpu.memory_space<vmem>>)
    %dma_start3A_360 = arith.constant 1 : i32
    %dma_start3A_361 = arith.constant 0 : i32
    %dma_start3A_362 = tpu.memref_slice %arg7[%dma_start3A_360, %dma_start3A_361] : memref<8x32xi32, #tpu.memory_space<vmem>> -> memref<1x32xi32, #tpu.memory_space<vmem>>
    %dma_start3A_363 = tpu.memref_squeeze %dma_start3A_362 : memref<1x32xi32, #tpu.memory_space<vmem>> -> memref<32xi32, #tpu.memory_space<vmem>>
    %dma_start3A_364 = arith.constant 0 : i32
    %dma_start3A_365 = arith.constant 0 : i32
    %dma_start3A_366 = tpu.memref_slice %arg5[%dma_start3A_364, %dma_start3A_365] : memref<8192x1024xf32, #tpu.memory_space<hbm>> -> memref<8192x1024xf32, #tpu.memory_space<hbm>>
    tpu.enqueue_indirect_dma source(%arg11 : memref<32x1024xf32, #tpu.memory_space<vmem>>) target(%dma_start3A_366 : memref<8192x1024xf32, #tpu.memory_space<hbm>>) offsets(%dma_start3A_363 : memref<32xi32, #tpu.memory_space<vmem>>) semaphore(%arg14 : memref<!tpu.dma_semaphore, #tpu.memory_space<semaphore_mem>>)
    %dma_wait3A_367 = arith.constant 0 : i32
    %dma_wait3A_368 = arith.constant 0 : i32
    %dma_wait3A_369 = tpu.memref_slice %arg7[%dma_wait3A_367, %dma_wait3A_368] : memref<8x32xi32, #tpu.memory_space<vmem>> -> memref<1x32xi32, #tpu.memory_space<vmem>>
    %dma_wait3A_370 = tpu.memref_squeeze %dma_wait3A_369 : memref<1x32xi32, #tpu.memory_space<vmem>> -> memref<32xi32, #tpu.memory_space<vmem>>
    %dma_wait3A_371 = arith.constant 0 : i32
    %dma_wait3A_372 = arith.constant 0 : i32
    %dma_wait3A_373 = tpu.memref_slice %arg5[%dma_wait3A_371, %dma_wait3A_372] : memref<8192x1024xf32, #tpu.memory_space<hbm>> -> memref<8192x1024xf32, #tpu.memory_space<hbm>>
    tpu.wait_indirect_dma semaphore(%arg14 : memref<!tpu.dma_semaphore, #tpu.memory_space<semaphore_mem>>) src(%arg10 : memref<32x1024xf32, #tpu.memory_space<vmem>>) dst(%dma_wait3A_373 : memref<8192x1024xf32, #tpu.memory_space<hbm>>)
    %dma_start3A_374 = arith.constant 2 : i32
    %dma_start3A_375 = arith.constant 0 : i32
    %dma_start3A_376 = tpu.memref_slice %arg9[%dma_start3A_374, %dma_start3A_375] : memref<8x32xi32, #tpu.memory_space<vmem>> -> memref<1x32xi32, #tpu.memory_space<vmem>>
    %dma_start3A_377 = tpu.memref_squeeze %dma_start3A_376 : memref<1x32xi32, #tpu.memory_space<vmem>> -> memref<32xi32, #tpu.memory_space<vmem>>
    %dma_start3A_378 = arith.constant 0 : i32
    %dma_start3A_379 = arith.constant 0 : i32
    %dma_start3A_380 = tpu.memref_slice %arg4[%dma_start3A_378, %dma_start3A_379] : memref<4096x1024xf32, #tpu.memory_space<hbm>> -> memref<4096x1024xf32, #tpu.memory_space<hbm>>
    tpu.enqueue_indirect_dma source(%dma_start3A_380 : memref<4096x1024xf32, #tpu.memory_space<hbm>>) target(%arg10 : memref<32x1024xf32, #tpu.memory_space<vmem>>) offsets(%dma_start3A_377 : memref<32xi32, #tpu.memory_space<vmem>>) semaphore(%arg13 : memref<!tpu.dma_semaphore, #tpu.memory_space<semaphore_mem>>)
    %dma_wait3A_381 = arith.constant 2 : i32
    %dma_wait3A_382 = arith.constant 0 : i32
    %dma_wait3A_383 = tpu.memref_slice %arg9[%dma_wait3A_381, %dma_wait3A_382] : memref<8x32xi32, #tpu.memory_space<vmem>> -> memref<1x32xi32, #tpu.memory_space<vmem>>
    %dma_wait3A_384 = tpu.memref_squeeze %dma_wait3A_383 : memref<1x32xi32, #tpu.memory_space<vmem>> -> memref<32xi32, #tpu.memory_space<vmem>>
    %dma_wait3A_385 = arith.constant 0 : i32
    %dma_wait3A_386 = arith.constant 0 : i32
    %dma_wait3A_387 = tpu.memref_slice %arg4[%dma_wait3A_385, %dma_wait3A_386] : memref<4096x1024xf32, #tpu.memory_space<hbm>> -> memref<4096x1024xf32, #tpu.memory_space<hbm>>
    tpu.wait_indirect_dma semaphore(%arg13 : memref<!tpu.dma_semaphore, #tpu.memory_space<semaphore_mem>>) src(%dma_wait3A_387 : memref<4096x1024xf32, #tpu.memory_space<hbm>>) dst(%arg10 : memref<32x1024xf32, #tpu.memory_space<vmem>>)
    %dma_start3A_388 = arith.constant 2 : i32
    %dma_start3A_389 = arith.constant 0 : i32
    %dma_start3A_390 = tpu.memref_slice %arg7[%dma_start3A_388, %dma_start3A_389] : memref<8x32xi32, #tpu.memory_space<vmem>> -> memref<1x32xi32, #tpu.memory_space<vmem>>
    %dma_start3A_391 = tpu.memref_squeeze %dma_start3A_390 : memref<1x32xi32, #tpu.memory_space<vmem>> -> memref<32xi32, #tpu.memory_space<vmem>>
    %dma_start3A_392 = arith.constant 0 : i32
    %dma_start3A_393 = arith.constant 0 : i32
    %dma_start3A_394 = tpu.memref_slice %arg5[%dma_start3A_392, %dma_start3A_393] : memref<8192x1024xf32, #tpu.memory_space<hbm>> -> memref<8192x1024xf32, #tpu.memory_space<hbm>>
    tpu.enqueue_indirect_dma source(%arg10 : memref<32x1024xf32, #tpu.memory_space<vmem>>) target(%dma_start3A_394 : memref<8192x1024xf32, #tpu.memory_space<hbm>>) offsets(%dma_start3A_391 : memref<32xi32, #tpu.memory_space<vmem>>) semaphore(%arg14 : memref<!tpu.dma_semaphore, #tpu.memory_space<semaphore_mem>>)
    %dma_wait3A_395 = arith.constant 1 : i32
    %dma_wait3A_396 = arith.constant 0 : i32
    %dma_wait3A_397 = tpu.memref_slice %arg7[%dma_wait3A_395, %dma_wait3A_396] : memref<8x32xi32, #tpu.memory_space<vmem>> -> memref<1x32xi32, #tpu.memory_space<vmem>>
    %dma_wait3A_398 = tpu.memref_squeeze %dma_wait3A_397 : memref<1x32xi32, #tpu.memory_space<vmem>> -> memref<32xi32, #tpu.memory_space<vmem>>
    %dma_wait3A_399 = arith.constant 0 : i32
    %dma_wait3A_400 = arith.constant 0 : i32
    %dma_wait3A_401 = tpu.memref_slice %arg5[%dma_wait3A_399, %dma_wait3A_400] : memref<8192x1024xf32, #tpu.memory_space<hbm>> -> memref<8192x1024xf32, #tpu.memory_space<hbm>>
    tpu.wait_indirect_dma semaphore(%arg14 : memref<!tpu.dma_semaphore, #tpu.memory_space<semaphore_mem>>) src(%arg11 : memref<32x1024xf32, #tpu.memory_space<vmem>>) dst(%dma_wait3A_401 : memref<8192x1024xf32, #tpu.memory_space<hbm>>)
    %dma_start3A_402 = arith.constant 3 : i32
    %dma_start3A_403 = arith.constant 0 : i32
    %dma_start3A_404 = tpu.memref_slice %arg9[%dma_start3A_402, %dma_start3A_403] : memref<8x32xi32, #tpu.memory_space<vmem>> -> memref<1x32xi32, #tpu.memory_space<vmem>>
    %dma_start3A_405 = tpu.memref_squeeze %dma_start3A_404 : memref<1x32xi32, #tpu.memory_space<vmem>> -> memref<32xi32, #tpu.memory_space<vmem>>
    %dma_start3A_406 = arith.constant 0 : i32
    %dma_start3A_407 = arith.constant 0 : i32
    %dma_start3A_408 = tpu.memref_slice %arg4[%dma_start3A_406, %dma_start3A_407] : memref<4096x1024xf32, #tpu.memory_space<hbm>> -> memref<4096x1024xf32, #tpu.memory_space<hbm>>
    tpu.enqueue_indirect_dma source(%dma_start3A_408 : memref<4096x1024xf32, #tpu.memory_space<hbm>>) target(%arg11 : memref<32x1024xf32, #tpu.memory_space<vmem>>) offsets(%dma_start3A_405 : memref<32xi32, #tpu.memory_space<vmem>>) semaphore(%arg13 : memref<!tpu.dma_semaphore, #tpu.memory_space<semaphore_mem>>)
    %dma_wait3A_409 = arith.constant 3 : i32
    %dma_wait3A_410 = arith.constant 0 : i32
    %dma_wait3A_411 = tpu.memref_slice %arg9[%dma_wait3A_409, %dma_wait3A_410] : memref<8x32xi32, #tpu.memory_space<vmem>> -> memref<1x32xi32, #tpu.memory_space<vmem>>
    %dma_wait3A_412 = tpu.memref_squeeze %dma_wait3A_411 : memref<1x32xi32, #tpu.memory_space<vmem>> -> memref<32xi32, #tpu.memory_space<vmem>>
    %dma_wait3A_413 = arith.constant 0 : i32
    %dma_wait3A_414 = arith.constant 0 : i32
    %dma_wait3A_415 = tpu.memref_slice %arg4[%dma_wait3A_413, %dma_wait3A_414] : memref<4096x1024xf32, #tpu.memory_space<hbm>> -> memref<4096x1024xf32, #tpu.memory_space<hbm>>
    tpu.wait_indirect_dma semaphore(%arg13 : memref<!tpu.dma_semaphore, #tpu.memory_space<semaphore_mem>>) src(%dma_wait3A_415 : memref<4096x1024xf32, #tpu.memory_space<hbm>>) dst(%arg11 : memref<32x1024xf32, #tpu.memory_space<vmem>>)
    %dma_start3A_416 = arith.constant 3 : i32
    %dma_start3A_417 = arith.constant 0 : i32
    %dma_start3A_418 = tpu.memref_slice %arg7[%dma_start3A_416, %dma_start3A_417] : memref<8x32xi32, #tpu.memory_space<vmem>> -> memref<1x32xi32, #tpu.memory_space<vmem>>
    %dma_start3A_419 = tpu.memref_squeeze %dma_start3A_418 : memref<1x32xi32, #tpu.memory_space<vmem>> -> memref<32xi32, #tpu.memory_space<vmem>>
    %dma_start3A_420 = arith.constant 0 : i32
    %dma_start3A_421 = arith.constant 0 : i32
    %dma_start3A_422 = tpu.memref_slice %arg5[%dma_start3A_420, %dma_start3A_421] : memref<8192x1024xf32, #tpu.memory_space<hbm>> -> memref<8192x1024xf32, #tpu.memory_space<hbm>>
    tpu.enqueue_indirect_dma source(%arg11 : memref<32x1024xf32, #tpu.memory_space<vmem>>) target(%dma_start3A_422 : memref<8192x1024xf32, #tpu.memory_space<hbm>>) offsets(%dma_start3A_419 : memref<32xi32, #tpu.memory_space<vmem>>) semaphore(%arg14 : memref<!tpu.dma_semaphore, #tpu.memory_space<semaphore_mem>>)
    %dma_wait3A_423 = arith.constant 2 : i32
    %dma_wait3A_424 = arith.constant 0 : i32
    %dma_wait3A_425 = tpu.memref_slice %arg7[%dma_wait3A_423, %dma_wait3A_424] : memref<8x32xi32, #tpu.memory_space<vmem>> -> memref<1x32xi32, #tpu.memory_space<vmem>>
    %dma_wait3A_426 = tpu.memref_squeeze %dma_wait3A_425 : memref<1x32xi32, #tpu.memory_space<vmem>> -> memref<32xi32, #tpu.memory_space<vmem>>
    %dma_wait3A_427 = arith.constant 0 : i32
    %dma_wait3A_428 = arith.constant 0 : i32
    %dma_wait3A_429 = tpu.memref_slice %arg5[%dma_wait3A_427, %dma_wait3A_428] : memref<8192x1024xf32, #tpu.memory_space<hbm>> -> memref<8192x1024xf32, #tpu.memory_space<hbm>>
    tpu.wait_indirect_dma semaphore(%arg14 : memref<!tpu.dma_semaphore, #tpu.memory_space<semaphore_mem>>) src(%arg10 : memref<32x1024xf32, #tpu.memory_space<vmem>>) dst(%dma_wait3A_429 : memref<8192x1024xf32, #tpu.memory_space<hbm>>)
    %dma_start3A_430 = arith.constant 4 : i32
    %dma_start3A_431 = arith.constant 0 : i32
    %dma_start3A_432 = tpu.memref_slice %arg9[%dma_start3A_430, %dma_start3A_431] : memref<8x32xi32, #tpu.memory_space<vmem>> -> memref<1x32xi32, #tpu.memory_space<vmem>>
    %dma_start3A_433 = tpu.memref_squeeze %dma_start3A_432 : memref<1x32xi32, #tpu.memory_space<vmem>> -> memref<32xi32, #tpu.memory_space<vmem>>
    %dma_start3A_434 = arith.constant 0 : i32
    %dma_start3A_435 = arith.constant 0 : i32
    %dma_start3A_436 = tpu.memref_slice %arg4[%dma_start3A_434, %dma_start3A_435] : memref<4096x1024xf32, #tpu.memory_space<hbm>> -> memref<4096x1024xf32, #tpu.memory_space<hbm>>
    tpu.enqueue_indirect_dma source(%dma_start3A_436 : memref<4096x1024xf32, #tpu.memory_space<hbm>>) target(%arg10 : memref<32x1024xf32, #tpu.memory_space<vmem>>) offsets(%dma_start3A_433 : memref<32xi32, #tpu.memory_space<vmem>>) semaphore(%arg13 : memref<!tpu.dma_semaphore, #tpu.memory_space<semaphore_mem>>)
    %dma_wait3A_437 = arith.constant 4 : i32
    %dma_wait3A_438 = arith.constant 0 : i32
    %dma_wait3A_439 = tpu.memref_slice %arg9[%dma_wait3A_437, %dma_wait3A_438] : memref<8x32xi32, #tpu.memory_space<vmem>> -> memref<1x32xi32, #tpu.memory_space<vmem>>
    %dma_wait3A_440 = tpu.memref_squeeze %dma_wait3A_439 : memref<1x32xi32, #tpu.memory_space<vmem>> -> memref<32xi32, #tpu.memory_space<vmem>>
    %dma_wait3A_441 = arith.constant 0 : i32
    %dma_wait3A_442 = arith.constant 0 : i32
    %dma_wait3A_443 = tpu.memref_slice %arg4[%dma_wait3A_441, %dma_wait3A_442] : memref<4096x1024xf32, #tpu.memory_space<hbm>> -> memref<4096x1024xf32, #tpu.memory_space<hbm>>
    tpu.wait_indirect_dma semaphore(%arg13 : memref<!tpu.dma_semaphore, #tpu.memory_space<semaphore_mem>>) src(%dma_wait3A_443 : memref<4096x1024xf32, #tpu.memory_space<hbm>>) dst(%arg10 : memref<32x1024xf32, #tpu.memory_space<vmem>>)
    %dma_start3A_444 = arith.constant 4 : i32
    %dma_start3A_445 = arith.constant 0 : i32
    %dma_start3A_446 = tpu.memref_slice %arg7[%dma_start3A_444, %dma_start3A_445] : memref<8x32xi32, #tpu.memory_space<vmem>> -> memref<1x32xi32, #tpu.memory_space<vmem>>
    %dma_start3A_447 = tpu.memref_squeeze %dma_start3A_446 : memref<1x32xi32, #tpu.memory_space<vmem>> -> memref<32xi32, #tpu.memory_space<vmem>>
    %dma_start3A_448 = arith.constant 0 : i32
    %dma_start3A_449 = arith.constant 0 : i32
    %dma_start3A_450 = tpu.memref_slice %arg5[%dma_start3A_448, %dma_start3A_449] : memref<8192x1024xf32, #tpu.memory_space<hbm>> -> memref<8192x1024xf32, #tpu.memory_space<hbm>>
    tpu.enqueue_indirect_dma source(%arg10 : memref<32x1024xf32, #tpu.memory_space<vmem>>) target(%dma_start3A_450 : memref<8192x1024xf32, #tpu.memory_space<hbm>>) offsets(%dma_start3A_447 : memref<32xi32, #tpu.memory_space<vmem>>) semaphore(%arg14 : memref<!tpu.dma_semaphore, #tpu.memory_space<semaphore_mem>>)
    %dma_wait3A_451 = arith.constant 3 : i32
    %dma_wait3A_452 = arith.constant 0 : i32
    %dma_wait3A_453 = tpu.memref_slice %arg7[%dma_wait3A_451, %dma_wait3A_452] : memref<8x32xi32, #tpu.memory_space<vmem>> -> memref<1x32xi32, #tpu.memory_space<vmem>>
    %dma_wait3A_454 = tpu.memref_squeeze %dma_wait3A_453 : memref<1x32xi32, #tpu.memory_space<vmem>> -> memref<32xi32, #tpu.memory_space<vmem>>
    %dma_wait3A_455 = arith.constant 0 : i32
    %dma_wait3A_456 = arith.constant 0 : i32
    %dma_wait3A_457 = tpu.memref_slice %arg5[%dma_wait3A_455, %dma_wait3A_456] : memref<8192x1024xf32, #tpu.memory_space<hbm>> -> memref<8192x1024xf32, #tpu.memory_space<hbm>>
    tpu.wait_indirect_dma semaphore(%arg14 : memref<!tpu.dma_semaphore, #tpu.memory_space<semaphore_mem>>) src(%arg11 : memref<32x1024xf32, #tpu.memory_space<vmem>>) dst(%dma_wait3A_457 : memref<8192x1024xf32, #tpu.memory_space<hbm>>)
    %dma_start3A_458 = arith.constant 5 : i32
    %dma_start3A_459 = arith.constant 0 : i32
    %dma_start3A_460 = tpu.memref_slice %arg9[%dma_start3A_458, %dma_start3A_459] : memref<8x32xi32, #tpu.memory_space<vmem>> -> memref<1x32xi32, #tpu.memory_space<vmem>>
    %dma_start3A_461 = tpu.memref_squeeze %dma_start3A_460 : memref<1x32xi32, #tpu.memory_space<vmem>> -> memref<32xi32, #tpu.memory_space<vmem>>
    %dma_start3A_462 = arith.constant 0 : i32
    %dma_start3A_463 = arith.constant 0 : i32
    %dma_start3A_464 = tpu.memref_slice %arg4[%dma_start3A_462, %dma_start3A_463] : memref<4096x1024xf32, #tpu.memory_space<hbm>> -> memref<4096x1024xf32, #tpu.memory_space<hbm>>
    tpu.enqueue_indirect_dma source(%dma_start3A_464 : memref<4096x1024xf32, #tpu.memory_space<hbm>>) target(%arg11 : memref<32x1024xf32, #tpu.memory_space<vmem>>) offsets(%dma_start3A_461 : memref<32xi32, #tpu.memory_space<vmem>>) semaphore(%arg13 : memref<!tpu.dma_semaphore, #tpu.memory_space<semaphore_mem>>)
    %dma_wait3A_465 = arith.constant 5 : i32
    %dma_wait3A_466 = arith.constant 0 : i32
    %dma_wait3A_467 = tpu.memref_slice %arg9[%dma_wait3A_465, %dma_wait3A_466] : memref<8x32xi32, #tpu.memory_space<vmem>> -> memref<1x32xi32, #tpu.memory_space<vmem>>
    %dma_wait3A_468 = tpu.memref_squeeze %dma_wait3A_467 : memref<1x32xi32, #tpu.memory_space<vmem>> -> memref<32xi32, #tpu.memory_space<vmem>>
    %dma_wait3A_469 = arith.constant 0 : i32
    %dma_wait3A_470 = arith.constant 0 : i32
    %dma_wait3A_471 = tpu.memref_slice %arg4[%dma_wait3A_469, %dma_wait3A_470] : memref<4096x1024xf32, #tpu.memory_space<hbm>> -> memref<4096x1024xf32, #tpu.memory_space<hbm>>
    tpu.wait_indirect_dma semaphore(%arg13 : memref<!tpu.dma_semaphore, #tpu.memory_space<semaphore_mem>>) src(%dma_wait3A_471 : memref<4096x1024xf32, #tpu.memory_space<hbm>>) dst(%arg11 : memref<32x1024xf32, #tpu.memory_space<vmem>>)
    %dma_start3A_472 = arith.constant 5 : i32
    %dma_start3A_473 = arith.constant 0 : i32
    %dma_start3A_474 = tpu.memref_slice %arg7[%dma_start3A_472, %dma_start3A_473] : memref<8x32xi32, #tpu.memory_space<vmem>> -> memref<1x32xi32, #tpu.memory_space<vmem>>
    %dma_start3A_475 = tpu.memref_squeeze %dma_start3A_474 : memref<1x32xi32, #tpu.memory_space<vmem>> -> memref<32xi32, #tpu.memory_space<vmem>>
    %dma_start3A_476 = arith.constant 0 : i32
    %dma_start3A_477 = arith.constant 0 : i32
    %dma_start3A_478 = tpu.memref_slice %arg5[%dma_start3A_476, %dma_start3A_477] : memref<8192x1024xf32, #tpu.memory_space<hbm>> -> memref<8192x1024xf32, #tpu.memory_space<hbm>>
    tpu.enqueue_indirect_dma source(%arg11 : memref<32x1024xf32, #tpu.memory_space<vmem>>) target(%dma_start3A_478 : memref<8192x1024xf32, #tpu.memory_space<hbm>>) offsets(%dma_start3A_475 : memref<32xi32, #tpu.memory_space<vmem>>) semaphore(%arg14 : memref<!tpu.dma_semaphore, #tpu.memory_space<semaphore_mem>>)
    %dma_wait3A_479 = arith.constant 4 : i32
    %dma_wait3A_480 = arith.constant 0 : i32
    %dma_wait3A_481 = tpu.memref_slice %arg7[%dma_wait3A_479, %dma_wait3A_480] : memref<8x32xi32, #tpu.memory_space<vmem>> -> memref<1x32xi32, #tpu.memory_space<vmem>>
    %dma_wait3A_482 = tpu.memref_squeeze %dma_wait3A_481 : memref<1x32xi32, #tpu.memory_space<vmem>> -> memref<32xi32, #tpu.memory_space<vmem>>
    %dma_wait3A_483 = arith.constant 0 : i32
    %dma_wait3A_484 = arith.constant 0 : i32
    %dma_wait3A_485 = tpu.memref_slice %arg5[%dma_wait3A_483, %dma_wait3A_484] : memref<8192x1024xf32, #tpu.memory_space<hbm>> -> memref<8192x1024xf32, #tpu.memory_space<hbm>>
    tpu.wait_indirect_dma semaphore(%arg14 : memref<!tpu.dma_semaphore, #tpu.memory_space<semaphore_mem>>) src(%arg10 : memref<32x1024xf32, #tpu.memory_space<vmem>>) dst(%dma_wait3A_485 : memref<8192x1024xf32, #tpu.memory_space<hbm>>)
    %dma_start3A_486 = arith.constant 6 : i32
    %dma_start3A_487 = arith.constant 0 : i32
    %dma_start3A_488 = tpu.memref_slice %arg9[%dma_start3A_486, %dma_start3A_487] : memref<8x32xi32, #tpu.memory_space<vmem>> -> memref<1x32xi32, #tpu.memory_space<vmem>>
    %dma_start3A_489 = tpu.memref_squeeze %dma_start3A_488 : memref<1x32xi32, #tpu.memory_space<vmem>> -> memref<32xi32, #tpu.memory_space<vmem>>
    %dma_start3A_490 = arith.constant 0 : i32
    %dma_start3A_491 = arith.constant 0 : i32
    %dma_start3A_492 = tpu.memref_slice %arg4[%dma_start3A_490, %dma_start3A_491] : memref<4096x1024xf32, #tpu.memory_space<hbm>> -> memref<4096x1024xf32, #tpu.memory_space<hbm>>
    tpu.enqueue_indirect_dma source(%dma_start3A_492 : memref<4096x1024xf32, #tpu.memory_space<hbm>>) target(%arg10 : memref<32x1024xf32, #tpu.memory_space<vmem>>) offsets(%dma_start3A_489 : memref<32xi32, #tpu.memory_space<vmem>>) semaphore(%arg13 : memref<!tpu.dma_semaphore, #tpu.memory_space<semaphore_mem>>)
    %dma_wait3A_493 = arith.constant 6 : i32
    %dma_wait3A_494 = arith.constant 0 : i32
    %dma_wait3A_495 = tpu.memref_slice %arg9[%dma_wait3A_493, %dma_wait3A_494] : memref<8x32xi32, #tpu.memory_space<vmem>> -> memref<1x32xi32, #tpu.memory_space<vmem>>
    %dma_wait3A_496 = tpu.memref_squeeze %dma_wait3A_495 : memref<1x32xi32, #tpu.memory_space<vmem>> -> memref<32xi32, #tpu.memory_space<vmem>>
    %dma_wait3A_497 = arith.constant 0 : i32
    %dma_wait3A_498 = arith.constant 0 : i32
    %dma_wait3A_499 = tpu.memref_slice %arg4[%dma_wait3A_497, %dma_wait3A_498] : memref<4096x1024xf32, #tpu.memory_space<hbm>> -> memref<4096x1024xf32, #tpu.memory_space<hbm>>
    tpu.wait_indirect_dma semaphore(%arg13 : memref<!tpu.dma_semaphore, #tpu.memory_space<semaphore_mem>>) src(%dma_wait3A_499 : memref<4096x1024xf32, #tpu.memory_space<hbm>>) dst(%arg10 : memref<32x1024xf32, #tpu.memory_space<vmem>>)
    %dma_start3A_500 = arith.constant 6 : i32
    %dma_start3A_501 = arith.constant 0 : i32
    %dma_start3A_502 = tpu.memref_slice %arg7[%dma_start3A_500, %dma_start3A_501] : memref<8x32xi32, #tpu.memory_space<vmem>> -> memref<1x32xi32, #tpu.memory_space<vmem>>
    %dma_start3A_503 = tpu.memref_squeeze %dma_start3A_502 : memref<1x32xi32, #tpu.memory_space<vmem>> -> memref<32xi32, #tpu.memory_space<vmem>>
    %dma_start3A_504 = arith.constant 0 : i32
    %dma_start3A_505 = arith.constant 0 : i32
    %dma_start3A_506 = tpu.memref_slice %arg5[%dma_start3A_504, %dma_start3A_505] : memref<8192x1024xf32, #tpu.memory_space<hbm>> -> memref<8192x1024xf32, #tpu.memory_space<hbm>>
    tpu.enqueue_indirect_dma source(%arg10 : memref<32x1024xf32, #tpu.memory_space<vmem>>) target(%dma_start3A_506 : memref<8192x1024xf32, #tpu.memory_space<hbm>>) offsets(%dma_start3A_503 : memref<32xi32, #tpu.memory_space<vmem>>) semaphore(%arg14 : memref<!tpu.dma_semaphore, #tpu.memory_space<semaphore_mem>>)
    %dma_wait3A_507 = arith.constant 5 : i32
    %dma_wait3A_508 = arith.constant 0 : i32
    %dma_wait3A_509 = tpu.memref_slice %arg7[%dma_wait3A_507, %dma_wait3A_508] : memref<8x32xi32, #tpu.memory_space<vmem>> -> memref<1x32xi32, #tpu.memory_space<vmem>>
    %dma_wait3A_510 = tpu.memref_squeeze %dma_wait3A_509 : memref<1x32xi32, #tpu.memory_space<vmem>> -> memref<32xi32, #tpu.memory_space<vmem>>
    %dma_wait3A_511 = arith.constant 0 : i32
    %dma_wait3A_512 = arith.constant 0 : i32
    %dma_wait3A_513 = tpu.memref_slice %arg5[%dma_wait3A_511, %dma_wait3A_512] : memref<8192x1024xf32, #tpu.memory_space<hbm>> -> memref<8192x1024xf32, #tpu.memory_space<hbm>>
    tpu.wait_indirect_dma semaphore(%arg14 : memref<!tpu.dma_semaphore, #tpu.memory_space<semaphore_mem>>) src(%arg11 : memref<32x1024xf32, #tpu.memory_space<vmem>>) dst(%dma_wait3A_513 : memref<8192x1024xf32, #tpu.memory_space<hbm>>)
    %dma_start3A_514 = arith.constant 7 : i32
    %dma_start3A_515 = arith.constant 0 : i32
    %dma_start3A_516 = tpu.memref_slice %arg9[%dma_start3A_514, %dma_start3A_515] : memref<8x32xi32, #tpu.memory_space<vmem>> -> memref<1x32xi32, #tpu.memory_space<vmem>>
    %dma_start3A_517 = tpu.memref_squeeze %dma_start3A_516 : memref<1x32xi32, #tpu.memory_space<vmem>> -> memref<32xi32, #tpu.memory_space<vmem>>
    %dma_start3A_518 = arith.constant 0 : i32
    %dma_start3A_519 = arith.constant 0 : i32
    %dma_start3A_520 = tpu.memref_slice %arg4[%dma_start3A_518, %dma_start3A_519] : memref<4096x1024xf32, #tpu.memory_space<hbm>> -> memref<4096x1024xf32, #tpu.memory_space<hbm>>
    tpu.enqueue_indirect_dma source(%dma_start3A_520 : memref<4096x1024xf32, #tpu.memory_space<hbm>>) target(%arg11 : memref<32x1024xf32, #tpu.memory_space<vmem>>) offsets(%dma_start3A_517 : memref<32xi32, #tpu.memory_space<vmem>>) semaphore(%arg13 : memref<!tpu.dma_semaphore, #tpu.memory_space<semaphore_mem>>)
    %dma_wait3A_521 = arith.constant 7 : i32
    %dma_wait3A_522 = arith.constant 0 : i32
    %dma_wait3A_523 = tpu.memref_slice %arg9[%dma_wait3A_521, %dma_wait3A_522] : memref<8x32xi32, #tpu.memory_space<vmem>> -> memref<1x32xi32, #tpu.memory_space<vmem>>
    %dma_wait3A_524 = tpu.memref_squeeze %dma_wait3A_523 : memref<1x32xi32, #tpu.memory_space<vmem>> -> memref<32xi32, #tpu.memory_space<vmem>>
    %dma_wait3A_525 = arith.constant 0 : i32
    %dma_wait3A_526 = arith.constant 0 : i32
    %dma_wait3A_527 = tpu.memref_slice %arg4[%dma_wait3A_525, %dma_wait3A_526] : memref<4096x1024xf32, #tpu.memory_space<hbm>> -> memref<4096x1024xf32, #tpu.memory_space<hbm>>
    tpu.wait_indirect_dma semaphore(%arg13 : memref<!tpu.dma_semaphore, #tpu.memory_space<semaphore_mem>>) src(%dma_wait3A_527 : memref<4096x1024xf32, #tpu.memory_space<hbm>>) dst(%arg11 : memref<32x1024xf32, #tpu.memory_space<vmem>>)
    %dma_start3A_528 = arith.constant 7 : i32
    %dma_start3A_529 = arith.constant 0 : i32
    %dma_start3A_530 = tpu.memref_slice %arg7[%dma_start3A_528, %dma_start3A_529] : memref<8x32xi32, #tpu.memory_space<vmem>> -> memref<1x32xi32, #tpu.memory_space<vmem>>
    %dma_start3A_531 = tpu.memref_squeeze %dma_start3A_530 : memref<1x32xi32, #tpu.memory_space<vmem>> -> memref<32xi32, #tpu.memory_space<vmem>>
    %dma_start3A_532 = arith.constant 0 : i32
    %dma_start3A_533 = arith.constant 0 : i32
    %dma_start3A_534 = tpu.memref_slice %arg5[%dma_start3A_532, %dma_start3A_533] : memref<8192x1024xf32, #tpu.memory_space<hbm>> -> memref<8192x1024xf32, #tpu.memory_space<hbm>>
    tpu.enqueue_indirect_dma source(%arg11 : memref<32x1024xf32, #tpu.memory_space<vmem>>) target(%dma_start3A_534 : memref<8192x1024xf32, #tpu.memory_space<hbm>>) offsets(%dma_start3A_531 : memref<32xi32, #tpu.memory_space<vmem>>) semaphore(%arg14 : memref<!tpu.dma_semaphore, #tpu.memory_space<semaphore_mem>>)
    %dma_wait3A_535 = arith.constant 7 : i32
    %dma_wait3A_536 = arith.constant 0 : i32
    %dma_wait3A_537 = tpu.memref_slice %arg7[%dma_wait3A_535, %dma_wait3A_536] : memref<8x32xi32, #tpu.memory_space<vmem>> -> memref<1x32xi32, #tpu.memory_space<vmem>>
    %dma_wait3A_538 = tpu.memref_squeeze %dma_wait3A_537 : memref<1x32xi32, #tpu.memory_space<vmem>> -> memref<32xi32, #tpu.memory_space<vmem>>
    %dma_wait3A_539 = arith.constant 0 : i32
    %dma_wait3A_540 = arith.constant 0 : i32
    %dma_wait3A_541 = tpu.memref_slice %arg5[%dma_wait3A_539, %dma_wait3A_540] : memref<8192x1024xf32, #tpu.memory_space<hbm>> -> memref<8192x1024xf32, #tpu.memory_space<hbm>>
    tpu.wait_indirect_dma semaphore(%arg14 : memref<!tpu.dma_semaphore, #tpu.memory_space<semaphore_mem>>) src(%arg11 : memref<32x1024xf32, #tpu.memory_space<vmem>>) dst(%dma_wait3A_541 : memref<8192x1024xf32, #tpu.memory_space<hbm>>)
    %dma_wait3A_542 = arith.constant 6 : i32
    %dma_wait3A_543 = arith.constant 0 : i32
    %dma_wait3A_544 = tpu.memref_slice %arg7[%dma_wait3A_542, %dma_wait3A_543] : memref<8x32xi32, #tpu.memory_space<vmem>> -> memref<1x32xi32, #tpu.memory_space<vmem>>
    %dma_wait3A_545 = tpu.memref_squeeze %dma_wait3A_544 : memref<1x32xi32, #tpu.memory_space<vmem>> -> memref<32xi32, #tpu.memory_space<vmem>>
    %dma_wait3A_546 = arith.constant 0 : i32
    %dma_wait3A_547 = arith.constant 0 : i32
    %dma_wait3A_548 = tpu.memref_slice %arg5[%dma_wait3A_546, %dma_wait3A_547] : memref<8192x1024xf32, #tpu.memory_space<hbm>> -> memref<8192x1024xf32, #tpu.memory_space<hbm>>
    tpu.wait_indirect_dma semaphore(%arg14 : memref<!tpu.dma_semaphore, #tpu.memory_space<semaphore_mem>>) src(%arg10 : memref<32x1024xf32, #tpu.memory_space<vmem>>) dst(%dma_wait3A_548 : memref<8192x1024xf32, #tpu.memory_space<hbm>>)
    %dma_wait3A_549 = arith.constant 0 : i32
    %dma_wait3A_550 = arith.constant 0 : i32
    %dma_wait3A_551 = arith.constant 0 : i32
    %dma_wait3A_552 = tpu.memref_slice %arg8[%dma_wait3A_550, %dma_wait3A_551] : memref<256x128xf32, #tpu.memory_space<vmem>> -> memref<32x128xf32, #tpu.memory_space<vmem>>
    %dma_wait3A_553 = arith.constant 0 : i32
    %dma_wait3A_554 = tpu.memref_slice %arg7[%dma_wait3A_549, %dma_wait3A_553] : memref<8x32xi32, #tpu.memory_space<vmem>> -> memref<1x32xi32, #tpu.memory_space<vmem>>
    %dma_wait3A_555 = tpu.memref_squeeze %dma_wait3A_554 : memref<1x32xi32, #tpu.memory_space<vmem>> -> memref<32xi32, #tpu.memory_space<vmem>>
    %dma_wait3A_556 = arith.constant 0 : i32
    %dma_wait3A_557 = arith.constant 0 : i32
    %dma_wait3A_558 = tpu.memref_slice %arg6[%dma_wait3A_556, %dma_wait3A_557] : memref<8192x128xf32, #tpu.memory_space<hbm>> -> memref<8192x128xf32, #tpu.memory_space<hbm>>
    tpu.wait_indirect_dma semaphore(%arg12 : memref<!tpu.dma_semaphore, #tpu.memory_space<semaphore_mem>>) src(%dma_wait3A_552 : memref<32x128xf32, #tpu.memory_space<vmem>>) dst(%dma_wait3A_558 : memref<8192x128xf32, #tpu.memory_space<hbm>>)
    %dma_wait3A_559 = arith.constant 1 : i32
    %dma_wait3A_560 = arith.constant 32 : i32
    %dma_wait3A_561 = arith.constant 0 : i32
    %dma_wait3A_562 = tpu.memref_slice %arg8[%dma_wait3A_560, %dma_wait3A_561] : memref<256x128xf32, #tpu.memory_space<vmem>> -> memref<32x128xf32, #tpu.memory_space<vmem>>
    %dma_wait3A_563 = arith.constant 0 : i32
    %dma_wait3A_564 = tpu.memref_slice %arg7[%dma_wait3A_559, %dma_wait3A_563] : memref<8x32xi32, #tpu.memory_space<vmem>> -> memref<1x32xi32, #tpu.memory_space<vmem>>
    %dma_wait3A_565 = tpu.memref_squeeze %dma_wait3A_564 : memref<1x32xi32, #tpu.memory_space<vmem>> -> memref<32xi32, #tpu.memory_space<vmem>>
    %dma_wait3A_566 = arith.constant 0 : i32
    %dma_wait3A_567 = arith.constant 0 : i32
    %dma_wait3A_568 = tpu.memref_slice %arg6[%dma_wait3A_566, %dma_wait3A_567] : memref<8192x128xf32, #tpu.memory_space<hbm>> -> memref<8192x128xf32, #tpu.memory_space<hbm>>
    tpu.wait_indirect_dma semaphore(%arg12 : memref<!tpu.dma_semaphore, #tpu.memory_space<semaphore_mem>>) src(%dma_wait3A_562 : memref<32x128xf32, #tpu.memory_space<vmem>>) dst(%dma_wait3A_568 : memref<8192x128xf32, #tpu.memory_space<hbm>>)
    %dma_wait3A_569 = arith.constant 2 : i32
    %dma_wait3A_570 = arith.constant 64 : i32
    %dma_wait3A_571 = arith.constant 0 : i32
    %dma_wait3A_572 = tpu.memref_slice %arg8[%dma_wait3A_570, %dma_wait3A_571] : memref<256x128xf32, #tpu.memory_space<vmem>> -> memref<32x128xf32, #tpu.memory_space<vmem>>
    %dma_wait3A_573 = arith.constant 0 : i32
    %dma_wait3A_574 = tpu.memref_slice %arg7[%dma_wait3A_569, %dma_wait3A_573] : memref<8x32xi32, #tpu.memory_space<vmem>> -> memref<1x32xi32, #tpu.memory_space<vmem>>
    %dma_wait3A_575 = tpu.memref_squeeze %dma_wait3A_574 : memref<1x32xi32, #tpu.memory_space<vmem>> -> memref<32xi32, #tpu.memory_space<vmem>>
    %dma_wait3A_576 = arith.constant 0 : i32
    %dma_wait3A_577 = arith.constant 0 : i32
    %dma_wait3A_578 = tpu.memref_slice %arg6[%dma_wait3A_576, %dma_wait3A_577] : memref<8192x128xf32, #tpu.memory_space<hbm>> -> memref<8192x128xf32, #tpu.memory_space<hbm>>
    tpu.wait_indirect_dma semaphore(%arg12 : memref<!tpu.dma_semaphore, #tpu.memory_space<semaphore_mem>>) src(%dma_wait3A_572 : memref<32x128xf32, #tpu.memory_space<vmem>>) dst(%dma_wait3A_578 : memref<8192x128xf32, #tpu.memory_space<hbm>>)
    %dma_wait3A_579 = arith.constant 3 : i32
    %dma_wait3A_580 = arith.constant 96 : i32
    %dma_wait3A_581 = arith.constant 0 : i32
    %dma_wait3A_582 = tpu.memref_slice %arg8[%dma_wait3A_580, %dma_wait3A_581] : memref<256x128xf32, #tpu.memory_space<vmem>> -> memref<32x128xf32, #tpu.memory_space<vmem>>
    %dma_wait3A_583 = arith.constant 0 : i32
    %dma_wait3A_584 = tpu.memref_slice %arg7[%dma_wait3A_579, %dma_wait3A_583] : memref<8x32xi32, #tpu.memory_space<vmem>> -> memref<1x32xi32, #tpu.memory_space<vmem>>
    %dma_wait3A_585 = tpu.memref_squeeze %dma_wait3A_584 : memref<1x32xi32, #tpu.memory_space<vmem>> -> memref<32xi32, #tpu.memory_space<vmem>>
    %dma_wait3A_586 = arith.constant 0 : i32
    %dma_wait3A_587 = arith.constant 0 : i32
    %dma_wait3A_588 = tpu.memref_slice %arg6[%dma_wait3A_586, %dma_wait3A_587] : memref<8192x128xf32, #tpu.memory_space<hbm>> -> memref<8192x128xf32, #tpu.memory_space<hbm>>
    tpu.wait_indirect_dma semaphore(%arg12 : memref<!tpu.dma_semaphore, #tpu.memory_space<semaphore_mem>>) src(%dma_wait3A_582 : memref<32x128xf32, #tpu.memory_space<vmem>>) dst(%dma_wait3A_588 : memref<8192x128xf32, #tpu.memory_space<hbm>>)
    %dma_wait3A_589 = arith.constant 4 : i32
    %dma_wait3A_590 = arith.constant 128 : i32
    %dma_wait3A_591 = arith.constant 0 : i32
    %dma_wait3A_592 = tpu.memref_slice %arg8[%dma_wait3A_590, %dma_wait3A_591] : memref<256x128xf32, #tpu.memory_space<vmem>> -> memref<32x128xf32, #tpu.memory_space<vmem>>
    %dma_wait3A_593 = arith.constant 0 : i32
    %dma_wait3A_594 = tpu.memref_slice %arg7[%dma_wait3A_589, %dma_wait3A_593] : memref<8x32xi32, #tpu.memory_space<vmem>> -> memref<1x32xi32, #tpu.memory_space<vmem>>
    %dma_wait3A_595 = tpu.memref_squeeze %dma_wait3A_594 : memref<1x32xi32, #tpu.memory_space<vmem>> -> memref<32xi32, #tpu.memory_space<vmem>>
    %dma_wait3A_596 = arith.constant 0 : i32
    %dma_wait3A_597 = arith.constant 0 : i32
    %dma_wait3A_598 = tpu.memref_slice %arg6[%dma_wait3A_596, %dma_wait3A_597] : memref<8192x128xf32, #tpu.memory_space<hbm>> -> memref<8192x128xf32, #tpu.memory_space<hbm>>
    tpu.wait_indirect_dma semaphore(%arg12 : memref<!tpu.dma_semaphore, #tpu.memory_space<semaphore_mem>>) src(%dma_wait3A_592 : memref<32x128xf32, #tpu.memory_space<vmem>>) dst(%dma_wait3A_598 : memref<8192x128xf32, #tpu.memory_space<hbm>>)
    %dma_wait3A_599 = arith.constant 5 : i32
    %dma_wait3A_600 = arith.constant 160 : i32
    %dma_wait3A_601 = arith.constant 0 : i32
    %dma_wait3A_602 = tpu.memref_slice %arg8[%dma_wait3A_600, %dma_wait3A_601] : memref<256x128xf32, #tpu.memory_space<vmem>> -> memref<32x128xf32, #tpu.memory_space<vmem>>
    %dma_wait3A_603 = arith.constant 0 : i32
    %dma_wait3A_604 = tpu.memref_slice %arg7[%dma_wait3A_599, %dma_wait3A_603] : memref<8x32xi32, #tpu.memory_space<vmem>> -> memref<1x32xi32, #tpu.memory_space<vmem>>
    %dma_wait3A_605 = tpu.memref_squeeze %dma_wait3A_604 : memref<1x32xi32, #tpu.memory_space<vmem>> -> memref<32xi32, #tpu.memory_space<vmem>>
    %dma_wait3A_606 = arith.constant 0 : i32
    %dma_wait3A_607 = arith.constant 0 : i32
    %dma_wait3A_608 = tpu.memref_slice %arg6[%dma_wait3A_606, %dma_wait3A_607] : memref<8192x128xf32, #tpu.memory_space<hbm>> -> memref<8192x128xf32, #tpu.memory_space<hbm>>
    tpu.wait_indirect_dma semaphore(%arg12 : memref<!tpu.dma_semaphore, #tpu.memory_space<semaphore_mem>>) src(%dma_wait3A_602 : memref<32x128xf32, #tpu.memory_space<vmem>>) dst(%dma_wait3A_608 : memref<8192x128xf32, #tpu.memory_space<hbm>>)
    %dma_wait3A_609 = arith.constant 6 : i32
    %dma_wait3A_610 = arith.constant 192 : i32
    %dma_wait3A_611 = arith.constant 0 : i32
    %dma_wait3A_612 = tpu.memref_slice %arg8[%dma_wait3A_610, %dma_wait3A_611] : memref<256x128xf32, #tpu.memory_space<vmem>> -> memref<32x128xf32, #tpu.memory_space<vmem>>
    %dma_wait3A_613 = arith.constant 0 : i32
    %dma_wait3A_614 = tpu.memref_slice %arg7[%dma_wait3A_609, %dma_wait3A_613] : memref<8x32xi32, #tpu.memory_space<vmem>> -> memref<1x32xi32, #tpu.memory_space<vmem>>
    %dma_wait3A_615 = tpu.memref_squeeze %dma_wait3A_614 : memref<1x32xi32, #tpu.memory_space<vmem>> -> memref<32xi32, #tpu.memory_space<vmem>>
    %dma_wait3A_616 = arith.constant 0 : i32
    %dma_wait3A_617 = arith.constant 0 : i32
    %dma_wait3A_618 = tpu.memref_slice %arg6[%dma_wait3A_616, %dma_wait3A_617] : memref<8192x128xf32, #tpu.memory_space<hbm>> -> memref<8192x128xf32, #tpu.memory_space<hbm>>
    tpu.wait_indirect_dma semaphore(%arg12 : memref<!tpu.dma_semaphore, #tpu.memory_space<semaphore_mem>>) src(%dma_wait3A_612 : memref<32x128xf32, #tpu.memory_space<vmem>>) dst(%dma_wait3A_618 : memref<8192x128xf32, #tpu.memory_space<hbm>>)
    %dma_wait3A_619 = arith.constant 7 : i32
    %dma_wait3A_620 = arith.constant 224 : i32
    %dma_wait3A_621 = arith.constant 0 : i32
    %dma_wait3A_622 = tpu.memref_slice %arg8[%dma_wait3A_620, %dma_wait3A_621] : memref<256x128xf32, #tpu.memory_space<vmem>> -> memref<32x128xf32, #tpu.memory_space<vmem>>
    %dma_wait3A_623 = arith.constant 0 : i32
    %dma_wait3A_624 = tpu.memref_slice %arg7[%dma_wait3A_619, %dma_wait3A_623] : memref<8x32xi32, #tpu.memory_space<vmem>> -> memref<1x32xi32, #tpu.memory_space<vmem>>
    %dma_wait3A_625 = tpu.memref_squeeze %dma_wait3A_624 : memref<1x32xi32, #tpu.memory_space<vmem>> -> memref<32xi32, #tpu.memory_space<vmem>>
    %dma_wait3A_626 = arith.constant 0 : i32
    %dma_wait3A_627 = arith.constant 0 : i32
    %dma_wait3A_628 = tpu.memref_slice %arg6[%dma_wait3A_626, %dma_wait3A_627] : memref<8192x128xf32, #tpu.memory_space<hbm>> -> memref<8192x128xf32, #tpu.memory_space<hbm>>
    tpu.wait_indirect_dma semaphore(%arg12 : memref<!tpu.dma_semaphore, #tpu.memory_space<semaphore_mem>>) src(%dma_wait3A_622 : memref<32x128xf32, #tpu.memory_space<vmem>>) dst(%dma_wait3A_628 : memref<8192x128xf32, #tpu.memory_space<hbm>>)
    return
  }
}

module attributes {stable_mosaic.version = 14 : i64} {
  func.func @_router_body(%arg0: i32, %arg1: memref<512x1024xf32, #tpu.memory_space<vmem>>, %arg2: memref<1024x16xf32, #tpu.memory_space<vmem>>, %arg3: memref<512x2xf32, #tpu.memory_space<vmem>>, %arg4: memref<512x2xi32, #tpu.memory_space<vmem>>, %arg5: memref<512x2xi32, #tpu.memory_space<vmem>>, %arg6: memref<1x16xi32, #tpu.memory_space<vmem>>, %arg7: memref<1x16xi32, #tpu.memory_space<vmem>>, %arg8: memref<1x16xf32, #tpu.memory_space<vmem>>) attributes {dimension_semantics = [#tpu.dimension_semantics<arbitrary>], iteration_bounds = array<i64: 8>, scalar_prefetch = 0 : i64, scratch_operands = 1 : i64, tpu.core_type = #tpu.core_type<tc>, window_params = [{transform_indices = @transform_0, window_bounds = array<i64: 512, 1024>}, {pipeline_mode = #tpu.pipeline_mode<synchronous>, transform_indices = @transform_1, window_bounds = array<i64: 1024, 16>}, {transform_indices = @transform_2, window_bounds = array<i64: 512, 2>}, {transform_indices = @transform_3, window_bounds = array<i64: 512, 2>}, {transform_indices = @transform_4, window_bounds = array<i64: 512, 2>}, {pipeline_mode = #tpu.pipeline_mode<synchronous>, transform_indices = @transform_5, window_bounds = array<i64: 1, 16>}, {pipeline_mode = #tpu.pipeline_mode<synchronous>, transform_indices = @transform_6, window_bounds = array<i64: 1, 16>}]} {
    %eq3A = arith.constant 0 : i32
    %eq3A_0 = arith.cmpi eq, %arg0, %eq3A : i32
    %convert_element_type3A = arith.extui %eq3A_0 : i1 to i32
    %cond3A = arith.constant 0 : i32
    %cond3A_1 = arith.cmpi ne, %convert_element_type3A, %cond3A : i32
    scf.if %cond3A_1 {
      %broadcast_in_dim3A_97 = arith.constant 0.000000e+00 : f32
      %broadcast_in_dim3A_98 = vector.broadcast %broadcast_in_dim3A_97 : f32 to vector<1x16xf32>
      %swap3A_99 = arith.constant 0 : index
      %swap3A_100 = arith.constant 0 : index
      %swap3A_101 = vector.load %arg8[%swap3A_99, %swap3A_100] : memref<1x16xf32, #tpu.memory_space<vmem>>, vector<1x16xf32>
      tpu.vector_store %arg8[%swap3A_99, %swap3A_100], %broadcast_in_dim3A_98 {strides = array<i32>} : memref<1x16xf32, #tpu.memory_space<vmem>>, vector<1x16xf32>,
    } else {
    }
    %get3A = arith.constant 0 : index
    %get3A_2 = arith.constant 0 : index
    %get3A_3 = vector.load %arg1[%get3A, %get3A_2] : memref<512x1024xf32, #tpu.memory_space<vmem>>, vector<512x1024xf32>
    %get3A_4 = arith.constant 0 : index
    %get3A_5 = arith.constant 0 : index
    %get3A_6 = vector.load %arg2[%get3A_4, %get3A_5] : memref<1024x16xf32, #tpu.memory_space<vmem>>, vector<1024x16xf32>
    %dot_general3A = arith.constant dense<0.000000e+00> : vector<512x16xf32>
    %dot_general3A_7 = tpu.matmul %get3A_3, %get3A_6, %dot_general3A {dimension_numbers = #tpu.dot_dimension_numbers<[1], [0], [0], [1], [0, 0, 1, 1], [], []>, transpose_lhs_hint = false} : vector<512x1024xf32>, vector<1024x16xf32>, vector<512x16xf32> -> vector<512x16xf32>
    %reduce_max3A = arith.constant dense<0xFF800000> : vector<512xf32>
    %reduce_max3A_8 = vector.multi_reduction <maximumf>, %dot_general3A_7, %reduce_max3A [1] : vector<512x16xf32> to vector<512xf32>
    %broadcast_in_dim3A = vector.shape_cast %reduce_max3A_8 : vector<512xf32> to vector<512x1xf32>
    %sub3A = vector.broadcast %broadcast_in_dim3A : vector<512x1xf32> to vector<512x16xf32>
    %sub3A_9 = arith.subf %dot_general3A_7, %sub3A : vector<512x16xf32>
    %exp3A = math.exp %sub3A_9 : vector<512x16xf32>
    %reduce_sum3A = arith.constant dense<0.000000e+00> : vector<512xf32>
    %reduce_sum3A_10 = vector.multi_reduction <add>, %exp3A, %reduce_sum3A [1] : vector<512x16xf32> to vector<512xf32>
    %broadcast_in_dim3A_11 = vector.shape_cast %reduce_sum3A_10 : vector<512xf32> to vector<512x1xf32>
    %div3A = vector.broadcast %broadcast_in_dim3A_11 : vector<512x1xf32> to vector<512x16xf32>
    %div3A_12 = arith.divf %exp3A, %div3A : vector<512x16xf32>
    %iota3A = tpu.iota {dimensions = array<i32: 1>} : vector<512x16xi32>
    %reduce_max3A_13 = arith.constant dense<0xFF800000> : vector<512xf32>
    %reduce_max3A_14 = vector.multi_reduction <maximumf>, %div3A_12, %reduce_max3A_13 [1] : vector<512x16xf32> to vector<512xf32>
    %broadcast_in_dim3A_15 = vector.shape_cast %reduce_max3A_14 : vector<512xf32> to vector<512x1xf32>
    %eq3A_16 = vector.broadcast %broadcast_in_dim3A_15 : vector<512x1xf32> to vector<512x16xf32>
    %eq3A_17 = arith.cmpf oeq, %div3A_12, %eq3A_16 : vector<512x16xf32>
    %jit3A = arith.constant 16 : i32
    %broadcast_in_dim3A_18 = vector.broadcast %jit3A : i32 to vector<512x16xi32>
    %select_n3A = arith.select %eq3A_17, %iota3A, %broadcast_in_dim3A_18 : vector<512x16xi1>, vector<512x16xi32>
    %reduce_min3A = arith.constant dense<2147483647> : vector<512xi32>
    %reduce_min3A_19 = vector.multi_reduction <minsi>, %select_n3A, %reduce_min3A [1] : vector<512x16xi32> to vector<512xi32>
    %broadcast_in_dim3A_20 = vector.shape_cast %reduce_min3A_19 : vector<512xi32> to vector<512x1xi32>
    %eq3A_21 = vector.broadcast %broadcast_in_dim3A_20 : vector<512x1xi32> to vector<512x16xi32>
    %eq3A_22 = arith.cmpi eq, %iota3A, %eq3A_21 : vector<512x16xi32>
    %jit3A_23 = arith.constant -1.000000e+00 : f32
    %broadcast_in_dim3A_24 = vector.broadcast %jit3A_23 : f32 to vector<512x16xf32>
    %select_n3A_25 = arith.select %eq3A_22, %broadcast_in_dim3A_24, %div3A_12 : vector<512x16xi1>, vector<512x16xf32>
    %reduce_max3A_26 = arith.constant dense<0xFF800000> : vector<512xf32>
    %reduce_max3A_27 = vector.multi_reduction <maximumf>, %select_n3A_25, %reduce_max3A_26 [1] : vector<512x16xf32> to vector<512xf32>
    %broadcast_in_dim3A_28 = vector.shape_cast %reduce_max3A_27 : vector<512xf32> to vector<512x1xf32>
    %eq3A_29 = vector.broadcast %broadcast_in_dim3A_28 : vector<512x1xf32> to vector<512x16xf32>
    %eq3A_30 = arith.cmpf oeq, %select_n3A_25, %eq3A_29 : vector<512x16xf32>
    %jit3A_31 = arith.constant 16 : i32
    %broadcast_in_dim3A_32 = vector.broadcast %jit3A_31 : i32 to vector<512x16xi32>
    %select_n3A_33 = arith.select %eq3A_30, %iota3A, %broadcast_in_dim3A_32 : vector<512x16xi1>, vector<512x16xi32>
    %reduce_min3A_34 = arith.constant dense<2147483647> : vector<512xi32>
    %reduce_min3A_35 = vector.multi_reduction <minsi>, %select_n3A_33, %reduce_min3A_34 [1] : vector<512x16xi32> to vector<512xi32>
    %broadcast_in_dim3A_36 = vector.shape_cast %reduce_min3A_35 : vector<512xi32> to vector<512x1xi32>
    %eq3A_37 = vector.broadcast %broadcast_in_dim3A_36 : vector<512x1xi32> to vector<512x16xi32>
    %eq3A_38 = arith.cmpi eq, %iota3A, %eq3A_37 : vector<512x16xi32>
    %concatenate3A = tpu.concatenate %broadcast_in_dim3A_15, %broadcast_in_dim3A_28 in 1 : vector<512x1xf32>, vector<512x1xf32> -> vector<512x2xf32>
    %swap3A = arith.constant 0 : index
    %swap3A_39 = arith.constant 0 : index
    %swap3A_40 = vector.load %arg3[%swap3A, %swap3A_39] : memref<512x2xf32, #tpu.memory_space<vmem>>, vector<512x2xf32>
    tpu.vector_store %arg3[%swap3A, %swap3A_39], %concatenate3A {strides = array<i32>} : memref<512x2xf32, #tpu.memory_space<vmem>>, vector<512x2xf32>,
    %concatenate3A_41 = tpu.concatenate %broadcast_in_dim3A_20, %broadcast_in_dim3A_36 in 1 : vector<512x1xi32>, vector<512x1xi32> -> vector<512x2xi32>
    %swap3A_42 = arith.constant 0 : index
    %swap3A_43 = arith.constant 0 : index
    %swap3A_44 = vector.load %arg4[%swap3A_42, %swap3A_43] : memref<512x2xi32, #tpu.memory_space<vmem>>, vector<512x2xi32>
    tpu.vector_store %arg4[%swap3A_42, %swap3A_43], %concatenate3A_41 {strides = array<i32>} : memref<512x2xi32, #tpu.memory_space<vmem>>, vector<512x2xi32>,
    %convert_element_type3A_45 = arith.extui %eq3A_22 : vector<512x16xi1> to vector<512x16xi32>
    %convert_element_type3A_46 = arith.sitofp %convert_element_type3A_45 : vector<512x16xi32> to vector<512x16xf32>
    %convert_element_type3A_47 = arith.extui %eq3A_38 : vector<512x16xi1> to vector<512x16xi32>
    %convert_element_type3A_48 = arith.sitofp %convert_element_type3A_47 : vector<512x16xi32> to vector<512x16xf32>
    %add3A = arith.addf %convert_element_type3A_46, %convert_element_type3A_48 : vector<512x16xf32>
    %iota3A_49 = tpu.iota {dimensions = array<i32: 0>} : vector<512x512xi32>
    %iota3A_50 = tpu.iota {dimensions = array<i32: 1>} : vector<512x512xi32>
    %lt3A = arith.cmpi slt, %iota3A_50, %iota3A_49 : vector<512x512xi32>
    %convert_element_type3A_51 = arith.extui %lt3A : vector<512x512xi1> to vector<512x512xi32>
    %convert_element_type3A_52 = arith.sitofp %convert_element_type3A_51 : vector<512x512xi32> to vector<512x512xf32>
    %dot_general3A_53 = arith.constant dense<0.000000e+00> : vector<512x16xf32>
    %dot_general3A_54 = tpu.matmul %convert_element_type3A_52, %add3A, %dot_general3A_53 {dimension_numbers = #tpu.dot_dimension_numbers<[1], [0], [0], [1], [0, 0, 1, 1], [], []>, transpose_lhs_hint = false} : vector<512x512xf32>, vector<512x16xf32>, vector<512x16xf32> -> vector<512x16xf32>
    %get3A_55 = arith.constant 0 : index
    %get3A_56 = arith.constant 0 : index
    %get3A_57 = vector.load %arg8[%get3A_55, %get3A_56] : memref<1x16xf32, #tpu.memory_space<vmem>>, vector<1x16xf32>
    %add3A_58 = vector.broadcast %get3A_57 : vector<1x16xf32> to vector<512x16xf32>
    %add3A_59 = arith.addf %dot_general3A_54, %add3A_58 : vector<512x16xf32>
    %mul3A = arith.mulf %convert_element_type3A_46, %add3A_59 : vector<512x16xf32>
    %reduce_sum3A_60 = arith.constant dense<0.000000e+00> : vector<512xf32>
    %reduce_sum3A_61 = vector.multi_reduction <add>, %mul3A, %reduce_sum3A_60 [1] : vector<512x16xf32> to vector<512xf32>
    %broadcast_in_dim3A_62 = vector.shape_cast %reduce_sum3A_61 : vector<512xf32> to vector<512x1xf32>
    %mul3A_63 = arith.mulf %convert_element_type3A_48, %add3A_59 : vector<512x16xf32>
    %reduce_sum3A_64 = arith.constant dense<0.000000e+00> : vector<512xf32>
    %reduce_sum3A_65 = vector.multi_reduction <add>, %mul3A_63, %reduce_sum3A_64 [1] : vector<512x16xf32> to vector<512xf32>
    %broadcast_in_dim3A_66 = vector.shape_cast %reduce_sum3A_65 : vector<512xf32> to vector<512x1xf32>
    %concatenate3A_67 = tpu.concatenate %broadcast_in_dim3A_62, %broadcast_in_dim3A_66 in 1 : vector<512x1xf32>, vector<512x1xf32> -> vector<512x2xf32>
    %convert_element_type3A_68 = arith.fptosi %concatenate3A_67 : vector<512x2xf32> to vector<512x2xi32>
    %swap3A_69 = arith.constant 0 : index
    %swap3A_70 = arith.constant 0 : index
    %swap3A_71 = vector.load %arg5[%swap3A_69, %swap3A_70] : memref<512x2xi32, #tpu.memory_space<vmem>>, vector<512x2xi32>
    tpu.vector_store %arg5[%swap3A_69, %swap3A_70], %convert_element_type3A_68 {strides = array<i32>} : memref<512x2xi32, #tpu.memory_space<vmem>>, vector<512x2xi32>,
    %get3A_72 = arith.constant 0 : index
    %get3A_73 = arith.constant 0 : index
    %get3A_74 = vector.load %arg8[%get3A_72, %get3A_73] : memref<1x16xf32, #tpu.memory_space<vmem>>, vector<1x16xf32>
    %reduce_sum3A_75 = arith.constant dense<0.000000e+00> : vector<16xf32>
    %reduce_sum3A_76 = vector.multi_reduction <add>, %add3A, %reduce_sum3A_75 [0] : vector<512x16xf32> to vector<16xf32>
    %broadcast_in_dim3A_77 = vector.shape_cast %reduce_sum3A_76 : vector<16xf32> to vector<1x16xf32>
    %add3A_78 = arith.addf %get3A_74, %broadcast_in_dim3A_77 : vector<1x16xf32>
    %swap3A_79 = arith.constant 0 : index
    %swap3A_80 = arith.constant 0 : index
    %swap3A_81 = vector.load %arg8[%swap3A_79, %swap3A_80] : memref<1x16xf32, #tpu.memory_space<vmem>>, vector<1x16xf32>
    tpu.vector_store %arg8[%swap3A_79, %swap3A_80], %add3A_78 {strides = array<i32>} : memref<1x16xf32, #tpu.memory_space<vmem>>, vector<1x16xf32>,
    %convert_element_type3A_82 = arith.fptosi %add3A_78 : vector<1x16xf32> to vector<1x16xi32>
    %swap3A_83 = arith.constant 0 : index
    %swap3A_84 = arith.constant 0 : index
    %swap3A_85 = vector.load %arg6[%swap3A_83, %swap3A_84] : memref<1x16xi32, #tpu.memory_space<vmem>>, vector<1x16xi32>
    tpu.vector_store %arg6[%swap3A_83, %swap3A_84], %convert_element_type3A_82 {strides = array<i32>} : memref<1x16xi32, #tpu.memory_space<vmem>>, vector<1x16xi32>,
    %iota3A_86 = tpu.iota {dimensions = array<i32: 0>} : vector<16x16xi32>
    %iota3A_87 = tpu.iota {dimensions = array<i32: 1>} : vector<16x16xi32>
    %lt3A_88 = arith.cmpi slt, %iota3A_86, %iota3A_87 : vector<16x16xi32>
    %convert_element_type3A_89 = arith.extui %lt3A_88 : vector<16x16xi1> to vector<16x16xi32>
    %convert_element_type3A_90 = arith.sitofp %convert_element_type3A_89 : vector<16x16xi32> to vector<16x16xf32>
    %dot_general3A_91 = arith.constant dense<0.000000e+00> : vector<1x16xf32>
    %dot_general3A_92 = tpu.matmul %add3A_78, %convert_element_type3A_90, %dot_general3A_91 {dimension_numbers = #tpu.dot_dimension_numbers<[1], [0], [0], [1], [0, 0, 1, 1], [], []>, precision = #tpu.contract_precision<fp32>, transpose_lhs_hint = false} : vector<1x16xf32>, vector<16x16xf32>, vector<1x16xf32> -> vector<1x16xf32>
    %convert_element_type3A_93 = arith.fptosi %dot_general3A_92 : vector<1x16xf32> to vector<1x16xi32>
    %swap3A_94 = arith.constant 0 : index
    %swap3A_95 = arith.constant 0 : index
    %swap3A_96 = vector.load %arg7[%swap3A_94, %swap3A_95] : memref<1x16xi32, #tpu.memory_space<vmem>>, vector<1x16xi32>
    tpu.vector_store %arg7[%swap3A_94, %swap3A_95], %convert_element_type3A_93 {strides = array<i32>} : memref<1x16xi32, #tpu.memory_space<vmem>>, vector<1x16xi32>,
    return
  }
  func.func @transform_0(%arg0: i32) -> (i32, i32) {
    %c0_i32 = arith.constant 0 : i32
    %c0_i32_0 = arith.constant 0 : i32
    return %arg0, %c0_i32 : i32, i32
  }
  func.func @transform_1(%arg0: i32) -> (i32, i32) {
    %c0_i32 = arith.constant 0 : i32
    %c0_i32_0 = arith.constant 0 : i32
    %c0_i32_1 = arith.constant 0 : i32
    return %c0_i32, %c0_i32_0 : i32, i32
  }
  func.func @transform_2(%arg0: i32) -> (i32, i32) {
    %c0_i32 = arith.constant 0 : i32
    %c0_i32_0 = arith.constant 0 : i32
    return %arg0, %c0_i32 : i32, i32
  }
  func.func @transform_3(%arg0: i32) -> (i32, i32) {
    %c0_i32 = arith.constant 0 : i32
    %c0_i32_0 = arith.constant 0 : i32
    return %arg0, %c0_i32 : i32, i32
  }
  func.func @transform_4(%arg0: i32) -> (i32, i32) {
    %c0_i32 = arith.constant 0 : i32
    %c0_i32_0 = arith.constant 0 : i32
    return %arg0, %c0_i32 : i32, i32
  }
  func.func @transform_5(%arg0: i32) -> (i32, i32) {
    %c0_i32 = arith.constant 0 : i32
    %c0_i32_0 = arith.constant 0 : i32
    %c0_i32_1 = arith.constant 0 : i32
    return %c0_i32, %c0_i32_0 : i32, i32
  }
  func.func @transform_6(%arg0: i32) -> (i32, i32) {
    %c0_i32 = arith.constant 0 : i32
    %c0_i32_0 = arith.constant 0 : i32
    %c0_i32_1 = arith.constant 0 : i32
    return %c0_i32, %c0_i32_0 : i32, i32
  }
}

module attributes {stable_mosaic.version = 14 : i64} {
  func.func @_pos_body(%arg0: i32, %arg1: memref<2048x2xi32, #tpu.memory_space<vmem>>, %arg2: memref<2048x2xi32, #tpu.memory_space<vmem>>, %arg3: memref<1x16xi32, #tpu.memory_space<vmem>>, %arg4: memref<2048x2xf32, #tpu.memory_space<vmem>>, %arg5: memref<2048x2xi32, #tpu.memory_space<vmem>>, %arg6: memref<4096x128xf32, #tpu.memory_space<vmem>>) attributes {dimension_semantics = [#tpu.dimension_semantics<arbitrary>], iteration_bounds = array<i64: 2>, scalar_prefetch = 0 : i64, scratch_operands = 0 : i64, tpu.core_type = #tpu.core_type<tc>, window_params = [{transform_indices = @transform_0, window_bounds = array<i64: 2048, 2>}, {transform_indices = @transform_1, window_bounds = array<i64: 2048, 2>}, {pipeline_mode = #tpu.pipeline_mode<synchronous>, transform_indices = @transform_2, window_bounds = array<i64: 1, 16>}, {transform_indices = @transform_3, window_bounds = array<i64: 2048, 2>}, {transform_indices = @transform_4, window_bounds = array<i64: 2048, 2>}, {transform_indices = @transform_5, window_bounds = array<i64: 4096, 128>}]} {
    %get3A = arith.constant 0 : index
    %get3A_0 = arith.constant 0 : index
    %get3A_1 = vector.load %arg1[%get3A, %get3A_0] : memref<2048x2xi32, #tpu.memory_space<vmem>>, vector<2048x2xi32>
    %get3A_2 = arith.constant 0 : index
    %get3A_3 = arith.constant 0 : index
    %get3A_4 = vector.load %arg2[%get3A_2, %get3A_3] : memref<2048x2xi32, #tpu.memory_space<vmem>>, vector<2048x2xi32>
    %get3A_5 = arith.constant 0 : index
    %get3A_6 = arith.constant 0 : index
    %get3A_7 = vector.load %arg3[%get3A_5, %get3A_6] : memref<1x16xi32, #tpu.memory_space<vmem>>, vector<1x16xi32>
    %iota3A = tpu.iota {dimensions = array<i32: 1>} : vector<2048x16xi32>
    %slice3A = vector.extract_strided_slice %get3A_1 {offsets = [0, 0], sizes = [2048, 1], strides = [1, 1]} : vector<2048x2xi32> to vector<2048x1xi32>
    %eq3A = vector.broadcast %slice3A : vector<2048x1xi32> to vector<2048x16xi32>
    %eq3A_8 = arith.cmpi eq, %iota3A, %eq3A : vector<2048x16xi32>
    %jit3A = arith.constant 0 : i32
    %broadcast_in_dim3A = vector.shape_cast %get3A_7 : vector<1x16xi32> to vector<1x16xi32>
    %broadcast_in_dim3A_9 = vector.broadcast %broadcast_in_dim3A : vector<1x16xi32> to vector<2048x16xi32>
    %broadcast_in_dim3A_10 = vector.broadcast %jit3A : i32 to vector<2048x16xi32>
    %select_n3A = arith.select %eq3A_8, %broadcast_in_dim3A_9, %broadcast_in_dim3A_10 : vector<2048x16xi1>, vector<2048x16xi32>
    %reduce_sum3A = arith.constant dense<0> : vector<2048xi32>
    %reduce_sum3A_11 = vector.multi_reduction <add>, %select_n3A, %reduce_sum3A [1] : vector<2048x16xi32> to vector<2048xi32>
    %broadcast_in_dim3A_12 = vector.shape_cast %reduce_sum3A_11 : vector<2048xi32> to vector<2048x1xi32>
    %slice3A_13 = vector.extract_strided_slice %get3A_1 {offsets = [0, 1], sizes = [2048, 1], strides = [1, 1]} : vector<2048x2xi32> to vector<2048x1xi32>
    %eq3A_14 = vector.broadcast %slice3A_13 : vector<2048x1xi32> to vector<2048x16xi32>
    %eq3A_15 = arith.cmpi eq, %iota3A, %eq3A_14 : vector<2048x16xi32>
    %jit3A_16 = arith.constant 0 : i32
    %broadcast_in_dim3A_17 = vector.shape_cast %get3A_7 : vector<1x16xi32> to vector<1x16xi32>
    %broadcast_in_dim3A_18 = vector.broadcast %broadcast_in_dim3A_17 : vector<1x16xi32> to vector<2048x16xi32>
    %broadcast_in_dim3A_19 = vector.broadcast %jit3A_16 : i32 to vector<2048x16xi32>
    %select_n3A_20 = arith.select %eq3A_15, %broadcast_in_dim3A_18, %broadcast_in_dim3A_19 : vector<2048x16xi1>, vector<2048x16xi32>
    %reduce_sum3A_21 = arith.constant dense<0> : vector<2048xi32>
    %reduce_sum3A_22 = vector.multi_reduction <add>, %select_n3A_20, %reduce_sum3A_21 [1] : vector<2048x16xi32> to vector<2048xi32>
    %broadcast_in_dim3A_23 = vector.shape_cast %reduce_sum3A_22 : vector<2048xi32> to vector<2048x1xi32>
    %concatenate3A = tpu.concatenate %broadcast_in_dim3A_12, %broadcast_in_dim3A_23 in 1 : vector<2048x1xi32>, vector<2048x1xi32> -> vector<2048x2xi32>
    %add3A = arith.addi %get3A_4, %concatenate3A : vector<2048x2xi32>
    %swap3A = arith.constant 0 : index
    %swap3A_24 = arith.constant 0 : index
    %swap3A_25 = vector.load %arg5[%swap3A, %swap3A_24] : memref<2048x2xi32, #tpu.memory_space<vmem>>, vector<2048x2xi32>
    tpu.vector_store %arg5[%swap3A, %swap3A_24], %add3A {strides = array<i32>} : memref<2048x2xi32, #tpu.memory_space<vmem>>, vector<2048x2xi32>,
    %get3A_26 = arith.constant 0 : index
    %get3A_27 = arith.constant 0 : index
    %get3A_28 = vector.load %arg4[%get3A_26, %get3A_27] : memref<2048x2xf32, #tpu.memory_space<vmem>>, vector<2048x2xf32>
    %broadcast_in_dim3A_29 = vector.shape_cast %get3A_28 : vector<2048x2xf32> to vector<2048x2x1xf32>
    %broadcast_in_dim3A_30 = vector.shape_cast %broadcast_in_dim3A_29 : vector<2048x2x1xf32> to vector<2048x2x1xf32>
    %broadcast_in_dim3A_31 = vector.broadcast %broadcast_in_dim3A_30 : vector<2048x2x1xf32> to vector<2048x2x128xf32>
    %reshape3A = vector.shape_cast %broadcast_in_dim3A_31 : vector<2048x2x128xf32> to vector<4096x128xf32>
    %swap3A_32 = arith.constant 0 : index
    %swap3A_33 = arith.constant 0 : index
    %swap3A_34 = vector.load %arg6[%swap3A_32, %swap3A_33] : memref<4096x128xf32, #tpu.memory_space<vmem>>, vector<4096x128xf32>
    tpu.vector_store %arg6[%swap3A_32, %swap3A_33], %reshape3A {strides = array<i32>} : memref<4096x128xf32, #tpu.memory_space<vmem>>, vector<4096x128xf32>,
    return
  }
  func.func @transform_0(%arg0: i32) -> (i32, i32) {
    %c0_i32 = arith.constant 0 : i32
    %c0_i32_0 = arith.constant 0 : i32
    return %arg0, %c0_i32 : i32, i32
  }
  func.func @transform_1(%arg0: i32) -> (i32, i32) {
    %c0_i32 = arith.constant 0 : i32
    %c0_i32_0 = arith.constant 0 : i32
    return %arg0, %c0_i32 : i32, i32
  }
  func.func @transform_2(%arg0: i32) -> (i32, i32) {
    %c0_i32 = arith.constant 0 : i32
    %c0_i32_0 = arith.constant 0 : i32
    %c0_i32_1 = arith.constant 0 : i32
    return %c0_i32, %c0_i32_0 : i32, i32
  }
  func.func @transform_3(%arg0: i32) -> (i32, i32) {
    %c0_i32 = arith.constant 0 : i32
    %c0_i32_0 = arith.constant 0 : i32
    return %arg0, %c0_i32 : i32, i32
  }
  func.func @transform_4(%arg0: i32) -> (i32, i32) {
    %c0_i32 = arith.constant 0 : i32
    %c0_i32_0 = arith.constant 0 : i32
    return %arg0, %c0_i32 : i32, i32
  }
  func.func @transform_5(%arg0: i32) -> (i32, i32) {
    %c0_i32 = arith.constant 0 : i32
    %c0_i32_0 = arith.constant 0 : i32
    return %arg0, %c0_i32 : i32, i32
  }
}

module attributes {stable_mosaic.version = 14 : i64} {
  func.func @_gmm_body(%arg0: i32, %arg1: memref<39xi32, #tpu.memory_space<smem>>, %arg2: memref<39xi32, #tpu.memory_space<smem>>, %arg3: memref<39xi32, #tpu.memory_space<smem>>, %arg4: memref<39xi32, #tpu.memory_space<smem>>, %arg5: memref<39xi32, #tpu.memory_space<smem>>, %arg6: memref<512x1024xf32, #tpu.memory_space<vmem>>, %arg7: memref<512x1024xf32, #tpu.memory_space<vmem>>, %arg8: memref<1x1024x256xbf16, #tpu.memory_space<vmem>>, %arg9: memref<1x1024x256xbf16, #tpu.memory_space<vmem>>, %arg10: memref<1x256x1024xbf16, #tpu.memory_space<vmem>>, %arg11: memref<1x1x256xf32, #tpu.memory_space<vmem>>, %arg12: memref<1x1x256xf32, #tpu.memory_space<vmem>>, %arg13: memref<1x1x1024xf32, #tpu.memory_space<vmem>>, %arg14: memref<512x128xf32, #tpu.memory_space<vmem>>, %arg15: memref<512x1024xf32, #tpu.memory_space<vmem>>) attributes {dimension_semantics = [#tpu.dimension_semantics<arbitrary>], iteration_bounds = array<i64: 39>, scalar_prefetch = 5 : i64, scratch_operands = 0 : i64, tpu.core_type = #tpu.core_type<tc>, window_params = [{transform_indices = @transform_0, window_bounds = array<i64: 512, 1024>}, {transform_indices = @transform_1, window_bounds = array<i64: 512, 1024>}, {transform_indices = @transform_2, window_bounds = array<i64: 1, 1024, 256>}, {transform_indices = @transform_3, window_bounds = array<i64: 1, 1024, 256>}, {transform_indices = @transform_4, window_bounds = array<i64: 1, 256, 1024>}, {transform_indices = @transform_5, window_bounds = array<i64: 1, 1, 256>}, {transform_indices = @transform_6, window_bounds = array<i64: 1, 1, 256>}, {transform_indices = @transform_7, window_bounds = array<i64: 1, 1, 1024>}, {transform_indices = @transform_8, window_bounds = array<i64: 512, 128>}, {transform_indices = @transform_9, window_bounds = array<i64: 512, 1024>}]} {
    %get3A = arith.index_cast %arg0 : i32 to index
    %get3A_0 = memref.load %arg1[%get3A] : memref<39xi32, #tpu.memory_space<smem>>
    %get3A_1 = arith.index_cast %arg0 : i32 to index
    %get3A_2 = memref.load %arg2[%get3A_1] : memref<39xi32, #tpu.memory_space<smem>>
    %get3A_3 = arith.index_cast %arg0 : i32 to index
    %get3A_4 = memref.load %arg3[%get3A_3] : memref<39xi32, #tpu.memory_space<smem>>
    %get3A_5 = arith.index_cast %arg0 : i32 to index
    %get3A_6 = memref.load %arg4[%get3A_5] : memref<39xi32, #tpu.memory_space<smem>>
    %get3A_7 = arith.index_cast %arg0 : i32 to index
    %get3A_8 = memref.load %arg5[%get3A_7] : memref<39xi32, #tpu.memory_space<smem>>
    %eq3A = arith.constant 16 : i32
    %eq3A_9 = arith.cmpi eq, %get3A_0, %eq3A : i32
    %get3A_10 = arith.constant 0 : index
    %get3A_11 = arith.constant 0 : index
    %get3A_12 = vector.load %arg7[%get3A_10, %get3A_11] : memref<512x1024xf32, #tpu.memory_space<vmem>>, vector<512x1024xf32>
    %get3A_13 = arith.constant 0 : index
    %get3A_14 = arith.constant 0 : index
    %get3A_15 = vector.load %arg6[%get3A_13, %get3A_14] : memref<512x1024xf32, #tpu.memory_space<vmem>>, vector<512x1024xf32>
    %select_n3A = arith.select %eq3A_9, %get3A_12, %get3A_15 : vector<512x1024xf32>
    %convert_element_type3A = arith.truncf %select_n3A : vector<512x1024xf32> to vector<512x1024xbf16>
    %mul3A = arith.constant 512 : i32
    %mul3A_16 = arith.muli %get3A_2, %mul3A : i32
    %iota3A = tpu.iota {dimensions = array<i32: 0>} : vector<512x1xi32>
    %add3A = vector.broadcast %mul3A_16 : i32 to vector<512x1xi32>
    %add3A_17 = arith.addi %add3A, %iota3A : vector<512x1xi32>
    %ge3A = vector.broadcast %get3A_4 : i32 to vector<512x1xi32>
    %ge3A_18 = arith.cmpi sge, %add3A_17, %ge3A : vector<512x1xi32>
    %lt3A = vector.broadcast %get3A_6 : i32 to vector<512x1xi32>
    %lt3A_19 = arith.cmpi slt, %add3A_17, %lt3A : vector<512x1xi32>
    %and3A = arith.andi %ge3A_18, %lt3A_19 : vector<512x1xi1>
    %get3A_20 = arith.constant 0 : index
    %get3A_21 = arith.constant 0 : index
    %get3A_22 = arith.constant 0 : index
    %get3A_23 = vector.load %arg8[%get3A_20, %get3A_21, %get3A_22] : memref<1x1024x256xbf16, #tpu.memory_space<vmem>>, vector<1x1024x256xbf16>
    %get3A_24 = vector.shape_cast %get3A_23 : vector<1x1024x256xbf16> to vector<1024x256xbf16>
    %dot_general3A = arith.constant dense<0.000000e+00> : vector<512x256xf32>
    %dot_general3A_25 = tpu.matmul %convert_element_type3A, %get3A_24, %dot_general3A {dimension_numbers = #tpu.dot_dimension_numbers<[1], [0], [0], [1], [0, 0, 1, 1], [], []>, transpose_lhs_hint = false} : vector<512x1024xbf16>, vector<1024x256xbf16>, vector<512x256xf32> -> vector<512x256xf32>
    %get3A_26 = arith.constant 0 : index
    %get3A_27 = arith.constant 0 : index
    %get3A_28 = arith.constant 0 : index
    %get3A_29 = vector.load %arg11[%get3A_26, %get3A_27, %get3A_28] : memref<1x1x256xf32, #tpu.memory_space<vmem>>, vector<1x1x256xf32>
    %get3A_30 = vector.shape_cast %get3A_29 : vector<1x1x256xf32> to vector<1x256xf32>
    %add3A_31 = vector.broadcast %get3A_30 : vector<1x256xf32> to vector<512x256xf32>
    %add3A_32 = arith.addf %dot_general3A_25, %add3A_31 : vector<512x256xf32>
    %get3A_33 = arith.constant 0 : index
    %get3A_34 = arith.constant 0 : index
    %get3A_35 = arith.constant 0 : index
    %get3A_36 = vector.load %arg9[%get3A_33, %get3A_34, %get3A_35] : memref<1x1024x256xbf16, #tpu.memory_space<vmem>>, vector<1x1024x256xbf16>
    %get3A_37 = vector.shape_cast %get3A_36 : vector<1x1024x256xbf16> to vector<1024x256xbf16>
    %dot_general3A_38 = arith.constant dense<0.000000e+00> : vector<512x256xf32>
    %dot_general3A_39 = tpu.matmul %convert_element_type3A, %get3A_37, %dot_general3A_38 {dimension_numbers = #tpu.dot_dimension_numbers<[1], [0], [0], [1], [0, 0, 1, 1], [], []>, transpose_lhs_hint = false} : vector<512x1024xbf16>, vector<1024x256xbf16>, vector<512x256xf32> -> vector<512x256xf32>
    %get3A_40 = arith.constant 0 : index
    %get3A_41 = arith.constant 0 : index
    %get3A_42 = arith.constant 0 : index
    %get3A_43 = vector.load %arg12[%get3A_40, %get3A_41, %get3A_42] : memref<1x1x256xf32, #tpu.memory_space<vmem>>, vector<1x1x256xf32>
    %get3A_44 = vector.shape_cast %get3A_43 : vector<1x1x256xf32> to vector<1x256xf32>
    %add3A_45 = vector.broadcast %get3A_44 : vector<1x256xf32> to vector<512x256xf32>
    %add3A_46 = arith.addf %dot_general3A_39, %add3A_45 : vector<512x256xf32>
    %neg3A = arith.constant 0.000000e+00 : f32
    %neg3A_47 = vector.broadcast %neg3A : f32 to vector<512x256xf32>
    %neg3A_48 = arith.subf %neg3A_47, %add3A_32 : vector<512x256xf32>
    %exp3A = math.exp %neg3A_48 : vector<512x256xf32>
    %add3A_49 = arith.constant 1.000000e+00 : f32
    %add3A_50 = vector.broadcast %add3A_49 : f32 to vector<512x256xf32>
    %add3A_51 = arith.addf %add3A_50, %exp3A : vector<512x256xf32>
    %div3A = arith.constant 1.000000e+00 : f32
    %div3A_52 = vector.broadcast %div3A : f32 to vector<512x256xf32>
    %div3A_53 = arith.divf %div3A_52, %add3A_51 : vector<512x256xf32>
    %mul3A_54 = arith.mulf %add3A_32, %div3A_53 : vector<512x256xf32>
    %mul3A_55 = arith.mulf %mul3A_54, %add3A_46 : vector<512x256xf32>
    %jit3A = arith.constant 0.000000e+00 : f32
    %broadcast_in_dim3A = vector.shape_cast %and3A : vector<512x1xi1> to vector<512x1xi1>
    %broadcast_in_dim3A_56 = vector.broadcast %broadcast_in_dim3A : vector<512x1xi1> to vector<512x256xi1>
    %broadcast_in_dim3A_57 = vector.broadcast %jit3A : f32 to vector<512x256xf32>
    %select_n3A_58 = arith.select %broadcast_in_dim3A_56, %mul3A_55, %broadcast_in_dim3A_57 : vector<512x256xi1>, vector<512x256xf32>
    %convert_element_type3A_59 = arith.truncf %select_n3A_58 : vector<512x256xf32> to vector<512x256xbf16>
    %get3A_60 = arith.constant 0 : index
    %get3A_61 = arith.constant 0 : index
    %get3A_62 = arith.constant 0 : index
    %get3A_63 = vector.load %arg10[%get3A_60, %get3A_61, %get3A_62] : memref<1x256x1024xbf16, #tpu.memory_space<vmem>>, vector<1x256x1024xbf16>
    %get3A_64 = vector.shape_cast %get3A_63 : vector<1x256x1024xbf16> to vector<256x1024xbf16>
    %dot_general3A_65 = arith.constant dense<0.000000e+00> : vector<512x1024xf32>
    %dot_general3A_66 = tpu.matmul %convert_element_type3A_59, %get3A_64, %dot_general3A_65 {dimension_numbers = #tpu.dot_dimension_numbers<[1], [0], [0], [1], [0, 0, 1, 1], [], []>, transpose_lhs_hint = false} : vector<512x256xbf16>, vector<256x1024xbf16>, vector<512x1024xf32> -> vector<512x1024xf32>
    %get3A_67 = arith.constant 0 : index
    %get3A_68 = arith.constant 0 : index
    %get3A_69 = arith.constant 0 : index
    %get3A_70 = vector.load %arg13[%get3A_67, %get3A_68, %get3A_69] : memref<1x1x1024xf32, #tpu.memory_space<vmem>>, vector<1x1x1024xf32>
    %get3A_71 = vector.shape_cast %get3A_70 : vector<1x1x1024xf32> to vector<1x1024xf32>
    %jit3A_72 = arith.constant 0.000000e+00 : f32
    %broadcast_in_dim3A_73 = vector.shape_cast %and3A : vector<512x1xi1> to vector<512x1xi1>
    %broadcast_in_dim3A_74 = vector.broadcast %broadcast_in_dim3A_73 : vector<512x1xi1> to vector<512x1024xi1>
    %broadcast_in_dim3A_75 = vector.shape_cast %get3A_71 : vector<1x1024xf32> to vector<1x1024xf32>
    %broadcast_in_dim3A_76 = vector.broadcast %broadcast_in_dim3A_75 : vector<1x1024xf32> to vector<512x1024xf32>
    %broadcast_in_dim3A_77 = vector.broadcast %jit3A_72 : f32 to vector<512x1024xf32>
    %select_n3A_78 = arith.select %broadcast_in_dim3A_74, %broadcast_in_dim3A_76, %broadcast_in_dim3A_77 : vector<512x1024xi1>, vector<512x1024xf32>
    %add3A_79 = arith.addf %dot_general3A_66, %select_n3A_78 : vector<512x1024xf32>
    %get3A_80 = arith.constant 0 : index
    %get3A_81 = arith.constant 0 : index
    %get3A_82 = vector.load %arg14[%get3A_80, %get3A_81] : memref<512x128xf32, #tpu.memory_space<vmem>>, vector<512x128xf32>
    %slice3A = vector.extract_strided_slice %get3A_82 {offsets = [0, 0], sizes = [512, 1], strides = [1, 1]} : vector<512x128xf32> to vector<512x1xf32>
    %broadcast_in_dim3A_83 = arith.constant 1.000000e+00 : f32
    %broadcast_in_dim3A_84 = vector.broadcast %broadcast_in_dim3A_83 : f32 to vector<512x1xf32>
    %select_n3A_85 = arith.select %eq3A_9, %broadcast_in_dim3A_84, %slice3A : vector<512x1xf32>
    %mul3A_86 = vector.broadcast %select_n3A_85 : vector<512x1xf32> to vector<512x1024xf32>
    %mul3A_87 = arith.mulf %add3A_79, %mul3A_86 : vector<512x1024xf32>
    %eq3A_88 = arith.constant 1 : i32
    %eq3A_89 = arith.cmpi eq, %get3A_8, %eq3A_88 : i32
    %convert_element_type3A_90 = arith.extui %eq3A_89 : i1 to i32
    %cond3A = arith.constant 0 : i32
    %cond3A_91 = arith.cmpi ne, %convert_element_type3A_90, %cond3A : i32
    scf.if %cond3A_91 {
      %swap3A = arith.constant 0 : index
      %swap3A_97 = arith.constant 0 : index
      %swap3A_98 = vector.load %arg15[%swap3A, %swap3A_97] : memref<512x1024xf32, #tpu.memory_space<vmem>>, vector<512x1024xf32>
      tpu.vector_store %arg15[%swap3A, %swap3A_97], %mul3A_87 {strides = array<i32>} : memref<512x1024xf32, #tpu.memory_space<vmem>>, vector<512x1024xf32>,
    } else {
    }
    %eq3A_92 = arith.constant 0 : i32
    %eq3A_93 = arith.cmpi eq, %get3A_8, %eq3A_92 : i32
    %convert_element_type3A_94 = arith.extui %eq3A_93 : i1 to i32
    %cond3A_95 = arith.constant 0 : i32
    %cond3A_96 = arith.cmpi ne, %convert_element_type3A_94, %cond3A_95 : i32
    scf.if %cond3A_96 {
      %get3A_97 = arith.constant 0 : index
      %get3A_98 = arith.constant 0 : index
      %get3A_99 = vector.load %arg15[%get3A_97, %get3A_98] : memref<512x1024xf32, #tpu.memory_space<vmem>>, vector<512x1024xf32>
      %add3A_100 = arith.addf %get3A_99, %mul3A_87 : vector<512x1024xf32>
      %swap3A = arith.constant 0 : index
      %swap3A_101 = arith.constant 0 : index
      %swap3A_102 = vector.load %arg15[%swap3A, %swap3A_101] : memref<512x1024xf32, #tpu.memory_space<vmem>>, vector<512x1024xf32>
      tpu.vector_store %arg15[%swap3A, %swap3A_101], %add3A_100 {strides = array<i32>} : memref<512x1024xf32, #tpu.memory_space<vmem>>, vector<512x1024xf32>,
    } else {
    }
    return
  }
  func.func @transform_0(%arg0: i32, %arg1: memref<39xi32, #tpu.memory_space<smem>>, %arg2: memref<39xi32, #tpu.memory_space<smem>>, %arg3: memref<39xi32, #tpu.memory_space<smem>>, %arg4: memref<39xi32, #tpu.memory_space<smem>>, %arg5: memref<39xi32, #tpu.memory_space<smem>>) -> (i32, i32) {
    %get3A = arith.index_cast %arg0 : i32 to index
    %get3A_0 = memref.load %arg2[%get3A] : memref<39xi32, #tpu.memory_space<smem>>
    %min3A = arith.constant 15 : i32
    %min3A_1 = arith.minsi %get3A_0, %min3A : i32
    %c0_i32 = arith.constant 0 : i32
    %c0_i32_2 = arith.constant 0 : i32
    return %min3A_1, %c0_i32 : i32, i32
  }
  func.func @transform_1(%arg0: i32, %arg1: memref<39xi32, #tpu.memory_space<smem>>, %arg2: memref<39xi32, #tpu.memory_space<smem>>, %arg3: memref<39xi32, #tpu.memory_space<smem>>, %arg4: memref<39xi32, #tpu.memory_space<smem>>, %arg5: memref<39xi32, #tpu.memory_space<smem>>) -> (i32, i32) {
    %get3A = arith.index_cast %arg0 : i32 to index
    %get3A_0 = memref.load %arg2[%get3A] : memref<39xi32, #tpu.memory_space<smem>>
    %sub3A = arith.constant 16 : i32
    %sub3A_1 = arith.subi %get3A_0, %sub3A : i32
    %max3A = arith.constant 0 : i32
    %max3A_2 = arith.maxsi %sub3A_1, %max3A : i32
    %c0_i32 = arith.constant 0 : i32
    %c0_i32_3 = arith.constant 0 : i32
    return %max3A_2, %c0_i32 : i32, i32
  }
  func.func @transform_2(%arg0: i32, %arg1: memref<39xi32, #tpu.memory_space<smem>>, %arg2: memref<39xi32, #tpu.memory_space<smem>>, %arg3: memref<39xi32, #tpu.memory_space<smem>>, %arg4: memref<39xi32, #tpu.memory_space<smem>>, %arg5: memref<39xi32, #tpu.memory_space<smem>>) -> (i32, i32, i32) {
    %get3A = arith.index_cast %arg0 : i32 to index
    %get3A_0 = memref.load %arg1[%get3A] : memref<39xi32, #tpu.memory_space<smem>>
    %c0_i32 = arith.constant 0 : i32
    %c0_i32_1 = arith.constant 0 : i32
    %c0_i32_2 = arith.constant 0 : i32
    return %get3A_0, %c0_i32, %c0_i32_1 : i32, i32, i32
  }
  func.func @transform_3(%arg0: i32, %arg1: memref<39xi32, #tpu.memory_space<smem>>, %arg2: memref<39xi32, #tpu.memory_space<smem>>, %arg3: memref<39xi32, #tpu.memory_space<smem>>, %arg4: memref<39xi32, #tpu.memory_space<smem>>, %arg5: memref<39xi32, #tpu.memory_space<smem>>) -> (i32, i32, i32) {
    %get3A = arith.index_cast %arg0 : i32 to index
    %get3A_0 = memref.load %arg1[%get3A] : memref<39xi32, #tpu.memory_space<smem>>
    %c0_i32 = arith.constant 0 : i32
    %c0_i32_1 = arith.constant 0 : i32
    %c0_i32_2 = arith.constant 0 : i32
    return %get3A_0, %c0_i32, %c0_i32_1 : i32, i32, i32
  }
  func.func @transform_4(%arg0: i32, %arg1: memref<39xi32, #tpu.memory_space<smem>>, %arg2: memref<39xi32, #tpu.memory_space<smem>>, %arg3: memref<39xi32, #tpu.memory_space<smem>>, %arg4: memref<39xi32, #tpu.memory_space<smem>>, %arg5: memref<39xi32, #tpu.memory_space<smem>>) -> (i32, i32, i32) {
    %get3A = arith.index_cast %arg0 : i32 to index
    %get3A_0 = memref.load %arg1[%get3A] : memref<39xi32, #tpu.memory_space<smem>>
    %c0_i32 = arith.constant 0 : i32
    %c0_i32_1 = arith.constant 0 : i32
    %c0_i32_2 = arith.constant 0 : i32
    return %get3A_0, %c0_i32, %c0_i32_1 : i32, i32, i32
  }
  func.func @transform_5(%arg0: i32, %arg1: memref<39xi32, #tpu.memory_space<smem>>, %arg2: memref<39xi32, #tpu.memory_space<smem>>, %arg3: memref<39xi32, #tpu.memory_space<smem>>, %arg4: memref<39xi32, #tpu.memory_space<smem>>, %arg5: memref<39xi32, #tpu.memory_space<smem>>) -> (i32, i32, i32) {
    %get3A = arith.index_cast %arg0 : i32 to index
    %get3A_0 = memref.load %arg1[%get3A] : memref<39xi32, #tpu.memory_space<smem>>
    %c0_i32 = arith.constant 0 : i32
    %c0_i32_1 = arith.constant 0 : i32
    %c0_i32_2 = arith.constant 0 : i32
    return %get3A_0, %c0_i32, %c0_i32_1 : i32, i32, i32
  }
  func.func @transform_6(%arg0: i32, %arg1: memref<39xi32, #tpu.memory_space<smem>>, %arg2: memref<39xi32, #tpu.memory_space<smem>>, %arg3: memref<39xi32, #tpu.memory_space<smem>>, %arg4: memref<39xi32, #tpu.memory_space<smem>>, %arg5: memref<39xi32, #tpu.memory_space<smem>>) -> (i32, i32, i32) {
    %get3A = arith.index_cast %arg0 : i32 to index
    %get3A_0 = memref.load %arg1[%get3A] : memref<39xi32, #tpu.memory_space<smem>>
    %c0_i32 = arith.constant 0 : i32
    %c0_i32_1 = arith.constant 0 : i32
    %c0_i32_2 = arith.constant 0 : i32
    return %get3A_0, %c0_i32, %c0_i32_1 : i32, i32, i32
  }
  func.func @transform_7(%arg0: i32, %arg1: memref<39xi32, #tpu.memory_space<smem>>, %arg2: memref<39xi32, #tpu.memory_space<smem>>, %arg3: memref<39xi32, #tpu.memory_space<smem>>, %arg4: memref<39xi32, #tpu.memory_space<smem>>, %arg5: memref<39xi32, #tpu.memory_space<smem>>) -> (i32, i32, i32) {
    %get3A = arith.index_cast %arg0 : i32 to index
    %get3A_0 = memref.load %arg1[%get3A] : memref<39xi32, #tpu.memory_space<smem>>
    %c0_i32 = arith.constant 0 : i32
    %c0_i32_1 = arith.constant 0 : i32
    %c0_i32_2 = arith.constant 0 : i32
    return %get3A_0, %c0_i32, %c0_i32_1 : i32, i32, i32
  }
  func.func @transform_8(%arg0: i32, %arg1: memref<39xi32, #tpu.memory_space<smem>>, %arg2: memref<39xi32, #tpu.memory_space<smem>>, %arg3: memref<39xi32, #tpu.memory_space<smem>>, %arg4: memref<39xi32, #tpu.memory_space<smem>>, %arg5: memref<39xi32, #tpu.memory_space<smem>>) -> (i32, i32) {
    %get3A = arith.index_cast %arg0 : i32 to index
    %get3A_0 = memref.load %arg2[%get3A] : memref<39xi32, #tpu.memory_space<smem>>
    %min3A = arith.constant 15 : i32
    %min3A_1 = arith.minsi %get3A_0, %min3A : i32
    %c0_i32 = arith.constant 0 : i32
    %c0_i32_2 = arith.constant 0 : i32
    return %min3A_1, %c0_i32 : i32, i32
  }
  func.func @transform_9(%arg0: i32, %arg1: memref<39xi32, #tpu.memory_space<smem>>, %arg2: memref<39xi32, #tpu.memory_space<smem>>, %arg3: memref<39xi32, #tpu.memory_space<smem>>, %arg4: memref<39xi32, #tpu.memory_space<smem>>, %arg5: memref<39xi32, #tpu.memory_space<smem>>) -> (i32, i32) {
    %get3A = arith.index_cast %arg0 : i32 to index
    %get3A_0 = memref.load %arg2[%get3A] : memref<39xi32, #tpu.memory_space<smem>>
    %c0_i32 = arith.constant 0 : i32
    %c0_i32_1 = arith.constant 0 : i32
    return %get3A_0, %c0_i32 : i32, i32
  }
}

</mosaic_0001>

<sc_bundles>
// kernel: kernel.10.cloned.1.call-start
scs
__scs_entry_jumppad:
0x0: {  	(pc) =	sbr.rel $0x88, $3  }
0x1: {  	(tag) =	ssettag $0x0;
	lr =	simm.s32 $0x1  }
0x2: {  	[smem:$0x3F93] =	sst lr;
	_ =	strace $0xD0000000  }
0x3: {  	_ = 	snop  }
0x4: {  	_ = 	snop  }
0x5: {  	_ = 	snop  }
0x6: {  	_ = 	snop  }
0x7: {  	_ = 	snop  }
__scs_overlays_trampoline_lowered:
0x8: {  	[smem:$0x3FA2] =	sst s0  }
0x9: {  	[smem:$0x3FA3] =	sst s1  }
0xa: {  	[smem:$0x3FA4] =	sst s2  }
0xb: {  	[smem:$0x3FA5] =	sst s3  }
0xc: {  	[smem:$0x3FA6] =	sst s4  }
0xd: {  	[smem:$0x3FA7] =	sst s5  }
0xe: {  	[smem:$0x3FA8] =	sst s6  }
0xf: {  	[smem:$0x3FA9] =	sst s7  }
0x10: {  	[smem:$0x3FAA] =	sst s8  }
0x11: {  	[smem:$0x3FAB] =	sst s9;
	s0 =	simm.s32 @!p0 $0x0  }
0x12: {  	s1 =	sld [smem:$0x3F91];
	s0 =	simm.s32 @p0 $0x1  }
0x13: {  	[smem:$0x3FAC] =	sst s0;
	s0 =	simm.s32 @!p1 $0x0  }
0x14: {  	s2 =	sld [smem:$0x3F90];
	s0 =	simm.s32 @p1 $0x1  }
0x15: {  	[smem:$0x3FAD] =	sst s0;
	s0 =	simm.s32 @!p2 $0x0  }
0x16: {  	s3 =	sld [smem:$0x3FDB];
	s0 =	simm.s32 @p2 $0x1  }
0x17: {  	s4 =	simm.s32 $0x1BF5;
	[smem:$0x3FAF] =	sst s0  }
0x18: {  	s0 =	sld [smem:$0x3F92];
	_ =	swait.ge [sflag:s4], $0x0  }
0x19: {  	s7 =	sld [smem:$0x3F93]  }
0x1a: {  	s8 =	sadd.s32 $0xFFFFE003, lr  }
0x1b: {  	s9 =	sadd.s32 $0xFFFFFEF7, lr;
	s5 =	simm.s32 $0xFFFFFFFF;
	p2 =	slt.u32 s8, $0xFFFFF086  }
0x1c: {  	p1 =	slt.u32 s9, $0xF7A;
	s5 =	simm.s32 @!p2 $0x0  }
0x1d: {  	s5 =	simm.s32 @p1 $0x1;
	p0 =	seq.s32 s7, s2  }
0x1e: {  	s7 =	smul.u32 @!p0 $0xF7A, s2;
	p2 =	seq.s32 @!p0 s5, $0x0  }
0x1f: {  	s9 =	smul.u32 $0xF7A, s1;
	s8 =	simm.s32 @!p0 $0x1BF5;
	p2 =	por !p2, p0  }
0x20: {  	[sflag:s8] =	ssyncset.s32 @!p0 $0xFFFFF086;
	s6 =	sadd.s32 @!p0 s3, s7;
	s7 =	simm.s32 @!p0 $0x108  }
0x21: {  	s3 =	sadd.s32 s3, s9;
	s6 =	sadd.s32 @!p0 $0x88, s6;
	s7 =	simm.s32 @p2 $0x1082  }
0x22: {  	[simem:s7], [sflag:s8] =	dma.local @!p0 [hbm:s6], $0xF7A  }
0x23: {  	s9 =	sor.u32 $0xD0000000, s2;
	s6 =	simm.s32 $0x108;
	_ =	swait.ge @!p0 [sflag:s8], $0x0  }
0x24: {  	s3 =	sadd.s32 $0x88, s3;
	s6 =	simm.s32 @!p1 $0x1082;
	[sflag:s4] =	ssyncset.s32 $0xFFFFF086  }
0x25: {  	[simem:s6], [sflag:s4] =	dma.local [hbm:s3], $0xF7A  }
0x26: {  	[smem:$0x3F93] =	sst s1;
	(tag) =	ssettag s2;
	_ =	strace s9  }
0x27: {  	s1 =	sld [smem:$0x3FA3]  }
0x28: {  	s2 =	sld [smem:$0x3FA4]  }
0x29: {  	s4 =	sld [smem:$0x3FA6]  }
0x2a: {  	p0 =	seq.s32 s5, $0x0;
	s5 =	sld [smem:$0x3FA7]  }
0x2b: {  	s6 =	sld [smem:$0x3FA8]  }
0x2c: {  	s7 =	sld [smem:$0x3FA9]  }
0x2d: {  	s3 =	simm.s32 $0x108;
	s8 =	sld [smem:$0x3FAA]  }
0x2e: {  	s3 =	simm.s32 @!p0 $0x1082;
	s9 =	sld [smem:$0x3FAB]  }
0x2f: {  	lr =	sadd.s32 s0, s3;
	s0 =	sld [smem:$0x3FA2]  }
0x30: {  	s3 =	sld [smem:$0x3FA5]  }
0x31: {  	[smem:$0x3FAE] =	sst s10  }
0x32: {  	s10 =	sld [smem:$0x3FAC];
	_ =	sdelay $0x3  }
0x33: {  	p0 =	seq.s32 s10, $0x1;
	s10 =	sld [smem:$0x3FAE];
	_ =	sdelay $0x3  }
0x34: {  	[smem:$0x3FAE] =	sst s10  }
0x35: {  	s10 =	sld [smem:$0x3FAD];
	_ =	sdelay $0x3  }
0x36: {  	p1 =	seq.s32 s10, $0x1;
	s10 =	sld [smem:$0x3FAE];
	_ =	sdelay $0x3  }
0x37: {  	[smem:$0x3FAE] =	sst s10  }
0x38: {  	s10 =	sld [smem:$0x3FAF]  }
0x39: {  	_ = 	snop;
	(pc) =	sbr.ind lr, $3  }
0x3a: {  	_ = 	snop  }
0x3b: {  	_ = 	snop  }
0x3c: {  	p2 =	seq.s32 s10, $0x1;
	s10 =	sld [smem:$0x3FAE]  }
0x3d: {  	_ =	shalt  }
0x3e: {  	_ =	shalt  }
0x3f: {  	_ =	shalt  }
0x40: {  	_ =	shalt  }
0x41: {  	_ =	shalt  }
0x42: {  	_ =	shalt  }
0x43: {  	_ =	shalt  }
0x44: {  	_ =	shalt  }
0x45: {  	_ =	shalt  }
0x46: {  	_ =	shalt  }
0x47: {  	_ =	shalt  }
0x48: {  	_ =	shalt  }
0x49: {  	_ =	shalt  }
0x4a: {  	_ =	shalt  }
0x4b: {  	_ =	shalt  }
0x4c: {  	_ =	shalt  }
0x4d: {  	_ =	shalt  }
0x4e: {  	_ =	shalt  }
0x4f: {  	_ =	shalt  }
0x50: {  	_ =	shalt  }
0x51: {  	_ =	shalt  }
0x52: {  	_ =	shalt  }
0x53: {  	_ =	shalt  }
0x54: {  	_ =	shalt  }
0x55: {  	_ =	shalt  }
0x56: {  	_ =	shalt  }
0x57: {  	_ =	shalt  }
0x58: {  	_ =	shalt  }
0x59: {  	_ =	shalt  }
0x5a: {  	_ =	shalt  }
0x5b: {  	_ =	shalt  }
0x5c: {  	_ =	shalt  }
0x5d: {  	_ =	shalt  }
0x5e: {  	_ =	shalt  }
0x5f: {  	_ =	shalt  }
0x60: {  	_ =	shalt  }
0x61: {  	_ =	shalt  }
0x62: {  	_ =	shalt  }
0x63: {  	_ =	shalt  }
0x64: {  	_ =	shalt  }
0x65: {  	_ =	shalt  }
0x66: {  	_ =	shalt  }
0x67: {  	_ =	shalt  }
0x68: {  	_ =	shalt  }
0x69: {  	_ =	shalt  }
0x6a: {  	_ =	shalt  }
0x6b: {  	_ =	shalt  }
0x6c: {  	_ =	shalt  }
0x6d: {  	_ =	shalt  }
0x6e: {  	_ =	shalt  }
0x6f: {  	_ =	shalt  }
0x70: {  	_ =	shalt  }
0x71: {  	_ =	shalt  }
0x72: {  	_ =	shalt  }
0x73: {  	_ =	shalt  }
0x74: {  	_ =	shalt  }
0x75: {  	_ =	shalt  }
0x76: {  	_ =	shalt  }
0x77: {  	_ =	shalt  }
0x78: {  	_ =	shalt  }
0x79: {  	_ =	shalt  }
0x7a: {  	_ =	shalt  }
0x7b: {  	_ =	shalt  }
0x7c: {  	_ =	shalt  }
0x7d: {  	_ =	shalt  }
0x7e: {  	_ =	shalt  }
0x7f: {  	_ =	shalt  }
0x80: {  	_ =	shalt  }
0x81: {  	_ =	shalt  }
0x82: {  	_ =	shalt  }
0x83: {  	_ =	shalt  }
0x84: {  	_ =	shalt  }
0x85: {  	_ =	shalt  }
0x86: {  	_ =	shalt  }
0x87: {  	_ =	shalt  }
.Lfunc_end0:
.L_simem_size_0:
called_computation.2_lowered:
.L_overlay_start_0:
0x88: {  	s2 =	sld [smem:$0x3FD9]  }
0x89: {  	s3 =	sld [smem:$0x3FFE];
	_ =	sdelay $0x1  }
0x8a: {  	s1 =	srdreg.scid  }
0x8b: {  	s0 =	sand.u32 $0x1, s1  }
0x8c: {  	s17 =	sshll.u32 s0, $0xA;
	s2 =	sadd.s32 s3, s2  }
0x8d: {  	s2 =	sadd.s32 s2, s17  }
0x8e: {  	[smem:$0x3FBA] =	sst s2  }
0x8f: {  	_ = 	snop  }
0x90: {  	s2 =	sld [smem:$0x3FD0];
	(tm) =	ssettm $0x1  }
0x91: {  	s18 =	sld [smem:$0x3FFB];
	_ =	sdelay $0x3  }
0x92: {  	_ =	strace s18  }
0x93: {  	s3 =	sld [smem:$0x3FFC];
	_ =	sdelay $0x3  }
0x94: {  	_ =	strace s3  }
0x95: {  	s3 =	sld [smem:$0x3FFD];
	_ =	sdelay $0x3  }
0x96: {  	_ =	strace s3  }
0x97: {  	_ =	strace $0x8FFFFFFF  }
0x98: {  	s19 =	sld [smem:$0x3FDB];
	_ =	sdelay $0x1  }
0x99: {  	s4 =	simm.s32 $_scs_section_size  }
0x9a: {  	s5 =	simm.s32 $_size__tile_overlayer_lowered;
	s6 =	simm.s32 $_tile_overlayer_lowered  }
0x9b: {  	s22 =	simm.s32 $0x1BFF;
	s21 =	sshll.u32 s6, $0x1;
	s3 =	sadd.s32 s4, s19  }
0x9c: {  	s7 =	simm.s32 $0x0;
	s20 =	sshll.u32 s5, $0x1;
	s5 =	sadd.s32 s21, s3  }
0x9d: {  	[timem:s7], [sflag:s22] =	dma.local [hbm:s5], s20  }
0x9e: {  	_ =	swait.ge [sflag:s22], s20  }
0x9f: {  	s4 =	ssub.s32 $0x0, s20;
	[sflag:s22] =	ssyncset.done $0x0  }
0xa0: {  	[sflag:s22] =	ssyncadd.s32 s4;
	_ =	sdelay $0x1  }
0xa1: {  	s23 =	simm.s32 $0x1B8B  }
0xa2: {  	_ =	swait.ge [sflag:s23], $0x1  }
0xa3: {  	[sflag:s23] =	ssyncset.done $0x0  }
0xa4: {  	s25 =	simm.s32 $0x1B8E;
	s24 =	sld [smem:$0x3FFE];
	[sflag:s23] =	ssyncadd.s32 $0xFFFFFFFF  }
0xa5: {  	s26 =	simm.s32 $execute0_lowered;
	[smem:$0x3FD2] =	sst s25  }
0xa6: {  	s5 =	sshll.u32 s26, $0x1;
	_ =	strace $0x8000004C;
	[dreg:$0x1] =	wrdreg $0xFFFFFFFF  }
0xa7: {  	s28 =	simm.s32 $_size_execute0_lowered;
	s3 =	sadd.s32 s3, s5;
	[dreg:$0x0] =	wrdreg $0x0  }
0xa8: {  	s5 =	sshll.u32 s28, $0x1;
	[dreg:$0x2] =	wrdreg s3  }
0xa9: {  	[dreg:$0x3] =	wrdreg s5  }
0xaa: {  	[dreg:$0x4] =	wrdreg $0xC0  }
0xab: {  	_ =	task [dreg:s7], $0x5FFFF  }
0xac: {  	[dreg:$0x1] =	wrdreg $0xFFFFFFFF  }
0xad: {  	[dreg:$0x0] =	wrdreg $0x60  }
0xae: {  	[dreg:$0x2] =	wrdreg s24  }
0xaf: {  	[dreg:$0x3] =	wrdreg s2  }
0xb0: {  	[dreg:$0x4] =	wrdreg $0x9  }
0xb1: {  	_ =	task.clear_ibuf [dreg:s7], $0x5FFFF;
	_ =	strace $0x9000004C  }
0xb2: {  	s29 =	simm.s32 $0x9;
	_ =	strace $0x8000004E  }
0xb3: {  	_ =	swait.ge [sflag:s29], $0x1  }
0xb4: {  	[sflag:s29] =	ssyncadd.s32 $0xFFFFFFFF  }
0xb5: {  	_ =	strace $0x9000004E  }
0xb6: {  	_ =	sfence  }
0xb7: {  	s30 =	sld [smem:$0x0];
	_ =	sdelay $0x2  }
0xb8: {  	s31 =	sshll.u32 s1, $0xD;
	s1 =	sshrl.u32 s1, $0x2  }
0xb9: {  	s3 =	sand.u32 $0x4000, s31;
	s1 =	sadd.s32 s1, s30  }
0xba: {  	s0 =	sor.u32 s3, s0;
	s1 =	sshll.u32 s1, $0x11  }
0xbb: {  	s0 =	sor.u32 s1, s0  }
0xbc: {  	s0 =	sadd.s32 $0x8F2B, s0  }
0xbd: {  	[sflag:s0] =	ssyncadd.remote.s32 $0x1  }
0xbe: {  	_ =	sfence.sel $0xFFFF  }
0xbf: {  	[dreg:$0x0] =	wrdreg $0xFFFFFFFF;
	(pc) =	sbr.abs _section_cstart, $3  }
0xc0: {  	[dreg:$0x1] =	wrdreg $0xFFFFFFFF  }
0xc1: {  	_ =	task.clear_ibuf [dreg:s7], $0x2FFFF;
	_ =	strace $0x9FFFFFFF  }
0xc2: {  	(tm) =	ssettm $0x7FFFFFFF  }
0xc3: {  	_ =	shalt  }
tec
execute0_lowered:
.L_overlay_start_1:
0x0: {  	(tag) =	ssettag $0x1  }
0x1: {  	s1 =	srdreg.scid;
	s2 =	stileid.u32  }
0x2: {  	s0 =	rddreg [dreg:$0x0];
	s1 =	sand.u32 $0x1, s1;
	s3 =	sshll.u32 s2, $0x1  }
0x3: {  	s4 =	rddreg [dreg:$0x1];
	s5 =	sor.u32 s1, s3  }
0x4: {  	s2 =	simm.s32 $0x0;
	s3 =	sshll.u32 s5, $0x5;
	s5 =	sshll.u32 s5, $0xE  }
0x5: {  	[smem:$0x7FF] =	sst s2;
	s6 =	sadd.s32 s3, s0;
	s4 =	sadd.s32 s4, s5  }
0x6: {  	_ =	strace $0x8000004D;
	s8 =	sadd.s32 $0x20A00, s6;
	[dreg:$0xd] =	wrdreg s4  }
0x7: {  	s9 =	sadd.s32 $0x20A04, s6;
	[dreg:$0x3] =	wrdreg s8  }
0x8: {  	s10 =	sadd.s32 $0x20A08, s6;
	[dreg:$0x4] =	wrdreg s9  }
0x9: {  	s11 =	sadd.s32 $0x20A0C, s6;
	[dreg:$0x5] =	wrdreg s10  }
0xa: {  	s12 =	sadd.s32 $0x20A10, s6;
	[dreg:$0x6] =	wrdreg s11  }
0xb: {  	s13 =	sadd.s32 $0x20A14, s6;
	[dreg:$0x7] =	wrdreg s12  }
0xc: {  	s1 =	ssub.s32 $0x2, s1;
	s14 =	sadd.s32 $0x20A18, s6;
	[dreg:$0x8] =	wrdreg s13  }
0xd: {  	s7 =	sshrl.u32 s1, $0x1;
	s6 =	sadd.s32 $0x20A1C, s6;
	[dreg:$0x9] =	wrdreg s14  }
0xe: {  	s1 =	ssub.s32 s1, s7;
	s19 =	sadd.s32 $0x800, s4;
	[dreg:$0xa] =	wrdreg s6  }
0xf: {  	s24 =	smax.u32 s1, $0x1;
	[dreg:$0xf] =	wrdreg s19  }
0x10: {  	s25 =	sadd.s32 $0x1000, s4;
	[dreg:$0x15] =	wrdreg s24  }
0x11: {  	s26 =	sadd.s32 $0x1800, s4;
	[dreg:$0x16] =	wrdreg s25  }
0x12: {  	s28 =	sadd.s32 $0x2000, s4;
	[dreg:$0x17] =	wrdreg s26  }
0x13: {  	s29 =	sadd.s32 $0x2800, s4;
	[dreg:$0x18] =	wrdreg s28  }
0x14: {  	s3 =	sadd.s32 $0x141400, s0;
	s30 =	sadd.s32 $0x3000, s4;
	[dreg:$0x19] =	wrdreg s29  }
0x15: {  	s15 =	sadd.s32 s5, s3;
	s31 =	sadd.s32 $0x3800, s4;
	[dreg:$0x1a] =	wrdreg s30  }
0x16: {  	s16 =	sadd.s32 $0x100000, s15;
	[dreg:$0x1b] =	wrdreg s31  }
0x17: {  	s12 =	sadd.s32 $0x141500, s0;
	s17 =	sadd.s32 $0x100800, s15;
	[dreg:$0xb] =	wrdreg s16  }
0x18: {  	s13 =	sadd.s32 $0x141600, s0;
	s18 =	sadd.s32 $0x101000, s15;
	[dreg:$0xc] =	wrdreg s17  }
0x19: {  	s14 =	sadd.s32 $0x141700, s0;
	s20 =	sadd.s32 $0x101800, s15;
	[dreg:$0xe] =	wrdreg s18  }
0x1a: {  	s21 =	sadd.s32 $0x102000, s15;
	s22 =	sadd.s32 $0x102800, s15;
	[dreg:$0x10] =	wrdreg s20  }
0x1b: {  	s23 =	sadd.s32 $0x103000, s15;
	s0 =	sadd.s32 $0x103800, s15;
	[dreg:$0x11] =	wrdreg s21  }
0x1c: {  	s24 =	simm.s32 $0x10400;
	s25 =	simm.s32 $0x1;
	[dreg:$0x12] =	wrdreg s22  }
0x1d: {  	v2 =	vlaneseq.u32;
	s26 =	simm.s32 $0x2;
	s15 =	simm.s32 $0xF400;
	[dreg:$0x13] =	wrdreg s23  }
0x1e: {  	vm0 =	vmmov $0xffff;
	v1 =	vshrl.u32 v2, $0x3;
	s19 =	simm.s32 $0x3;
	[dreg:$0x14] =	wrdreg s0;
	s0 =	simm.s32 $0x4  }
0x1f: {  	v0 =	vand.u32 $0x7, v2;
	v2 =	vor.u32 $0x8, v2;
	v1 =	vmul.u32 $0x8, v1;
	s16 =	simm.s32 $0xFC00;
	s18 =	simm.s32 $0x14400;
	s20 =	simm.s32 $0x0  }
.LBB2_1:
0x20: {  	s1 =	rddreg [dreg:$0x3]  }
0x21: {  	[tilespmem:s2], [sflag:$0x4] =	stream.linear.gather [hbm4b:s1+s2], $0x20, $0x38;
	[tilespmem:$0x18400] =	vst v63  }
0x22: {  	_ =	swait.ge [sflag:s0], $0x20  }
0x23: {  	[sflag:s0] =	ssyncset.done $0x0  }
0x24: {  	s4 =	simm.s32 $0x80;
	s7 =	rddreg [dreg:$0x4];
	[sflag:s0] =	ssyncadd.s32 $0xFFFFFFE0  }
0x25: {  	[tilespmem:s4], [sflag:$0x4] =	stream.linear.gather [hbm4b:s7+s2], $0x20, $0x38;
	[tilespmem:$0x18400] =	vst v63  }
0x26: {  	_ =	swait.ge [sflag:s0], $0x20  }
0x27: {  	[sflag:s0] =	ssyncset.done $0x0  }
0x28: {  	s9 =	simm.s32 $0x100;
	s8 =	rddreg [dreg:$0x5];
	[sflag:s0] =	ssyncadd.s32 $0xFFFFFFE0  }
0x29: {  	[tilespmem:s9], [sflag:$0x4] =	stream.linear.gather [hbm4b:s8+s2], $0x20, $0x38;
	[tilespmem:$0x18400] =	vst v63  }
0x2a: {  	_ =	swait.ge [sflag:s0], $0x20  }
0x2b: {  	[sflag:s0] =	ssyncset.done $0x0  }
0x2c: {  	s11 =	simm.s32 $0x180;
	s10 =	rddreg [dreg:$0x6];
	[sflag:s0] =	ssyncadd.s32 $0xFFFFFFE0  }
0x2d: {  	[tilespmem:s11], [sflag:$0x4] =	stream.linear.gather [hbm4b:s10+s2], $0x20, $0x38;
	[tilespmem:$0x18400] =	vst v63  }
0x2e: {  	_ =	swait.ge [sflag:s0], $0x20  }
0x2f: {  	[sflag:s0] =	ssyncset.done $0x0  }
0x30: {  	s21 =	simm.s32 $0x200;
	s17 =	rddreg [dreg:$0x7];
	[sflag:s0] =	ssyncadd.s32 $0xFFFFFFE0  }
0x31: {  	[tilespmem:s21], [sflag:$0x4] =	stream.linear.gather [hbm4b:s17+s2], $0x20, $0x38;
	[tilespmem:$0x18400] =	vst v63  }
0x32: {  	_ =	swait.ge [sflag:s0], $0x20  }
0x33: {  	[sflag:s0] =	ssyncset.done $0x0  }
0x34: {  	s23 =	simm.s32 $0x280;
	s22 =	rddreg [dreg:$0x8];
	[sflag:s0] =	ssyncadd.s32 $0xFFFFFFE0  }
0x35: {  	[tilespmem:s23], [sflag:$0x4] =	stream.linear.gather [hbm4b:s22+s2], $0x20, $0x38;
	[tilespmem:$0x18400] =	vst v63  }
0x36: {  	_ =	swait.ge [sflag:s0], $0x20  }
0x37: {  	[sflag:s0] =	ssyncset.done $0x0  }
0x38: {  	s29 =	simm.s32 $0x300;
	s28 =	rddreg [dreg:$0x9];
	[sflag:s0] =	ssyncadd.s32 $0xFFFFFFE0  }
0x39: {  	[tilespmem:s29], [sflag:$0x4] =	stream.linear.gather [hbm4b:s28+s2], $0x20, $0x38;
	[tilespmem:$0x18400] =	vst v63  }
0x3a: {  	_ =	swait.ge [sflag:s0], $0x20  }
0x3b: {  	[sflag:s0] =	ssyncset.done $0x0  }
0x3c: {  	s31 =	simm.s32 $0x380;
	s30 =	rddreg [dreg:$0xa];
	[sflag:s0] =	ssyncadd.s32 $0xFFFFFFE0  }
0x3d: {  	[tilespmem:s31], [sflag:$0x4] =	stream.linear.gather [hbm4b:s30+s2], $0x20, $0x38;
	[tilespmem:$0x18400] =	vst v63  }
0x3e: {  	_ =	swait.ge [sflag:s0], $0x20  }
0x3f: {  	[sflag:s0] =	ssyncset.done $0x0  }
0x40: {  	[sflag:s0] =	ssyncadd.s32 $0xFFFFFFE0  }
0x41: {  	v3 =	vld [tilespmem:$0x0];
	_ =	sdelay $0x4  }
0x42: {  	v4 =	vshll.u32 v3, $0x3  }
0x43: {  	v3 =	vand.u32 $0x7, v3;
	v4 =	vand.u32 $0xFFFFFFC0, v4  }
0x44: {  	v3 =	vor.u32 v3, v4  }
0x45: {  	v4 =	vperm.xlane v3, v0;
	_ =	sdelay $0x1  }
0x46: {  	v4 =	vadd.s32 v1, v4;
	_ =	sdelay $0x3  }
0x47: {  	s4 =	simm.s32 $0x400  }
0x48: {  	[tilespmem:s4], [sflag:$0x1] =	stream.indirect_vreg.gather [hbm4b:s3+s2], $0x80, v4, vm0, $0xb8;
	[tilespmem:$0x18400] =	vst v63  }
0x49: {  	s5 =	simm.s32 $0xC00;
	v3 =	vperm.xlane v3, v2  }
0x4a: {  	[tilespmem:s5], [sflag:$0x1] =	stream.indirect_vreg.gather [hbm4b:s12+s2], $0x80, v4, vm0, $0xb8;
	[tilespmem:$0x18400] =	vst v63  }
0x4b: {  	s6 =	simm.s32 $0x1400;
	v3 =	vadd.s32 v1, v3  }
0x4c: {  	[tilespmem:s6], [sflag:$0x1] =	stream.indirect_vreg.gather [hbm4b:s13+s2], $0x80, v4, vm0, $0xb8;
	[tilespmem:$0x18400] =	vst v63  }
0x4d: {  	s7 =	simm.s32 $0x1C00  }
0x4e: {  	[tilespmem:s7], [sflag:$0x1] =	stream.indirect_vreg.gather [hbm4b:s14+s2], $0x80, v4, vm0, $0xb8;
	[tilespmem:$0x18400] =	vst v63  }
0x4f: {  	s8 =	simm.s32 $0x2400  }
0x50: {  	[tilespmem:s8], [sflag:$0x1] =	stream.indirect_vreg.gather [hbm4b:s3+s2], $0x80, v3, vm0, $0xb8;
	[tilespmem:$0x18400] =	vst v63  }
0x51: {  	s9 =	simm.s32 $0x2C00  }
0x52: {  	[tilespmem:s9], [sflag:$0x1] =	stream.indirect_vreg.gather [hbm4b:s12+s2], $0x80, v3, vm0, $0xb8;
	[tilespmem:$0x18400] =	vst v63  }
0x53: {  	s10 =	simm.s32 $0x3400  }
0x54: {  	[tilespmem:s10], [sflag:$0x1] =	stream.indirect_vreg.gather [hbm4b:s13+s2], $0x80, v3, vm0, $0xb8;
	[tilespmem:$0x18400] =	vst v63  }
0x55: {  	s11 =	simm.s32 $0x3C00  }
0x56: {  	[tilespmem:s11], [sflag:$0x1] =	stream.indirect_vreg.gather [hbm4b:s14+s2], $0x80, v3, vm0, $0xb8;
	[tilespmem:$0x18400] =	vst v63  }
0x57: {  	v3 =	vld [tilespmem:$0x10];
	_ =	sdelay $0x4  }
0x58: {  	v61 =	vshll.u32 v3, $0x3  }
0x59: {  	v3 =	vand.u32 $0x7, v3;
	v4 =	vand.u32 $0xFFFFFFC0, v61  }
0x5a: {  	v3 =	vor.u32 v3, v4  }
0x5b: {  	v4 =	vperm.xlane v3, v0;
	_ =	sdelay $0x1  }
0x5c: {  	v4 =	vadd.s32 v1, v4;
	_ =	sdelay $0x3  }
0x5d: {  	s17 =	simm.s32 $0x4400  }
0x5e: {  	[tilespmem:s17], [sflag:$0x1] =	stream.indirect_vreg.gather [hbm4b:s3+s2], $0x80, v4, vm0, $0xb8;
	[tilespmem:$0x18400] =	vst v63  }
0x5f: {  	s21 =	simm.s32 $0x4C00;
	v3 =	vperm.xlane v3, v2  }
0x60: {  	[tilespmem:s21], [sflag:$0x1] =	stream.indirect_vreg.gather [hbm4b:s12+s2], $0x80, v4, vm0, $0xb8;
	[tilespmem:$0x18400] =	vst v63  }
0x61: {  	s22 =	simm.s32 $0x5400;
	v3 =	vadd.s32 v1, v3  }
0x62: {  	[tilespmem:s22], [sflag:$0x1] =	stream.indirect_vreg.gather [hbm4b:s13+s2], $0x80, v4, vm0, $0xb8;
	[tilespmem:$0x18400] =	vst v63  }
0x63: {  	s23 =	simm.s32 $0x5C00  }
0x64: {  	[tilespmem:s23], [sflag:$0x1] =	stream.indirect_vreg.gather [hbm4b:s14+s2], $0x80, v4, vm0, $0xb8;
	[tilespmem:$0x18400] =	vst v63  }
0x65: {  	s28 =	simm.s32 $0x6400  }
0x66: {  	[tilespmem:s28], [sflag:$0x1] =	stream.indirect_vreg.gather [hbm4b:s3+s2], $0x80, v3, vm0, $0xb8;
	[tilespmem:$0x18400] =	vst v63  }
0x67: {  	s29 =	simm.s32 $0x6C00  }
0x68: {  	[tilespmem:s29], [sflag:$0x1] =	stream.indirect_vreg.gather [hbm4b:s12+s2], $0x80, v3, vm0, $0xb8;
	[tilespmem:$0x18400] =	vst v63  }
0x69: {  	s30 =	simm.s32 $0x7400  }
0x6a: {  	[tilespmem:s30], [sflag:$0x1] =	stream.indirect_vreg.gather [hbm4b:s13+s2], $0x80, v3, vm0, $0xb8;
	[tilespmem:$0x18400] =	vst v63  }
0x6b: {  	s31 =	simm.s32 $0x7C00  }
0x6c: {  	[tilespmem:s31], [sflag:$0x1] =	stream.indirect_vreg.gather [hbm4b:s14+s2], $0x80, v3, vm0, $0xb8;
	[tilespmem:$0x18400] =	vst v63  }
0x6d: {  	s4 =	rddreg [dreg:$0xb]  }
0x6e: {  	[tilespmem:s24], [sflag:$0x2] =	stream.linear.gather [hbm4b:s4+s2], $0x4000, $0x38;
	[tilespmem:$0x18400] =	vst v63  }
0x6f: {  	_ =	swait.ge [sflag:s25], $0x8000  }
0x70: {  	[sflag:s25] =	ssyncset.done $0x0  }
0x71: {  	[sflag:s25] =	ssyncadd.s32 $0xFFFF8000  }
0x72: {  	_ =	swait.ge [sflag:s26], $0x4000  }
0x73: {  	[sflag:s26] =	ssyncset.done $0x0  }
0x74: {  	[sflag:s26] =	ssyncadd.s32 $0xFFFFC000  }
0x75: {  	v3 =	vld [tilespmem:$0x80];
	_ =	sdelay $0x4  }
0x76: {  	v62 =	vshll.u32 v3, $0x3  }
0x77: {  	v3 =	vand.u32 $0x7, v3;
	v4 =	vand.u32 $0xFFFFFFC0, v62  }
0x78: {  	v3 =	vor.u32 v3, v4  }
0x79: {  	v4 =	vperm.xlane v3, v0;
	_ =	sdelay $0x1  }
0x7a: {  	v4 =	vadd.s32 v1, v4;
	_ =	sdelay $0x3  }
0x7b: {  	s5 =	simm.s32 $0x8400  }
0x7c: {  	[tilespmem:s5], [sflag:$0x1] =	stream.indirect_vreg.gather [hbm4b:s3+s2], $0x80, v4, vm0, $0xb8;
	[tilespmem:$0x18400] =	vst v63  }
0x7d: {  	s6 =	simm.s32 $0x8C00;
	v3 =	vperm.xlane v3, v2  }
0x7e: {  	[tilespmem:s6], [sflag:$0x1] =	stream.indirect_vreg.gather [hbm4b:s12+s2], $0x80, v4, vm0, $0xb8;
	[tilespmem:$0x18400] =	vst v63  }
0x7f: {  	s7 =	simm.s32 $0x9400;
	v3 =	vadd.s32 v1, v3  }
0x80: {  	[tilespmem:s7], [sflag:$0x1] =	stream.indirect_vreg.gather [hbm4b:s13+s2], $0x80, v4, vm0, $0xb8;
	[tilespmem:$0x18400] =	vst v63  }
0x81: {  	s8 =	simm.s32 $0x9C00  }
0x82: {  	[tilespmem:s8], [sflag:$0x1] =	stream.indirect_vreg.gather [hbm4b:s14+s2], $0x80, v4, vm0, $0xb8;
	[tilespmem:$0x18400] =	vst v63  }
0x83: {  	s9 =	simm.s32 $0xA400  }
0x84: {  	[tilespmem:s9], [sflag:$0x1] =	stream.indirect_vreg.gather [hbm4b:s3+s2], $0x80, v3, vm0, $0xb8;
	[tilespmem:$0x18400] =	vst v63  }
0x85: {  	s10 =	simm.s32 $0xAC00  }
0x86: {  	[tilespmem:s10], [sflag:$0x1] =	stream.indirect_vreg.gather [hbm4b:s12+s2], $0x80, v3, vm0, $0xb8;
	[tilespmem:$0x18400] =	vst v63  }
0x87: {  	s11 =	simm.s32 $0xB400  }
0x88: {  	[tilespmem:s11], [sflag:$0x1] =	stream.indirect_vreg.gather [hbm4b:s13+s2], $0x80, v3, vm0, $0xb8;
	[tilespmem:$0x18400] =	vst v63  }
0x89: {  	s17 =	simm.s32 $0xBC00  }
0x8a: {  	[tilespmem:s17], [sflag:$0x1] =	stream.indirect_vreg.gather [hbm4b:s14+s2], $0x80, v3, vm0, $0xb8;
	[tilespmem:$0x18400] =	vst v63  }
0x8b: {  	v3 =	vld [tilespmem:$0x90];
	_ =	sdelay $0x4  }
0x8c: {  	v63 =	vshll.u32 v3, $0x3  }
0x8d: {  	v3 =	vand.u32 $0x7, v3;
	v4 =	vand.u32 $0xFFFFFFC0, v63  }
0x8e: {  	v3 =	vor.u32 v3, v4  }
0x8f: {  	v4 =	vperm.xlane v3, v0;
	_ =	sdelay $0x1  }
0x90: {  	v4 =	vadd.s32 v1, v4;
	_ =	sdelay $0x3  }
0x91: {  	s21 =	simm.s32 $0xC400  }
0x92: {  	[tilespmem:s21], [sflag:$0x1] =	stream.indirect_vreg.gather [hbm4b:s3+s2], $0x80, v4, vm0, $0xb8;
	[tilespmem:$0x18400] =	vst v63  }
0x93: {  	s22 =	simm.s32 $0xCC00;
	v3 =	vperm.xlane v3, v2  }
0x94: {  	[tilespmem:s22], [sflag:$0x1] =	stream.indirect_vreg.gather [hbm4b:s12+s2], $0x80, v4, vm0, $0xb8;
	[tilespmem:$0x18400] =	vst v63  }
0x95: {  	s23 =	simm.s32 $0xD400;
	v3 =	vadd.s32 v1, v3  }
0x96: {  	[tilespmem:s23], [sflag:$0x1] =	stream.indirect_vreg.gather [hbm4b:s13+s2], $0x80, v4, vm0, $0xb8;
	[tilespmem:$0x18400] =	vst v63  }
0x97: {  	s28 =	simm.s32 $0xDC00  }
0x98: {  	[tilespmem:s28], [sflag:$0x1] =	stream.indirect_vreg.gather [hbm4b:s14+s2], $0x80, v4, vm0, $0xb8;
	[tilespmem:$0x18400] =	vst v63  }
0x99: {  	s29 =	simm.s32 $0xE400  }
0x9a: {  	[tilespmem:s29], [sflag:$0x1] =	stream.indirect_vreg.gather [hbm4b:s3+s2], $0x80, v3, vm0, $0xb8;
	[tilespmem:$0x18400] =	vst v63  }
0x9b: {  	s30 =	simm.s32 $0xEC00  }
0x9c: {  	[tilespmem:s30], [sflag:$0x1] =	stream.indirect_vreg.gather [hbm4b:s12+s2], $0x80, v3, vm0, $0xb8;
	[tilespmem:$0x18400] =	vst v63  }
0x9d: {  	_ = 	snop  }
0x9e: {  	[tilespmem:s15], [sflag:$0x1] =	stream.indirect_vreg.gather [hbm4b:s13+s2], $0x80, v3, vm0, $0xb8;
	[tilespmem:$0x18400] =	vst v63  }
0x9f: {  	_ = 	snop  }
0xa0: {  	[tilespmem:s16], [sflag:$0x1] =	stream.indirect_vreg.gather [hbm4b:s14+s2], $0x80, v3, vm0, $0xb8;
	[tilespmem:$0x18400] =	vst v63  }
0xa1: {  	s31 =	rddreg [dreg:$0xc];
	s21 =	simm.s32 $0x0  }
0xa2: {  	[tilespmem:s18], [sflag:$0x2] =	stream.linear.gather [hbm4b:s31+s2], $0x4000, $0x38;
	[tilespmem:$0x18400] =	vst v63  }
.LBB2_2:
0xa3: {  	s1 =	sshll.u32 s21, $0x8;
	s22 =	sshll.u32 s21, $0xB  }
0xa4: {  	s28 =	sshll.u32 s21, $0xA;
	s22 =	sand.u32 $0x6000, s22;
	s1 =	sand.u32 $0x300, s1  }
0xa5: {  	s29 =	sshll.u32 s21, $0x7;
	s1 =	sor.u32 s1, s22;
	s22 =	simm.s32 $0x0  }
0xa6: {  	s28 =	sand.u32 $0x2000, s28;
	s23 =	sor.u32 $0x400, s1;
	s10 =	sand.u32 $0x1C00, s22  }
0xa7: {  	s29 =	sand.u32 $0x380, s29;
	s31 =	sand.u32 $0x40, s22;
	s30 =	sadd.s32 s10, s23  }
0xa8: {  	s28 =	sor.u32 s29, s28;
	s17 =	sadd.s32 $0x80, s30;
	s4 =	sadd.s32 s31, s30  }
0xa9: {  	s28 =	sor.u32 $0x10400, s28;
	s29 =	sadd.s32 s31, s17;
	v4 =	vld [tilespmem:s4+$0x0]  }
0xaa: {  	s1 =	sadd.s32 s10, s28;
	v3 =	vld [tilespmem:s29+$0x0]  }
0xab: {  	s11 =	sadd.s32 s31, s1  }
0xac: {  	v5 =	vld [tilespmem:s11+$0x0];
	_ =	sdelay $0x2  }
0xad: {  	v3 =	vadd.f32 v3, v4;
	_ =	sdelay $0x1  }
0xae: {  	v3 =	vadd.f32 v3, v5  }
0xaf: {  	s29 =	sor.u32 $0x10, s31  }
0xb0: {  	s5 =	sadd.s32 s29, s30;
	[tilespmem:s11+$0x0] =	vst v3  }
0xb1: {  	s6 =	sadd.s32 s29, s17;
	v3 =	vld [tilespmem:s5+$0x0]  }
0xb2: {  	v4 =	vld [tilespmem:s6+$0x0]  }
0xb3: {  	s7 =	sadd.s32 s29, s1  }
0xb4: {  	v5 =	vld [tilespmem:s7+$0x0];
	_ =	sdelay $0x2  }
0xb5: {  	v3 =	vadd.f32 v4, v3;
	_ =	sdelay $0x1  }
0xb6: {  	v3 =	vadd.f32 v3, v5  }
0xb7: {  	s8 =	sor.u32 $0x20, s31  }
0xb8: {  	s29 =	sadd.s32 s8, s30;
	[tilespmem:s7+$0x0] =	vst v3  }
0xb9: {  	s9 =	sadd.s32 s8, s17;
	v3 =	vld [tilespmem:s29+$0x0]  }
0xba: {  	v4 =	vld [tilespmem:s9+$0x0]  }
0xbb: {  	s10 =	sadd.s32 s8, s1  }
0xbc: {  	v5 =	vld [tilespmem:s10+$0x0];
	_ =	sdelay $0x2  }
0xbd: {  	v3 =	vadd.f32 v4, v3;
	_ =	sdelay $0x1  }
0xbe: {  	v3 =	vadd.f32 v3, v5  }
0xbf: {  	s11 =	sor.u32 $0x30, s31  }
0xc0: {  	s29 =	sadd.s32 s11, s30;
	[tilespmem:s10+$0x0] =	vst v3  }
0xc1: {  	s31 =	sadd.s32 s11, s17;
	v4 =	vld [tilespmem:s29+$0x0]  }
0xc2: {  	s1 =	sadd.s32 s11, s1;
	v5 =	vld [tilespmem:s31+$0x0]  }
0xc3: {  	s29 =	simm.s32 $0x40;
	v3 =	vld [tilespmem:s1+$0x0]  }
.LBB2_3:
0xc4: {  	_ =	sdelay $0x1  }
0xc5: {  	p0 =	sne.s32 s29, $0x3C0  }
0xc6: {  	s22 =	sadd.s32 $0x200, s22;
	s4 =	smov.u32 s29;
	s29 =	sadd.s32 $0x40, s29;
	v4 =	vadd.f32 v5, v4  }
0xc7: {  	s5 =	sand.u32 $0x1C00, s22  }
0xc8: {  	s4 =	sand.u32 $0x40, s4;
	s30 =	sadd.s32 s5, s28;
	s5 =	sadd.s32 s5, s23;
	v3 =	vadd.f32 v4, v3  }
0xc9: {  	s6 =	sor.u32 $0x10, s4;
	s17 =	sadd.s32 s4, s5;
	s31 =	sadd.s32 $0x80, s5  }
0xca: {  	s8 =	sadd.s32 s6, s5;
	s7 =	sadd.s32 s4, s31;
	s9 =	sadd.s32 s6, s31;
	[tilespmem:s1+$0x0] =	vst v3  }
0xcb: {  	s1 =	sor.u32 $0x20, s4;
	v3 =	vld [tilespmem:s7+$0x0];
	s7 =	sor.u32 $0x30, s4  }
0xcc: {  	s10 =	sadd.s32 s1, s31;
	v4 =	vld [tilespmem:s17+$0x0];
	s17 =	sadd.s32 s1, s5;
	s5 =	sadd.s32 s7, s5  }
0xcd: {  	s4 =	sadd.s32 s4, s30;
	s31 =	sadd.s32 s7, s31  }
0xce: {  	v5 =	vld [tilespmem:s4+$0x0];
	_ =	sdelay $0x2  }
0xcf: {  	v3 =	vadd.f32 v3, v4;
	_ =	sdelay $0x1  }
0xd0: {  	v3 =	vadd.f32 v3, v5;
	_ =	sdelay $0x1  }
0xd1: {  	[tilespmem:s4+$0x0] =	vst v3  }
0xd2: {  	v3 =	vld [tilespmem:s8+$0x0]  }
0xd3: {  	v4 =	vld [tilespmem:s9+$0x0]  }
0xd4: {  	s4 =	sadd.s32 s6, s30  }
0xd5: {  	v5 =	vld [tilespmem:s4+$0x0];
	_ =	sdelay $0x2  }
0xd6: {  	v3 =	vadd.f32 v4, v3;
	_ =	sdelay $0x1  }
0xd7: {  	v3 =	vadd.f32 v3, v5;
	_ =	sdelay $0x1  }
0xd8: {  	[tilespmem:s4+$0x0] =	vst v3  }
0xd9: {  	v3 =	vld [tilespmem:s17+$0x0]  }
0xda: {  	v4 =	vld [tilespmem:s10+$0x0]  }
0xdb: {  	s1 =	sadd.s32 s1, s30  }
0xdc: {  	v5 =	vld [tilespmem:s1+$0x0];
	_ =	sdelay $0x2  }
0xdd: {  	v3 =	vadd.f32 v4, v3;
	_ =	sdelay $0x1  }
0xde: {  	v3 =	vadd.f32 v3, v5  }
.Ltmp0:
0xdf: {  	(pc) =	sbr.rel @p0 .LBB2_3-.Ltmp0, $4  }
0xe0: {  	[tilespmem:s1+$0x0] =	vst v3  }
0xe1: {  	v4 =	vld [tilespmem:s5+$0x0]  }
0xe2: {  	s1 =	sadd.s32 s7, s30;
	v5 =	vld [tilespmem:s31+$0x0]  }
0xe3: {  	v3 =	vld [tilespmem:s1+$0x0]  }
0xe4: {  	_ = 	snop  }
0xe5: {  	s21 =	sadd.s32 $0x1, s21  }
0xe6: {  	p0 =	sne.s32 s21, $0x10  }
.Ltmp1:
0xe7: {  	v4 =	vadd.f32 v5, v4;
	(pc) =	sbr.rel @p0 .LBB2_2-.Ltmp1, $3  }
0xe8: {  	_ = 	snop  }
0xe9: {  	v3 =	vadd.f32 v4, v3;
	_ =	sdelay $0x1  }
0xea: {  	[tilespmem:s1+$0x0] =	vst v3  }
0xeb: {  	s21 =	simm.s32 $0x0;
	s1 =	rddreg [dreg:$0xd]  }
0xec: {  	[hbm4b:s1+s21] =	stream.linear.scatter [tilespmem:s24], [sflag:$0x3], $0x4000, $0x38;
	[tilespmem:$0x18400] =	vst v63  }
0xed: {  	_ =	swait.ge [sflag:s25], $0x8000  }
0xee: {  	[sflag:s25] =	ssyncset.done $0x0  }
0xef: {  	[sflag:s25] =	ssyncadd.s32 $0xFFFF8000  }
0xf0: {  	_ =	swait.ge [sflag:s26], $0x4000  }
0xf1: {  	[sflag:s26] =	ssyncset.done $0x0  }
0xf2: {  	[sflag:s26] =	ssyncadd.s32 $0xFFFFC000  }
0xf3: {  	_ =	swait.ge [sflag:s19], $0x4000  }
0xf4: {  	[sflag:s19] =	ssyncset.done $0x0  }
0xf5: {  	[sflag:s19] =	ssyncadd.s32 $0xFFFFC000  }
0xf6: {  	v3 =	vld [tilespmem:$0x100];
	_ =	sdelay $0x4  }
0xf7: {  	v4 =	vshll.u32 v3, $0x3  }
0xf8: {  	v3 =	vand.u32 $0x7, v3;
	v4 =	vand.u32 $0xFFFFFFC0, v4  }
0xf9: {  	v3 =	vor.u32 v3, v4  }
0xfa: {  	v4 =	vperm.xlane v3, v0;
	_ =	sdelay $0x1  }
0xfb: {  	v4 =	vadd.s32 v1, v4;
	_ =	sdelay $0x3  }
0xfc: {  	s30 =	simm.s32 $0x400  }
0xfd: {  	[tilespmem:s30], [sflag:$0x1] =	stream.indirect_vreg.gather [hbm4b:s3+s21], $0x80, v4, vm0, $0xb8;
	[tilespmem:$0x18400] =	vst v63  }
0xfe: {  	s31 =	simm.s32 $0xC00;
	v3 =	vperm.xlane v3, v2  }
0xff: {  	[tilespmem:s31], [sflag:$0x1] =	stream.indirect_vreg.gather [hbm4b:s12+s21], $0x80, v4, vm0, $0xb8;
	[tilespmem:$0x18400] =	vst v63  }
0x100: {  	s4 =	simm.s32 $0x1400;
	v3 =	vadd.s32 v1, v3  }
0x101: {  	[tilespmem:s4], [sflag:$0x1] =	stream.indirect_vreg.gather [hbm4b:s13+s21], $0x80, v4, vm0, $0xb8;
	[tilespmem:$0x18400] =	vst v63  }
0x102: {  	s5 =	simm.s32 $0x1C00  }
0x103: {  	[tilespmem:s5], [sflag:$0x1] =	stream.indirect_vreg.gather [hbm4b:s14+s21], $0x80, v4, vm0, $0xb8;
	[tilespmem:$0x18400] =	vst v63  }
0x104: {  	s6 =	simm.s32 $0x2400  }
0x105: {  	[tilespmem:s6], [sflag:$0x1] =	stream.indirect_vreg.gather [hbm4b:s3+s21], $0x80, v3, vm0, $0xb8;
	[tilespmem:$0x18400] =	vst v63  }
0x106: {  	s7 =	simm.s32 $0x2C00  }
0x107: {  	[tilespmem:s7], [sflag:$0x1] =	stream.indirect_vreg.gather [hbm4b:s12+s21], $0x80, v3, vm0, $0xb8;
	[tilespmem:$0x18400] =	vst v63  }
0x108: {  	s8 =	simm.s32 $0x3400  }
0x109: {  	[tilespmem:s8], [sflag:$0x1] =	stream.indirect_vreg.gather [hbm4b:s13+s21], $0x80, v3, vm0, $0xb8;
	[tilespmem:$0x18400] =	vst v63  }
0x10a: {  	s9 =	simm.s32 $0x3C00  }
0x10b: {  	[tilespmem:s9], [sflag:$0x1] =	stream.indirect_vreg.gather [hbm4b:s14+s21], $0x80, v3, vm0, $0xb8;
	[tilespmem:$0x18400] =	vst v63  }
0x10c: {  	v3 =	vld [tilespmem:$0x110];
	_ =	sdelay $0x4  }
0x10d: {  	v63 =	vshll.u32 v3, $0x3  }
0x10e: {  	v3 =	vand.u32 $0x7, v3;
	v4 =	vand.u32 $0xFFFFFFC0, v63  }
0x10f: {  	v3 =	vor.u32 v3, v4  }
0x110: {  	v4 =	vperm.xlane v3, v0;
	_ =	sdelay $0x1  }
0x111: {  	v4 =	vadd.s32 v1, v4;
	_ =	sdelay $0x3  }
0x112: {  	s10 =	simm.s32 $0x4400  }
0x113: {  	[tilespmem:s10], [sflag:$0x1] =	stream.indirect_vreg.gather [hbm4b:s3+s21], $0x80, v4, vm0, $0xb8;
	[tilespmem:$0x18400] =	vst v63  }
0x114: {  	s11 =	simm.s32 $0x4C00;
	v3 =	vperm.xlane v3, v2  }
0x115: {  	[tilespmem:s11], [sflag:$0x1] =	stream.indirect_vreg.gather [hbm4b:s12+s21], $0x80, v4, vm0, $0xb8;
	[tilespmem:$0x18400] =	vst v63  }
0x116: {  	s17 =	simm.s32 $0x5400;
	v3 =	vadd.s32 v1, v3  }
0x117: {  	[tilespmem:s17], [sflag:$0x1] =	stream.indirect_vreg.gather [hbm4b:s13+s21], $0x80, v4, vm0, $0xb8;
	[tilespmem:$0x18400] =	vst v63  }
0x118: {  	s22 =	simm.s32 $0x5C00  }
0x119: {  	[tilespmem:s22], [sflag:$0x1] =	stream.indirect_vreg.gather [hbm4b:s14+s21], $0x80, v4, vm0, $0xb8;
	[tilespmem:$0x18400] =	vst v63  }
0x11a: {  	s23 =	simm.s32 $0x6400  }
0x11b: {  	[tilespmem:s23], [sflag:$0x1] =	stream.indirect_vreg.gather [hbm4b:s3+s21], $0x80, v3, vm0, $0xb8;
	[tilespmem:$0x18400] =	vst v63  }
0x11c: {  	s28 =	simm.s32 $0x6C00  }
0x11d: {  	[tilespmem:s28], [sflag:$0x1] =	stream.indirect_vreg.gather [hbm4b:s12+s21], $0x80, v3, vm0, $0xb8;
	[tilespmem:$0x18400] =	vst v63  }
0x11e: {  	s29 =	simm.s32 $0x7400  }
0x11f: {  	[tilespmem:s29], [sflag:$0x1] =	stream.indirect_vreg.gather [hbm4b:s13+s21], $0x80, v3, vm0, $0xb8;
	[tilespmem:$0x18400] =	vst v63  }
0x120: {  	s30 =	simm.s32 $0x7C00  }
0x121: {  	[tilespmem:s30], [sflag:$0x1] =	stream.indirect_vreg.gather [hbm4b:s14+s21], $0x80, v3, vm0, $0xb8;
	[tilespmem:$0x18400] =	vst v63  }
0x122: {  	s31 =	rddreg [dreg:$0xe];
	s22 =	simm.s32 $0x0  }
0x123: {  	[tilespmem:s24], [sflag:$0x2] =	stream.linear.gather [hbm4b:s31+s21], $0x4000, $0x38;
	[tilespmem:$0x18400] =	vst v63  }
.LBB2_6:
0x124: {  	s1 =	sshll.u32 s22, $0x8;
	s4 =	sshll.u32 s22, $0xB  }
0x125: {  	s4 =	sand.u32 $0x6000, s4;
	s1 =	sand.u32 $0x300, s1  }
0x126: {  	s8 =	sshll.u32 s22, $0xA;
	s9 =	sand.u32 $0x1C00, s21;
	s1 =	sor.u32 s1, s4  }
0x127: {  	s5 =	sshll.u32 s22, $0x7;
	s7 =	sand.u32 $0x40, s21;
	s23 =	sor.u32 $0x8400, s1  }
0x128: {  	s5 =	sand.u32 $0x380, s5;
	s4 =	sand.u32 $0x2000, s8;
	s6 =	sadd.s32 s9, s23  }
0x129: {  	s4 =	sor.u32 s5, s4;
	s8 =	sadd.s32 $0x80, s6;
	s11 =	sadd.s32 s7, s6  }
0x12a: {  	s28 =	sor.u32 $0x14400, s4;
	s10 =	sadd.s32 s7, s8;
	v4 =	vld [tilespmem:s11+$0x0]  }
0x12b: {  	s1 =	sadd.s32 s9, s28;
	v3 =	vld [tilespmem:s10+$0x0]  }
0x12c: {  	s17 =	sadd.s32 s7, s1  }
0x12d: {  	v5 =	vld [tilespmem:s17+$0x0];
	_ =	sdelay $0x2  }
0x12e: {  	v3 =	vadd.f32 v3, v4;
	_ =	sdelay $0x1  }
0x12f: {  	v3 =	vadd.f32 v3, v5  }
0x130: {  	s31 =	sor.u32 $0x10, s7  }
0x131: {  	s9 =	sadd.s32 s31, s6;
	[tilespmem:s17+$0x0] =	vst v3  }
0x132: {  	s10 =	sadd.s32 s31, s8;
	v3 =	vld [tilespmem:s9+$0x0]  }
0x133: {  	v4 =	vld [tilespmem:s10+$0x0]  }
0x134: {  	s11 =	sadd.s32 s31, s1  }
0x135: {  	v5 =	vld [tilespmem:s11+$0x0];
	_ =	sdelay $0x2  }
0x136: {  	v3 =	vadd.f32 v4, v3;
	_ =	sdelay $0x1  }
0x137: {  	v3 =	vadd.f32 v3, v5  }
0x138: {  	s17 =	sor.u32 $0x20, s7  }
0x139: {  	s31 =	sadd.s32 s17, s6;
	[tilespmem:s11+$0x0] =	vst v3  }
0x13a: {  	s10 =	sadd.s32 s17, s8;
	v3 =	vld [tilespmem:s31+$0x0]  }
0x13b: {  	v4 =	vld [tilespmem:s10+$0x0]  }
0x13c: {  	s11 =	sadd.s32 s17, s1  }
0x13d: {  	v5 =	vld [tilespmem:s11+$0x0];
	_ =	sdelay $0x2  }
0x13e: {  	v3 =	vadd.f32 v4, v3;
	_ =	sdelay $0x1  }
0x13f: {  	v3 =	vadd.f32 v3, v5  }
0x140: {  	s17 =	sor.u32 $0x30, s7  }
0x141: {  	s6 =	sadd.s32 s17, s6;
	[tilespmem:s11+$0x0] =	vst v3  }
0x142: {  	s31 =	sadd.s32 s17, s8;
	v4 =	vld [tilespmem:s6+$0x0]  }
0x143: {  	s1 =	sadd.s32 s17, s1;
	v5 =	vld [tilespmem:s31+$0x0]  }
0x144: {  	s29 =	simm.s32 $0x40;
	s30 =	simm.s32 $0x0;
	v3 =	vld [tilespmem:s1+$0x0]  }
.LBB2_7:
0x145: {  	_ =	sdelay $0x1  }
0x146: {  	p0 =	sne.s32 s29, $0x3C0  }
0x147: {  	s30 =	sadd.s32 $0x200, s30;
	s4 =	smov.u32 s29;
	s29 =	sadd.s32 $0x40, s29;
	v4 =	vadd.f32 v5, v4  }
0x148: {  	s5 =	sand.u32 $0x1C00, s30  }
0x149: {  	s4 =	sand.u32 $0x40, s4;
	s31 =	sadd.s32 s5, s28;
	s5 =	sadd.s32 s5, s23;
	v3 =	vadd.f32 v4, v3  }
0x14a: {  	s8 =	sor.u32 $0x10, s4;
	s6 =	sadd.s32 s4, s5;
	s7 =	sadd.s32 $0x80, s5  }
0x14b: {  	s10 =	sadd.s32 s8, s5;
	s9 =	sadd.s32 s4, s7;
	s17 =	sadd.s32 s8, s7;
	[tilespmem:s1+$0x0] =	vst v3  }
0x14c: {  	s1 =	sor.u32 $0x20, s4;
	v3 =	vld [tilespmem:s9+$0x0];
	s9 =	sor.u32 $0x30, s4  }
0x14d: {  	s11 =	sadd.s32 s1, s7;
	v4 =	vld [tilespmem:s6+$0x0];
	s6 =	sadd.s32 s1, s5;
	s5 =	sadd.s32 s9, s5  }
0x14e: {  	s4 =	sadd.s32 s4, s31;
	s7 =	sadd.s32 s9, s7  }
0x14f: {  	v5 =	vld [tilespmem:s4+$0x0];
	_ =	sdelay $0x2  }
0x150: {  	v3 =	vadd.f32 v3, v4;
	_ =	sdelay $0x1  }
0x151: {  	v3 =	vadd.f32 v3, v5;
	_ =	sdelay $0x1  }
0x152: {  	[tilespmem:s4+$0x0] =	vst v3  }
0x153: {  	v3 =	vld [tilespmem:s10+$0x0]  }
0x154: {  	v4 =	vld [tilespmem:s17+$0x0]  }
0x155: {  	s4 =	sadd.s32 s8, s31  }
0x156: {  	v5 =	vld [tilespmem:s4+$0x0];
	_ =	sdelay $0x2  }
0x157: {  	v3 =	vadd.f32 v4, v3;
	_ =	sdelay $0x1  }
0x158: {  	v3 =	vadd.f32 v3, v5;
	_ =	sdelay $0x1  }
0x159: {  	[tilespmem:s4+$0x0] =	vst v3  }
0x15a: {  	v3 =	vld [tilespmem:s6+$0x0]  }
0x15b: {  	v4 =	vld [tilespmem:s11+$0x0]  }
0x15c: {  	s1 =	sadd.s32 s1, s31  }
0x15d: {  	v5 =	vld [tilespmem:s1+$0x0];
	_ =	sdelay $0x2  }
0x15e: {  	v3 =	vadd.f32 v4, v3;
	_ =	sdelay $0x1  }
0x15f: {  	v3 =	vadd.f32 v3, v5  }
.Ltmp2:
0x160: {  	(pc) =	sbr.rel @p0 .LBB2_7-.Ltmp2, $4  }
0x161: {  	[tilespmem:s1+$0x0] =	vst v3  }
0x162: {  	v4 =	vld [tilespmem:s5+$0x0]  }
0x163: {  	s1 =	sadd.s32 s9, s31;
	v5 =	vld [tilespmem:s7+$0x0]  }
0x164: {  	v3 =	vld [tilespmem:s1+$0x0]  }
0x165: {  	_ = 	snop  }
0x166: {  	s22 =	sadd.s32 $0x1, s22  }
0x167: {  	p0 =	sne.s32 s22, $0x10  }
.Ltmp3:
0x168: {  	v4 =	vadd.f32 v5, v4;
	(pc) =	sbr.rel @p0 .LBB2_6-.Ltmp3, $3  }
0x169: {  	_ = 	snop  }
0x16a: {  	v3 =	vadd.f32 v4, v3;
	_ =	sdelay $0x1  }
0x16b: {  	[tilespmem:s1+$0x0] =	vst v3  }
0x16c: {  	s21 =	simm.s32 $0x0;
	s1 =	rddreg [dreg:$0xf]  }
0x16d: {  	[hbm4b:s1+s21] =	stream.linear.scatter [tilespmem:s18], [sflag:$0x3], $0x4000, $0x38;
	[tilespmem:$0x18400] =	vst v63  }
0x16e: {  	_ =	swait.ge [sflag:s25], $0x8000  }
0x16f: {  	[sflag:s25] =	ssyncset.done $0x0  }
0x170: {  	[sflag:s25] =	ssyncadd.s32 $0xFFFF8000  }
0x171: {  	_ =	swait.ge [sflag:s26], $0x4000  }
0x172: {  	[sflag:s26] =	ssyncset.done $0x0  }
0x173: {  	[sflag:s26] =	ssyncadd.s32 $0xFFFFC000  }
0x174: {  	_ =	swait.ge [sflag:s19], $0x4000  }
0x175: {  	[sflag:s19] =	ssyncset.done $0x0  }
0x176: {  	[sflag:s19] =	ssyncadd.s32 $0xFFFFC000  }
0x177: {  	v3 =	vld [tilespmem:$0x180];
	_ =	sdelay $0x4  }
0x178: {  	v4 =	vshll.u32 v3, $0x3  }
0x179: {  	v3 =	vand.u32 $0x7, v3;
	v4 =	vand.u32 $0xFFFFFFC0, v4  }
0x17a: {  	v3 =	vor.u32 v3, v4  }
0x17b: {  	v4 =	vperm.xlane v3, v0;
	_ =	sdelay $0x1  }
0x17c: {  	v4 =	vadd.s32 v1, v4;
	_ =	sdelay $0x3  }
0x17d: {  	s4 =	simm.s32 $0x8400  }
0x17e: {  	[tilespmem:s4], [sflag:$0x1] =	stream.indirect_vreg.gather [hbm4b:s3+s21], $0x80, v4, vm0, $0xb8;
	[tilespmem:$0x18400] =	vst v63  }
0x17f: {  	s5 =	simm.s32 $0x8C00;
	v3 =	vperm.xlane v3, v2  }
0x180: {  	[tilespmem:s5], [sflag:$0x1] =	stream.indirect_vreg.gather [hbm4b:s12+s21], $0x80, v4, vm0, $0xb8;
	[tilespmem:$0x18400] =	vst v63  }
0x181: {  	s6 =	simm.s32 $0x9400;
	v3 =	vadd.s32 v1, v3  }
0x182: {  	[tilespmem:s6], [sflag:$0x1] =	stream.indirect_vreg.gather [hbm4b:s13+s21], $0x80, v4, vm0, $0xb8;
	[tilespmem:$0x18400] =	vst v63  }
0x183: {  	s7 =	simm.s32 $0x9C00  }
0x184: {  	[tilespmem:s7], [sflag:$0x1] =	stream.indirect_vreg.gather [hbm4b:s14+s21], $0x80, v4, vm0, $0xb8;
	[tilespmem:$0x18400] =	vst v63  }
0x185: {  	s8 =	simm.s32 $0xA400  }
0x186: {  	[tilespmem:s8], [sflag:$0x1] =	stream.indirect_vreg.gather [hbm4b:s3+s21], $0x80, v3, vm0, $0xb8;
	[tilespmem:$0x18400] =	vst v63  }
0x187: {  	s9 =	simm.s32 $0xAC00  }
0x188: {  	[tilespmem:s9], [sflag:$0x1] =	stream.indirect_vreg.gather [hbm4b:s12+s21], $0x80, v3, vm0, $0xb8;
	[tilespmem:$0x18400] =	vst v63  }
0x189: {  	s10 =	simm.s32 $0xB400  }
0x18a: {  	[tilespmem:s10], [sflag:$0x1] =	stream.indirect_vreg.gather [hbm4b:s13+s21], $0x80, v3, vm0, $0xb8;
	[tilespmem:$0x18400] =	vst v63  }
0x18b: {  	s11 =	simm.s32 $0xBC00  }
0x18c: {  	[tilespmem:s11], [sflag:$0x1] =	stream.indirect_vreg.gather [hbm4b:s14+s21], $0x80, v3, vm0, $0xb8;
	[tilespmem:$0x18400] =	vst v63  }
0x18d: {  	v3 =	vld [tilespmem:$0x190];
	_ =	sdelay $0x4  }
0x18e: {  	v63 =	vshll.u32 v3, $0x3  }
0x18f: {  	v3 =	vand.u32 $0x7, v3;
	v4 =	vand.u32 $0xFFFFFFC0, v63  }
0x190: {  	v3 =	vor.u32 v3, v4  }
0x191: {  	v4 =	vperm.xlane v3, v0;
	_ =	sdelay $0x1  }
0x192: {  	v4 =	vadd.s32 v1, v4;
	_ =	sdelay $0x3  }
0x193: {  	s17 =	simm.s32 $0xC400  }
0x194: {  	[tilespmem:s17], [sflag:$0x1] =	stream.indirect_vreg.gather [hbm4b:s3+s21], $0x80, v4, vm0, $0xb8;
	[tilespmem:$0x18400] =	vst v63  }
0x195: {  	s22 =	simm.s32 $0xCC00;
	v3 =	vperm.xlane v3, v2  }
0x196: {  	[tilespmem:s22], [sflag:$0x1] =	stream.indirect_vreg.gather [hbm4b:s12+s21], $0x80, v4, vm0, $0xb8;
	[tilespmem:$0x18400] =	vst v63  }
0x197: {  	s23 =	simm.s32 $0xD400;
	v3 =	vadd.s32 v1, v3  }
0x198: {  	[tilespmem:s23], [sflag:$0x1] =	stream.indirect_vreg.gather [hbm4b:s13+s21], $0x80, v4, vm0, $0xb8;
	[tilespmem:$0x18400] =	vst v63  }
0x199: {  	s28 =	simm.s32 $0xDC00  }
0x19a: {  	[tilespmem:s28], [sflag:$0x1] =	stream.indirect_vreg.gather [hbm4b:s14+s21], $0x80, v4, vm0, $0xb8;
	[tilespmem:$0x18400] =	vst v63  }
0x19b: {  	s29 =	simm.s32 $0xE400  }
0x19c: {  	[tilespmem:s29], [sflag:$0x1] =	stream.indirect_vreg.gather [hbm4b:s3+s21], $0x80, v3, vm0, $0xb8;
	[tilespmem:$0x18400] =	vst v63  }
0x19d: {  	s30 =	simm.s32 $0xEC00  }
0x19e: {  	[tilespmem:s30], [sflag:$0x1] =	stream.indirect_vreg.gather [hbm4b:s12+s21], $0x80, v3, vm0, $0xb8;
	[tilespmem:$0x18400] =	vst v63  }
0x19f: {  	_ = 	snop  }
0x1a0: {  	[tilespmem:s15], [sflag:$0x1] =	stream.indirect_vreg.gather [hbm4b:s13+s21], $0x80, v3, vm0, $0xb8;
	[tilespmem:$0x18400] =	vst v63  }
0x1a1: {  	_ = 	snop  }
0x1a2: {  	[tilespmem:s16], [sflag:$0x1] =	stream.indirect_vreg.gather [hbm4b:s14+s21], $0x80, v3, vm0, $0xb8;
	[tilespmem:$0x18400] =	vst v63  }
0x1a3: {  	s31 =	rddreg [dreg:$0x10];
	s22 =	simm.s32 $0x0  }
0x1a4: {  	[tilespmem:s18], [sflag:$0x2] =	stream.linear.gather [hbm4b:s31+s21], $0x4000, $0x38;
	[tilespmem:$0x18400] =	vst v63  }
.LBB2_10:
0x1a5: {  	s1 =	sshll.u32 s22, $0x8;
	s4 =	sshll.u32 s22, $0xB  }
0x1a6: {  	s4 =	sand.u32 $0x6000, s4;
	s1 =	sand.u32 $0x300, s1  }
0x1a7: {  	s8 =	sshll.u32 s22, $0xA;
	s9 =	sand.u32 $0x1C00, s21;
	s1 =	sor.u32 s1, s4  }
0x1a8: {  	s5 =	sshll.u32 s22, $0x7;
	s7 =	sand.u32 $0x40, s21;
	s23 =	sor.u32 $0x400, s1  }
0x1a9: {  	s5 =	sand.u32 $0x380, s5;
	s4 =	sand.u32 $0x2000, s8;
	s6 =	sadd.s32 s9, s23  }
0x1aa: {  	s4 =	sor.u32 s5, s4;
	s8 =	sadd.s32 $0x80, s6;
	s11 =	sadd.s32 s7, s6  }
0x1ab: {  	s28 =	sor.u32 $0x10400, s4;
	s10 =	sadd.s32 s7, s8;
	v4 =	vld [tilespmem:s11+$0x0]  }
0x1ac: {  	s1 =	sadd.s32 s9, s28;
	v3 =	vld [tilespmem:s10+$0x0]  }
0x1ad: {  	s17 =	sadd.s32 s7, s1  }
0x1ae: {  	v5 =	vld [tilespmem:s17+$0x0];
	_ =	sdelay $0x2  }
0x1af: {  	v3 =	vadd.f32 v3, v4;
	_ =	sdelay $0x1  }
0x1b0: {  	v3 =	vadd.f32 v3, v5  }
0x1b1: {  	s31 =	sor.u32 $0x10, s7  }
0x1b2: {  	s9 =	sadd.s32 s31, s6;
	[tilespmem:s17+$0x0] =	vst v3  }
0x1b3: {  	s10 =	sadd.s32 s31, s8;
	v3 =	vld [tilespmem:s9+$0x0]  }
0x1b4: {  	v4 =	vld [tilespmem:s10+$0x0]  }
0x1b5: {  	s11 =	sadd.s32 s31, s1  }
0x1b6: {  	v5 =	vld [tilespmem:s11+$0x0];
	_ =	sdelay $0x2  }
0x1b7: {  	v3 =	vadd.f32 v4, v3;
	_ =	sdelay $0x1  }
0x1b8: {  	v3 =	vadd.f32 v3, v5  }
0x1b9: {  	s17 =	sor.u32 $0x20, s7  }
0x1ba: {  	s31 =	sadd.s32 s17, s6;
	[tilespmem:s11+$0x0] =	vst v3  }
0x1bb: {  	s10 =	sadd.s32 s17, s8;
	v3 =	vld [tilespmem:s31+$0x0]  }
0x1bc: {  	v4 =	vld [tilespmem:s10+$0x0]  }
0x1bd: {  	s11 =	sadd.s32 s17, s1  }
0x1be: {  	v5 =	vld [tilespmem:s11+$0x0];
	_ =	sdelay $0x2  }
0x1bf: {  	v3 =	vadd.f32 v4, v3;
	_ =	sdelay $0x1  }
0x1c0: {  	v3 =	vadd.f32 v3, v5  }
0x1c1: {  	s17 =	sor.u32 $0x30, s7  }
0x1c2: {  	s6 =	sadd.s32 s17, s6;
	[tilespmem:s11+$0x0] =	vst v3  }
0x1c3: {  	s31 =	sadd.s32 s17, s8;
	v4 =	vld [tilespmem:s6+$0x0]  }
0x1c4: {  	s1 =	sadd.s32 s17, s1;
	v5 =	vld [tilespmem:s31+$0x0]  }
0x1c5: {  	s29 =	simm.s32 $0x40;
	s30 =	simm.s32 $0x0;
	v3 =	vld [tilespmem:s1+$0x0]  }
.LBB2_11:
0x1c6: {  	_ =	sdelay $0x1  }
0x1c7: {  	p0 =	sne.s32 s29, $0x3C0  }
0x1c8: {  	s30 =	sadd.s32 $0x200, s30;
	s4 =	smov.u32 s29;
	s29 =	sadd.s32 $0x40, s29;
	v4 =	vadd.f32 v5, v4  }
0x1c9: {  	s5 =	sand.u32 $0x1C00, s30  }
0x1ca: {  	s4 =	sand.u32 $0x40, s4;
	s31 =	sadd.s32 s5, s28;
	s5 =	sadd.s32 s5, s23;
	v3 =	vadd.f32 v4, v3  }
0x1cb: {  	s8 =	sor.u32 $0x10, s4;
	s6 =	sadd.s32 s4, s5;
	s7 =	sadd.s32 $0x80, s5  }
0x1cc: {  	s10 =	sadd.s32 s8, s5;
	s9 =	sadd.s32 s4, s7;
	s11 =	sadd.s32 s8, s7;
	[tilespmem:s1+$0x0] =	vst v3  }
0x1cd: {  	s1 =	sor.u32 $0x20, s4;
	v3 =	vld [tilespmem:s9+$0x0];
	s9 =	sor.u32 $0x30, s4  }
0x1ce: {  	s17 =	sadd.s32 s1, s7;
	v4 =	vld [tilespmem:s6+$0x0];
	s6 =	sadd.s32 s1, s5;
	s5 =	sadd.s32 s9, s5  }
0x1cf: {  	s4 =	sadd.s32 s4, s31;
	s7 =	sadd.s32 s9, s7  }
0x1d0: {  	v5 =	vld [tilespmem:s4+$0x0];
	_ =	sdelay $0x2  }
0x1d1: {  	v3 =	vadd.f32 v3, v4;
	_ =	sdelay $0x1  }
0x1d2: {  	v3 =	vadd.f32 v3, v5;
	_ =	sdelay $0x1  }
0x1d3: {  	[tilespmem:s4+$0x0] =	vst v3  }
0x1d4: {  	v3 =	vld [tilespmem:s10+$0x0]  }
0x1d5: {  	v4 =	vld [tilespmem:s11+$0x0]  }
0x1d6: {  	s4 =	sadd.s32 s8, s31  }
0x1d7: {  	v5 =	vld [tilespmem:s4+$0x0];
	_ =	sdelay $0x2  }
0x1d8: {  	v3 =	vadd.f32 v4, v3;
	_ =	sdelay $0x1  }
0x1d9: {  	v3 =	vadd.f32 v3, v5;
	_ =	sdelay $0x1  }
0x1da: {  	[tilespmem:s4+$0x0] =	vst v3  }
0x1db: {  	v3 =	vld [tilespmem:s6+$0x0]  }
0x1dc: {  	v4 =	vld [tilespmem:s17+$0x0]  }
0x1dd: {  	s1 =	sadd.s32 s1, s31  }
0x1de: {  	v5 =	vld [tilespmem:s1+$0x0];
	_ =	sdelay $0x2  }
0x1df: {  	v3 =	vadd.f32 v4, v3;
	_ =	sdelay $0x1  }
0x1e0: {  	v3 =	vadd.f32 v3, v5  }
.Ltmp4:
0x1e1: {  	(pc) =	sbr.rel @p0 .LBB2_11-.Ltmp4, $4  }
0x1e2: {  	[tilespmem:s1+$0x0] =	vst v3  }
0x1e3: {  	v4 =	vld [tilespmem:s5+$0x0]  }
0x1e4: {  	s1 =	sadd.s32 s9, s31;
	v5 =	vld [tilespmem:s7+$0x0]  }
0x1e5: {  	v3 =	vld [tilespmem:s1+$0x0]  }
0x1e6: {  	_ = 	snop  }
0x1e7: {  	s22 =	sadd.s32 $0x1, s22  }
0x1e8: {  	p0 =	sne.s32 s22, $0x10  }
.Ltmp5:
0x1e9: {  	v4 =	vadd.f32 v5, v4;
	(pc) =	sbr.rel @p0 .LBB2_10-.Ltmp5, $3  }
0x1ea: {  	_ = 	snop  }
0x1eb: {  	v3 =	vadd.f32 v4, v3;
	_ =	sdelay $0x1  }
0x1ec: {  	[tilespmem:s1+$0x0] =	vst v3  }
0x1ed: {  	s21 =	simm.s32 $0x0;
	s1 =	rddreg [dreg:$0x16]  }
0x1ee: {  	[hbm4b:s1+s21] =	stream.linear.scatter [tilespmem:s24], [sflag:$0x3], $0x4000, $0x38;
	[tilespmem:$0x18400] =	vst v63  }
0x1ef: {  	_ =	swait.ge [sflag:s25], $0x8000  }
0x1f0: {  	[sflag:s25] =	ssyncset.done $0x0  }
0x1f1: {  	[sflag:s25] =	ssyncadd.s32 $0xFFFF8000  }
0x1f2: {  	_ =	swait.ge [sflag:s26], $0x4000  }
0x1f3: {  	[sflag:s26] =	ssyncset.done $0x0  }
0x1f4: {  	[sflag:s26] =	ssyncadd.s32 $0xFFFFC000  }
0x1f5: {  	_ =	swait.ge [sflag:s19], $0x4000  }
0x1f6: {  	[sflag:s19] =	ssyncset.done $0x0  }
0x1f7: {  	[sflag:s19] =	ssyncadd.s32 $0xFFFFC000  }
0x1f8: {  	v3 =	vld [tilespmem:$0x200];
	_ =	sdelay $0x4  }
0x1f9: {  	v4 =	vshll.u32 v3, $0x3  }
0x1fa: {  	v3 =	vand.u32 $0x7, v3;
	v4 =	vand.u32 $0xFFFFFFC0, v4  }
0x1fb: {  	v3 =	vor.u32 v3, v4  }
0x1fc: {  	v4 =	vperm.xlane v3, v0;
	_ =	sdelay $0x1  }
0x1fd: {  	v4 =	vadd.s32 v1, v4;
	_ =	sdelay $0x3  }
0x1fe: {  	s30 =	simm.s32 $0x400  }
0x1ff: {  	[tilespmem:s30], [sflag:$0x1] =	stream.indirect_vreg.gather [hbm4b:s3+s21], $0x80, v4, vm0, $0xb8;
	[tilespmem:$0x18400] =	vst v63  }
0x200: {  	s31 =	simm.s32 $0xC00;
	v3 =	vperm.xlane v3, v2  }
0x201: {  	[tilespmem:s31], [sflag:$0x1] =	stream.indirect_vreg.gather [hbm4b:s12+s21], $0x80, v4, vm0, $0xb8;
	[tilespmem:$0x18400] =	vst v63  }
0x202: {  	s4 =	simm.s32 $0x1400;
	v3 =	vadd.s32 v1, v3  }
0x203: {  	[tilespmem:s4], [sflag:$0x1] =	stream.indirect_vreg.gather [hbm4b:s13+s21], $0x80, v4, vm0, $0xb8;
	[tilespmem:$0x18400] =	vst v63  }
0x204: {  	s5 =	simm.s32 $0x1C00  }
0x205: {  	[tilespmem:s5], [sflag:$0x1] =	stream.indirect_vreg.gather [hbm4b:s14+s21], $0x80, v4, vm0, $0xb8;
	[tilespmem:$0x18400] =	vst v63  }
0x206: {  	s6 =	simm.s32 $0x2400  }
0x207: {  	[tilespmem:s6], [sflag:$0x1] =	stream.indirect_vreg.gather [hbm4b:s3+s21], $0x80, v3, vm0, $0xb8;
	[tilespmem:$0x18400] =	vst v63  }
0x208: {  	s7 =	simm.s32 $0x2C00  }
0x209: {  	[tilespmem:s7], [sflag:$0x1] =	stream.indirect_vreg.gather [hbm4b:s12+s21], $0x80, v3, vm0, $0xb8;
	[tilespmem:$0x18400] =	vst v63  }
0x20a: {  	s8 =	simm.s32 $0x3400  }
0x20b: {  	[tilespmem:s8], [sflag:$0x1] =	stream.indirect_vreg.gather [hbm4b:s13+s21], $0x80, v3, vm0, $0xb8;
	[tilespmem:$0x18400] =	vst v63  }
0x20c: {  	s9 =	simm.s32 $0x3C00  }
0x20d: {  	[tilespmem:s9], [sflag:$0x1] =	stream.indirect_vreg.gather [hbm4b:s14+s21], $0x80, v3, vm0, $0xb8;
	[tilespmem:$0x18400] =	vst v63  }
0x20e: {  	v3 =	vld [tilespmem:$0x210];
	_ =	sdelay $0x4  }
0x20f: {  	v63 =	vshll.u32 v3, $0x3  }
0x210: {  	v3 =	vand.u32 $0x7, v3;
	v4 =	vand.u32 $0xFFFFFFC0, v63  }
0x211: {  	v3 =	vor.u32 v3, v4  }
0x212: {  	v4 =	vperm.xlane v3, v0;
	_ =	sdelay $0x1  }
0x213: {  	v4 =	vadd.s32 v1, v4;
	_ =	sdelay $0x3  }
0x214: {  	s10 =	simm.s32 $0x4400  }
0x215: {  	[tilespmem:s10], [sflag:$0x1] =	stream.indirect_vreg.gather [hbm4b:s3+s21], $0x80, v4, vm0, $0xb8;
	[tilespmem:$0x18400] =	vst v63  }
0x216: {  	s11 =	simm.s32 $0x4C00;
	v3 =	vperm.xlane v3, v2  }
0x217: {  	[tilespmem:s11], [sflag:$0x1] =	stream.indirect_vreg.gather [hbm4b:s12+s21], $0x80, v4, vm0, $0xb8;
	[tilespmem:$0x18400] =	vst v63  }
0x218: {  	s17 =	simm.s32 $0x5400;
	v3 =	vadd.s32 v1, v3  }
0x219: {  	[tilespmem:s17], [sflag:$0x1] =	stream.indirect_vreg.gather [hbm4b:s13+s21], $0x80, v4, vm0, $0xb8;
	[tilespmem:$0x18400] =	vst v63  }
0x21a: {  	s22 =	simm.s32 $0x5C00  }
0x21b: {  	[tilespmem:s22], [sflag:$0x1] =	stream.indirect_vreg.gather [hbm4b:s14+s21], $0x80, v4, vm0, $0xb8;
	[tilespmem:$0x18400] =	vst v63  }
0x21c: {  	s23 =	simm.s32 $0x6400  }
0x21d: {  	[tilespmem:s23], [sflag:$0x1] =	stream.indirect_vreg.gather [hbm4b:s3+s21], $0x80, v3, vm0, $0xb8;
	[tilespmem:$0x18400] =	vst v63  }
0x21e: {  	s28 =	simm.s32 $0x6C00  }
0x21f: {  	[tilespmem:s28], [sflag:$0x1] =	stream.indirect_vreg.gather [hbm4b:s12+s21], $0x80, v3, vm0, $0xb8;
	[tilespmem:$0x18400] =	vst v63  }
0x220: {  	s29 =	simm.s32 $0x7400  }
0x221: {  	[tilespmem:s29], [sflag:$0x1] =	stream.indirect_vreg.gather [hbm4b:s13+s21], $0x80, v3, vm0, $0xb8;
	[tilespmem:$0x18400] =	vst v63  }
0x222: {  	s30 =	simm.s32 $0x7C00  }
0x223: {  	[tilespmem:s30], [sflag:$0x1] =	stream.indirect_vreg.gather [hbm4b:s14+s21], $0x80, v3, vm0, $0xb8;
	[tilespmem:$0x18400] =	vst v63  }
0x224: {  	s31 =	rddreg [dreg:$0x11];
	s22 =	simm.s32 $0x0  }
0x225: {  	[tilespmem:s24], [sflag:$0x2] =	stream.linear.gather [hbm4b:s31+s21], $0x4000, $0x38;
	[tilespmem:$0x18400] =	vst v63  }
.LBB2_14:
0x226: {  	s1 =	sshll.u32 s22, $0x8;
	s4 =	sshll.u32 s22, $0xB  }
0x227: {  	s4 =	sand.u32 $0x6000, s4;
	s1 =	sand.u32 $0x300, s1  }
0x228: {  	s8 =	sshll.u32 s22, $0xA;
	s9 =	sand.u32 $0x1C00, s21;
	s1 =	sor.u32 s1, s4  }
0x229: {  	s5 =	sshll.u32 s22, $0x7;
	s7 =	sand.u32 $0x40, s21;
	s23 =	sor.u32 $0x8400, s1  }
0x22a: {  	s5 =	sand.u32 $0x380, s5;
	s4 =	sand.u32 $0x2000, s8;
	s6 =	sadd.s32 s9, s23  }
0x22b: {  	s4 =	sor.u32 s5, s4;
	s8 =	sadd.s32 $0x80, s6;
	s11 =	sadd.s32 s7, s6  }
0x22c: {  	s28 =	sor.u32 $0x14400, s4;
	s10 =	sadd.s32 s7, s8;
	v4 =	vld [tilespmem:s11+$0x0]  }
0x22d: {  	s1 =	sadd.s32 s9, s28;
	v3 =	vld [tilespmem:s10+$0x0]  }
0x22e: {  	s17 =	sadd.s32 s7, s1  }
0x22f: {  	v5 =	vld [tilespmem:s17+$0x0];
	_ =	sdelay $0x2  }
0x230: {  	v3 =	vadd.f32 v3, v4;
	_ =	sdelay $0x1  }
0x231: {  	v3 =	vadd.f32 v3, v5  }
0x232: {  	s31 =	sor.u32 $0x10, s7  }
0x233: {  	s9 =	sadd.s32 s31, s6;
	[tilespmem:s17+$0x0] =	vst v3  }
0x234: {  	s10 =	sadd.s32 s31, s8;
	v3 =	vld [tilespmem:s9+$0x0]  }
0x235: {  	v4 =	vld [tilespmem:s10+$0x0]  }
0x236: {  	s11 =	sadd.s32 s31, s1  }
0x237: {  	v5 =	vld [tilespmem:s11+$0x0];
	_ =	sdelay $0x2  }
0x238: {  	v3 =	vadd.f32 v4, v3;
	_ =	sdelay $0x1  }
0x239: {  	v3 =	vadd.f32 v3, v5  }
0x23a: {  	s17 =	sor.u32 $0x20, s7  }
0x23b: {  	s31 =	sadd.s32 s17, s6;
	[tilespmem:s11+$0x0] =	vst v3  }
0x23c: {  	s10 =	sadd.s32 s17, s8;
	v3 =	vld [tilespmem:s31+$0x0]  }
0x23d: {  	v4 =	vld [tilespmem:s10+$0x0]  }
0x23e: {  	s11 =	sadd.s32 s17, s1  }
0x23f: {  	v5 =	vld [tilespmem:s11+$0x0];
	_ =	sdelay $0x2  }
0x240: {  	v3 =	vadd.f32 v4, v3;
	_ =	sdelay $0x1  }
0x241: {  	v3 =	vadd.f32 v3, v5  }
0x242: {  	s17 =	sor.u32 $0x30, s7  }
0x243: {  	s6 =	sadd.s32 s17, s6;
	[tilespmem:s11+$0x0] =	vst v3  }
0x244: {  	s31 =	sadd.s32 s17, s8;
	v4 =	vld [tilespmem:s6+$0x0]  }
0x245: {  	s1 =	sadd.s32 s17, s1;
	v5 =	vld [tilespmem:s31+$0x0]  }
0x246: {  	s29 =	simm.s32 $0x40;
	s30 =	simm.s32 $0x0;
	v3 =	vld [tilespmem:s1+$0x0]  }
.LBB2_15:
0x247: {  	_ =	sdelay $0x1  }
0x248: {  	p0 =	sne.s32 s29, $0x3C0  }
0x249: {  	s30 =	sadd.s32 $0x200, s30;
	s4 =	smov.u32 s29;
	s29 =	sadd.s32 $0x40, s29;
	v4 =	vadd.f32 v5, v4  }
0x24a: {  	s5 =	sand.u32 $0x1C00, s30  }
0x24b: {  	s4 =	sand.u32 $0x40, s4;
	s31 =	sadd.s32 s5, s28;
	s5 =	sadd.s32 s5, s23;
	v3 =	vadd.f32 v4, v3  }
0x24c: {  	s8 =	sor.u32 $0x10, s4;
	s6 =	sadd.s32 s4, s5;
	s7 =	sadd.s32 $0x80, s5  }
0x24d: {  	s10 =	sadd.s32 s8, s5;
	s9 =	sadd.s32 s4, s7;
	s11 =	sadd.s32 s8, s7;
	[tilespmem:s1+$0x0] =	vst v3  }
0x24e: {  	s1 =	sor.u32 $0x20, s4;
	v3 =	vld [tilespmem:s9+$0x0];
	s9 =	sor.u32 $0x30, s4  }
0x24f: {  	s17 =	sadd.s32 s1, s7;
	v4 =	vld [tilespmem:s6+$0x0];
	s6 =	sadd.s32 s1, s5;
	s5 =	sadd.s32 s9, s5  }
0x250: {  	s4 =	sadd.s32 s4, s31;
	s7 =	sadd.s32 s9, s7  }
0x251: {  	v5 =	vld [tilespmem:s4+$0x0];
	_ =	sdelay $0x2  }
0x252: {  	v3 =	vadd.f32 v3, v4;
	_ =	sdelay $0x1  }
0x253: {  	v3 =	vadd.f32 v3, v5;
	_ =	sdelay $0x1  }
0x254: {  	[tilespmem:s4+$0x0] =	vst v3  }
0x255: {  	v3 =	vld [tilespmem:s10+$0x0]  }
0x256: {  	v4 =	vld [tilespmem:s11+$0x0]  }
0x257: {  	s4 =	sadd.s32 s8, s31  }
0x258: {  	v5 =	vld [tilespmem:s4+$0x0];
	_ =	sdelay $0x2  }
0x259: {  	v3 =	vadd.f32 v4, v3;
	_ =	sdelay $0x1  }
0x25a: {  	v3 =	vadd.f32 v3, v5;
	_ =	sdelay $0x1  }
0x25b: {  	[tilespmem:s4+$0x0] =	vst v3  }
0x25c: {  	v3 =	vld [tilespmem:s6+$0x0]  }
0x25d: {  	v4 =	vld [tilespmem:s17+$0x0]  }
0x25e: {  	s1 =	sadd.s32 s1, s31  }
0x25f: {  	v5 =	vld [tilespmem:s1+$0x0];
	_ =	sdelay $0x2  }
0x260: {  	v3 =	vadd.f32 v4, v3;
	_ =	sdelay $0x1  }
0x261: {  	v3 =	vadd.f32 v3, v5  }
.Ltmp6:
0x262: {  	(pc) =	sbr.rel @p0 .LBB2_15-.Ltmp6, $4  }
0x263: {  	[tilespmem:s1+$0x0] =	vst v3  }
0x264: {  	v4 =	vld [tilespmem:s5+$0x0]  }
0x265: {  	s1 =	sadd.s32 s9, s31;
	v5 =	vld [tilespmem:s7+$0x0]  }
0x266: {  	v3 =	vld [tilespmem:s1+$0x0]  }
0x267: {  	_ = 	snop  }
0x268: {  	s22 =	sadd.s32 $0x1, s22  }
0x269: {  	p0 =	sne.s32 s22, $0x10  }
.Ltmp7:
0x26a: {  	v4 =	vadd.f32 v5, v4;
	(pc) =	sbr.rel @p0 .LBB2_14-.Ltmp7, $3  }
0x26b: {  	_ = 	snop  }
0x26c: {  	v3 =	vadd.f32 v4, v3;
	_ =	sdelay $0x1  }
0x26d: {  	[tilespmem:s1+$0x0] =	vst v3  }
0x26e: {  	s21 =	simm.s32 $0x0;
	s1 =	rddreg [dreg:$0x17]  }
0x26f: {  	[hbm4b:s1+s21] =	stream.linear.scatter [tilespmem:s18], [sflag:$0x3], $0x4000, $0x38;
	[tilespmem:$0x18400] =	vst v63  }
0x270: {  	_ =	swait.ge [sflag:s25], $0x8000  }
0x271: {  	[sflag:s25] =	ssyncset.done $0x0  }
0x272: {  	[sflag:s25] =	ssyncadd.s32 $0xFFFF8000  }
0x273: {  	_ =	swait.ge [sflag:s26], $0x4000  }
0x274: {  	[sflag:s26] =	ssyncset.done $0x0  }
0x275: {  	[sflag:s26] =	ssyncadd.s32 $0xFFFFC000  }
0x276: {  	_ =	swait.ge [sflag:s19], $0x4000  }
0x277: {  	[sflag:s19] =	ssyncset.done $0x0  }
0x278: {  	[sflag:s19] =	ssyncadd.s32 $0xFFFFC000  }
0x279: {  	v3 =	vld [tilespmem:$0x280];
	_ =	sdelay $0x4  }
0x27a: {  	v4 =	vshll.u32 v3, $0x3  }
0x27b: {  	v3 =	vand.u32 $0x7, v3;
	v4 =	vand.u32 $0xFFFFFFC0, v4  }
0x27c: {  	v3 =	vor.u32 v3, v4  }
0x27d: {  	v4 =	vperm.xlane v3, v0;
	_ =	sdelay $0x1  }
0x27e: {  	v4 =	vadd.s32 v1, v4;
	_ =	sdelay $0x3  }
0x27f: {  	s4 =	simm.s32 $0x8400  }
0x280: {  	[tilespmem:s4], [sflag:$0x1] =	stream.indirect_vreg.gather [hbm4b:s3+s21], $0x80, v4, vm0, $0xb8;
	[tilespmem:$0x18400] =	vst v63  }
0x281: {  	s5 =	simm.s32 $0x8C00;
	v3 =	vperm.xlane v3, v2  }
0x282: {  	[tilespmem:s5], [sflag:$0x1] =	stream.indirect_vreg.gather [hbm4b:s12+s21], $0x80, v4, vm0, $0xb8;
	[tilespmem:$0x18400] =	vst v63  }
0x283: {  	s6 =	simm.s32 $0x9400;
	v3 =	vadd.s32 v1, v3  }
0x284: {  	[tilespmem:s6], [sflag:$0x1] =	stream.indirect_vreg.gather [hbm4b:s13+s21], $0x80, v4, vm0, $0xb8;
	[tilespmem:$0x18400] =	vst v63  }
0x285: {  	s7 =	simm.s32 $0x9C00  }
0x286: {  	[tilespmem:s7], [sflag:$0x1] =	stream.indirect_vreg.gather [hbm4b:s14+s21], $0x80, v4, vm0, $0xb8;
	[tilespmem:$0x18400] =	vst v63  }
0x287: {  	s8 =	simm.s32 $0xA400  }
0x288: {  	[tilespmem:s8], [sflag:$0x1] =	stream.indirect_vreg.gather [hbm4b:s3+s21], $0x80, v3, vm0, $0xb8;
	[tilespmem:$0x18400] =	vst v63  }
0x289: {  	s9 =	simm.s32 $0xAC00  }
0x28a: {  	[tilespmem:s9], [sflag:$0x1] =	stream.indirect_vreg.gather [hbm4b:s12+s21], $0x80, v3, vm0, $0xb8;
	[tilespmem:$0x18400] =	vst v63  }
0x28b: {  	s10 =	simm.s32 $0xB400  }
0x28c: {  	[tilespmem:s10], [sflag:$0x1] =	stream.indirect_vreg.gather [hbm4b:s13+s21], $0x80, v3, vm0, $0xb8;
	[tilespmem:$0x18400] =	vst v63  }
0x28d: {  	s11 =	simm.s32 $0xBC00  }
0x28e: {  	[tilespmem:s11], [sflag:$0x1] =	stream.indirect_vreg.gather [hbm4b:s14+s21], $0x80, v3, vm0, $0xb8;
	[tilespmem:$0x18400] =	vst v63  }
0x28f: {  	v3 =	vld [tilespmem:$0x290];
	_ =	sdelay $0x4  }
0x290: {  	v63 =	vshll.u32 v3, $0x3  }
0x291: {  	v3 =	vand.u32 $0x7, v3;
	v4 =	vand.u32 $0xFFFFFFC0, v63  }
0x292: {  	v3 =	vor.u32 v3, v4  }
0x293: {  	v4 =	vperm.xlane v3, v0;
	_ =	sdelay $0x1  }
0x294: {  	v4 =	vadd.s32 v1, v4;
	_ =	sdelay $0x3  }
0x295: {  	s17 =	simm.s32 $0xC400  }
0x296: {  	[tilespmem:s17], [sflag:$0x1] =	stream.indirect_vreg.gather [hbm4b:s3+s21], $0x80, v4, vm0, $0xb8;
	[tilespmem:$0x18400] =	vst v63  }
0x297: {  	s22 =	simm.s32 $0xCC00;
	v3 =	vperm.xlane v3, v2  }
0x298: {  	[tilespmem:s22], [sflag:$0x1] =	stream.indirect_vreg.gather [hbm4b:s12+s21], $0x80, v4, vm0, $0xb8;
	[tilespmem:$0x18400] =	vst v63  }
0x299: {  	s23 =	simm.s32 $0xD400;
	v3 =	vadd.s32 v1, v3  }
0x29a: {  	[tilespmem:s23], [sflag:$0x1] =	stream.indirect_vreg.gather [hbm4b:s13+s21], $0x80, v4, vm0, $0xb8;
	[tilespmem:$0x18400] =	vst v63  }
0x29b: {  	s28 =	simm.s32 $0xDC00  }
0x29c: {  	[tilespmem:s28], [sflag:$0x1] =	stream.indirect_vreg.gather [hbm4b:s14+s21], $0x80, v4, vm0, $0xb8;
	[tilespmem:$0x18400] =	vst v63  }
0x29d: {  	s29 =	simm.s32 $0xE400  }
0x29e: {  	[tilespmem:s29], [sflag:$0x1] =	stream.indirect_vreg.gather [hbm4b:s3+s21], $0x80, v3, vm0, $0xb8;
	[tilespmem:$0x18400] =	vst v63  }
0x29f: {  	s30 =	simm.s32 $0xEC00  }
0x2a0: {  	[tilespmem:s30], [sflag:$0x1] =	stream.indirect_vreg.gather [hbm4b:s12+s21], $0x80, v3, vm0, $0xb8;
	[tilespmem:$0x18400] =	vst v63  }
0x2a1: {  	_ = 	snop  }
0x2a2: {  	[tilespmem:s15], [sflag:$0x1] =	stream.indirect_vreg.gather [hbm4b:s13+s21], $0x80, v3, vm0, $0xb8;
	[tilespmem:$0x18400] =	vst v63  }
0x2a3: {  	_ = 	snop  }
0x2a4: {  	[tilespmem:s16], [sflag:$0x1] =	stream.indirect_vreg.gather [hbm4b:s14+s21], $0x80, v3, vm0, $0xb8;
	[tilespmem:$0x18400] =	vst v63  }
0x2a5: {  	s31 =	rddreg [dreg:$0x12];
	s22 =	simm.s32 $0x0  }
0x2a6: {  	[tilespmem:s18], [sflag:$0x2] =	stream.linear.gather [hbm4b:s31+s21], $0x4000, $0x38;
	[tilespmem:$0x18400] =	vst v63  }
.LBB2_18:
0x2a7: {  	s1 =	sshll.u32 s22, $0x8;
	s4 =	sshll.u32 s22, $0xB  }
0x2a8: {  	s4 =	sand.u32 $0x6000, s4;
	s1 =	sand.u32 $0x300, s1  }
0x2a9: {  	s8 =	sshll.u32 s22, $0xA;
	s9 =	sand.u32 $0x1C00, s21;
	s1 =	sor.u32 s1, s4  }
0x2aa: {  	s5 =	sshll.u32 s22, $0x7;
	s7 =	sand.u32 $0x40, s21;
	s23 =	sor.u32 $0x400, s1  }
0x2ab: {  	s5 =	sand.u32 $0x380, s5;
	s4 =	sand.u32 $0x2000, s8;
	s6 =	sadd.s32 s9, s23  }
0x2ac: {  	s4 =	sor.u32 s5, s4;
	s8 =	sadd.s32 $0x80, s6;
	s11 =	sadd.s32 s7, s6  }
0x2ad: {  	s28 =	sor.u32 $0x10400, s4;
	s10 =	sadd.s32 s7, s8;
	v4 =	vld [tilespmem:s11+$0x0]  }
0x2ae: {  	s1 =	sadd.s32 s9, s28;
	v3 =	vld [tilespmem:s10+$0x0]  }
0x2af: {  	s17 =	sadd.s32 s7, s1  }
0x2b0: {  	v5 =	vld [tilespmem:s17+$0x0];
	_ =	sdelay $0x2  }
0x2b1: {  	v3 =	vadd.f32 v3, v4;
	_ =	sdelay $0x1  }
0x2b2: {  	v3 =	vadd.f32 v3, v5  }
0x2b3: {  	s31 =	sor.u32 $0x10, s7  }
0x2b4: {  	s9 =	sadd.s32 s31, s6;
	[tilespmem:s17+$0x0] =	vst v3  }
0x2b5: {  	s10 =	sadd.s32 s31, s8;
	v3 =	vld [tilespmem:s9+$0x0]  }
0x2b6: {  	v4 =	vld [tilespmem:s10+$0x0]  }
0x2b7: {  	s11 =	sadd.s32 s31, s1  }
0x2b8: {  	v5 =	vld [tilespmem:s11+$0x0];
	_ =	sdelay $0x2  }
0x2b9: {  	v3 =	vadd.f32 v4, v3;
	_ =	sdelay $0x1  }
0x2ba: {  	v3 =	vadd.f32 v3, v5  }
0x2bb: {  	s17 =	sor.u32 $0x20, s7  }
0x2bc: {  	s31 =	sadd.s32 s17, s6;
	[tilespmem:s11+$0x0] =	vst v3  }
0x2bd: {  	s10 =	sadd.s32 s17, s8;
	v3 =	vld [tilespmem:s31+$0x0]  }
0x2be: {  	v4 =	vld [tilespmem:s10+$0x0]  }
0x2bf: {  	s11 =	sadd.s32 s17, s1  }
0x2c0: {  	v5 =	vld [tilespmem:s11+$0x0];
	_ =	sdelay $0x2  }
0x2c1: {  	v3 =	vadd.f32 v4, v3;
	_ =	sdelay $0x1  }
0x2c2: {  	v3 =	vadd.f32 v3, v5  }
0x2c3: {  	s17 =	sor.u32 $0x30, s7  }
0x2c4: {  	s6 =	sadd.s32 s17, s6;
	[tilespmem:s11+$0x0] =	vst v3  }
0x2c5: {  	s31 =	sadd.s32 s17, s8;
	v4 =	vld [tilespmem:s6+$0x0]  }
0x2c6: {  	s1 =	sadd.s32 s17, s1;
	v5 =	vld [tilespmem:s31+$0x0]  }
0x2c7: {  	s29 =	simm.s32 $0x40;
	s30 =	simm.s32 $0x0;
	v3 =	vld [tilespmem:s1+$0x0]  }
.LBB2_19:
0x2c8: {  	_ =	sdelay $0x1  }
0x2c9: {  	p0 =	sne.s32 s29, $0x3C0  }
0x2ca: {  	s30 =	sadd.s32 $0x200, s30;
	s4 =	smov.u32 s29;
	s29 =	sadd.s32 $0x40, s29;
	v4 =	vadd.f32 v5, v4  }
0x2cb: {  	s5 =	sand.u32 $0x1C00, s30  }
0x2cc: {  	s4 =	sand.u32 $0x40, s4;
	s31 =	sadd.s32 s5, s28;
	s5 =	sadd.s32 s5, s23;
	v3 =	vadd.f32 v4, v3  }
0x2cd: {  	s8 =	sor.u32 $0x10, s4;
	s6 =	sadd.s32 s4, s5;
	s7 =	sadd.s32 $0x80, s5  }
0x2ce: {  	s10 =	sadd.s32 s8, s5;
	s9 =	sadd.s32 s4, s7;
	s11 =	sadd.s32 s8, s7;
	[tilespmem:s1+$0x0] =	vst v3  }
0x2cf: {  	s1 =	sor.u32 $0x20, s4;
	v3 =	vld [tilespmem:s9+$0x0];
	s9 =	sor.u32 $0x30, s4  }
0x2d0: {  	s17 =	sadd.s32 s1, s7;
	v4 =	vld [tilespmem:s6+$0x0];
	s6 =	sadd.s32 s1, s5;
	s5 =	sadd.s32 s9, s5  }
0x2d1: {  	s4 =	sadd.s32 s4, s31;
	s7 =	sadd.s32 s9, s7  }
0x2d2: {  	v5 =	vld [tilespmem:s4+$0x0];
	_ =	sdelay $0x2  }
0x2d3: {  	v3 =	vadd.f32 v3, v4;
	_ =	sdelay $0x1  }
0x2d4: {  	v3 =	vadd.f32 v3, v5;
	_ =	sdelay $0x1  }
0x2d5: {  	[tilespmem:s4+$0x0] =	vst v3  }
0x2d6: {  	v3 =	vld [tilespmem:s10+$0x0]  }
0x2d7: {  	v4 =	vld [tilespmem:s11+$0x0]  }
0x2d8: {  	s4 =	sadd.s32 s8, s31  }
0x2d9: {  	v5 =	vld [tilespmem:s4+$0x0];
	_ =	sdelay $0x2  }
0x2da: {  	v3 =	vadd.f32 v4, v3;
	_ =	sdelay $0x1  }
0x2db: {  	v3 =	vadd.f32 v3, v5;
	_ =	sdelay $0x1  }
0x2dc: {  	[tilespmem:s4+$0x0] =	vst v3  }
0x2dd: {  	v3 =	vld [tilespmem:s6+$0x0]  }
0x2de: {  	v4 =	vld [tilespmem:s17+$0x0]  }
0x2df: {  	s1 =	sadd.s32 s1, s31  }
0x2e0: {  	v5 =	vld [tilespmem:s1+$0x0];
	_ =	sdelay $0x2  }
0x2e1: {  	v3 =	vadd.f32 v4, v3;
	_ =	sdelay $0x1  }
0x2e2: {  	v3 =	vadd.f32 v3, v5  }
.Ltmp8:
0x2e3: {  	(pc) =	sbr.rel @p0 .LBB2_19-.Ltmp8, $4  }
0x2e4: {  	[tilespmem:s1+$0x0] =	vst v3  }
0x2e5: {  	v4 =	vld [tilespmem:s5+$0x0]  }
0x2e6: {  	s1 =	sadd.s32 s9, s31;
	v5 =	vld [tilespmem:s7+$0x0]  }
0x2e7: {  	v3 =	vld [tilespmem:s1+$0x0]  }
0x2e8: {  	_ = 	snop  }
0x2e9: {  	s22 =	sadd.s32 $0x1, s22  }
0x2ea: {  	p0 =	sne.s32 s22, $0x10  }
.Ltmp9:
0x2eb: {  	v4 =	vadd.f32 v5, v4;
	(pc) =	sbr.rel @p0 .LBB2_18-.Ltmp9, $3  }
0x2ec: {  	_ = 	snop  }
0x2ed: {  	v3 =	vadd.f32 v4, v3;
	_ =	sdelay $0x1  }
0x2ee: {  	[tilespmem:s1+$0x0] =	vst v3  }
0x2ef: {  	s21 =	simm.s32 $0x0;
	s1 =	rddreg [dreg:$0x18]  }
0x2f0: {  	[hbm4b:s1+s21] =	stream.linear.scatter [tilespmem:s24], [sflag:$0x3], $0x4000, $0x38;
	[tilespmem:$0x18400] =	vst v63  }
0x2f1: {  	_ =	swait.ge [sflag:s25], $0x8000  }
0x2f2: {  	[sflag:s25] =	ssyncset.done $0x0  }
0x2f3: {  	[sflag:s25] =	ssyncadd.s32 $0xFFFF8000  }
0x2f4: {  	_ =	swait.ge [sflag:s26], $0x4000  }
0x2f5: {  	[sflag:s26] =	ssyncset.done $0x0  }
0x2f6: {  	[sflag:s26] =	ssyncadd.s32 $0xFFFFC000  }
0x2f7: {  	_ =	swait.ge [sflag:s19], $0x4000  }
0x2f8: {  	[sflag:s19] =	ssyncset.done $0x0  }
0x2f9: {  	[sflag:s19] =	ssyncadd.s32 $0xFFFFC000  }
0x2fa: {  	v3 =	vld [tilespmem:$0x300];
	_ =	sdelay $0x4  }
0x2fb: {  	v4 =	vshll.u32 v3, $0x3  }
0x2fc: {  	v3 =	vand.u32 $0x7, v3;
	v4 =	vand.u32 $0xFFFFFFC0, v4  }
0x2fd: {  	v3 =	vor.u32 v3, v4  }
0x2fe: {  	v4 =	vperm.xlane v3, v0;
	_ =	sdelay $0x1  }
0x2ff: {  	v4 =	vadd.s32 v1, v4;
	_ =	sdelay $0x3  }
0x300: {  	s30 =	simm.s32 $0x400  }
0x301: {  	[tilespmem:s30], [sflag:$0x1] =	stream.indirect_vreg.gather [hbm4b:s3+s21], $0x80, v4, vm0, $0xb8;
	[tilespmem:$0x18400] =	vst v63  }
0x302: {  	s31 =	simm.s32 $0xC00;
	v3 =	vperm.xlane v3, v2  }
0x303: {  	[tilespmem:s31], [sflag:$0x1] =	stream.indirect_vreg.gather [hbm4b:s12+s21], $0x80, v4, vm0, $0xb8;
	[tilespmem:$0x18400] =	vst v63  }
0x304: {  	s4 =	simm.s32 $0x1400;
	v3 =	vadd.s32 v1, v3  }
0x305: {  	[tilespmem:s4], [sflag:$0x1] =	stream.indirect_vreg.gather [hbm4b:s13+s21], $0x80, v4, vm0, $0xb8;
	[tilespmem:$0x18400] =	vst v63  }
0x306: {  	s5 =	simm.s32 $0x1C00  }
0x307: {  	[tilespmem:s5], [sflag:$0x1] =	stream.indirect_vreg.gather [hbm4b:s14+s21], $0x80, v4, vm0, $0xb8;
	[tilespmem:$0x18400] =	vst v63  }
0x308: {  	s6 =	simm.s32 $0x2400  }
0x309: {  	[tilespmem:s6], [sflag:$0x1] =	stream.indirect_vreg.gather [hbm4b:s3+s21], $0x80, v3, vm0, $0xb8;
	[tilespmem:$0x18400] =	vst v63  }
0x30a: {  	s7 =	simm.s32 $0x2C00  }
0x30b: {  	[tilespmem:s7], [sflag:$0x1] =	stream.indirect_vreg.gather [hbm4b:s12+s21], $0x80, v3, vm0, $0xb8;
	[tilespmem:$0x18400] =	vst v63  }
0x30c: {  	s8 =	simm.s32 $0x3400  }
0x30d: {  	[tilespmem:s8], [sflag:$0x1] =	stream.indirect_vreg.gather [hbm4b:s13+s21], $0x80, v3, vm0, $0xb8;
	[tilespmem:$0x18400] =	vst v63  }
0x30e: {  	s9 =	simm.s32 $0x3C00  }
0x30f: {  	[tilespmem:s9], [sflag:$0x1] =	stream.indirect_vreg.gather [hbm4b:s14+s21], $0x80, v3, vm0, $0xb8;
	[tilespmem:$0x18400] =	vst v63  }
0x310: {  	v3 =	vld [tilespmem:$0x310];
	_ =	sdelay $0x4  }
0x311: {  	v63 =	vshll.u32 v3, $0x3  }
0x312: {  	v3 =	vand.u32 $0x7, v3;
	v4 =	vand.u32 $0xFFFFFFC0, v63  }
0x313: {  	v3 =	vor.u32 v3, v4  }
0x314: {  	v4 =	vperm.xlane v3, v0;
	_ =	sdelay $0x1  }
0x315: {  	v4 =	vadd.s32 v1, v4;
	_ =	sdelay $0x3  }
0x316: {  	s10 =	simm.s32 $0x4400  }
0x317: {  	[tilespmem:s10], [sflag:$0x1] =	stream.indirect_vreg.gather [hbm4b:s3+s21], $0x80, v4, vm0, $0xb8;
	[tilespmem:$0x18400] =	vst v63  }
0x318: {  	s11 =	simm.s32 $0x4C00;
	v3 =	vperm.xlane v3, v2  }
0x319: {  	[tilespmem:s11], [sflag:$0x1] =	stream.indirect_vreg.gather [hbm4b:s12+s21], $0x80, v4, vm0, $0xb8;
	[tilespmem:$0x18400] =	vst v63  }
0x31a: {  	s17 =	simm.s32 $0x5400;
	v3 =	vadd.s32 v1, v3  }
0x31b: {  	[tilespmem:s17], [sflag:$0x1] =	stream.indirect_vreg.gather [hbm4b:s13+s21], $0x80, v4, vm0, $0xb8;
	[tilespmem:$0x18400] =	vst v63  }
0x31c: {  	s22 =	simm.s32 $0x5C00  }
0x31d: {  	[tilespmem:s22], [sflag:$0x1] =	stream.indirect_vreg.gather [hbm4b:s14+s21], $0x80, v4, vm0, $0xb8;
	[tilespmem:$0x18400] =	vst v63  }
0x31e: {  	s23 =	simm.s32 $0x6400  }
0x31f: {  	[tilespmem:s23], [sflag:$0x1] =	stream.indirect_vreg.gather [hbm4b:s3+s21], $0x80, v3, vm0, $0xb8;
	[tilespmem:$0x18400] =	vst v63  }
0x320: {  	s28 =	simm.s32 $0x6C00  }
0x321: {  	[tilespmem:s28], [sflag:$0x1] =	stream.indirect_vreg.gather [hbm4b:s12+s21], $0x80, v3, vm0, $0xb8;
	[tilespmem:$0x18400] =	vst v63  }
0x322: {  	s29 =	simm.s32 $0x7400  }
0x323: {  	[tilespmem:s29], [sflag:$0x1] =	stream.indirect_vreg.gather [hbm4b:s13+s21], $0x80, v3, vm0, $0xb8;
	[tilespmem:$0x18400] =	vst v63  }
0x324: {  	s30 =	simm.s32 $0x7C00  }
0x325: {  	[tilespmem:s30], [sflag:$0x1] =	stream.indirect_vreg.gather [hbm4b:s14+s21], $0x80, v3, vm0, $0xb8;
	[tilespmem:$0x18400] =	vst v63  }
0x326: {  	s31 =	rddreg [dreg:$0x13];
	s22 =	simm.s32 $0x0  }
0x327: {  	[tilespmem:s24], [sflag:$0x2] =	stream.linear.gather [hbm4b:s31+s21], $0x4000, $0x38;
	[tilespmem:$0x18400] =	vst v63  }
.LBB2_22:
0x328: {  	s1 =	sshll.u32 s22, $0x8;
	s4 =	sshll.u32 s22, $0xB  }
0x329: {  	s4 =	sand.u32 $0x6000, s4;
	s1 =	sand.u32 $0x300, s1  }
0x32a: {  	s8 =	sshll.u32 s22, $0xA;
	s9 =	sand.u32 $0x1C00, s21;
	s1 =	sor.u32 s1, s4  }
0x32b: {  	s5 =	sshll.u32 s22, $0x7;
	s7 =	sand.u32 $0x40, s21;
	s23 =	sor.u32 $0x8400, s1  }
0x32c: {  	s5 =	sand.u32 $0x380, s5;
	s4 =	sand.u32 $0x2000, s8;
	s6 =	sadd.s32 s9, s23  }
0x32d: {  	s4 =	sor.u32 s5, s4;
	s8 =	sadd.s32 $0x80, s6;
	s11 =	sadd.s32 s7, s6  }
0x32e: {  	s28 =	sor.u32 $0x14400, s4;
	s10 =	sadd.s32 s7, s8;
	v4 =	vld [tilespmem:s11+$0x0]  }
0x32f: {  	s1 =	sadd.s32 s9, s28;
	v3 =	vld [tilespmem:s10+$0x0]  }
0x330: {  	s17 =	sadd.s32 s7, s1  }
0x331: {  	v5 =	vld [tilespmem:s17+$0x0];
	_ =	sdelay $0x2  }
0x332: {  	v3 =	vadd.f32 v3, v4;
	_ =	sdelay $0x1  }
0x333: {  	v3 =	vadd.f32 v3, v5  }
0x334: {  	s31 =	sor.u32 $0x10, s7  }
0x335: {  	s9 =	sadd.s32 s31, s6;
	[tilespmem:s17+$0x0] =	vst v3  }
0x336: {  	s10 =	sadd.s32 s31, s8;
	v3 =	vld [tilespmem:s9+$0x0]  }
0x337: {  	v4 =	vld [tilespmem:s10+$0x0]  }
0x338: {  	s11 =	sadd.s32 s31, s1  }
0x339: {  	v5 =	vld [tilespmem:s11+$0x0];
	_ =	sdelay $0x2  }
0x33a: {  	v3 =	vadd.f32 v4, v3;
	_ =	sdelay $0x1  }
0x33b: {  	v3 =	vadd.f32 v3, v5  }
0x33c: {  	s17 =	sor.u32 $0x20, s7  }
0x33d: {  	s31 =	sadd.s32 s17, s6;
	[tilespmem:s11+$0x0] =	vst v3  }
0x33e: {  	s10 =	sadd.s32 s17, s8;
	v3 =	vld [tilespmem:s31+$0x0]  }
0x33f: {  	v4 =	vld [tilespmem:s10+$0x0]  }
0x340: {  	s11 =	sadd.s32 s17, s1  }
0x341: {  	v5 =	vld [tilespmem:s11+$0x0];
	_ =	sdelay $0x2  }
0x342: {  	v3 =	vadd.f32 v4, v3;
	_ =	sdelay $0x1  }
0x343: {  	v3 =	vadd.f32 v3, v5  }
0x344: {  	s17 =	sor.u32 $0x30, s7  }
0x345: {  	s6 =	sadd.s32 s17, s6;
	[tilespmem:s11+$0x0] =	vst v3  }
0x346: {  	s31 =	sadd.s32 s17, s8;
	v4 =	vld [tilespmem:s6+$0x0]  }
0x347: {  	s1 =	sadd.s32 s17, s1;
	v5 =	vld [tilespmem:s31+$0x0]  }
0x348: {  	s29 =	simm.s32 $0x40;
	s30 =	simm.s32 $0x0;
	v3 =	vld [tilespmem:s1+$0x0]  }
.LBB2_23:
0x349: {  	_ =	sdelay $0x1  }
0x34a: {  	p0 =	sne.s32 s29, $0x3C0  }
0x34b: {  	s30 =	sadd.s32 $0x200, s30;
	s4 =	smov.u32 s29;
	s29 =	sadd.s32 $0x40, s29;
	v4 =	vadd.f32 v5, v4  }
0x34c: {  	s5 =	sand.u32 $0x1C00, s30  }
0x34d: {  	s4 =	sand.u32 $0x40, s4;
	s31 =	sadd.s32 s5, s28;
	s5 =	sadd.s32 s5, s23;
	v3 =	vadd.f32 v4, v3  }
0x34e: {  	s8 =	sor.u32 $0x10, s4;
	s6 =	sadd.s32 s4, s5;
	s7 =	sadd.s32 $0x80, s5  }
0x34f: {  	s10 =	sadd.s32 s8, s5;
	s9 =	sadd.s32 s4, s7;
	s11 =	sadd.s32 s8, s7;
	[tilespmem:s1+$0x0] =	vst v3  }
0x350: {  	s1 =	sor.u32 $0x20, s4;
	v3 =	vld [tilespmem:s9+$0x0];
	s9 =	sor.u32 $0x30, s4  }
0x351: {  	s17 =	sadd.s32 s1, s7;
	v4 =	vld [tilespmem:s6+$0x0];
	s6 =	sadd.s32 s1, s5;
	s5 =	sadd.s32 s9, s5  }
0x352: {  	s4 =	sadd.s32 s4, s31;
	s7 =	sadd.s32 s9, s7  }
0x353: {  	v5 =	vld [tilespmem:s4+$0x0];
	_ =	sdelay $0x2  }
0x354: {  	v3 =	vadd.f32 v3, v4;
	_ =	sdelay $0x1  }
0x355: {  	v3 =	vadd.f32 v3, v5;
	_ =	sdelay $0x1  }
0x356: {  	[tilespmem:s4+$0x0] =	vst v3  }
0x357: {  	v3 =	vld [tilespmem:s10+$0x0]  }
0x358: {  	v4 =	vld [tilespmem:s11+$0x0]  }
0x359: {  	s4 =	sadd.s32 s8, s31  }
0x35a: {  	v5 =	vld [tilespmem:s4+$0x0];
	_ =	sdelay $0x2  }
0x35b: {  	v3 =	vadd.f32 v4, v3;
	_ =	sdelay $0x1  }
0x35c: {  	v3 =	vadd.f32 v3, v5;
	_ =	sdelay $0x1  }
0x35d: {  	[tilespmem:s4+$0x0] =	vst v3  }
0x35e: {  	v3 =	vld [tilespmem:s6+$0x0]  }
0x35f: {  	v4 =	vld [tilespmem:s17+$0x0]  }
0x360: {  	s1 =	sadd.s32 s1, s31  }
0x361: {  	v5 =	vld [tilespmem:s1+$0x0];
	_ =	sdelay $0x2  }
0x362: {  	v3 =	vadd.f32 v4, v3;
	_ =	sdelay $0x1  }
0x363: {  	v3 =	vadd.f32 v3, v5  }
.Ltmp10:
0x364: {  	(pc) =	sbr.rel @p0 .LBB2_23-.Ltmp10, $4  }
0x365: {  	[tilespmem:s1+$0x0] =	vst v3  }
0x366: {  	v4 =	vld [tilespmem:s5+$0x0]  }
0x367: {  	s1 =	sadd.s32 s9, s31;
	v5 =	vld [tilespmem:s7+$0x0]  }
0x368: {  	v3 =	vld [tilespmem:s1+$0x0]  }
0x369: {  	_ = 	snop  }
0x36a: {  	s22 =	sadd.s32 $0x1, s22  }
0x36b: {  	p0 =	sne.s32 s22, $0x10  }
.Ltmp11:
0x36c: {  	v4 =	vadd.f32 v5, v4;
	(pc) =	sbr.rel @p0 .LBB2_22-.Ltmp11, $3  }
0x36d: {  	_ = 	snop  }
0x36e: {  	v3 =	vadd.f32 v4, v3;
	_ =	sdelay $0x1  }
0x36f: {  	[tilespmem:s1+$0x0] =	vst v3  }
0x370: {  	s21 =	simm.s32 $0x0;
	s1 =	rddreg [dreg:$0x19]  }
0x371: {  	[hbm4b:s1+s21] =	stream.linear.scatter [tilespmem:s18], [sflag:$0x3], $0x4000, $0x38;
	[tilespmem:$0x18400] =	vst v63  }
0x372: {  	_ =	swait.ge [sflag:s25], $0x8000  }
0x373: {  	[sflag:s25] =	ssyncset.done $0x0  }
0x374: {  	[sflag:s25] =	ssyncadd.s32 $0xFFFF8000  }
0x375: {  	_ =	swait.ge [sflag:s26], $0x4000  }
0x376: {  	[sflag:s26] =	ssyncset.done $0x0  }
0x377: {  	[sflag:s26] =	ssyncadd.s32 $0xFFFFC000  }
0x378: {  	_ =	swait.ge [sflag:s19], $0x4000  }
0x379: {  	[sflag:s19] =	ssyncset.done $0x0  }
0x37a: {  	[sflag:s19] =	ssyncadd.s32 $0xFFFFC000  }
0x37b: {  	v3 =	vld [tilespmem:$0x380];
	_ =	sdelay $0x4  }
0x37c: {  	v4 =	vshll.u32 v3, $0x3  }
0x37d: {  	v3 =	vand.u32 $0x7, v3;
	v4 =	vand.u32 $0xFFFFFFC0, v4  }
0x37e: {  	v3 =	vor.u32 v3, v4  }
0x37f: {  	v4 =	vperm.xlane v3, v0;
	_ =	sdelay $0x1  }
0x380: {  	v4 =	vadd.s32 v1, v4;
	_ =	sdelay $0x3  }
0x381: {  	s4 =	simm.s32 $0x8400  }
0x382: {  	[tilespmem:s4], [sflag:$0x1] =	stream.indirect_vreg.gather [hbm4b:s3+s21], $0x80, v4, vm0, $0xb8;
	[tilespmem:$0x18400] =	vst v63  }
0x383: {  	s5 =	simm.s32 $0x8C00;
	v3 =	vperm.xlane v3, v2  }
0x384: {  	[tilespmem:s5], [sflag:$0x1] =	stream.indirect_vreg.gather [hbm4b:s12+s21], $0x80, v4, vm0, $0xb8;
	[tilespmem:$0x18400] =	vst v63  }
0x385: {  	s6 =	simm.s32 $0x9400;
	v3 =	vadd.s32 v1, v3  }
0x386: {  	[tilespmem:s6], [sflag:$0x1] =	stream.indirect_vreg.gather [hbm4b:s13+s21], $0x80, v4, vm0, $0xb8;
	[tilespmem:$0x18400] =	vst v63  }
0x387: {  	s7 =	simm.s32 $0x9C00  }
0x388: {  	[tilespmem:s7], [sflag:$0x1] =	stream.indirect_vreg.gather [hbm4b:s14+s21], $0x80, v4, vm0, $0xb8;
	[tilespmem:$0x18400] =	vst v63  }
0x389: {  	s8 =	simm.s32 $0xA400  }
0x38a: {  	[tilespmem:s8], [sflag:$0x1] =	stream.indirect_vreg.gather [hbm4b:s3+s21], $0x80, v3, vm0, $0xb8;
	[tilespmem:$0x18400] =	vst v63  }
0x38b: {  	s9 =	simm.s32 $0xAC00  }
0x38c: {  	[tilespmem:s9], [sflag:$0x1] =	stream.indirect_vreg.gather [hbm4b:s12+s21], $0x80, v3, vm0, $0xb8;
	[tilespmem:$0x18400] =	vst v63  }
0x38d: {  	s10 =	simm.s32 $0xB400  }
0x38e: {  	[tilespmem:s10], [sflag:$0x1] =	stream.indirect_vreg.gather [hbm4b:s13+s21], $0x80, v3, vm0, $0xb8;
	[tilespmem:$0x18400] =	vst v63  }
0x38f: {  	s11 =	simm.s32 $0xBC00  }
0x390: {  	[tilespmem:s11], [sflag:$0x1] =	stream.indirect_vreg.gather [hbm4b:s14+s21], $0x80, v3, vm0, $0xb8;
	[tilespmem:$0x18400] =	vst v63  }
0x391: {  	v3 =	vld [tilespmem:$0x390];
	_ =	sdelay $0x4  }
0x392: {  	v63 =	vshll.u32 v3, $0x3  }
0x393: {  	v3 =	vand.u32 $0x7, v3;
	v4 =	vand.u32 $0xFFFFFFC0, v63  }
0x394: {  	v3 =	vor.u32 v3, v4  }
0x395: {  	v4 =	vperm.xlane v3, v0;
	_ =	sdelay $0x1  }
0x396: {  	v4 =	vadd.s32 v1, v4;
	_ =	sdelay $0x3  }
0x397: {  	s17 =	simm.s32 $0xC400  }
0x398: {  	[tilespmem:s17], [sflag:$0x1] =	stream.indirect_vreg.gather [hbm4b:s3+s21], $0x80, v4, vm0, $0xb8;
	[tilespmem:$0x18400] =	vst v63  }
0x399: {  	s22 =	simm.s32 $0xCC00;
	v3 =	vperm.xlane v3, v2  }
0x39a: {  	[tilespmem:s22], [sflag:$0x1] =	stream.indirect_vreg.gather [hbm4b:s12+s21], $0x80, v4, vm0, $0xb8;
	[tilespmem:$0x18400] =	vst v63  }
0x39b: {  	s23 =	simm.s32 $0xD400;
	v3 =	vadd.s32 v1, v3  }
0x39c: {  	[tilespmem:s23], [sflag:$0x1] =	stream.indirect_vreg.gather [hbm4b:s13+s21], $0x80, v4, vm0, $0xb8;
	[tilespmem:$0x18400] =	vst v63  }
0x39d: {  	s28 =	simm.s32 $0xDC00  }
0x39e: {  	[tilespmem:s28], [sflag:$0x1] =	stream.indirect_vreg.gather [hbm4b:s14+s21], $0x80, v4, vm0, $0xb8;
	[tilespmem:$0x18400] =	vst v63  }
0x39f: {  	s29 =	simm.s32 $0xE400  }
0x3a0: {  	[tilespmem:s29], [sflag:$0x1] =	stream.indirect_vreg.gather [hbm4b:s3+s21], $0x80, v3, vm0, $0xb8;
	[tilespmem:$0x18400] =	vst v63  }
0x3a1: {  	s30 =	simm.s32 $0xEC00  }
0x3a2: {  	[tilespmem:s30], [sflag:$0x1] =	stream.indirect_vreg.gather [hbm4b:s12+s21], $0x80, v3, vm0, $0xb8;
	[tilespmem:$0x18400] =	vst v63  }
0x3a3: {  	_ = 	snop  }
0x3a4: {  	[tilespmem:s15], [sflag:$0x1] =	stream.indirect_vreg.gather [hbm4b:s13+s21], $0x80, v3, vm0, $0xb8;
	[tilespmem:$0x18400] =	vst v63  }
0x3a5: {  	_ = 	snop  }
0x3a6: {  	[tilespmem:s16], [sflag:$0x1] =	stream.indirect_vreg.gather [hbm4b:s14+s21], $0x80, v3, vm0, $0xb8;
	[tilespmem:$0x18400] =	vst v63  }
0x3a7: {  	s31 =	rddreg [dreg:$0x14];
	s22 =	simm.s32 $0x0  }
0x3a8: {  	[tilespmem:s18], [sflag:$0x2] =	stream.linear.gather [hbm4b:s31+s21], $0x4000, $0x38;
	[tilespmem:$0x18400] =	vst v63  }
.LBB2_26:
0x3a9: {  	s1 =	sshll.u32 s22, $0x8;
	s4 =	sshll.u32 s22, $0xB  }
0x3aa: {  	s4 =	sand.u32 $0x6000, s4;
	s1 =	sand.u32 $0x300, s1  }
0x3ab: {  	s8 =	sshll.u32 s22, $0xA;
	s9 =	sand.u32 $0x1C00, s21;
	s1 =	sor.u32 s1, s4  }
0x3ac: {  	s5 =	sshll.u32 s22, $0x7;
	s7 =	sand.u32 $0x40, s21;
	s23 =	sor.u32 $0x400, s1  }
0x3ad: {  	s5 =	sand.u32 $0x380, s5;
	s4 =	sand.u32 $0x2000, s8;
	s6 =	sadd.s32 s9, s23  }
0x3ae: {  	s4 =	sor.u32 s5, s4;
	s8 =	sadd.s32 $0x80, s6;
	s11 =	sadd.s32 s7, s6  }
0x3af: {  	s28 =	sor.u32 $0x10400, s4;
	s10 =	sadd.s32 s7, s8;
	v4 =	vld [tilespmem:s11+$0x0]  }
0x3b0: {  	s1 =	sadd.s32 s9, s28;
	v3 =	vld [tilespmem:s10+$0x0]  }
0x3b1: {  	s17 =	sadd.s32 s7, s1  }
0x3b2: {  	v5 =	vld [tilespmem:s17+$0x0];
	_ =	sdelay $0x2  }
0x3b3: {  	v3 =	vadd.f32 v3, v4;
	_ =	sdelay $0x1  }
0x3b4: {  	v3 =	vadd.f32 v3, v5  }
0x3b5: {  	s31 =	sor.u32 $0x10, s7  }
0x3b6: {  	s9 =	sadd.s32 s31, s6;
	[tilespmem:s17+$0x0] =	vst v3  }
0x3b7: {  	s10 =	sadd.s32 s31, s8;
	v3 =	vld [tilespmem:s9+$0x0]  }
0x3b8: {  	v4 =	vld [tilespmem:s10+$0x0]  }
0x3b9: {  	s11 =	sadd.s32 s31, s1  }
0x3ba: {  	v5 =	vld [tilespmem:s11+$0x0];
	_ =	sdelay $0x2  }
0x3bb: {  	v3 =	vadd.f32 v4, v3;
	_ =	sdelay $0x1  }
0x3bc: {  	v3 =	vadd.f32 v3, v5  }
0x3bd: {  	s17 =	sor.u32 $0x20, s7  }
0x3be: {  	s31 =	sadd.s32 s17, s6;
	[tilespmem:s11+$0x0] =	vst v3  }
0x3bf: {  	s10 =	sadd.s32 s17, s8;
	v3 =	vld [tilespmem:s31+$0x0]  }
0x3c0: {  	v4 =	vld [tilespmem:s10+$0x0]  }
0x3c1: {  	s11 =	sadd.s32 s17, s1  }
0x3c2: {  	v5 =	vld [tilespmem:s11+$0x0];
	_ =	sdelay $0x2  }
0x3c3: {  	v3 =	vadd.f32 v4, v3;
	_ =	sdelay $0x1  }
0x3c4: {  	v3 =	vadd.f32 v3, v5  }
0x3c5: {  	s17 =	sor.u32 $0x30, s7  }
0x3c6: {  	s6 =	sadd.s32 s17, s6;
	[tilespmem:s11+$0x0] =	vst v3  }
0x3c7: {  	s31 =	sadd.s32 s17, s8;
	v4 =	vld [tilespmem:s6+$0x0]  }
0x3c8: {  	s1 =	sadd.s32 s17, s1;
	v5 =	vld [tilespmem:s31+$0x0]  }
0x3c9: {  	s29 =	simm.s32 $0x40;
	s30 =	simm.s32 $0x0;
	v3 =	vld [tilespmem:s1+$0x0]  }
.LBB2_27:
0x3ca: {  	_ =	sdelay $0x1  }
0x3cb: {  	p0 =	sne.s32 s29, $0x3C0  }
0x3cc: {  	s30 =	sadd.s32 $0x200, s30;
	s4 =	smov.u32 s29;
	s29 =	sadd.s32 $0x40, s29;
	v4 =	vadd.f32 v5, v4  }
0x3cd: {  	s5 =	sand.u32 $0x1C00, s30  }
0x3ce: {  	s4 =	sand.u32 $0x40, s4;
	s31 =	sadd.s32 s5, s28;
	s5 =	sadd.s32 s5, s23;
	v3 =	vadd.f32 v4, v3  }
0x3cf: {  	s8 =	sor.u32 $0x10, s4;
	s6 =	sadd.s32 s4, s5;
	s7 =	sadd.s32 $0x80, s5  }
0x3d0: {  	s10 =	sadd.s32 s8, s5;
	s9 =	sadd.s32 s4, s7;
	s11 =	sadd.s32 s8, s7;
	[tilespmem:s1+$0x0] =	vst v3  }
0x3d1: {  	s1 =	sor.u32 $0x20, s4;
	v3 =	vld [tilespmem:s9+$0x0];
	s9 =	sor.u32 $0x30, s4  }
0x3d2: {  	s17 =	sadd.s32 s1, s7;
	v4 =	vld [tilespmem:s6+$0x0];
	s6 =	sadd.s32 s1, s5;
	s5 =	sadd.s32 s9, s5  }
0x3d3: {  	s4 =	sadd.s32 s4, s31;
	s7 =	sadd.s32 s9, s7  }
0x3d4: {  	v5 =	vld [tilespmem:s4+$0x0];
	_ =	sdelay $0x2  }
0x3d5: {  	v3 =	vadd.f32 v3, v4;
	_ =	sdelay $0x1  }
0x3d6: {  	v3 =	vadd.f32 v3, v5;
	_ =	sdelay $0x1  }
0x3d7: {  	[tilespmem:s4+$0x0] =	vst v3  }
0x3d8: {  	v3 =	vld [tilespmem:s10+$0x0]  }
0x3d9: {  	v4 =	vld [tilespmem:s11+$0x0]  }
0x3da: {  	s4 =	sadd.s32 s8, s31  }
0x3db: {  	v5 =	vld [tilespmem:s4+$0x0];
	_ =	sdelay $0x2  }
0x3dc: {  	v3 =	vadd.f32 v4, v3;
	_ =	sdelay $0x1  }
0x3dd: {  	v3 =	vadd.f32 v3, v5;
	_ =	sdelay $0x1  }
0x3de: {  	[tilespmem:s4+$0x0] =	vst v3  }
0x3df: {  	v3 =	vld [tilespmem:s6+$0x0]  }
0x3e0: {  	v4 =	vld [tilespmem:s17+$0x0]  }
0x3e1: {  	s1 =	sadd.s32 s1, s31  }
0x3e2: {  	v5 =	vld [tilespmem:s1+$0x0];
	_ =	sdelay $0x2  }
0x3e3: {  	v3 =	vadd.f32 v4, v3;
	_ =	sdelay $0x1  }
0x3e4: {  	v3 =	vadd.f32 v3, v5  }
.Ltmp12:
0x3e5: {  	(pc) =	sbr.rel @p0 .LBB2_27-.Ltmp12, $4  }
0x3e6: {  	[tilespmem:s1+$0x0] =	vst v3  }
0x3e7: {  	v4 =	vld [tilespmem:s5+$0x0]  }
0x3e8: {  	s1 =	sadd.s32 s9, s31;
	v5 =	vld [tilespmem:s7+$0x0]  }
0x3e9: {  	v3 =	vld [tilespmem:s1+$0x0]  }
0x3ea: {  	_ = 	snop  }
0x3eb: {  	s22 =	sadd.s32 $0x1, s22  }
0x3ec: {  	p0 =	sne.s32 s22, $0x10  }
.Ltmp13:
0x3ed: {  	v4 =	vadd.f32 v5, v4;
	(pc) =	sbr.rel @p0 .LBB2_26-.Ltmp13, $3  }
0x3ee: {  	_ = 	snop  }
0x3ef: {  	v3 =	vadd.f32 v4, v3;
	_ =	sdelay $0x1  }
0x3f0: {  	[tilespmem:s1+$0x0] =	vst v3  }
0x3f1: {  	s21 =	simm.s32 $0x0;
	s1 =	rddreg [dreg:$0x1a]  }
0x3f2: {  	[hbm4b:s1+s21] =	stream.linear.scatter [tilespmem:s24], [sflag:$0x3], $0x4000, $0x38;
	[tilespmem:$0x18400] =	vst v63  }
0x3f3: {  	_ =	swait.ge [sflag:s25], $0x8000  }
0x3f4: {  	[sflag:s25] =	ssyncset.done $0x0  }
0x3f5: {  	[sflag:s25] =	ssyncadd.s32 $0xFFFF8000  }
0x3f6: {  	_ =	swait.ge [sflag:s26], $0x4000  }
0x3f7: {  	[sflag:s26] =	ssyncset.done $0x0  }
0x3f8: {  	s22 =	simm.s32 $0x0;
	[sflag:s26] =	ssyncadd.s32 $0xFFFFC000  }
.LBB2_30:
0x3f9: {  	s1 =	sshll.u32 s22, $0x8;
	s4 =	sshll.u32 s22, $0xB  }
0x3fa: {  	s4 =	sand.u32 $0x6000, s4;
	s1 =	sand.u32 $0x300, s1  }
0x3fb: {  	s8 =	sshll.u32 s22, $0xA;
	s9 =	sand.u32 $0x1C00, s21;
	s1 =	sor.u32 s1, s4  }
0x3fc: {  	s5 =	sshll.u32 s22, $0x7;
	s7 =	sand.u32 $0x40, s21;
	s23 =	sor.u32 $0x8400, s1  }
0x3fd: {  	s5 =	sand.u32 $0x380, s5;
	s4 =	sand.u32 $0x2000, s8;
	s6 =	sadd.s32 s9, s23  }
0x3fe: {  	s4 =	sor.u32 s5, s4;
	s8 =	sadd.s32 $0x80, s6;
	s11 =	sadd.s32 s7, s6  }
0x3ff: {  	s28 =	sor.u32 $0x14400, s4;
	s10 =	sadd.s32 s7, s8;
	v4 =	vld [tilespmem:s11+$0x0]  }
0x400: {  	s1 =	sadd.s32 s9, s28;
	v3 =	vld [tilespmem:s10+$0x0]  }
0x401: {  	s17 =	sadd.s32 s7, s1  }
0x402: {  	v5 =	vld [tilespmem:s17+$0x0];
	_ =	sdelay $0x2  }
0x403: {  	v3 =	vadd.f32 v3, v4;
	_ =	sdelay $0x1  }
0x404: {  	v3 =	vadd.f32 v3, v5  }
0x405: {  	s31 =	sor.u32 $0x10, s7  }
0x406: {  	s9 =	sadd.s32 s31, s6;
	[tilespmem:s17+$0x0] =	vst v3  }
0x407: {  	s10 =	sadd.s32 s31, s8;
	v3 =	vld [tilespmem:s9+$0x0]  }
0x408: {  	v4 =	vld [tilespmem:s10+$0x0]  }
0x409: {  	s11 =	sadd.s32 s31, s1  }
0x40a: {  	v5 =	vld [tilespmem:s11+$0x0];
	_ =	sdelay $0x2  }
0x40b: {  	v3 =	vadd.f32 v4, v3;
	_ =	sdelay $0x1  }
0x40c: {  	v3 =	vadd.f32 v3, v5  }
0x40d: {  	s17 =	sor.u32 $0x20, s7  }
0x40e: {  	s31 =	sadd.s32 s17, s6;
	[tilespmem:s11+$0x0] =	vst v3  }
0x40f: {  	s10 =	sadd.s32 s17, s8;
	v3 =	vld [tilespmem:s31+$0x0]  }
0x410: {  	v4 =	vld [tilespmem:s10+$0x0]  }
0x411: {  	s11 =	sadd.s32 s17, s1  }
0x412: {  	v5 =	vld [tilespmem:s11+$0x0];
	_ =	sdelay $0x2  }
0x413: {  	v3 =	vadd.f32 v4, v3;
	_ =	sdelay $0x1  }
0x414: {  	v3 =	vadd.f32 v3, v5  }
0x415: {  	s17 =	sor.u32 $0x30, s7  }
0x416: {  	s6 =	sadd.s32 s17, s6;
	[tilespmem:s11+$0x0] =	vst v3  }
0x417: {  	s31 =	sadd.s32 s17, s8;
	v4 =	vld [tilespmem:s6+$0x0]  }
0x418: {  	s1 =	sadd.s32 s17, s1;
	v5 =	vld [tilespmem:s31+$0x0]  }
0x419: {  	s29 =	simm.s32 $0x40;
	s30 =	simm.s32 $0x0;
	v3 =	vld [tilespmem:s1+$0x0]  }
.LBB2_31:
0x41a: {  	_ =	sdelay $0x1  }
0x41b: {  	p0 =	sne.s32 s29, $0x3C0  }
0x41c: {  	s30 =	sadd.s32 $0x200, s30;
	s4 =	smov.u32 s29;
	s29 =	sadd.s32 $0x40, s29;
	v4 =	vadd.f32 v5, v4  }
0x41d: {  	s5 =	sand.u32 $0x1C00, s30  }
0x41e: {  	s4 =	sand.u32 $0x40, s4;
	s31 =	sadd.s32 s5, s28;
	s5 =	sadd.s32 s5, s23;
	v3 =	vadd.f32 v4, v3  }
0x41f: {  	s8 =	sor.u32 $0x10, s4;
	s6 =	sadd.s32 s4, s5;
	s7 =	sadd.s32 $0x80, s5  }
0x420: {  	s10 =	sadd.s32 s8, s5;
	s9 =	sadd.s32 s4, s7;
	s11 =	sadd.s32 s8, s7;
	[tilespmem:s1+$0x0] =	vst v3  }
0x421: {  	s1 =	sor.u32 $0x20, s4;
	v3 =	vld [tilespmem:s9+$0x0];
	s9 =	sor.u32 $0x30, s4  }
0x422: {  	s17 =	sadd.s32 s1, s7;
	v4 =	vld [tilespmem:s6+$0x0];
	s6 =	sadd.s32 s1, s5;
	s5 =	sadd.s32 s9, s5  }
0x423: {  	s4 =	sadd.s32 s4, s31;
	s7 =	sadd.s32 s9, s7  }
0x424: {  	v5 =	vld [tilespmem:s4+$0x0];
	_ =	sdelay $0x2  }
0x425: {  	v3 =	vadd.f32 v3, v4;
	_ =	sdelay $0x1  }
0x426: {  	v3 =	vadd.f32 v3, v5;
	_ =	sdelay $0x1  }
0x427: {  	[tilespmem:s4+$0x0] =	vst v3  }
0x428: {  	v3 =	vld [tilespmem:s10+$0x0]  }
0x429: {  	v4 =	vld [tilespmem:s11+$0x0]  }
0x42a: {  	s4 =	sadd.s32 s8, s31  }
0x42b: {  	v5 =	vld [tilespmem:s4+$0x0];
	_ =	sdelay $0x2  }
0x42c: {  	v3 =	vadd.f32 v4, v3;
	_ =	sdelay $0x1  }
0x42d: {  	v3 =	vadd.f32 v3, v5;
	_ =	sdelay $0x1  }
0x42e: {  	[tilespmem:s4+$0x0] =	vst v3  }
0x42f: {  	v3 =	vld [tilespmem:s6+$0x0]  }
0x430: {  	v4 =	vld [tilespmem:s17+$0x0]  }
0x431: {  	s1 =	sadd.s32 s1, s31  }
0x432: {  	v5 =	vld [tilespmem:s1+$0x0];
	_ =	sdelay $0x2  }
0x433: {  	v3 =	vadd.f32 v4, v3;
	_ =	sdelay $0x1  }
0x434: {  	v3 =	vadd.f32 v3, v5  }
.Ltmp14:
0x435: {  	(pc) =	sbr.rel @p0 .LBB2_31-.Ltmp14, $4  }
0x436: {  	[tilespmem:s1+$0x0] =	vst v3  }
0x437: {  	v4 =	vld [tilespmem:s5+$0x0]  }
0x438: {  	s1 =	sadd.s32 s9, s31;
	v5 =	vld [tilespmem:s7+$0x0]  }
0x439: {  	v3 =	vld [tilespmem:s1+$0x0]  }
0x43a: {  	_ = 	snop  }
0x43b: {  	s22 =	sadd.s32 $0x1, s22  }
0x43c: {  	p0 =	sne.s32 s22, $0x10  }
.Ltmp15:
0x43d: {  	v4 =	vadd.f32 v5, v4;
	(pc) =	sbr.rel @p0 .LBB2_30-.Ltmp15, $3  }
0x43e: {  	_ = 	snop  }
0x43f: {  	v3 =	vadd.f32 v4, v3;
	_ =	sdelay $0x1  }
0x440: {  	[tilespmem:s1+$0x0] =	vst v3  }
0x441: {  	s1 =	rddreg [dreg:$0x1b]  }
0x442: {  	[hbm4b:s1+s2] =	stream.linear.scatter [tilespmem:s18], [sflag:$0x3], $0x4000, $0x38;
	[tilespmem:$0x18400] =	vst v63  }
0x443: {  	_ =	swait.ge [sflag:s19], $0x4000  }
0x444: {  	[sflag:s19] =	ssyncset.done $0x0  }
0x445: {  	[sflag:s19] =	ssyncadd.s32 $0xFFFFC000  }
0x446: {  	_ =	swait.ge [sflag:s19], $0x4000  }
0x447: {  	s20 =	sadd.s32 $0x1, s20;
	s31 =	rddreg [dreg:$0x15]  }
0x448: {  	p0 =	sne.s32 s20, s31  }
.Ltmp16:
0x449: {  	_ = 	snop;
	(pc) =	sbr.rel @p0 .LBB2_1-.Ltmp16, $3  }
0x44a: {  	_ =	sdelay $0x1  }
0x44b: {  	[sflag:s19] =	ssyncset.done $0x0  }
0x44c: {  	[sflag:s19] =	ssyncadd.s32 $0xFFFFC000  }
0x44d: {  	_ =	sfence.sel $0x180000  }
0x44e: {  	[bflag:$0x0] =	sbarrier.arrive $0xFFFF  }
0x44f: {  	_ =	strace $0x9000004D  }
0x450: {  	s0 =	stileid.u32;
	[bflag:$0x2] =	sbarrier.arrive $0xFFFF  }
0x451: {  	p0 =	sne.s32 s0, $0x0;
	s0 =	rddreg [dreg:$0x2]  }
0x452: {  	s0 =	sadd.s32 @!p0 $0x100000, s0  }
0x453: {  	[sflag:s0] =	ssyncadd.tile.s32 @!p0 $0x1;
	_ =	shalt  }
.Lfunc_end2:
_tile_overlayer_lowered:
.L_overlay_start_2:
0x454: {  	(tag) =	ssettag $0x2  }
0x455: {  	s0 =	rddreg [dreg:$0x0];
	s2 =	stileid.u32  }
0x456: {  	s1 =	rddreg [dreg:$0x1];
	p0 =	sne.s32 s2, $0x0  }
0x457: {  	s3 =	rddreg [dreg:$0x2];
	[bflag:$0x3] =	sbarrier.arrive $0xFFFF;
	s2 =	simm.s32 @!p0 $0x1C04  }
0x458: {  	[timem:s3], [sflag:s2] =	dma.local @!p0 [hbm:s0], s1  }
0x459: {  	s0 =	simm.s32 @!p0 $0x4  }
0x45a: {  	_ =	swait.ge @!p0 [sflag:s0], s1  }
0x45b: {  	s1 =	ssub.s32 @!p0 $0x0, s1;
	[sflag:s0] =	ssyncset.done @!p0 $0x0  }
0x45c: {  	[sflag:s0] =	ssyncadd.s32 @!p0 s1  }
0x45d: {  	[bflag:$0x3] =	sbarrier.arrive $0xFFFF  }
0x45e: {  	_ =	shalt  }

// kernel: kernel.7.cloned.1.call-start
scs
__scs_entry_jumppad:
0x0: {  	(pc) =	sbr.rel $0x88, $3  }
0x1: {  	(tag) =	ssettag $0x0;
	lr =	simm.s32 $0x1  }
0x2: {  	[smem:$0x3F93] =	sst lr;
	_ =	strace $0xD0000000  }
0x3: {  	_ = 	snop  }
0x4: {  	_ = 	snop  }
0x5: {  	_ = 	snop  }
0x6: {  	_ = 	snop  }
0x7: {  	_ = 	snop  }
__scs_overlays_trampoline_lowered:
0x8: {  	[smem:$0x3FA2] =	sst s0  }
0x9: {  	[smem:$0x3FA3] =	sst s1  }
0xa: {  	[smem:$0x3FA4] =	sst s2  }
0xb: {  	[smem:$0x3FA5] =	sst s3  }
0xc: {  	[smem:$0x3FA6] =	sst s4  }
0xd: {  	[smem:$0x3FA7] =	sst s5  }
0xe: {  	[smem:$0x3FA8] =	sst s6  }
0xf: {  	[smem:$0x3FA9] =	sst s7  }
0x10: {  	[smem:$0x3FAA] =	sst s8  }
0x11: {  	[smem:$0x3FAB] =	sst s9;
	s0 =	simm.s32 @!p0 $0x0  }
0x12: {  	s1 =	sld [smem:$0x3F91];
	s0 =	simm.s32 @p0 $0x1  }
0x13: {  	[smem:$0x3FAC] =	sst s0;
	s0 =	simm.s32 @!p1 $0x0  }
0x14: {  	s2 =	sld [smem:$0x3F90];
	s0 =	simm.s32 @p1 $0x1  }
0x15: {  	[smem:$0x3FAD] =	sst s0;
	s0 =	simm.s32 @!p2 $0x0  }
0x16: {  	s3 =	sld [smem:$0x3FDB];
	s0 =	simm.s32 @p2 $0x1  }
0x17: {  	s4 =	simm.s32 $0x1BF5;
	[smem:$0x3FAF] =	sst s0  }
0x18: {  	s0 =	sld [smem:$0x3F92];
	_ =	swait.ge [sflag:s4], $0x0  }
0x19: {  	s7 =	sld [smem:$0x3F93]  }
0x1a: {  	s8 =	sadd.s32 $0xFFFFE003, lr  }
0x1b: {  	s9 =	sadd.s32 $0xFFFFFEF7, lr;
	s5 =	simm.s32 $0xFFFFFFFF;
	p2 =	slt.u32 s8, $0xFFFFF086  }
0x1c: {  	p1 =	slt.u32 s9, $0xF7A;
	s5 =	simm.s32 @!p2 $0x0  }
0x1d: {  	s5 =	simm.s32 @p1 $0x1;
	p0 =	seq.s32 s7, s2  }
0x1e: {  	s7 =	smul.u32 @!p0 $0xF7A, s2;
	p2 =	seq.s32 @!p0 s5, $0x0  }
0x1f: {  	s9 =	smul.u32 $0xF7A, s1;
	s8 =	simm.s32 @!p0 $0x1BF5;
	p2 =	por !p2, p0  }
0x20: {  	[sflag:s8] =	ssyncset.s32 @!p0 $0xFFFFF086;
	s6 =	sadd.s32 @!p0 s3, s7;
	s7 =	simm.s32 @!p0 $0x108  }
0x21: {  	s3 =	sadd.s32 s3, s9;
	s6 =	sadd.s32 @!p0 $0x88, s6;
	s7 =	simm.s32 @p2 $0x1082  }
0x22: {  	[simem:s7], [sflag:s8] =	dma.local @!p0 [hbm:s6], $0xF7A  }
0x23: {  	s9 =	sor.u32 $0xD0000000, s2;
	s6 =	simm.s32 $0x108;
	_ =	swait.ge @!p0 [sflag:s8], $0x0  }
0x24: {  	s3 =	sadd.s32 $0x88, s3;
	s6 =	simm.s32 @!p1 $0x1082;
	[sflag:s4] =	ssyncset.s32 $0xFFFFF086  }
0x25: {  	[simem:s6], [sflag:s4] =	dma.local [hbm:s3], $0xF7A  }
0x26: {  	[smem:$0x3F93] =	sst s1;
	(tag) =	ssettag s2;
	_ =	strace s9  }
0x27: {  	s1 =	sld [smem:$0x3FA3]  }
0x28: {  	s2 =	sld [smem:$0x3FA4]  }
0x29: {  	s4 =	sld [smem:$0x3FA6]  }
0x2a: {  	p0 =	seq.s32 s5, $0x0;
	s5 =	sld [smem:$0x3FA7]  }
0x2b: {  	s6 =	sld [smem:$0x3FA8]  }
0x2c: {  	s7 =	sld [smem:$0x3FA9]  }
0x2d: {  	s3 =	simm.s32 $0x108;
	s8 =	sld [smem:$0x3FAA]  }
0x2e: {  	s3 =	simm.s32 @!p0 $0x1082;
	s9 =	sld [smem:$0x3FAB]  }
0x2f: {  	lr =	sadd.s32 s0, s3;
	s0 =	sld [smem:$0x3FA2]  }
0x30: {  	s3 =	sld [smem:$0x3FA5]  }
0x31: {  	[smem:$0x3FAE] =	sst s10  }
0x32: {  	s10 =	sld [smem:$0x3FAC];
	_ =	sdelay $0x3  }
0x33: {  	p0 =	seq.s32 s10, $0x1;
	s10 =	sld [smem:$0x3FAE];
	_ =	sdelay $0x3  }
0x34: {  	[smem:$0x3FAE] =	sst s10  }
0x35: {  	s10 =	sld [smem:$0x3FAD];
	_ =	sdelay $0x3  }
0x36: {  	p1 =	seq.s32 s10, $0x1;
	s10 =	sld [smem:$0x3FAE];
	_ =	sdelay $0x3  }
0x37: {  	[smem:$0x3FAE] =	sst s10  }
0x38: {  	s10 =	sld [smem:$0x3FAF]  }
0x39: {  	_ = 	snop;
	(pc) =	sbr.ind lr, $3  }
0x3a: {  	_ = 	snop  }
0x3b: {  	_ = 	snop  }
0x3c: {  	p2 =	seq.s32 s10, $0x1;
	s10 =	sld [smem:$0x3FAE]  }
0x3d: {  	_ =	shalt  }
0x3e: {  	_ =	shalt  }
0x3f: {  	_ =	shalt  }
0x40: {  	_ =	shalt  }
0x41: {  	_ =	shalt  }
0x42: {  	_ =	shalt  }
0x43: {  	_ =	shalt  }
0x44: {  	_ =	shalt  }
0x45: {  	_ =	shalt  }
0x46: {  	_ =	shalt  }
0x47: {  	_ =	shalt  }
0x48: {  	_ =	shalt  }
0x49: {  	_ =	shalt  }
0x4a: {  	_ =	shalt  }
0x4b: {  	_ =	shalt  }
0x4c: {  	_ =	shalt  }
0x4d: {  	_ =	shalt  }
0x4e: {  	_ =	shalt  }
0x4f: {  	_ =	shalt  }
0x50: {  	_ =	shalt  }
0x51: {  	_ =	shalt  }
0x52: {  	_ =	shalt  }
0x53: {  	_ =	shalt  }
0x54: {  	_ =	shalt  }
0x55: {  	_ =	shalt  }
0x56: {  	_ =	shalt  }
0x57: {  	_ =	shalt  }
0x58: {  	_ =	shalt  }
0x59: {  	_ =	shalt  }
0x5a: {  	_ =	shalt  }
0x5b: {  	_ =	shalt  }
0x5c: {  	_ =	shalt  }
0x5d: {  	_ =	shalt  }
0x5e: {  	_ =	shalt  }
0x5f: {  	_ =	shalt  }
0x60: {  	_ =	shalt  }
0x61: {  	_ =	shalt  }
0x62: {  	_ =	shalt  }
0x63: {  	_ =	shalt  }
0x64: {  	_ =	shalt  }
0x65: {  	_ =	shalt  }
0x66: {  	_ =	shalt  }
0x67: {  	_ =	shalt  }
0x68: {  	_ =	shalt  }
0x69: {  	_ =	shalt  }
0x6a: {  	_ =	shalt  }
0x6b: {  	_ =	shalt  }
0x6c: {  	_ =	shalt  }
0x6d: {  	_ =	shalt  }
0x6e: {  	_ =	shalt  }
0x6f: {  	_ =	shalt  }
0x70: {  	_ =	shalt  }
0x71: {  	_ =	shalt  }
0x72: {  	_ =	shalt  }
0x73: {  	_ =	shalt  }
0x74: {  	_ =	shalt  }
0x75: {  	_ =	shalt  }
0x76: {  	_ =	shalt  }
0x77: {  	_ =	shalt  }
0x78: {  	_ =	shalt  }
0x79: {  	_ =	shalt  }
0x7a: {  	_ =	shalt  }
0x7b: {  	_ =	shalt  }
0x7c: {  	_ =	shalt  }
0x7d: {  	_ =	shalt  }
0x7e: {  	_ =	shalt  }
0x7f: {  	_ =	shalt  }
0x80: {  	_ =	shalt  }
0x81: {  	_ =	shalt  }
0x82: {  	_ =	shalt  }
0x83: {  	_ =	shalt  }
0x84: {  	_ =	shalt  }
0x85: {  	_ =	shalt  }
0x86: {  	_ =	shalt  }
0x87: {  	_ =	shalt  }
.Lfunc_end0:
.L_simem_size_0:
called_computation.1_lowered:
.L_overlay_start_0:
0x88: {  	s2 =	sld [smem:$0x3FD9]  }
0x89: {  	s3 =	sld [smem:$0x3FFE];
	_ =	sdelay $0x1  }
0x8a: {  	s1 =	srdreg.scid  }
0x8b: {  	s0 =	sand.u32 $0x1, s1  }
0x8c: {  	s17 =	sshll.u32 s0, $0xA;
	s2 =	sadd.s32 s3, s2  }
0x8d: {  	s2 =	sadd.s32 s2, s17  }
0x8e: {  	[smem:$0x3FBA] =	sst s2  }
0x8f: {  	_ = 	snop  }
0x90: {  	s18 =	sld [smem:$0x3FC9];
	(tm) =	ssettm $0x1  }
0x91: {  	s19 =	sld [smem:$0x3FFB];
	_ =	sdelay $0x3  }
0x92: {  	_ =	strace s19  }
0x93: {  	s2 =	sld [smem:$0x3FFC];
	_ =	sdelay $0x3  }
0x94: {  	_ =	strace s2  }
0x95: {  	s2 =	sld [smem:$0x3FFD];
	_ =	sdelay $0x3  }
0x96: {  	_ =	strace s2  }
0x97: {  	_ =	strace $0x8FFFFFFF  }
0x98: {  	s20 =	sld [smem:$0x3FDB];
	_ =	sdelay $0x1  }
0x99: {  	s4 =	simm.s32 $_scs_section_size  }
0x9a: {  	s5 =	simm.s32 $_size__tile_overlayer_lowered;
	s6 =	simm.s32 $_tile_overlayer_lowered  }
0x9b: {  	s7 =	simm.s32 $0x1BFF;
	s21 =	sshll.u32 s6, $0x1;
	s4 =	sadd.s32 s4, s20  }
0x9c: {  	s22 =	simm.s32 $0x0;
	s5 =	sshll.u32 s5, $0x1;
	s6 =	sadd.s32 s21, s4  }
0x9d: {  	[timem:s22], [sflag:s7] =	dma.local [hbm:s6], s5  }
0x9e: {  	_ =	swait.ge [sflag:s7], s5  }
0x9f: {  	s5 =	ssub.s32 $0x0, s5;
	[sflag:s7] =	ssyncset.done $0x0  }
0xa0: {  	[sflag:s7] =	ssyncadd.s32 s5;
	_ =	sdelay $0x1  }
0xa1: {  	s23 =	simm.s32 $0x1B8B  }
0xa2: {  	_ =	swait.ge [sflag:s23], $0x1  }
0xa3: {  	[sflag:s23] =	ssyncset.done $0x0  }
0xa4: {  	[sflag:s23] =	ssyncadd.s32 $0xFFFFFFFF  }
0xa5: {  	s5 =	sld [smem:$0x0]  }
0xa6: {  	s6 =	sand.u32 $0xFFFFFFFE, s1  }
0xa7: {  	p0 =	sne.s32 s1, s6  }
0xa8: {  	s6 =	sshll.u32 @p0 s6, $0xE  }
0xa9: {  	s6 =	sadd.s32 @p0 $0x11B8D, s6;
	s7 =	sshll.u32 @p0 s5, $0x11  }
0xaa: {  	s6 =	sor.u32 @p0 s7, s6  }
0xab: {  	[sflag:s6] =	ssyncadd.remote.s32 @p0 $0x1;
	_ =	sdelay $0x1  }
0xac: {  	s6 =	simm.s32 @p0 $0x1B8D  }
0xad: {  	_ =	swait.eq @p0 [sflag:s6], $0x1  }
0xae: {  	[sflag:s6] =	ssyncadd.s32 @p0 $0xFFFFFFFF  }
0xaf: {  	s7 =	sshll.u32 @!p0 s1, $0xE  }
0xb0: {  	s7 =	sor.u32 @!p0 $0x4000, s7;
	s6 =	simm.s32 @!p0 $0x1B8D  }
0xb1: {  	s5 =	sshll.u32 @!p0 s5, $0x11;
	s7 =	sadd.s32 @!p0 $0x11B8D, s7;
	_ =	swait.eq @!p0 [sflag:s6], $0x1  }
0xb2: {  	s5 =	sor.u32 @!p0 s5, s7;
	[sflag:s6] =	ssyncadd.s32 @!p0 $0xFFFFFFFF  }
0xb3: {  	s25 =	simm.s32 $0x1B8E;
	s24 =	sld [smem:$0x3FFE];
	[sflag:s5] =	ssyncadd.remote.s32 @!p0 $0x1  }
0xb4: {  	s26 =	simm.s32 $execute0_lowered;
	[smem:$0x3FD2] =	sst s25  }
0xb5: {  	s6 =	sshll.u32 s26, $0x1;
	_ =	strace $0x80000049;
	[dreg:$0x1] =	wrdreg $0xFFFFFFFF  }
0xb6: {  	s28 =	simm.s32 $_size_execute0_lowered;
	s4 =	sadd.s32 s4, s6;
	[dreg:$0x0] =	wrdreg $0x0  }
0xb7: {  	s6 =	sshll.u32 s28, $0x1;
	[dreg:$0x2] =	wrdreg s4  }
0xb8: {  	[dreg:$0x3] =	wrdreg s6  }
0xb9: {  	[dreg:$0x4] =	wrdreg $0xC0  }
0xba: {  	_ =	task [dreg:s22], $0x5FFFF  }
0xbb: {  	[dreg:$0x1] =	wrdreg $0xFFFFFFFF  }
0xbc: {  	[dreg:$0x0] =	wrdreg $0x60  }
0xbd: {  	[dreg:$0x2] =	wrdreg s24  }
0xbe: {  	[dreg:$0x3] =	wrdreg s18  }
0xbf: {  	[dreg:$0x4] =	wrdreg $0xA  }
0xc0: {  	_ =	task.clear_ibuf [dreg:s22], $0x5FFFF;
	_ =	strace $0x90000049  }
0xc1: {  	s29 =	simm.s32 $0xA;
	_ =	strace $0x8000004B  }
0xc2: {  	_ =	swait.ge [sflag:s29], $0x1  }
0xc3: {  	[sflag:s29] =	ssyncadd.s32 $0xFFFFFFFF  }
0xc4: {  	_ =	strace $0x9000004B  }
0xc5: {  	_ =	sfence  }
0xc6: {  	s30 =	sld [smem:$0x0];
	_ =	sdelay $0x2  }
0xc7: {  	s31 =	sshll.u32 s1, $0xD;
	s1 =	sshrl.u32 s1, $0x2  }
0xc8: {  	s4 =	sand.u32 $0x4000, s31;
	s1 =	sadd.s32 s1, s30  }
0xc9: {  	s0 =	sor.u32 s4, s0;
	s1 =	sshll.u32 s1, $0x11  }
0xca: {  	s0 =	sor.u32 s1, s0  }
0xcb: {  	s0 =	sadd.s32 $0x8F2B, s0  }
0xcc: {  	[sflag:s0] =	ssyncadd.remote.s32 $0x1  }
0xcd: {  	_ =	sfence.sel $0xFFFF  }
0xce: {  	[dreg:$0x0] =	wrdreg $0xFFFFFFFF;
	(pc) =	sbr.abs _section_cstart, $3  }
0xcf: {  	[dreg:$0x1] =	wrdreg $0xFFFFFFFF  }
0xd0: {  	_ =	task.clear_ibuf [dreg:s22], $0x2FFFF;
	_ =	strace $0x9FFFFFFF  }
0xd1: {  	(tm) =	ssettm $0x7FFFFFFF  }
tec
execute0_lowered:
.L_overlay_start_1:
0x0: {  	(tag) =	ssettag $0x1  }
0x1: {  	s1 =	rddreg [dreg:$0x0]  }
0x2: {  	s2 =	rddreg [dreg:$0x1]  }
0x3: {  	s0 =	srdreg.scid;
	s4 =	stileid.u32;
	s3 =	simm.s32 $0x0  }
0x4: {  	s6 =	sand.u32 $0x1, s0;
	s23 =	sshll.u32 s4, $0x9;
	[smem:$0x7FF] =	sst s3  }
0x5: {  	s7 =	sadd.s32 $0x20A00, s1;
	s5 =	sadd.s32 $0x21400, s1;
	s24 =	sshll.u32 s6, $0x8  }
0x6: {  	_ =	strace $0x8000004A;
	[dreg:$0x14] =	wrdreg s5;
	s0 =	sor.u32 s24, s23  }
0x7: {  	s6 =	ssub.s32 $0x2, s6;
	s24 =	simm.s32 $0x1400;
	s4 =	sshll.u32 s0, $0x4  }
0x8: {  	s9 =	sshrl.u32 s0, $0x3;
	s5 =	sor.u32 $0x20, s0;
	s16 =	sor.u32 $0x40, s0  }
0x9: {  	s19 =	sor.u32 $0x60, s0;
	s14 =	sor.u32 $0x80, s0;
	s18 =	sor.u32 $0xA0, s0  }
0xa: {  	s20 =	sor.u32 $0xC0, s0;
	s15 =	sor.u32 $0xE0, s0;
	s21 =	sor.u32 $0x10, s0  }
0xb: {  	s22 =	sor.u32 $0x30, s0;
	[dreg:$0xc] =	wrdreg s24;
	s24 =	sor.u32 $0x70, s0  }
0xc: {  	s8 =	sadd.s32 s4, s1;
	s4 =	sadd.s32 $0x41400, s1;
	s9 =	sadd.s32 s7, s9  }
0xd: {  	s10 =	sshrl.u32 s5, $0x3;
	s26 =	sshrl.u32 s16, $0x3;
	s28 =	sshrl.u32 s19, $0x3  }
0xe: {  	v18 =	vlaneseq.u32;
	s30 =	sshrl.u32 s14, $0x3;
	s11 =	sshrl.u32 s20, $0x3;
	s13 =	sshrl.u32 s15, $0x3  }
0xf: {  	v6 =	vor.u32 s19, v18;
	s19 =	simm.s32 $0x3;
	[dreg:$0x3] =	wrdreg s9;
	s25 =	sadd.s32 s7, s10  }
0x10: {  	s9 =	sadd.s32 s7, s26;
	s29 =	sadd.s32 s7, s28;
	[dreg:$0x4] =	wrdreg s25  }
0x11: {  	s31 =	sadd.s32 s7, s30;
	s10 =	sshrl.u32 s18, $0x3;
	[dreg:$0x5] =	wrdreg s9  }
0x12: {  	vm0 =	vmmov $0xffff;
	v16 =	vand.u32 $0x7, v18;
	v17 =	vshrl.u32 v18, $0x3;
	s12 =	sadd.s32 s7, s11;
	s11 =	sshrl.u32 s6, $0x1;
	[dreg:$0x6] =	wrdreg s29  }
0x13: {  	v17 =	vmul.u32 $0x8, v17;
	v0 =	vor.u32 s0, v18;
	v1 =	vor.u32 s21, v18;
	s23 =	sadd.s32 $0xA00, s8;
	s26 =	simm.s32 $0x3400;
	[dreg:$0x7] =	wrdreg s31  }
0x14: {  	v2 =	vor.u32 s5, v18;
	v3 =	vor.u32 s22, v18;
	v4 =	vor.u32 s16, v18;
	s28 =	simm.s32 $0x4400;
	s30 =	simm.s32 $0x6400;
	[dreg:$0x9] =	wrdreg s12  }
0x15: {  	v7 =	vor.u32 s24, v18;
	v8 =	vor.u32 s14, v18;
	v10 =	vor.u32 s18, v18;
	s8 =	sadd.s32 $0x41700, s1;
	s9 =	sadd.s32 s7, s10;
	[dreg:$0xb] =	wrdreg s23  }
0x16: {  	v12 =	vor.u32 s20, v18;
	v14 =	vor.u32 s15, v18;
	v0 =	vshrl.u32 v0, $0x1;
	s7 =	sadd.s32 s7, s13;
	s17 =	ssub.s32 s6, s11;
	[dreg:$0xe] =	wrdreg s26  }
0x17: {  	v1 =	vshrl.u32 v1, $0x1;
	v2 =	vshrl.u32 v2, $0x1;
	v3 =	vshrl.u32 v3, $0x1;
	s25 =	simm.s32 $0x2400;
	s23 =	sor.u32 $0x50, s0;
	[dreg:$0xf] =	wrdreg s28  }
0x18: {  	v4 =	vshrl.u32 v4, $0x1;
	v6 =	vshrl.u32 v6, $0x1;
	v7 =	vshrl.u32 v7, $0x1;
	s29 =	simm.s32 $0x5400;
	s26 =	sor.u32 $0xB0, s0;
	[dreg:$0x11] =	wrdreg s30  }
0x19: {  	v8 =	vshrl.u32 v8, $0x1;
	v10 =	vshrl.u32 v10, $0x1;
	v12 =	vshrl.u32 v12, $0x1;
	s28 =	sor.u32 $0xD0, s0;
	s31 =	simm.s32 $0x7400;
	[dreg:$0xd] =	wrdreg s25  }
0x1a: {  	v14 =	vshrl.u32 v14, $0x1;
	s25 =	sor.u32 $0x90, s0;
	[dreg:$0x10] =	wrdreg s29;
	s29 =	sor.u32 $0xF0, s0;
	v5 =	vor.u32 s23, v18;
	v11 =	vor.u32 s26, v18  }
0x1b: {  	s6 =	sadd.s32 $0x41500, s1;
	s10 =	sadd.s32 $0x100, s2;
	[dreg:$0x8] =	wrdreg s9;
	v13 =	vor.u32 s28, v18;
	v9 =	vor.u32 s25, v18;
	v15 =	vor.u32 s29, v18  }
0x1c: {  	s11 =	sadd.s32 $0x200, s2;
	s12 =	sadd.s32 $0x300, s2;
	[dreg:$0xa] =	wrdreg s7;
	v5 =	vshrl.u32 v5, $0x1;
	v11 =	vshrl.u32 v11, $0x1;
	v13 =	vshrl.u32 v13, $0x1  }
0x1d: {  	[dreg:$0x12] =	wrdreg s31;
	s7 =	sadd.s32 $0x41600, s1;
	s1 =	smax.u32 s17, $0x1;
	v18 =	vor.u32 $0x8, v18;
	v9 =	vshrl.u32 v9, $0x1;
	v15 =	vshrl.u32 v15, $0x1  }
.LBB2_1:
0x1e: {  	[dreg:$0x13] =	wrdreg s1  }
0x1f: {  	s21 =	rddreg [dreg:$0x3];
	s0 =	simm.s32 $0x4  }
0x20: {  	[tilespmem:s3], [sflag:$0x4] =	stream.linear.gather [hbm4b:s21+s3], $0x20, $0x38;
	[tilespmem:$0x18800] =	vst v63  }
0x21: {  	_ =	swait.ge [sflag:s0], $0x20  }
0x22: {  	[sflag:s0] =	ssyncset.done $0x0  }
0x23: {  	s23 =	simm.s32 $0x80;
	s28 =	rddreg [dreg:$0x4];
	[sflag:s0] =	ssyncadd.s32 $0xFFFFFFE0  }
0x24: {  	[tilespmem:s23], [sflag:$0x4] =	stream.linear.gather [hbm4b:s28+s3], $0x20, $0x38;
	[tilespmem:$0x18800] =	vst v63  }
0x25: {  	_ =	swait.ge [sflag:s0], $0x20  }
0x26: {  	[sflag:s0] =	ssyncset.done $0x0  }
0x27: {  	s24 =	simm.s32 $0x100;
	s29 =	rddreg [dreg:$0x5];
	[sflag:s0] =	ssyncadd.s32 $0xFFFFFFE0  }
0x28: {  	[tilespmem:s24], [sflag:$0x4] =	stream.linear.gather [hbm4b:s29+s3], $0x20, $0x38;
	[tilespmem:$0x18800] =	vst v63  }
0x29: {  	_ =	swait.ge [sflag:s0], $0x20  }
0x2a: {  	[sflag:s0] =	ssyncset.done $0x0  }
0x2b: {  	s25 =	simm.s32 $0x180;
	s30 =	rddreg [dreg:$0x6];
	[sflag:s0] =	ssyncadd.s32 $0xFFFFFFE0  }
0x2c: {  	[tilespmem:s25], [sflag:$0x4] =	stream.linear.gather [hbm4b:s30+s3], $0x20, $0x38;
	[tilespmem:$0x18800] =	vst v63  }
0x2d: {  	_ =	swait.ge [sflag:s0], $0x20  }
0x2e: {  	[sflag:s0] =	ssyncset.done $0x0  }
0x2f: {  	s26 =	simm.s32 $0x200;
	s31 =	rddreg [dreg:$0x7];
	[sflag:s0] =	ssyncadd.s32 $0xFFFFFFE0  }
0x30: {  	[tilespmem:s26], [sflag:$0x4] =	stream.linear.gather [hbm4b:s31+s3], $0x20, $0x38;
	[tilespmem:$0x18800] =	vst v63  }
0x31: {  	_ =	swait.ge [sflag:s0], $0x20  }
0x32: {  	[sflag:s0] =	ssyncset.done $0x0  }
0x33: {  	s28 =	simm.s32 $0x280;
	s1 =	rddreg [dreg:$0x8];
	[sflag:s0] =	ssyncadd.s32 $0xFFFFFFE0  }
0x34: {  	[tilespmem:s28], [sflag:$0x4] =	stream.linear.gather [hbm4b:s1+s3], $0x20, $0x38;
	[tilespmem:$0x18800] =	vst v63  }
0x35: {  	_ =	swait.ge [sflag:s0], $0x20  }
0x36: {  	[sflag:s0] =	ssyncset.done $0x0  }
0x37: {  	s29 =	simm.s32 $0x300;
	s2 =	rddreg [dreg:$0x9];
	[sflag:s0] =	ssyncadd.s32 $0xFFFFFFE0  }
0x38: {  	[tilespmem:s29], [sflag:$0x4] =	stream.linear.gather [hbm4b:s2+s3], $0x20, $0x38;
	[tilespmem:$0x18800] =	vst v63  }
0x39: {  	_ =	swait.ge [sflag:s0], $0x20  }
0x3a: {  	[sflag:s0] =	ssyncset.done $0x0  }
0x3b: {  	s30 =	simm.s32 $0x380;
	s5 =	rddreg [dreg:$0xa];
	[sflag:s0] =	ssyncadd.s32 $0xFFFFFFE0  }
0x3c: {  	[tilespmem:s30], [sflag:$0x4] =	stream.linear.gather [hbm4b:s5+s3], $0x20, $0x38;
	[tilespmem:$0x18800] =	vst v63  }
0x3d: {  	_ =	swait.ge [sflag:s0], $0x20  }
0x3e: {  	[sflag:s0] =	ssyncset.done $0x0  }
0x3f: {  	s22 =	simm.s32 $0x400;
	s9 =	rddreg [dreg:$0xb];
	[sflag:s0] =	ssyncadd.s32 $0xFFFFFFE0  }
0x40: {  	[tilespmem:s22], [sflag:$0x4] =	stream.linear.gather [hbm4b:s9+s3], $0x8000, $0x38;
	[tilespmem:$0x18800] =	vst v63  }
0x41: {  	_ =	swait.ge [sflag:s0], $0x8000  }
0x42: {  	[sflag:s0] =	ssyncset.done $0x0  }
0x43: {  	[sflag:s0] =	ssyncadd.s32 $0xFFFF8000  }
0x44: {  	[tilespmem:$0x8400] =	vst v0  }
0x45: {  	[tilespmem:$0x8410] =	vst v1  }
0x46: {  	[tilespmem:$0x8480] =	vst v2  }
0x47: {  	[tilespmem:$0x8490] =	vst v3  }
0x48: {  	[tilespmem:$0x8500] =	vst v4  }
0x49: {  	[tilespmem:$0x8510] =	vst v5  }
0x4a: {  	[tilespmem:$0x8580] =	vst v6  }
0x4b: {  	[tilespmem:$0x8590] =	vst v7  }
0x4c: {  	[tilespmem:$0x8600] =	vst v8  }
0x4d: {  	[tilespmem:$0x8610] =	vst v9  }
0x4e: {  	[tilespmem:$0x8680] =	vst v10  }
0x4f: {  	[tilespmem:$0x8690] =	vst v11  }
0x50: {  	[tilespmem:$0x8700] =	vst v12  }
0x51: {  	[tilespmem:$0x8710] =	vst v13  }
0x52: {  	[tilespmem:$0x8780] =	vst v14  }
0x53: {  	s31 =	simm.s32 $0x20;
	s14 =	rddreg [dreg:$0x14];
	[tilespmem:$0x8790] =	vst v15  }
0x54: {  	[hbm4b:s14+s31] =	stream.indirect.scatter [tilespmem:s22], [sflag:$0x1], $0x80, s3, s31, $0xb8;
	[tilespmem:$0x18800] =	vst v63  }
0x55: {  	s13 =	rddreg [dreg:$0xc]  }
0x56: {  	[hbm4b:s14+s31] =	stream.indirect.scatter [tilespmem:s13], [sflag:$0x1], $0x80, s23, s31, $0xb8;
	[tilespmem:$0x18800] =	vst v63  }
0x57: {  	s15 =	rddreg [dreg:$0xd]  }
0x58: {  	[hbm4b:s14+s31] =	stream.indirect.scatter [tilespmem:s15], [sflag:$0x1], $0x80, s24, s31, $0xb8;
	[tilespmem:$0x18800] =	vst v63  }
0x59: {  	s16 =	rddreg [dreg:$0xe]  }
0x5a: {  	[hbm4b:s14+s31] =	stream.indirect.scatter [tilespmem:s16], [sflag:$0x1], $0x80, s25, s31, $0xb8;
	[tilespmem:$0x18800] =	vst v63  }
0x5b: {  	s17 =	rddreg [dreg:$0xf]  }
0x5c: {  	[hbm4b:s14+s31] =	stream.indirect.scatter [tilespmem:s17], [sflag:$0x1], $0x80, s26, s31, $0xb8;
	[tilespmem:$0x18800] =	vst v63  }
0x5d: {  	s18 =	rddreg [dreg:$0x10]  }
0x5e: {  	[hbm4b:s14+s31] =	stream.indirect.scatter [tilespmem:s18], [sflag:$0x1], $0x80, s28, s31, $0xb8;
	[tilespmem:$0x18800] =	vst v63  }
0x5f: {  	s20 =	rddreg [dreg:$0x11]  }
0x60: {  	[hbm4b:s14+s31] =	stream.indirect.scatter [tilespmem:s20], [sflag:$0x1], $0x80, s29, s31, $0xb8;
	[tilespmem:$0x18800] =	vst v63  }
0x61: {  	s23 =	rddreg [dreg:$0x12]  }
0x62: {  	[hbm4b:s14+s31] =	stream.indirect.scatter [tilespmem:s23], [sflag:$0x1], $0x80, s30, s31, $0xb8;
	[tilespmem:$0x18800] =	vst v63  }
0x63: {  	v19 =	vld [tilespmem:$0x8400];
	_ =	sdelay $0x4  }
0x64: {  	v20 =	vshll.u32 v19, $0x3  }
0x65: {  	v19 =	vand.u32 $0x7, v19;
	v20 =	vand.u32 $0xFFFFFFC0, v20  }
0x66: {  	v19 =	vor.u32 v19, v20  }
0x67: {  	v20 =	vperm.xlane v19, v16;
	_ =	sdelay $0x1  }
0x68: {  	v20 =	vadd.s32 v17, v20;
	_ =	sdelay $0x3  }
0x69: {  	s2 =	rddreg [dreg:$0x1];
	s24 =	simm.s32 $0x8800  }
0x6a: {  	[tilespmem:s24], [sflag:$0x2] =	stream.indirect_vreg.gather [hbm4b:s2+s3], $0x80, v20, vm0, $0xb8;
	[tilespmem:$0x18800] =	vst v63  }
0x6b: {  	s25 =	simm.s32 $0x9000;
	v19 =	vperm.xlane v19, v18  }
0x6c: {  	[tilespmem:s25], [sflag:$0x2] =	stream.indirect_vreg.gather [hbm4b:s10+s3], $0x80, v20, vm0, $0xb8;
	[tilespmem:$0x18800] =	vst v63  }
0x6d: {  	s26 =	simm.s32 $0x9800;
	v19 =	vadd.s32 v17, v19  }
0x6e: {  	[tilespmem:s26], [sflag:$0x2] =	stream.indirect_vreg.gather [hbm4b:s11+s3], $0x80, v20, vm0, $0xb8;
	[tilespmem:$0x18800] =	vst v63  }
0x6f: {  	s28 =	simm.s32 $0xA000  }
0x70: {  	[tilespmem:s28], [sflag:$0x2] =	stream.indirect_vreg.gather [hbm4b:s12+s3], $0x80, v20, vm0, $0xb8;
	[tilespmem:$0x18800] =	vst v63  }
0x71: {  	s29 =	simm.s32 $0xA800  }
0x72: {  	[tilespmem:s29], [sflag:$0x2] =	stream.indirect_vreg.gather [hbm4b:s2+s3], $0x80, v19, vm0, $0xb8;
	[tilespmem:$0x18800] =	vst v63  }
0x73: {  	s30 =	simm.s32 $0xB000  }
0x74: {  	[tilespmem:s30], [sflag:$0x2] =	stream.indirect_vreg.gather [hbm4b:s10+s3], $0x80, v19, vm0, $0xb8;
	[tilespmem:$0x18800] =	vst v63  }
0x75: {  	s31 =	simm.s32 $0xB800  }
0x76: {  	[tilespmem:s31], [sflag:$0x2] =	stream.indirect_vreg.gather [hbm4b:s11+s3], $0x80, v19, vm0, $0xb8;
	[tilespmem:$0x18800] =	vst v63  }
0x77: {  	s13 =	simm.s32 $0xC000  }
0x78: {  	[tilespmem:s13], [sflag:$0x2] =	stream.indirect_vreg.gather [hbm4b:s12+s3], $0x80, v19, vm0, $0xb8;
	[tilespmem:$0x18800] =	vst v63  }
0x79: {  	v19 =	vld [tilespmem:$0x8410];
	_ =	sdelay $0x4  }
0x7a: {  	v20 =	vshll.u32 v19, $0x3  }
0x7b: {  	v19 =	vand.u32 $0x7, v19;
	v20 =	vand.u32 $0xFFFFFFC0, v20  }
0x7c: {  	v19 =	vor.u32 v19, v20  }
0x7d: {  	v20 =	vperm.xlane v19, v16;
	_ =	sdelay $0x1  }
0x7e: {  	v20 =	vadd.s32 v17, v20;
	_ =	sdelay $0x3  }
0x7f: {  	s18 =	simm.s32 $0xC800  }
0x80: {  	[tilespmem:s18], [sflag:$0x2] =	stream.indirect_vreg.gather [hbm4b:s2+s3], $0x80, v20, vm0, $0xb8;
	[tilespmem:$0x18800] =	vst v63  }
0x81: {  	s31 =	simm.s32 $0xD000;
	v19 =	vperm.xlane v19, v18  }
0x82: {  	[tilespmem:s31], [sflag:$0x2] =	stream.indirect_vreg.gather [hbm4b:s10+s3], $0x80, v20, vm0, $0xb8;
	[tilespmem:$0x18800] =	vst v63  }
0x83: {  	s21 =	simm.s32 $0xD800;
	v19 =	vadd.s32 v17, v19  }
0x84: {  	[tilespmem:s21], [sflag:$0x2] =	stream.indirect_vreg.gather [hbm4b:s11+s3], $0x80, v20, vm0, $0xb8;
	[tilespmem:$0x18800] =	vst v63  }
0x85: {  	s22 =	simm.s32 $0xE000  }
0x86: {  	[tilespmem:s22], [sflag:$0x2] =	stream.indirect_vreg.gather [hbm4b:s12+s3], $0x80, v20, vm0, $0xb8;
	[tilespmem:$0x18800] =	vst v63  }
0x87: {  	s23 =	simm.s32 $0xE800  }
0x88: {  	[tilespmem:s23], [sflag:$0x2] =	stream.indirect_vreg.gather [hbm4b:s2+s3], $0x80, v19, vm0, $0xb8;
	[tilespmem:$0x18800] =	vst v63  }
0x89: {  	s30 =	simm.s32 $0xF000  }
0x8a: {  	[tilespmem:s30], [sflag:$0x2] =	stream.indirect_vreg.gather [hbm4b:s10+s3], $0x80, v19, vm0, $0xb8;
	[tilespmem:$0x18800] =	vst v63  }
0x8b: {  	s25 =	simm.s32 $0xF800  }
0x8c: {  	[tilespmem:s25], [sflag:$0x2] =	stream.indirect_vreg.gather [hbm4b:s11+s3], $0x80, v19, vm0, $0xb8;
	[tilespmem:$0x18800] =	vst v63  }
0x8d: {  	s28 =	simm.s32 $0x10000;
	s30 =	simm.s32 $0x2  }
0x8e: {  	[tilespmem:s28], [sflag:$0x2] =	stream.indirect_vreg.gather [hbm4b:s12+s3], $0x80, v19, vm0, $0xb8;
	[tilespmem:$0x18800] =	vst v63  }
0x8f: {  	_ =	swait.ge [sflag:s30], $0x8000  }
0x90: {  	[sflag:s30] =	ssyncset.done $0x0  }
0x91: {  	[sflag:s30] =	ssyncadd.s32 $0xFFFF8000  }
0x92: {  	v19 =	vld [tilespmem:$0x0];
	_ =	sdelay $0x4  }
0x93: {  	v20 =	vshll.u32 v19, $0x3  }
0x94: {  	v19 =	vand.u32 $0x7, v19;
	v20 =	vand.u32 $0xFFFFFFC0, v20  }
0x95: {  	v19 =	vor.u32 v19, v20  }
0x96: {  	v20 =	vperm.xlane v19, v16;
	_ =	sdelay $0x1  }
0x97: {  	v20 =	vadd.s32 v17, v20;
	_ =	sdelay $0x3  }
0x98: {  	s16 =	simm.s32 $0x8800  }
0x99: {  	[hbm4b:s4+s3] =	stream.indirect_vreg.scatter [tilespmem:s16], [sflag:$0x3], $0x80, v20, vm0, $0xb8;
	[tilespmem:$0x18800] =	vst v63  }
0x9a: {  	s17 =	simm.s32 $0x9000;
	v19 =	vperm.xlane v19, v18  }
0x9b: {  	[hbm4b:s6+s3] =	stream.indirect_vreg.scatter [tilespmem:s17], [sflag:$0x3], $0x80, v20, vm0, $0xb8;
	[tilespmem:$0x18800] =	vst v63  }
0x9c: {  	s1 =	simm.s32 $0x9800;
	v19 =	vadd.s32 v17, v19  }
0x9d: {  	[hbm4b:s7+s3] =	stream.indirect_vreg.scatter [tilespmem:s1], [sflag:$0x3], $0x80, v20, vm0, $0xb8;
	[tilespmem:$0x18800] =	vst v63  }
0x9e: {  	s5 =	simm.s32 $0xA000  }
0x9f: {  	[hbm4b:s8+s3] =	stream.indirect_vreg.scatter [tilespmem:s5], [sflag:$0x3], $0x80, v20, vm0, $0xb8;
	[tilespmem:$0x18800] =	vst v63  }
0xa0: {  	s9 =	simm.s32 $0xA800  }
0xa1: {  	[hbm4b:s4+s3] =	stream.indirect_vreg.scatter [tilespmem:s9], [sflag:$0x3], $0x80, v19, vm0, $0xb8;
	[tilespmem:$0x18800] =	vst v63  }
0xa2: {  	s14 =	simm.s32 $0xB000  }
0xa3: {  	[hbm4b:s6+s3] =	stream.indirect_vreg.scatter [tilespmem:s14], [sflag:$0x3], $0x80, v19, vm0, $0xb8;
	[tilespmem:$0x18800] =	vst v63  }
0xa4: {  	s15 =	simm.s32 $0xB800  }
0xa5: {  	[hbm4b:s7+s3] =	stream.indirect_vreg.scatter [tilespmem:s15], [sflag:$0x3], $0x80, v19, vm0, $0xb8;
	[tilespmem:$0x18800] =	vst v63  }
0xa6: {  	s20 =	simm.s32 $0xC000  }
0xa7: {  	[hbm4b:s8+s3] =	stream.indirect_vreg.scatter [tilespmem:s20], [sflag:$0x3], $0x80, v19, vm0, $0xb8;
	[tilespmem:$0x18800] =	vst v63  }
0xa8: {  	v19 =	vld [tilespmem:$0x10];
	_ =	sdelay $0x4  }
0xa9: {  	v20 =	vshll.u32 v19, $0x3  }
0xaa: {  	v19 =	vand.u32 $0x7, v19;
	v20 =	vand.u32 $0xFFFFFFC0, v20  }
0xab: {  	v19 =	vor.u32 v19, v20  }
0xac: {  	v20 =	vperm.xlane v19, v16;
	_ =	sdelay $0x1  }
0xad: {  	v20 =	vadd.s32 v17, v20;
	_ =	sdelay $0x3  }
0xae: {  	s13 =	simm.s32 $0xC800  }
0xaf: {  	[hbm4b:s4+s3] =	stream.indirect_vreg.scatter [tilespmem:s13], [sflag:$0x3], $0x80, v20, vm0, $0xb8;
	[tilespmem:$0x18800] =	vst v63  }
0xb0: {  	v19 =	vperm.xlane v19, v18  }
0xb1: {  	[hbm4b:s6+s3] =	stream.indirect_vreg.scatter [tilespmem:s31], [sflag:$0x3], $0x80, v20, vm0, $0xb8;
	[tilespmem:$0x18800] =	vst v63  }
0xb2: {  	s21 =	simm.s32 $0xD800;
	v19 =	vadd.s32 v17, v19  }
0xb3: {  	[hbm4b:s7+s3] =	stream.indirect_vreg.scatter [tilespmem:s21], [sflag:$0x3], $0x80, v20, vm0, $0xb8;
	[tilespmem:$0x18800] =	vst v63  }
0xb4: {  	s22 =	simm.s32 $0xE000  }
0xb5: {  	[hbm4b:s8+s3] =	stream.indirect_vreg.scatter [tilespmem:s22], [sflag:$0x3], $0x80, v20, vm0, $0xb8;
	[tilespmem:$0x18800] =	vst v63  }
0xb6: {  	s24 =	simm.s32 $0xE800  }
0xb7: {  	[hbm4b:s4+s3] =	stream.indirect_vreg.scatter [tilespmem:s24], [sflag:$0x3], $0x80, v19, vm0, $0xb8;
	[tilespmem:$0x18800] =	vst v63  }
0xb8: {  	s18 =	simm.s32 $0xF000  }
0xb9: {  	[hbm4b:s6+s3] =	stream.indirect_vreg.scatter [tilespmem:s18], [sflag:$0x3], $0x80, v19, vm0, $0xb8;
	[tilespmem:$0x18800] =	vst v63  }
0xba: {  	s26 =	simm.s32 $0xF800  }
0xbb: {  	[hbm4b:s7+s3] =	stream.indirect_vreg.scatter [tilespmem:s26], [sflag:$0x3], $0x80, v19, vm0, $0xb8;
	[tilespmem:$0x18800] =	vst v63  }
0xbc: {  	s29 =	simm.s32 $0x10000  }
0xbd: {  	[hbm4b:s8+s3] =	stream.indirect_vreg.scatter [tilespmem:s29], [sflag:$0x3], $0x80, v19, vm0, $0xb8;
	[tilespmem:$0x18800] =	vst v63  }
0xbe: {  	v19 =	vld [tilespmem:$0x8480];
	_ =	sdelay $0x4  }
0xbf: {  	v20 =	vshll.u32 v19, $0x3  }
0xc0: {  	v19 =	vand.u32 $0x7, v19;
	v20 =	vand.u32 $0xFFFFFFC0, v20  }
0xc1: {  	v19 =	vor.u32 v19, v20  }
0xc2: {  	v20 =	vperm.xlane v19, v16;
	_ =	sdelay $0x1  }
0xc3: {  	v20 =	vadd.s32 v17, v20;
	_ =	sdelay $0x3  }
0xc4: {  	s5 =	simm.s32 $0x10800  }
0xc5: {  	[tilespmem:s5], [sflag:$0x2] =	stream.indirect_vreg.gather [hbm4b:s2+s3], $0x80, v20, vm0, $0xb8;
	[tilespmem:$0x18800] =	vst v63  }
0xc6: {  	s13 =	simm.s32 $0x11000;
	v19 =	vperm.xlane v19, v18  }
0xc7: {  	[tilespmem:s13], [sflag:$0x2] =	stream.indirect_vreg.gather [hbm4b:s10+s3], $0x80, v20, vm0, $0xb8;
	[tilespmem:$0x18800] =	vst v63  }
0xc8: {  	s14 =	simm.s32 $0x11800;
	v19 =	vadd.s32 v17, v19  }
0xc9: {  	[tilespmem:s14], [sflag:$0x2] =	stream.indirect_vreg.gather [hbm4b:s11+s3], $0x80, v20, vm0, $0xb8;
	[tilespmem:$0x18800] =	vst v63  }
0xca: {  	s15 =	simm.s32 $0x12000  }
0xcb: {  	[tilespmem:s15], [sflag:$0x2] =	stream.indirect_vreg.gather [hbm4b:s12+s3], $0x80, v20, vm0, $0xb8;
	[tilespmem:$0x18800] =	vst v63  }
0xcc: {  	s16 =	simm.s32 $0x12800  }
0xcd: {  	[tilespmem:s16], [sflag:$0x2] =	stream.indirect_vreg.gather [hbm4b:s2+s3], $0x80, v19, vm0, $0xb8;
	[tilespmem:$0x18800] =	vst v63  }
0xce: {  	s17 =	simm.s32 $0x13000  }
0xcf: {  	[tilespmem:s17], [sflag:$0x2] =	stream.indirect_vreg.gather [hbm4b:s10+s3], $0x80, v19, vm0, $0xb8;
	[tilespmem:$0x18800] =	vst v63  }
0xd0: {  	s18 =	simm.s32 $0x13800  }
0xd1: {  	[tilespmem:s18], [sflag:$0x2] =	stream.indirect_vreg.gather [hbm4b:s11+s3], $0x80, v19, vm0, $0xb8;
	[tilespmem:$0x18800] =	vst v63  }
0xd2: {  	s20 =	simm.s32 $0x14000  }
0xd3: {  	[tilespmem:s20], [sflag:$0x2] =	stream.indirect_vreg.gather [hbm4b:s12+s3], $0x80, v19, vm0, $0xb8;
	[tilespmem:$0x18800] =	vst v63  }
0xd4: {  	v19 =	vld [tilespmem:$0x8490];
	_ =	sdelay $0x4  }
0xd5: {  	v20 =	vshll.u32 v19, $0x3  }
0xd6: {  	v19 =	vand.u32 $0x7, v19;
	v20 =	vand.u32 $0xFFFFFFC0, v20  }
0xd7: {  	v19 =	vor.u32 v19, v20  }
0xd8: {  	v20 =	vperm.xlane v19, v16;
	_ =	sdelay $0x1  }
0xd9: {  	v20 =	vadd.s32 v17, v20;
	_ =	sdelay $0x3  }
0xda: {  	s22 =	simm.s32 $0x14800  }
0xdb: {  	[tilespmem:s22], [sflag:$0x2] =	stream.indirect_vreg.gather [hbm4b:s2+s3], $0x80, v20, vm0, $0xb8;
	[tilespmem:$0x18800] =	vst v63  }
0xdc: {  	s23 =	simm.s32 $0x15000;
	v19 =	vperm.xlane v19, v18  }
0xdd: {  	[tilespmem:s23], [sflag:$0x2] =	stream.indirect_vreg.gather [hbm4b:s10+s3], $0x80, v20, vm0, $0xb8;
	[tilespmem:$0x18800] =	vst v63  }
0xde: {  	s29 =	simm.s32 $0x15800;
	v19 =	vadd.s32 v17, v19  }
0xdf: {  	[tilespmem:s29], [sflag:$0x2] =	stream.indirect_vreg.gather [hbm4b:s11+s3], $0x80, v20, vm0, $0xb8;
	[tilespmem:$0x18800] =	vst v63  }
0xe0: {  	s13 =	simm.s32 $0x16000  }
0xe1: {  	[tilespmem:s13], [sflag:$0x2] =	stream.indirect_vreg.gather [hbm4b:s12+s3], $0x80, v20, vm0, $0xb8;
	[tilespmem:$0x18800] =	vst v63  }
0xe2: {  	s18 =	simm.s32 $0x16800  }
0xe3: {  	[tilespmem:s18], [sflag:$0x2] =	stream.indirect_vreg.gather [hbm4b:s2+s3], $0x80, v19, vm0, $0xb8;
	[tilespmem:$0x18800] =	vst v63  }
0xe4: {  	s20 =	simm.s32 $0x17000  }
0xe5: {  	[tilespmem:s20], [sflag:$0x2] =	stream.indirect_vreg.gather [hbm4b:s10+s3], $0x80, v19, vm0, $0xb8;
	[tilespmem:$0x18800] =	vst v63  }
0xe6: {  	s23 =	simm.s32 $0x17800  }
0xe7: {  	[tilespmem:s23], [sflag:$0x2] =	stream.indirect_vreg.gather [hbm4b:s11+s3], $0x80, v19, vm0, $0xb8;
	[tilespmem:$0x18800] =	vst v63  }
0xe8: {  	s13 =	simm.s32 $0x18000  }
0xe9: {  	[tilespmem:s13], [sflag:$0x2] =	stream.indirect_vreg.gather [hbm4b:s12+s3], $0x80, v19, vm0, $0xb8;
	[tilespmem:$0x18800] =	vst v63  }
0xea: {  	_ =	swait.ge [sflag:s30], $0x8000  }
0xeb: {  	[sflag:s30] =	ssyncset.done $0x0  }
0xec: {  	[sflag:s30] =	ssyncadd.s32 $0xFFFF8000  }
0xed: {  	v19 =	vld [tilespmem:$0x80];
	_ =	sdelay $0x4  }
0xee: {  	v20 =	vshll.u32 v19, $0x3  }
0xef: {  	v19 =	vand.u32 $0x7, v19;
	v20 =	vand.u32 $0xFFFFFFC0, v20  }
0xf0: {  	v19 =	vor.u32 v19, v20  }
0xf1: {  	v20 =	vperm.xlane v19, v16;
	_ =	sdelay $0x1  }
0xf2: {  	v20 =	vadd.s32 v17, v20;
	_ =	sdelay $0x3  }
0xf3: {  	s5 =	simm.s32 $0x10800  }
0xf4: {  	[hbm4b:s4+s3] =	stream.indirect_vreg.scatter [tilespmem:s5], [sflag:$0x3], $0x80, v20, vm0, $0xb8;
	[tilespmem:$0x18800] =	vst v63  }
0xf5: {  	s1 =	simm.s32 $0x11000;
	v19 =	vperm.xlane v19, v18  }
0xf6: {  	[hbm4b:s6+s3] =	stream.indirect_vreg.scatter [tilespmem:s1], [sflag:$0x3], $0x80, v20, vm0, $0xb8;
	[tilespmem:$0x18800] =	vst v63  }
0xf7: {  	s24 =	simm.s32 $0x11800;
	v19 =	vadd.s32 v17, v19  }
0xf8: {  	[hbm4b:s7+s3] =	stream.indirect_vreg.scatter [tilespmem:s24], [sflag:$0x3], $0x80, v20, vm0, $0xb8;
	[tilespmem:$0x18800] =	vst v63  }
0xf9: {  	s21 =	simm.s32 $0x12000  }
0xfa: {  	[hbm4b:s8+s3] =	stream.indirect_vreg.scatter [tilespmem:s21], [sflag:$0x3], $0x80, v20, vm0, $0xb8;
	[tilespmem:$0x18800] =	vst v63  }
0xfb: {  	s26 =	simm.s32 $0x12800  }
0xfc: {  	[hbm4b:s4+s3] =	stream.indirect_vreg.scatter [tilespmem:s26], [sflag:$0x3], $0x80, v19, vm0, $0xb8;
	[tilespmem:$0x18800] =	vst v63  }
0xfd: {  	s25 =	simm.s32 $0x13000  }
0xfe: {  	[hbm4b:s6+s3] =	stream.indirect_vreg.scatter [tilespmem:s25], [sflag:$0x3], $0x80, v19, vm0, $0xb8;
	[tilespmem:$0x18800] =	vst v63  }
0xff: {  	s28 =	simm.s32 $0x13800  }
0x100: {  	[hbm4b:s7+s3] =	stream.indirect_vreg.scatter [tilespmem:s28], [sflag:$0x3], $0x80, v19, vm0, $0xb8;
	[tilespmem:$0x18800] =	vst v63  }
0x101: {  	s14 =	simm.s32 $0x14000  }
0x102: {  	[hbm4b:s8+s3] =	stream.indirect_vreg.scatter [tilespmem:s14], [sflag:$0x3], $0x80, v19, vm0, $0xb8;
	[tilespmem:$0x18800] =	vst v63  }
0x103: {  	v19 =	vld [tilespmem:$0x90];
	_ =	sdelay $0x4  }
0x104: {  	v20 =	vshll.u32 v19, $0x3  }
0x105: {  	v19 =	vand.u32 $0x7, v19;
	v20 =	vand.u32 $0xFFFFFFC0, v20  }
0x106: {  	v19 =	vor.u32 v19, v20  }
0x107: {  	v20 =	vperm.xlane v19, v16;
	_ =	sdelay $0x1  }
0x108: {  	v20 =	vadd.s32 v17, v20;
	_ =	sdelay $0x3  }
0x109: {  	s16 =	simm.s32 $0x14800  }
0x10a: {  	[hbm4b:s4+s3] =	stream.indirect_vreg.scatter [tilespmem:s16], [sflag:$0x3], $0x80, v20, vm0, $0xb8;
	[tilespmem:$0x18800] =	vst v63  }
0x10b: {  	s15 =	simm.s32 $0x15000;
	v19 =	vperm.xlane v19, v18  }
0x10c: {  	[hbm4b:s6+s3] =	stream.indirect_vreg.scatter [tilespmem:s15], [sflag:$0x3], $0x80, v20, vm0, $0xb8;
	[tilespmem:$0x18800] =	vst v63  }
0x10d: {  	s17 =	simm.s32 $0x15800;
	v19 =	vadd.s32 v17, v19  }
0x10e: {  	[hbm4b:s7+s3] =	stream.indirect_vreg.scatter [tilespmem:s17], [sflag:$0x3], $0x80, v20, vm0, $0xb8;
	[tilespmem:$0x18800] =	vst v63  }
0x10f: {  	s29 =	simm.s32 $0x16000  }
0x110: {  	[hbm4b:s8+s3] =	stream.indirect_vreg.scatter [tilespmem:s29], [sflag:$0x3], $0x80, v20, vm0, $0xb8;
	[tilespmem:$0x18800] =	vst v63  }
0x111: {  	s22 =	simm.s32 $0x16800  }
0x112: {  	[hbm4b:s4+s3] =	stream.indirect_vreg.scatter [tilespmem:s22], [sflag:$0x3], $0x80, v19, vm0, $0xb8;
	[tilespmem:$0x18800] =	vst v63  }
0x113: {  	s20 =	simm.s32 $0x17000  }
0x114: {  	[hbm4b:s6+s3] =	stream.indirect_vreg.scatter [tilespmem:s20], [sflag:$0x3], $0x80, v19, vm0, $0xb8;
	[tilespmem:$0x18800] =	vst v63  }
0x115: {  	s23 =	simm.s32 $0x17800  }
0x116: {  	[hbm4b:s7+s3] =	stream.indirect_vreg.scatter [tilespmem:s23], [sflag:$0x3], $0x80, v19, vm0, $0xb8;
	[tilespmem:$0x18800] =	vst v63  }
0x117: {  	s18 =	simm.s32 $0x18000  }
0x118: {  	[hbm4b:s8+s3] =	stream.indirect_vreg.scatter [tilespmem:s18], [sflag:$0x3], $0x80, v19, vm0, $0xb8;
	[tilespmem:$0x18800] =	vst v63  }
0x119: {  	_ =	swait.ge [sflag:s19], $0x8000  }
0x11a: {  	[sflag:s19] =	ssyncset.done $0x0  }
0x11b: {  	[sflag:s19] =	ssyncadd.s32 $0xFFFF8000  }
0x11c: {  	v19 =	vld [tilespmem:$0x8500];
	_ =	sdelay $0x4  }
0x11d: {  	v20 =	vshll.u32 v19, $0x3  }
0x11e: {  	v19 =	vand.u32 $0x7, v19;
	v20 =	vand.u32 $0xFFFFFFC0, v20  }
0x11f: {  	v19 =	vor.u32 v19, v20  }
0x120: {  	v20 =	vperm.xlane v19, v16;
	_ =	sdelay $0x1  }
0x121: {  	v20 =	vadd.s32 v17, v20;
	_ =	sdelay $0x3  }
0x122: {  	s9 =	simm.s32 $0x8800  }
0x123: {  	[tilespmem:s9], [sflag:$0x2] =	stream.indirect_vreg.gather [hbm4b:s2+s3], $0x80, v20, vm0, $0xb8;
	[tilespmem:$0x18800] =	vst v63  }
0x124: {  	s13 =	simm.s32 $0x9000;
	v19 =	vperm.xlane v19, v18  }
0x125: {  	[tilespmem:s13], [sflag:$0x2] =	stream.indirect_vreg.gather [hbm4b:s10+s3], $0x80, v20, vm0, $0xb8;
	[tilespmem:$0x18800] =	vst v63  }
0x126: {  	s14 =	simm.s32 $0x9800;
	v19 =	vadd.s32 v17, v19  }
0x127: {  	[tilespmem:s14], [sflag:$0x2] =	stream.indirect_vreg.gather [hbm4b:s11+s3], $0x80, v20, vm0, $0xb8;
	[tilespmem:$0x18800] =	vst v63  }
0x128: {  	s17 =	simm.s32 $0xA000  }
0x129: {  	[tilespmem:s17], [sflag:$0x2] =	stream.indirect_vreg.gather [hbm4b:s12+s3], $0x80, v20, vm0, $0xb8;
	[tilespmem:$0x18800] =	vst v63  }
0x12a: {  	s20 =	simm.s32 $0xA800  }
0x12b: {  	[tilespmem:s20], [sflag:$0x2] =	stream.indirect_vreg.gather [hbm4b:s2+s3], $0x80, v19, vm0, $0xb8;
	[tilespmem:$0x18800] =	vst v63  }
0x12c: {  	s21 =	simm.s32 $0xB000  }
0x12d: {  	[tilespmem:s21], [sflag:$0x2] =	stream.indirect_vreg.gather [hbm4b:s10+s3], $0x80, v19, vm0, $0xb8;
	[tilespmem:$0x18800] =	vst v63  }
0x12e: {  	s22 =	simm.s32 $0xB800  }
0x12f: {  	[tilespmem:s22], [sflag:$0x2] =	stream.indirect_vreg.gather [hbm4b:s11+s3], $0x80, v19, vm0, $0xb8;
	[tilespmem:$0x18800] =	vst v63  }
0x130: {  	s23 =	simm.s32 $0xC000  }
0x131: {  	[tilespmem:s23], [sflag:$0x2] =	stream.indirect_vreg.gather [hbm4b:s12+s3], $0x80, v19, vm0, $0xb8;
	[tilespmem:$0x18800] =	vst v63  }
0x132: {  	v19 =	vld [tilespmem:$0x8510];
	_ =	sdelay $0x4  }
0x133: {  	v20 =	vshll.u32 v19, $0x3  }
0x134: {  	v19 =	vand.u32 $0x7, v19;
	v20 =	vand.u32 $0xFFFFFFC0, v20  }
0x135: {  	v19 =	vor.u32 v19, v20  }
0x136: {  	v20 =	vperm.xlane v19, v16;
	_ =	sdelay $0x1  }
0x137: {  	v20 =	vadd.s32 v17, v20;
	_ =	sdelay $0x3  }
0x138: {  	s0 =	simm.s32 $0xC800  }
0x139: {  	[tilespmem:s0], [sflag:$0x2] =	stream.indirect_vreg.gather [hbm4b:s2+s3], $0x80, v20, vm0, $0xb8;
	[tilespmem:$0x18800] =	vst v63  }
0x13a: {  	v19 =	vperm.xlane v19, v18  }
0x13b: {  	[tilespmem:s31], [sflag:$0x2] =	stream.indirect_vreg.gather [hbm4b:s10+s3], $0x80, v20, vm0, $0xb8;
	[tilespmem:$0x18800] =	vst v63  }
0x13c: {  	s18 =	simm.s32 $0xD800;
	v19 =	vadd.s32 v17, v19  }
0x13d: {  	[tilespmem:s18], [sflag:$0x2] =	stream.indirect_vreg.gather [hbm4b:s11+s3], $0x80, v20, vm0, $0xb8;
	[tilespmem:$0x18800] =	vst v63  }
0x13e: {  	s24 =	simm.s32 $0xE000  }
0x13f: {  	[tilespmem:s24], [sflag:$0x2] =	stream.indirect_vreg.gather [hbm4b:s12+s3], $0x80, v20, vm0, $0xb8;
	[tilespmem:$0x18800] =	vst v63  }
0x140: {  	s25 =	simm.s32 $0xE800  }
0x141: {  	[tilespmem:s25], [sflag:$0x2] =	stream.indirect_vreg.gather [hbm4b:s2+s3], $0x80, v19, vm0, $0xb8;
	[tilespmem:$0x18800] =	vst v63  }
0x142: {  	s26 =	simm.s32 $0xF000  }
0x143: {  	[tilespmem:s26], [sflag:$0x2] =	stream.indirect_vreg.gather [hbm4b:s10+s3], $0x80, v19, vm0, $0xb8;
	[tilespmem:$0x18800] =	vst v63  }
0x144: {  	s28 =	simm.s32 $0xF800  }
0x145: {  	[tilespmem:s28], [sflag:$0x2] =	stream.indirect_vreg.gather [hbm4b:s11+s3], $0x80, v19, vm0, $0xb8;
	[tilespmem:$0x18800] =	vst v63  }
0x146: {  	s29 =	simm.s32 $0x10000  }
0x147: {  	[tilespmem:s29], [sflag:$0x2] =	stream.indirect_vreg.gather [hbm4b:s12+s3], $0x80, v19, vm0, $0xb8;
	[tilespmem:$0x18800] =	vst v63  }
0x148: {  	_ =	swait.ge [sflag:s30], $0x8000  }
0x149: {  	[sflag:s30] =	ssyncset.done $0x0  }
0x14a: {  	[sflag:s30] =	ssyncadd.s32 $0xFFFF8000  }
0x14b: {  	v19 =	vld [tilespmem:$0x100];
	_ =	sdelay $0x4  }
0x14c: {  	v20 =	vshll.u32 v19, $0x3  }
0x14d: {  	v19 =	vand.u32 $0x7, v19;
	v20 =	vand.u32 $0xFFFFFFC0, v20  }
0x14e: {  	v19 =	vor.u32 v19, v20  }
0x14f: {  	v20 =	vperm.xlane v19, v16;
	_ =	sdelay $0x1  }
0x150: {  	v20 =	vadd.s32 v17, v20;
	_ =	sdelay $0x4  }
0x151: {  	[hbm4b:s4+s3] =	stream.indirect_vreg.scatter [tilespmem:s9], [sflag:$0x3], $0x80, v20, vm0, $0xb8;
	[tilespmem:$0x18800] =	vst v63  }
0x152: {  	v19 =	vperm.xlane v19, v18  }
0x153: {  	[hbm4b:s6+s3] =	stream.indirect_vreg.scatter [tilespmem:s13], [sflag:$0x3], $0x80, v20, vm0, $0xb8;
	[tilespmem:$0x18800] =	vst v63  }
0x154: {  	v19 =	vadd.s32 v17, v19  }
0x155: {  	[hbm4b:s7+s3] =	stream.indirect_vreg.scatter [tilespmem:s14], [sflag:$0x3], $0x80, v20, vm0, $0xb8;
	[tilespmem:$0x18800] =	vst v63  }
0x156: {  	_ = 	snop  }
0x157: {  	[hbm4b:s8+s3] =	stream.indirect_vreg.scatter [tilespmem:s17], [sflag:$0x3], $0x80, v20, vm0, $0xb8;
	[tilespmem:$0x18800] =	vst v63  }
0x158: {  	_ = 	snop  }
0x159: {  	[hbm4b:s4+s3] =	stream.indirect_vreg.scatter [tilespmem:s20], [sflag:$0x3], $0x80, v19, vm0, $0xb8;
	[tilespmem:$0x18800] =	vst v63  }
0x15a: {  	_ = 	snop  }
0x15b: {  	[hbm4b:s6+s3] =	stream.indirect_vreg.scatter [tilespmem:s21], [sflag:$0x3], $0x80, v19, vm0, $0xb8;
	[tilespmem:$0x18800] =	vst v63  }
0x15c: {  	_ = 	snop  }
0x15d: {  	[hbm4b:s7+s3] =	stream.indirect_vreg.scatter [tilespmem:s22], [sflag:$0x3], $0x80, v19, vm0, $0xb8;
	[tilespmem:$0x18800] =	vst v63  }
0x15e: {  	_ = 	snop  }
0x15f: {  	[hbm4b:s8+s3] =	stream.indirect_vreg.scatter [tilespmem:s23], [sflag:$0x3], $0x80, v19, vm0, $0xb8;
	[tilespmem:$0x18800] =	vst v63  }
0x160: {  	v19 =	vld [tilespmem:$0x110];
	_ =	sdelay $0x4  }
0x161: {  	v20 =	vshll.u32 v19, $0x3  }
0x162: {  	v19 =	vand.u32 $0x7, v19;
	v20 =	vand.u32 $0xFFFFFFC0, v20  }
0x163: {  	v19 =	vor.u32 v19, v20  }
0x164: {  	v20 =	vperm.xlane v19, v16;
	_ =	sdelay $0x1  }
0x165: {  	v20 =	vadd.s32 v17, v20;
	_ =	sdelay $0x4  }
0x166: {  	[hbm4b:s4+s3] =	stream.indirect_vreg.scatter [tilespmem:s0], [sflag:$0x3], $0x80, v20, vm0, $0xb8;
	[tilespmem:$0x18800] =	vst v63  }
0x167: {  	v19 =	vperm.xlane v19, v18  }
0x168: {  	[hbm4b:s6+s3] =	stream.indirect_vreg.scatter [tilespmem:s31], [sflag:$0x3], $0x80, v20, vm0, $0xb8;
	[tilespmem:$0x18800] =	vst v63  }
0x169: {  	v19 =	vadd.s32 v17, v19  }
0x16a: {  	[hbm4b:s7+s3] =	stream.indirect_vreg.scatter [tilespmem:s18], [sflag:$0x3], $0x80, v20, vm0, $0xb8;
	[tilespmem:$0x18800] =	vst v63  }
0x16b: {  	_ = 	snop  }
0x16c: {  	[hbm4b:s8+s3] =	stream.indirect_vreg.scatter [tilespmem:s24], [sflag:$0x3], $0x80, v20, vm0, $0xb8;
	[tilespmem:$0x18800] =	vst v63  }
0x16d: {  	_ = 	snop  }
0x16e: {  	[hbm4b:s4+s3] =	stream.indirect_vreg.scatter [tilespmem:s25], [sflag:$0x3], $0x80, v19, vm0, $0xb8;
	[tilespmem:$0x18800] =	vst v63  }
0x16f: {  	_ = 	snop  }
0x170: {  	[hbm4b:s6+s3] =	stream.indirect_vreg.scatter [tilespmem:s26], [sflag:$0x3], $0x80, v19, vm0, $0xb8;
	[tilespmem:$0x18800] =	vst v63  }
0x171: {  	_ = 	snop  }
0x172: {  	[hbm4b:s7+s3] =	stream.indirect_vreg.scatter [tilespmem:s28], [sflag:$0x3], $0x80, v19, vm0, $0xb8;
	[tilespmem:$0x18800] =	vst v63  }
0x173: {  	_ = 	snop  }
0x174: {  	[hbm4b:s8+s3] =	stream.indirect_vreg.scatter [tilespmem:s29], [sflag:$0x3], $0x80, v19, vm0, $0xb8;
	[tilespmem:$0x18800] =	vst v63  }
0x175: {  	_ =	swait.ge [sflag:s19], $0x8000  }
0x176: {  	[sflag:s19] =	ssyncset.done $0x0  }
0x177: {  	[sflag:s19] =	ssyncadd.s32 $0xFFFF8000  }
0x178: {  	v19 =	vld [tilespmem:$0x8580];
	_ =	sdelay $0x4  }
0x179: {  	v20 =	vshll.u32 v19, $0x3  }
0x17a: {  	v19 =	vand.u32 $0x7, v19;
	v20 =	vand.u32 $0xFFFFFFC0, v20  }
0x17b: {  	v19 =	vor.u32 v19, v20  }
0x17c: {  	v20 =	vperm.xlane v19, v16;
	_ =	sdelay $0x1  }
0x17d: {  	v20 =	vadd.s32 v17, v20;
	_ =	sdelay $0x3  }
0x17e: {  	s22 =	simm.s32 $0x10800  }
0x17f: {  	[tilespmem:s22], [sflag:$0x2] =	stream.indirect_vreg.gather [hbm4b:s2+s3], $0x80, v20, vm0, $0xb8;
	[tilespmem:$0x18800] =	vst v63  }
0x180: {  	s5 =	simm.s32 $0x11000;
	v19 =	vperm.xlane v19, v18  }
0x181: {  	[tilespmem:s5], [sflag:$0x2] =	stream.indirect_vreg.gather [hbm4b:s10+s3], $0x80, v20, vm0, $0xb8;
	[tilespmem:$0x18800] =	vst v63  }
0x182: {  	s26 =	simm.s32 $0x11800;
	v19 =	vadd.s32 v17, v19  }
0x183: {  	[tilespmem:s26], [sflag:$0x2] =	stream.indirect_vreg.gather [hbm4b:s11+s3], $0x80, v20, vm0, $0xb8;
	[tilespmem:$0x18800] =	vst v63  }
0x184: {  	s23 =	simm.s32 $0x12000  }
0x185: {  	[tilespmem:s23], [sflag:$0x2] =	stream.indirect_vreg.gather [hbm4b:s12+s3], $0x80, v20, vm0, $0xb8;
	[tilespmem:$0x18800] =	vst v63  }
0x186: {  	s14 =	simm.s32 $0x12800  }
0x187: {  	[tilespmem:s14], [sflag:$0x2] =	stream.indirect_vreg.gather [hbm4b:s2+s3], $0x80, v19, vm0, $0xb8;
	[tilespmem:$0x18800] =	vst v63  }
0x188: {  	s18 =	simm.s32 $0x13000  }
0x189: {  	[tilespmem:s18], [sflag:$0x2] =	stream.indirect_vreg.gather [hbm4b:s10+s3], $0x80, v19, vm0, $0xb8;
	[tilespmem:$0x18800] =	vst v63  }
0x18a: {  	s24 =	simm.s32 $0x13800  }
0x18b: {  	[tilespmem:s24], [sflag:$0x2] =	stream.indirect_vreg.gather [hbm4b:s11+s3], $0x80, v19, vm0, $0xb8;
	[tilespmem:$0x18800] =	vst v63  }
0x18c: {  	s25 =	simm.s32 $0x14000  }
0x18d: {  	[tilespmem:s25], [sflag:$0x2] =	stream.indirect_vreg.gather [hbm4b:s12+s3], $0x80, v19, vm0, $0xb8;
	[tilespmem:$0x18800] =	vst v63  }
0x18e: {  	v19 =	vld [tilespmem:$0x8590];
	_ =	sdelay $0x4  }
0x18f: {  	v20 =	vshll.u32 v19, $0x3  }
0x190: {  	v19 =	vand.u32 $0x7, v19;
	v20 =	vand.u32 $0xFFFFFFC0, v20  }
0x191: {  	v19 =	vor.u32 v19, v20  }
0x192: {  	v20 =	vperm.xlane v19, v16;
	_ =	sdelay $0x1  }
0x193: {  	v20 =	vadd.s32 v17, v20;
	_ =	sdelay $0x3  }
0x194: {  	s15 =	simm.s32 $0x14800  }
0x195: {  	[tilespmem:s15], [sflag:$0x2] =	stream.indirect_vreg.gather [hbm4b:s2+s3], $0x80, v20, vm0, $0xb8;
	[tilespmem:$0x18800] =	vst v63  }
0x196: {  	s16 =	simm.s32 $0x15000;
	v19 =	vperm.xlane v19, v18  }
0x197: {  	[tilespmem:s16], [sflag:$0x2] =	stream.indirect_vreg.gather [hbm4b:s10+s3], $0x80, v20, vm0, $0xb8;
	[tilespmem:$0x18800] =	vst v63  }
0x198: {  	s17 =	simm.s32 $0x15800;
	v19 =	vadd.s32 v17, v19  }
0x199: {  	[tilespmem:s17], [sflag:$0x2] =	stream.indirect_vreg.gather [hbm4b:s11+s3], $0x80, v20, vm0, $0xb8;
	[tilespmem:$0x18800] =	vst v63  }
0x19a: {  	s20 =	simm.s32 $0x16000  }
0x19b: {  	[tilespmem:s20], [sflag:$0x2] =	stream.indirect_vreg.gather [hbm4b:s12+s3], $0x80, v20, vm0, $0xb8;
	[tilespmem:$0x18800] =	vst v63  }
0x19c: {  	s21 =	simm.s32 $0x16800  }
0x19d: {  	[tilespmem:s21], [sflag:$0x2] =	stream.indirect_vreg.gather [hbm4b:s2+s3], $0x80, v19, vm0, $0xb8;
	[tilespmem:$0x18800] =	vst v63  }
0x19e: {  	s9 =	simm.s32 $0x17000  }
0x19f: {  	[tilespmem:s9], [sflag:$0x2] =	stream.indirect_vreg.gather [hbm4b:s10+s3], $0x80, v19, vm0, $0xb8;
	[tilespmem:$0x18800] =	vst v63  }
0x1a0: {  	s13 =	simm.s32 $0x17800  }
0x1a1: {  	[tilespmem:s13], [sflag:$0x2] =	stream.indirect_vreg.gather [hbm4b:s11+s3], $0x80, v19, vm0, $0xb8;
	[tilespmem:$0x18800] =	vst v63  }
0x1a2: {  	s1 =	simm.s32 $0x18000  }
0x1a3: {  	[tilespmem:s1], [sflag:$0x2] =	stream.indirect_vreg.gather [hbm4b:s12+s3], $0x80, v19, vm0, $0xb8;
	[tilespmem:$0x18800] =	vst v63  }
0x1a4: {  	_ =	swait.ge [sflag:s30], $0x8000  }
0x1a5: {  	[sflag:s30] =	ssyncset.done $0x0  }
0x1a6: {  	[sflag:s30] =	ssyncadd.s32 $0xFFFF8000  }
0x1a7: {  	v19 =	vld [tilespmem:$0x180];
	_ =	sdelay $0x4  }
0x1a8: {  	v20 =	vshll.u32 v19, $0x3  }
0x1a9: {  	v19 =	vand.u32 $0x7, v19;
	v20 =	vand.u32 $0xFFFFFFC0, v20  }
0x1aa: {  	v19 =	vor.u32 v19, v20  }
0x1ab: {  	v20 =	vperm.xlane v19, v16;
	_ =	sdelay $0x1  }
0x1ac: {  	v20 =	vadd.s32 v17, v20;
	_ =	sdelay $0x4  }
0x1ad: {  	[hbm4b:s4+s3] =	stream.indirect_vreg.scatter [tilespmem:s22], [sflag:$0x3], $0x80, v20, vm0, $0xb8;
	[tilespmem:$0x18800] =	vst v63  }
0x1ae: {  	v19 =	vperm.xlane v19, v18  }
0x1af: {  	[hbm4b:s6+s3] =	stream.indirect_vreg.scatter [tilespmem:s5], [sflag:$0x3], $0x80, v20, vm0, $0xb8;
	[tilespmem:$0x18800] =	vst v63  }
0x1b0: {  	v19 =	vadd.s32 v17, v19  }
0x1b1: {  	[hbm4b:s7+s3] =	stream.indirect_vreg.scatter [tilespmem:s26], [sflag:$0x3], $0x80, v20, vm0, $0xb8;
	[tilespmem:$0x18800] =	vst v63  }
0x1b2: {  	_ = 	snop  }
0x1b3: {  	[hbm4b:s8+s3] =	stream.indirect_vreg.scatter [tilespmem:s23], [sflag:$0x3], $0x80, v20, vm0, $0xb8;
	[tilespmem:$0x18800] =	vst v63  }
0x1b4: {  	_ = 	snop  }
0x1b5: {  	[hbm4b:s4+s3] =	stream.indirect_vreg.scatter [tilespmem:s14], [sflag:$0x3], $0x80, v19, vm0, $0xb8;
	[tilespmem:$0x18800] =	vst v63  }
0x1b6: {  	_ = 	snop  }
0x1b7: {  	[hbm4b:s6+s3] =	stream.indirect_vreg.scatter [tilespmem:s18], [sflag:$0x3], $0x80, v19, vm0, $0xb8;
	[tilespmem:$0x18800] =	vst v63  }
0x1b8: {  	_ = 	snop  }
0x1b9: {  	[hbm4b:s7+s3] =	stream.indirect_vreg.scatter [tilespmem:s24], [sflag:$0x3], $0x80, v19, vm0, $0xb8;
	[tilespmem:$0x18800] =	vst v63  }
0x1ba: {  	_ = 	snop  }
0x1bb: {  	[hbm4b:s8+s3] =	stream.indirect_vreg.scatter [tilespmem:s25], [sflag:$0x3], $0x80, v19, vm0, $0xb8;
	[tilespmem:$0x18800] =	vst v63  }
0x1bc: {  	v19 =	vld [tilespmem:$0x190];
	_ =	sdelay $0x4  }
0x1bd: {  	v20 =	vshll.u32 v19, $0x3  }
0x1be: {  	v19 =	vand.u32 $0x7, v19;
	v20 =	vand.u32 $0xFFFFFFC0, v20  }
0x1bf: {  	v19 =	vor.u32 v19, v20  }
0x1c0: {  	v20 =	vperm.xlane v19, v16;
	_ =	sdelay $0x1  }
0x1c1: {  	v20 =	vadd.s32 v17, v20;
	_ =	sdelay $0x4  }
0x1c2: {  	[hbm4b:s4+s3] =	stream.indirect_vreg.scatter [tilespmem:s15], [sflag:$0x3], $0x80, v20, vm0, $0xb8;
	[tilespmem:$0x18800] =	vst v63  }
0x1c3: {  	v19 =	vperm.xlane v19, v18  }
0x1c4: {  	[hbm4b:s6+s3] =	stream.indirect_vreg.scatter [tilespmem:s16], [sflag:$0x3], $0x80, v20, vm0, $0xb8;
	[tilespmem:$0x18800] =	vst v63  }
0x1c5: {  	v19 =	vadd.s32 v17, v19  }
0x1c6: {  	[hbm4b:s7+s3] =	stream.indirect_vreg.scatter [tilespmem:s17], [sflag:$0x3], $0x80, v20, vm0, $0xb8;
	[tilespmem:$0x18800] =	vst v63  }
0x1c7: {  	_ = 	snop  }
0x1c8: {  	[hbm4b:s8+s3] =	stream.indirect_vreg.scatter [tilespmem:s20], [sflag:$0x3], $0x80, v20, vm0, $0xb8;
	[tilespmem:$0x18800] =	vst v63  }
0x1c9: {  	_ = 	snop  }
0x1ca: {  	[hbm4b:s4+s3] =	stream.indirect_vreg.scatter [tilespmem:s21], [sflag:$0x3], $0x80, v19, vm0, $0xb8;
	[tilespmem:$0x18800] =	vst v63  }
0x1cb: {  	_ = 	snop  }
0x1cc: {  	[hbm4b:s6+s3] =	stream.indirect_vreg.scatter [tilespmem:s9], [sflag:$0x3], $0x80, v19, vm0, $0xb8;
	[tilespmem:$0x18800] =	vst v63  }
0x1cd: {  	_ = 	snop  }
0x1ce: {  	[hbm4b:s7+s3] =	stream.indirect_vreg.scatter [tilespmem:s13], [sflag:$0x3], $0x80, v19, vm0, $0xb8;
	[tilespmem:$0x18800] =	vst v63  }
0x1cf: {  	_ = 	snop  }
0x1d0: {  	[hbm4b:s8+s3] =	stream.indirect_vreg.scatter [tilespmem:s1], [sflag:$0x3], $0x80, v19, vm0, $0xb8;
	[tilespmem:$0x18800] =	vst v63  }
0x1d1: {  	_ =	swait.ge [sflag:s19], $0x8000  }
0x1d2: {  	[sflag:s19] =	ssyncset.done $0x0  }
0x1d3: {  	[sflag:s19] =	ssyncadd.s32 $0xFFFF8000  }
0x1d4: {  	v19 =	vld [tilespmem:$0x8600];
	_ =	sdelay $0x4  }
0x1d5: {  	v20 =	vshll.u32 v19, $0x3  }
0x1d6: {  	v19 =	vand.u32 $0x7, v19;
	v20 =	vand.u32 $0xFFFFFFC0, v20  }
0x1d7: {  	v19 =	vor.u32 v19, v20  }
0x1d8: {  	v20 =	vperm.xlane v19, v16;
	_ =	sdelay $0x1  }
0x1d9: {  	v20 =	vadd.s32 v17, v20;
	_ =	sdelay $0x3  }
0x1da: {  	s9 =	simm.s32 $0x8800  }
0x1db: {  	[tilespmem:s9], [sflag:$0x2] =	stream.indirect_vreg.gather [hbm4b:s2+s3], $0x80, v20, vm0, $0xb8;
	[tilespmem:$0x18800] =	vst v63  }
0x1dc: {  	s13 =	simm.s32 $0x9000;
	v19 =	vperm.xlane v19, v18  }
0x1dd: {  	[tilespmem:s13], [sflag:$0x2] =	stream.indirect_vreg.gather [hbm4b:s10+s3], $0x80, v20, vm0, $0xb8;
	[tilespmem:$0x18800] =	vst v63  }
0x1de: {  	s15 =	simm.s32 $0x9800;
	v19 =	vadd.s32 v17, v19  }
0x1df: {  	[tilespmem:s15], [sflag:$0x2] =	stream.indirect_vreg.gather [hbm4b:s11+s3], $0x80, v20, vm0, $0xb8;
	[tilespmem:$0x18800] =	vst v63  }
0x1e0: {  	s17 =	simm.s32 $0xA000  }
0x1e1: {  	[tilespmem:s17], [sflag:$0x2] =	stream.indirect_vreg.gather [hbm4b:s12+s3], $0x80, v20, vm0, $0xb8;
	[tilespmem:$0x18800] =	vst v63  }
0x1e2: {  	s18 =	simm.s32 $0xA800  }
0x1e3: {  	[tilespmem:s18], [sflag:$0x2] =	stream.indirect_vreg.gather [hbm4b:s2+s3], $0x80, v19, vm0, $0xb8;
	[tilespmem:$0x18800] =	vst v63  }
0x1e4: {  	s20 =	simm.s32 $0xB000  }
0x1e5: {  	[tilespmem:s20], [sflag:$0x2] =	stream.indirect_vreg.gather [hbm4b:s10+s3], $0x80, v19, vm0, $0xb8;
	[tilespmem:$0x18800] =	vst v63  }
0x1e6: {  	s21 =	simm.s32 $0xB800  }
0x1e7: {  	[tilespmem:s21], [sflag:$0x2] =	stream.indirect_vreg.gather [hbm4b:s11+s3], $0x80, v19, vm0, $0xb8;
	[tilespmem:$0x18800] =	vst v63  }
0x1e8: {  	s22 =	simm.s32 $0xC000  }
0x1e9: {  	[tilespmem:s22], [sflag:$0x2] =	stream.indirect_vreg.gather [hbm4b:s12+s3], $0x80, v19, vm0, $0xb8;
	[tilespmem:$0x18800] =	vst v63  }
0x1ea: {  	v19 =	vld [tilespmem:$0x8610];
	_ =	sdelay $0x4  }
0x1eb: {  	v20 =	vshll.u32 v19, $0x3  }
0x1ec: {  	v19 =	vand.u32 $0x7, v19;
	v20 =	vand.u32 $0xFFFFFFC0, v20  }
0x1ed: {  	v19 =	vor.u32 v19, v20  }
0x1ee: {  	v20 =	vperm.xlane v19, v16;
	_ =	sdelay $0x1  }
0x1ef: {  	v20 =	vadd.s32 v17, v20;
	_ =	sdelay $0x4  }
0x1f0: {  	[tilespmem:s0], [sflag:$0x2] =	stream.indirect_vreg.gather [hbm4b:s2+s3], $0x80, v20, vm0, $0xb8;
	[tilespmem:$0x18800] =	vst v63  }
0x1f1: {  	v19 =	vperm.xlane v19, v18  }
0x1f2: {  	[tilespmem:s31], [sflag:$0x2] =	stream.indirect_vreg.gather [hbm4b:s10+s3], $0x80, v20, vm0, $0xb8;
	[tilespmem:$0x18800] =	vst v63  }
0x1f3: {  	s23 =	simm.s32 $0xD800;
	v19 =	vadd.s32 v17, v19  }
0x1f4: {  	[tilespmem:s23], [sflag:$0x2] =	stream.indirect_vreg.gather [hbm4b:s11+s3], $0x80, v20, vm0, $0xb8;
	[tilespmem:$0x18800] =	vst v63  }
0x1f5: {  	s24 =	simm.s32 $0xE000  }
0x1f6: {  	[tilespmem:s24], [sflag:$0x2] =	stream.indirect_vreg.gather [hbm4b:s12+s3], $0x80, v20, vm0, $0xb8;
	[tilespmem:$0x18800] =	vst v63  }
0x1f7: {  	s25 =	simm.s32 $0xE800  }
0x1f8: {  	[tilespmem:s25], [sflag:$0x2] =	stream.indirect_vreg.gather [hbm4b:s2+s3], $0x80, v19, vm0, $0xb8;
	[tilespmem:$0x18800] =	vst v63  }
0x1f9: {  	s26 =	simm.s32 $0xF000  }
0x1fa: {  	[tilespmem:s26], [sflag:$0x2] =	stream.indirect_vreg.gather [hbm4b:s10+s3], $0x80, v19, vm0, $0xb8;
	[tilespmem:$0x18800] =	vst v63  }
0x1fb: {  	s28 =	simm.s32 $0xF800  }
0x1fc: {  	[tilespmem:s28], [sflag:$0x2] =	stream.indirect_vreg.gather [hbm4b:s11+s3], $0x80, v19, vm0, $0xb8;
	[tilespmem:$0x18800] =	vst v63  }
0x1fd: {  	s29 =	simm.s32 $0x10000  }
0x1fe: {  	[tilespmem:s29], [sflag:$0x2] =	stream.indirect_vreg.gather [hbm4b:s12+s3], $0x80, v19, vm0, $0xb8;
	[tilespmem:$0x18800] =	vst v63  }
0x1ff: {  	_ =	swait.ge [sflag:s30], $0x8000  }
0x200: {  	[sflag:s30] =	ssyncset.done $0x0  }
0x201: {  	[sflag:s30] =	ssyncadd.s32 $0xFFFF8000  }
0x202: {  	v19 =	vld [tilespmem:$0x200];
	_ =	sdelay $0x4  }
0x203: {  	v20 =	vshll.u32 v19, $0x3  }
0x204: {  	v19 =	vand.u32 $0x7, v19;
	v20 =	vand.u32 $0xFFFFFFC0, v20  }
0x205: {  	v19 =	vor.u32 v19, v20  }
0x206: {  	v20 =	vperm.xlane v19, v16;
	_ =	sdelay $0x1  }
0x207: {  	v20 =	vadd.s32 v17, v20;
	_ =	sdelay $0x4  }
0x208: {  	[hbm4b:s4+s3] =	stream.indirect_vreg.scatter [tilespmem:s9], [sflag:$0x3], $0x80, v20, vm0, $0xb8;
	[tilespmem:$0x18800] =	vst v63  }
0x209: {  	v19 =	vperm.xlane v19, v18  }
0x20a: {  	[hbm4b:s6+s3] =	stream.indirect_vreg.scatter [tilespmem:s13], [sflag:$0x3], $0x80, v20, vm0, $0xb8;
	[tilespmem:$0x18800] =	vst v63  }
0x20b: {  	v19 =	vadd.s32 v17, v19  }
0x20c: {  	[hbm4b:s7+s3] =	stream.indirect_vreg.scatter [tilespmem:s15], [sflag:$0x3], $0x80, v20, vm0, $0xb8;
	[tilespmem:$0x18800] =	vst v63  }
0x20d: {  	_ = 	snop  }
0x20e: {  	[hbm4b:s8+s3] =	stream.indirect_vreg.scatter [tilespmem:s17], [sflag:$0x3], $0x80, v20, vm0, $0xb8;
	[tilespmem:$0x18800] =	vst v63  }
0x20f: {  	_ = 	snop  }
0x210: {  	[hbm4b:s4+s3] =	stream.indirect_vreg.scatter [tilespmem:s18], [sflag:$0x3], $0x80, v19, vm0, $0xb8;
	[tilespmem:$0x18800] =	vst v63  }
0x211: {  	_ = 	snop  }
0x212: {  	[hbm4b:s6+s3] =	stream.indirect_vreg.scatter [tilespmem:s20], [sflag:$0x3], $0x80, v19, vm0, $0xb8;
	[tilespmem:$0x18800] =	vst v63  }
0x213: {  	_ = 	snop  }
0x214: {  	[hbm4b:s7+s3] =	stream.indirect_vreg.scatter [tilespmem:s21], [sflag:$0x3], $0x80, v19, vm0, $0xb8;
	[tilespmem:$0x18800] =	vst v63  }
0x215: {  	_ = 	snop  }
0x216: {  	[hbm4b:s8+s3] =	stream.indirect_vreg.scatter [tilespmem:s22], [sflag:$0x3], $0x80, v19, vm0, $0xb8;
	[tilespmem:$0x18800] =	vst v63  }
0x217: {  	v19 =	vld [tilespmem:$0x210];
	_ =	sdelay $0x4  }
0x218: {  	v20 =	vshll.u32 v19, $0x3  }
0x219: {  	v19 =	vand.u32 $0x7, v19;
	v20 =	vand.u32 $0xFFFFFFC0, v20  }
0x21a: {  	v19 =	vor.u32 v19, v20  }
0x21b: {  	v20 =	vperm.xlane v19, v16;
	_ =	sdelay $0x1  }
0x21c: {  	v20 =	vadd.s32 v17, v20;
	_ =	sdelay $0x4  }
0x21d: {  	[hbm4b:s4+s3] =	stream.indirect_vreg.scatter [tilespmem:s0], [sflag:$0x3], $0x80, v20, vm0, $0xb8;
	[tilespmem:$0x18800] =	vst v63  }
0x21e: {  	v19 =	vperm.xlane v19, v18  }
0x21f: {  	[hbm4b:s6+s3] =	stream.indirect_vreg.scatter [tilespmem:s31], [sflag:$0x3], $0x80, v20, vm0, $0xb8;
	[tilespmem:$0x18800] =	vst v63  }
0x220: {  	v19 =	vadd.s32 v17, v19  }
0x221: {  	[hbm4b:s7+s3] =	stream.indirect_vreg.scatter [tilespmem:s23], [sflag:$0x3], $0x80, v20, vm0, $0xb8;
	[tilespmem:$0x18800] =	vst v63  }
0x222: {  	_ = 	snop  }
0x223: {  	[hbm4b:s8+s3] =	stream.indirect_vreg.scatter [tilespmem:s24], [sflag:$0x3], $0x80, v20, vm0, $0xb8;
	[tilespmem:$0x18800] =	vst v63  }
0x224: {  	_ = 	snop  }
0x225: {  	[hbm4b:s4+s3] =	stream.indirect_vreg.scatter [tilespmem:s25], [sflag:$0x3], $0x80, v19, vm0, $0xb8;
	[tilespmem:$0x18800] =	vst v63  }
0x226: {  	_ = 	snop  }
0x227: {  	[hbm4b:s6+s3] =	stream.indirect_vreg.scatter [tilespmem:s26], [sflag:$0x3], $0x80, v19, vm0, $0xb8;
	[tilespmem:$0x18800] =	vst v63  }
0x228: {  	_ = 	snop  }
0x229: {  	[hbm4b:s7+s3] =	stream.indirect_vreg.scatter [tilespmem:s28], [sflag:$0x3], $0x80, v19, vm0, $0xb8;
	[tilespmem:$0x18800] =	vst v63  }
0x22a: {  	_ = 	snop  }
0x22b: {  	[hbm4b:s8+s3] =	stream.indirect_vreg.scatter [tilespmem:s29], [sflag:$0x3], $0x80, v19, vm0, $0xb8;
	[tilespmem:$0x18800] =	vst v63  }
0x22c: {  	_ =	swait.ge [sflag:s19], $0x8000  }
0x22d: {  	[sflag:s19] =	ssyncset.done $0x0  }
0x22e: {  	[sflag:s19] =	ssyncadd.s32 $0xFFFF8000  }
0x22f: {  	v19 =	vld [tilespmem:$0x8680];
	_ =	sdelay $0x4  }
0x230: {  	v20 =	vshll.u32 v19, $0x3  }
0x231: {  	v19 =	vand.u32 $0x7, v19;
	v20 =	vand.u32 $0xFFFFFFC0, v20  }
0x232: {  	v19 =	vor.u32 v19, v20  }
0x233: {  	v20 =	vperm.xlane v19, v16;
	_ =	sdelay $0x1  }
0x234: {  	v20 =	vadd.s32 v17, v20;
	_ =	sdelay $0x3  }
0x235: {  	s9 =	simm.s32 $0x10800  }
0x236: {  	[tilespmem:s9], [sflag:$0x2] =	stream.indirect_vreg.gather [hbm4b:s2+s3], $0x80, v20, vm0, $0xb8;
	[tilespmem:$0x18800] =	vst v63  }
0x237: {  	s24 =	simm.s32 $0x11000;
	v19 =	vperm.xlane v19, v18  }
0x238: {  	[tilespmem:s24], [sflag:$0x2] =	stream.indirect_vreg.gather [hbm4b:s10+s3], $0x80, v20, vm0, $0xb8;
	[tilespmem:$0x18800] =	vst v63  }
0x239: {  	s0 =	simm.s32 $0x11800;
	v19 =	vadd.s32 v17, v19  }
0x23a: {  	[tilespmem:s0], [sflag:$0x2] =	stream.indirect_vreg.gather [hbm4b:s11+s3], $0x80, v20, vm0, $0xb8;
	[tilespmem:$0x18800] =	vst v63  }
0x23b: {  	s15 =	simm.s32 $0x12000  }
0x23c: {  	[tilespmem:s15], [sflag:$0x2] =	stream.indirect_vreg.gather [hbm4b:s12+s3], $0x80, v20, vm0, $0xb8;
	[tilespmem:$0x18800] =	vst v63  }
0x23d: {  	s25 =	simm.s32 $0x12800  }
0x23e: {  	[tilespmem:s25], [sflag:$0x2] =	stream.indirect_vreg.gather [hbm4b:s2+s3], $0x80, v19, vm0, $0xb8;
	[tilespmem:$0x18800] =	vst v63  }
0x23f: {  	s26 =	simm.s32 $0x13000  }
0x240: {  	[tilespmem:s26], [sflag:$0x2] =	stream.indirect_vreg.gather [hbm4b:s10+s3], $0x80, v19, vm0, $0xb8;
	[tilespmem:$0x18800] =	vst v63  }
0x241: {  	s13 =	simm.s32 $0x13800  }
0x242: {  	[tilespmem:s13], [sflag:$0x2] =	stream.indirect_vreg.gather [hbm4b:s11+s3], $0x80, v19, vm0, $0xb8;
	[tilespmem:$0x18800] =	vst v63  }
0x243: {  	s16 =	simm.s32 $0x14000  }
0x244: {  	[tilespmem:s16], [sflag:$0x2] =	stream.indirect_vreg.gather [hbm4b:s12+s3], $0x80, v19, vm0, $0xb8;
	[tilespmem:$0x18800] =	vst v63  }
0x245: {  	v19 =	vld [tilespmem:$0x8690];
	_ =	sdelay $0x4  }
0x246: {  	v20 =	vshll.u32 v19, $0x3  }
0x247: {  	v19 =	vand.u32 $0x7, v19;
	v20 =	vand.u32 $0xFFFFFFC0, v20  }
0x248: {  	v19 =	vor.u32 v19, v20  }
0x249: {  	v20 =	vperm.xlane v19, v16;
	_ =	sdelay $0x1  }
0x24a: {  	v20 =	vadd.s32 v17, v20;
	_ =	sdelay $0x3  }
0x24b: {  	s17 =	simm.s32 $0x14800  }
0x24c: {  	[tilespmem:s17], [sflag:$0x2] =	stream.indirect_vreg.gather [hbm4b:s2+s3], $0x80, v20, vm0, $0xb8;
	[tilespmem:$0x18800] =	vst v63  }
0x24d: {  	s18 =	simm.s32 $0x15000;
	v19 =	vperm.xlane v19, v18  }
0x24e: {  	[tilespmem:s18], [sflag:$0x2] =	stream.indirect_vreg.gather [hbm4b:s10+s3], $0x80, v20, vm0, $0xb8;
	[tilespmem:$0x18800] =	vst v63  }
0x24f: {  	s20 =	simm.s32 $0x15800;
	v19 =	vadd.s32 v17, v19  }
0x250: {  	[tilespmem:s20], [sflag:$0x2] =	stream.indirect_vreg.gather [hbm4b:s11+s3], $0x80, v20, vm0, $0xb8;
	[tilespmem:$0x18800] =	vst v63  }
0x251: {  	s21 =	simm.s32 $0x16000  }
0x252: {  	[tilespmem:s21], [sflag:$0x2] =	stream.indirect_vreg.gather [hbm4b:s12+s3], $0x80, v20, vm0, $0xb8;
	[tilespmem:$0x18800] =	vst v63  }
0x253: {  	s22 =	simm.s32 $0x16800  }
0x254: {  	[tilespmem:s22], [sflag:$0x2] =	stream.indirect_vreg.gather [hbm4b:s2+s3], $0x80, v19, vm0, $0xb8;
	[tilespmem:$0x18800] =	vst v63  }
0x255: {  	s1 =	simm.s32 $0x17000  }
0x256: {  	[tilespmem:s1], [sflag:$0x2] =	stream.indirect_vreg.gather [hbm4b:s10+s3], $0x80, v19, vm0, $0xb8;
	[tilespmem:$0x18800] =	vst v63  }
0x257: {  	s5 =	simm.s32 $0x17800  }
0x258: {  	[tilespmem:s5], [sflag:$0x2] =	stream.indirect_vreg.gather [hbm4b:s11+s3], $0x80, v19, vm0, $0xb8;
	[tilespmem:$0x18800] =	vst v63  }
0x259: {  	s14 =	simm.s32 $0x18000  }
0x25a: {  	[tilespmem:s14], [sflag:$0x2] =	stream.indirect_vreg.gather [hbm4b:s12+s3], $0x80, v19, vm0, $0xb8;
	[tilespmem:$0x18800] =	vst v63  }
0x25b: {  	_ =	swait.ge [sflag:s30], $0x8000  }
0x25c: {  	[sflag:s30] =	ssyncset.done $0x0  }
0x25d: {  	[sflag:s30] =	ssyncadd.s32 $0xFFFF8000  }
0x25e: {  	v19 =	vld [tilespmem:$0x280];
	_ =	sdelay $0x4  }
0x25f: {  	v20 =	vshll.u32 v19, $0x3  }
0x260: {  	v19 =	vand.u32 $0x7, v19;
	v20 =	vand.u32 $0xFFFFFFC0, v20  }
0x261: {  	v19 =	vor.u32 v19, v20  }
0x262: {  	v20 =	vperm.xlane v19, v16;
	_ =	sdelay $0x1  }
0x263: {  	v20 =	vadd.s32 v17, v20;
	_ =	sdelay $0x4  }
0x264: {  	[hbm4b:s4+s3] =	stream.indirect_vreg.scatter [tilespmem:s9], [sflag:$0x3], $0x80, v20, vm0, $0xb8;
	[tilespmem:$0x18800] =	vst v63  }
0x265: {  	v19 =	vperm.xlane v19, v18  }
0x266: {  	[hbm4b:s6+s3] =	stream.indirect_vreg.scatter [tilespmem:s24], [sflag:$0x3], $0x80, v20, vm0, $0xb8;
	[tilespmem:$0x18800] =	vst v63  }
0x267: {  	v19 =	vadd.s32 v17, v19  }
0x268: {  	[hbm4b:s7+s3] =	stream.indirect_vreg.scatter [tilespmem:s0], [sflag:$0x3], $0x80, v20, vm0, $0xb8;
	[tilespmem:$0x18800] =	vst v63  }
0x269: {  	_ = 	snop  }
0x26a: {  	[hbm4b:s8+s3] =	stream.indirect_vreg.scatter [tilespmem:s15], [sflag:$0x3], $0x80, v20, vm0, $0xb8;
	[tilespmem:$0x18800] =	vst v63  }
0x26b: {  	_ = 	snop  }
0x26c: {  	[hbm4b:s4+s3] =	stream.indirect_vreg.scatter [tilespmem:s25], [sflag:$0x3], $0x80, v19, vm0, $0xb8;
	[tilespmem:$0x18800] =	vst v63  }
0x26d: {  	_ = 	snop  }
0x26e: {  	[hbm4b:s6+s3] =	stream.indirect_vreg.scatter [tilespmem:s26], [sflag:$0x3], $0x80, v19, vm0, $0xb8;
	[tilespmem:$0x18800] =	vst v63  }
0x26f: {  	_ = 	snop  }
0x270: {  	[hbm4b:s7+s3] =	stream.indirect_vreg.scatter [tilespmem:s13], [sflag:$0x3], $0x80, v19, vm0, $0xb8;
	[tilespmem:$0x18800] =	vst v63  }
0x271: {  	_ = 	snop  }
0x272: {  	[hbm4b:s8+s3] =	stream.indirect_vreg.scatter [tilespmem:s16], [sflag:$0x3], $0x80, v19, vm0, $0xb8;
	[tilespmem:$0x18800] =	vst v63  }
0x273: {  	v19 =	vld [tilespmem:$0x290];
	_ =	sdelay $0x4  }
0x274: {  	v20 =	vshll.u32 v19, $0x3  }
0x275: {  	v19 =	vand.u32 $0x7, v19;
	v20 =	vand.u32 $0xFFFFFFC0, v20  }
0x276: {  	v19 =	vor.u32 v19, v20  }
0x277: {  	v20 =	vperm.xlane v19, v16;
	_ =	sdelay $0x1  }
0x278: {  	v20 =	vadd.s32 v17, v20;
	_ =	sdelay $0x4  }
0x279: {  	[hbm4b:s4+s3] =	stream.indirect_vreg.scatter [tilespmem:s17], [sflag:$0x3], $0x80, v20, vm0, $0xb8;
	[tilespmem:$0x18800] =	vst v63  }
0x27a: {  	v19 =	vperm.xlane v19, v18  }
0x27b: {  	[hbm4b:s6+s3] =	stream.indirect_vreg.scatter [tilespmem:s18], [sflag:$0x3], $0x80, v20, vm0, $0xb8;
	[tilespmem:$0x18800] =	vst v63  }
0x27c: {  	v19 =	vadd.s32 v17, v19  }
0x27d: {  	[hbm4b:s7+s3] =	stream.indirect_vreg.scatter [tilespmem:s20], [sflag:$0x3], $0x80, v20, vm0, $0xb8;
	[tilespmem:$0x18800] =	vst v63  }
0x27e: {  	_ = 	snop  }
0x27f: {  	[hbm4b:s8+s3] =	stream.indirect_vreg.scatter [tilespmem:s21], [sflag:$0x3], $0x80, v20, vm0, $0xb8;
	[tilespmem:$0x18800] =	vst v63  }
0x280: {  	_ = 	snop  }
0x281: {  	[hbm4b:s4+s3] =	stream.indirect_vreg.scatter [tilespmem:s22], [sflag:$0x3], $0x80, v19, vm0, $0xb8;
	[tilespmem:$0x18800] =	vst v63  }
0x282: {  	_ = 	snop  }
0x283: {  	[hbm4b:s6+s3] =	stream.indirect_vreg.scatter [tilespmem:s1], [sflag:$0x3], $0x80, v19, vm0, $0xb8;
	[tilespmem:$0x18800] =	vst v63  }
0x284: {  	_ = 	snop  }
0x285: {  	[hbm4b:s7+s3] =	stream.indirect_vreg.scatter [tilespmem:s5], [sflag:$0x3], $0x80, v19, vm0, $0xb8;
	[tilespmem:$0x18800] =	vst v63  }
0x286: {  	_ = 	snop  }
0x287: {  	[hbm4b:s8+s3] =	stream.indirect_vreg.scatter [tilespmem:s14], [sflag:$0x3], $0x80, v19, vm0, $0xb8;
	[tilespmem:$0x18800] =	vst v63  }
0x288: {  	_ =	swait.ge [sflag:s19], $0x8000  }
0x289: {  	[sflag:s19] =	ssyncset.done $0x0  }
0x28a: {  	[sflag:s19] =	ssyncadd.s32 $0xFFFF8000  }
0x28b: {  	v19 =	vld [tilespmem:$0x8700];
	_ =	sdelay $0x4  }
0x28c: {  	v20 =	vshll.u32 v19, $0x3  }
0x28d: {  	v19 =	vand.u32 $0x7, v19;
	v20 =	vand.u32 $0xFFFFFFC0, v20  }
0x28e: {  	v19 =	vor.u32 v19, v20  }
0x28f: {  	v20 =	vperm.xlane v19, v16;
	_ =	sdelay $0x1  }
0x290: {  	v20 =	vadd.s32 v17, v20;
	_ =	sdelay $0x3  }
0x291: {  	s14 =	simm.s32 $0x8800  }
0x292: {  	[tilespmem:s14], [sflag:$0x2] =	stream.indirect_vreg.gather [hbm4b:s2+s3], $0x80, v20, vm0, $0xb8;
	[tilespmem:$0x18800] =	vst v63  }
0x293: {  	s16 =	simm.s32 $0x9000;
	v19 =	vperm.xlane v19, v18  }
0x294: {  	[tilespmem:s16], [sflag:$0x2] =	stream.indirect_vreg.gather [hbm4b:s10+s3], $0x80, v20, vm0, $0xb8;
	[tilespmem:$0x18800] =	vst v63  }
0x295: {  	s9 =	simm.s32 $0x9800;
	v19 =	vadd.s32 v17, v19  }
0x296: {  	[tilespmem:s9], [sflag:$0x2] =	stream.indirect_vreg.gather [hbm4b:s11+s3], $0x80, v20, vm0, $0xb8;
	[tilespmem:$0x18800] =	vst v63  }
0x297: {  	s15 =	simm.s32 $0xA000  }
0x298: {  	[tilespmem:s15], [sflag:$0x2] =	stream.indirect_vreg.gather [hbm4b:s12+s3], $0x80, v20, vm0, $0xb8;
	[tilespmem:$0x18800] =	vst v63  }
0x299: {  	s5 =	simm.s32 $0xA800  }
0x29a: {  	[tilespmem:s5], [sflag:$0x2] =	stream.indirect_vreg.gather [hbm4b:s2+s3], $0x80, v19, vm0, $0xb8;
	[tilespmem:$0x18800] =	vst v63  }
0x29b: {  	s1 =	simm.s32 $0xB000  }
0x29c: {  	[tilespmem:s1], [sflag:$0x2] =	stream.indirect_vreg.gather [hbm4b:s10+s3], $0x80, v19, vm0, $0xb8;
	[tilespmem:$0x18800] =	vst v63  }
0x29d: {  	s13 =	simm.s32 $0xB800  }
0x29e: {  	[tilespmem:s13], [sflag:$0x2] =	stream.indirect_vreg.gather [hbm4b:s11+s3], $0x80, v19, vm0, $0xb8;
	[tilespmem:$0x18800] =	vst v63  }
0x29f: {  	s17 =	simm.s32 $0xC000  }
0x2a0: {  	[tilespmem:s17], [sflag:$0x2] =	stream.indirect_vreg.gather [hbm4b:s12+s3], $0x80, v19, vm0, $0xb8;
	[tilespmem:$0x18800] =	vst v63  }
0x2a1: {  	v19 =	vld [tilespmem:$0x8710];
	_ =	sdelay $0x4  }
0x2a2: {  	v20 =	vshll.u32 v19, $0x3  }
0x2a3: {  	v19 =	vand.u32 $0x7, v19;
	v20 =	vand.u32 $0xFFFFFFC0, v20  }
0x2a4: {  	v19 =	vor.u32 v19, v20  }
0x2a5: {  	v20 =	vperm.xlane v19, v16;
	_ =	sdelay $0x1  }
0x2a6: {  	v20 =	vadd.s32 v17, v20;
	_ =	sdelay $0x3  }
0x2a7: {  	s0 =	simm.s32 $0xC800  }
0x2a8: {  	[tilespmem:s0], [sflag:$0x2] =	stream.indirect_vreg.gather [hbm4b:s2+s3], $0x80, v20, vm0, $0xb8;
	[tilespmem:$0x18800] =	vst v63  }
0x2a9: {  	v19 =	vperm.xlane v19, v18  }
0x2aa: {  	[tilespmem:s31], [sflag:$0x2] =	stream.indirect_vreg.gather [hbm4b:s10+s3], $0x80, v20, vm0, $0xb8;
	[tilespmem:$0x18800] =	vst v63  }
0x2ab: {  	s18 =	simm.s32 $0xD800;
	v19 =	vadd.s32 v17, v19  }
0x2ac: {  	[tilespmem:s18], [sflag:$0x2] =	stream.indirect_vreg.gather [hbm4b:s11+s3], $0x80, v20, vm0, $0xb8;
	[tilespmem:$0x18800] =	vst v63  }
0x2ad: {  	s20 =	simm.s32 $0xE000  }
0x2ae: {  	[tilespmem:s20], [sflag:$0x2] =	stream.indirect_vreg.gather [hbm4b:s12+s3], $0x80, v20, vm0, $0xb8;
	[tilespmem:$0x18800] =	vst v63  }
0x2af: {  	s21 =	simm.s32 $0xE800  }
0x2b0: {  	[tilespmem:s21], [sflag:$0x2] =	stream.indirect_vreg.gather [hbm4b:s2+s3], $0x80, v19, vm0, $0xb8;
	[tilespmem:$0x18800] =	vst v63  }
0x2b1: {  	s22 =	simm.s32 $0xF000  }
0x2b2: {  	[tilespmem:s22], [sflag:$0x2] =	stream.indirect_vreg.gather [hbm4b:s10+s3], $0x80, v19, vm0, $0xb8;
	[tilespmem:$0x18800] =	vst v63  }
0x2b3: {  	s23 =	simm.s32 $0xF800  }
0x2b4: {  	[tilespmem:s23], [sflag:$0x2] =	stream.indirect_vreg.gather [hbm4b:s11+s3], $0x80, v19, vm0, $0xb8;
	[tilespmem:$0x18800] =	vst v63  }
0x2b5: {  	s24 =	simm.s32 $0x10000  }
0x2b6: {  	[tilespmem:s24], [sflag:$0x2] =	stream.indirect_vreg.gather [hbm4b:s12+s3], $0x80, v19, vm0, $0xb8;
	[tilespmem:$0x18800] =	vst v63  }
0x2b7: {  	_ =	swait.ge [sflag:s30], $0x8000  }
0x2b8: {  	[sflag:s30] =	ssyncset.done $0x0  }
0x2b9: {  	[sflag:s30] =	ssyncadd.s32 $0xFFFF8000  }
0x2ba: {  	v19 =	vld [tilespmem:$0x300];
	_ =	sdelay $0x4  }
0x2bb: {  	v20 =	vshll.u32 v19, $0x3  }
0x2bc: {  	v19 =	vand.u32 $0x7, v19;
	v20 =	vand.u32 $0xFFFFFFC0, v20  }
0x2bd: {  	v19 =	vor.u32 v19, v20  }
0x2be: {  	v20 =	vperm.xlane v19, v16;
	_ =	sdelay $0x1  }
0x2bf: {  	v20 =	vadd.s32 v17, v20;
	_ =	sdelay $0x4  }
0x2c0: {  	[hbm4b:s4+s3] =	stream.indirect_vreg.scatter [tilespmem:s14], [sflag:$0x3], $0x80, v20, vm0, $0xb8;
	[tilespmem:$0x18800] =	vst v63  }
0x2c1: {  	v19 =	vperm.xlane v19, v18  }
0x2c2: {  	[hbm4b:s6+s3] =	stream.indirect_vreg.scatter [tilespmem:s16], [sflag:$0x3], $0x80, v20, vm0, $0xb8;
	[tilespmem:$0x18800] =	vst v63  }
0x2c3: {  	v19 =	vadd.s32 v17, v19  }
0x2c4: {  	[hbm4b:s7+s3] =	stream.indirect_vreg.scatter [tilespmem:s9], [sflag:$0x3], $0x80, v20, vm0, $0xb8;
	[tilespmem:$0x18800] =	vst v63  }
0x2c5: {  	_ = 	snop  }
0x2c6: {  	[hbm4b:s8+s3] =	stream.indirect_vreg.scatter [tilespmem:s15], [sflag:$0x3], $0x80, v20, vm0, $0xb8;
	[tilespmem:$0x18800] =	vst v63  }
0x2c7: {  	_ = 	snop  }
0x2c8: {  	[hbm4b:s4+s3] =	stream.indirect_vreg.scatter [tilespmem:s5], [sflag:$0x3], $0x80, v19, vm0, $0xb8;
	[tilespmem:$0x18800] =	vst v63  }
0x2c9: {  	_ = 	snop  }
0x2ca: {  	[hbm4b:s6+s3] =	stream.indirect_vreg.scatter [tilespmem:s1], [sflag:$0x3], $0x80, v19, vm0, $0xb8;
	[tilespmem:$0x18800] =	vst v63  }
0x2cb: {  	_ = 	snop  }
0x2cc: {  	[hbm4b:s7+s3] =	stream.indirect_vreg.scatter [tilespmem:s13], [sflag:$0x3], $0x80, v19, vm0, $0xb8;
	[tilespmem:$0x18800] =	vst v63  }
0x2cd: {  	_ = 	snop  }
0x2ce: {  	[hbm4b:s8+s3] =	stream.indirect_vreg.scatter [tilespmem:s17], [sflag:$0x3], $0x80, v19, vm0, $0xb8;
	[tilespmem:$0x18800] =	vst v63  }
0x2cf: {  	v19 =	vld [tilespmem:$0x310];
	_ =	sdelay $0x4  }
0x2d0: {  	v20 =	vshll.u32 v19, $0x3  }
0x2d1: {  	v19 =	vand.u32 $0x7, v19;
	v20 =	vand.u32 $0xFFFFFFC0, v20  }
0x2d2: {  	v19 =	vor.u32 v19, v20  }
0x2d3: {  	v20 =	vperm.xlane v19, v16;
	_ =	sdelay $0x1  }
0x2d4: {  	v20 =	vadd.s32 v17, v20;
	_ =	sdelay $0x4  }
0x2d5: {  	[hbm4b:s4+s3] =	stream.indirect_vreg.scatter [tilespmem:s0], [sflag:$0x3], $0x80, v20, vm0, $0xb8;
	[tilespmem:$0x18800] =	vst v63  }
0x2d6: {  	v19 =	vperm.xlane v19, v18  }
0x2d7: {  	[hbm4b:s6+s3] =	stream.indirect_vreg.scatter [tilespmem:s31], [sflag:$0x3], $0x80, v20, vm0, $0xb8;
	[tilespmem:$0x18800] =	vst v63  }
0x2d8: {  	v19 =	vadd.s32 v17, v19  }
0x2d9: {  	[hbm4b:s7+s3] =	stream.indirect_vreg.scatter [tilespmem:s18], [sflag:$0x3], $0x80, v20, vm0, $0xb8;
	[tilespmem:$0x18800] =	vst v63  }
0x2da: {  	_ = 	snop  }
0x2db: {  	[hbm4b:s8+s3] =	stream.indirect_vreg.scatter [tilespmem:s20], [sflag:$0x3], $0x80, v20, vm0, $0xb8;
	[tilespmem:$0x18800] =	vst v63  }
0x2dc: {  	_ = 	snop  }
0x2dd: {  	[hbm4b:s4+s3] =	stream.indirect_vreg.scatter [tilespmem:s21], [sflag:$0x3], $0x80, v19, vm0, $0xb8;
	[tilespmem:$0x18800] =	vst v63  }
0x2de: {  	_ = 	snop  }
0x2df: {  	[hbm4b:s6+s3] =	stream.indirect_vreg.scatter [tilespmem:s22], [sflag:$0x3], $0x80, v19, vm0, $0xb8;
	[tilespmem:$0x18800] =	vst v63  }
0x2e0: {  	_ = 	snop  }
0x2e1: {  	[hbm4b:s7+s3] =	stream.indirect_vreg.scatter [tilespmem:s23], [sflag:$0x3], $0x80, v19, vm0, $0xb8;
	[tilespmem:$0x18800] =	vst v63  }
0x2e2: {  	_ = 	snop  }
0x2e3: {  	[hbm4b:s8+s3] =	stream.indirect_vreg.scatter [tilespmem:s24], [sflag:$0x3], $0x80, v19, vm0, $0xb8;
	[tilespmem:$0x18800] =	vst v63  }
0x2e4: {  	s1 =	rddreg [dreg:$0x13];
	_ =	swait.ge [sflag:s19], $0x8000  }
0x2e5: {  	[sflag:s19] =	ssyncset.done $0x0  }
0x2e6: {  	[sflag:s19] =	ssyncadd.s32 $0xFFFF8000  }
0x2e7: {  	v19 =	vld [tilespmem:$0x8780];
	_ =	sdelay $0x4  }
0x2e8: {  	v20 =	vshll.u32 v19, $0x3  }
0x2e9: {  	v19 =	vand.u32 $0x7, v19;
	v20 =	vand.u32 $0xFFFFFFC0, v20  }
0x2ea: {  	v19 =	vor.u32 v19, v20  }
0x2eb: {  	v20 =	vperm.xlane v19, v16;
	_ =	sdelay $0x1  }
0x2ec: {  	v20 =	vadd.s32 v17, v20;
	_ =	sdelay $0x3  }
0x2ed: {  	s31 =	simm.s32 $0x10800  }
0x2ee: {  	[tilespmem:s31], [sflag:$0x2] =	stream.indirect_vreg.gather [hbm4b:s2+s3], $0x80, v20, vm0, $0xb8;
	[tilespmem:$0x18800] =	vst v63  }
0x2ef: {  	s0 =	simm.s32 $0x11000;
	v19 =	vperm.xlane v19, v18  }
0x2f0: {  	[tilespmem:s0], [sflag:$0x2] =	stream.indirect_vreg.gather [hbm4b:s10+s3], $0x80, v20, vm0, $0xb8;
	[tilespmem:$0x18800] =	vst v63  }
0x2f1: {  	s28 =	simm.s32 $0x11800;
	v19 =	vadd.s32 v17, v19  }
0x2f2: {  	[tilespmem:s28], [sflag:$0x2] =	stream.indirect_vreg.gather [hbm4b:s11+s3], $0x80, v20, vm0, $0xb8;
	[tilespmem:$0x18800] =	vst v63  }
0x2f3: {  	s9 =	simm.s32 $0x12000  }
0x2f4: {  	[tilespmem:s9], [sflag:$0x2] =	stream.indirect_vreg.gather [hbm4b:s12+s3], $0x80, v20, vm0, $0xb8;
	[tilespmem:$0x18800] =	vst v63  }
0x2f5: {  	s13 =	simm.s32 $0x12800  }
0x2f6: {  	[tilespmem:s13], [sflag:$0x2] =	stream.indirect_vreg.gather [hbm4b:s2+s3], $0x80, v19, vm0, $0xb8;
	[tilespmem:$0x18800] =	vst v63  }
0x2f7: {  	s29 =	simm.s32 $0x13000  }
0x2f8: {  	[tilespmem:s29], [sflag:$0x2] =	stream.indirect_vreg.gather [hbm4b:s10+s3], $0x80, v19, vm0, $0xb8;
	[tilespmem:$0x18800] =	vst v63  }
0x2f9: {  	s14 =	simm.s32 $0x13800  }
0x2fa: {  	[tilespmem:s14], [sflag:$0x2] =	stream.indirect_vreg.gather [hbm4b:s11+s3], $0x80, v19, vm0, $0xb8;
	[tilespmem:$0x18800] =	vst v63  }
0x2fb: {  	s25 =	simm.s32 $0x14000  }
0x2fc: {  	[tilespmem:s25], [sflag:$0x2] =	stream.indirect_vreg.gather [hbm4b:s12+s3], $0x80, v19, vm0, $0xb8;
	[tilespmem:$0x18800] =	vst v63  }
0x2fd: {  	v19 =	vld [tilespmem:$0x8790];
	_ =	sdelay $0x4  }
0x2fe: {  	v20 =	vshll.u32 v19, $0x3  }
0x2ff: {  	v19 =	vand.u32 $0x7, v19;
	v20 =	vand.u32 $0xFFFFFFC0, v20  }
0x300: {  	v19 =	vor.u32 v19, v20  }
0x301: {  	v20 =	vperm.xlane v19, v16;
	_ =	sdelay $0x1  }
0x302: {  	v20 =	vadd.s32 v17, v20;
	_ =	sdelay $0x3  }
0x303: {  	s15 =	simm.s32 $0x14800  }
0x304: {  	[tilespmem:s15], [sflag:$0x2] =	stream.indirect_vreg.gather [hbm4b:s2+s3], $0x80, v20, vm0, $0xb8;
	[tilespmem:$0x18800] =	vst v63  }
0x305: {  	s26 =	simm.s32 $0x15000;
	v19 =	vperm.xlane v19, v18  }
0x306: {  	[tilespmem:s26], [sflag:$0x2] =	stream.indirect_vreg.gather [hbm4b:s10+s3], $0x80, v20, vm0, $0xb8;
	[tilespmem:$0x18800] =	vst v63  }
0x307: {  	s16 =	simm.s32 $0x15800;
	v19 =	vadd.s32 v17, v19  }
0x308: {  	[tilespmem:s16], [sflag:$0x2] =	stream.indirect_vreg.gather [hbm4b:s11+s3], $0x80, v20, vm0, $0xb8;
	[tilespmem:$0x18800] =	vst v63  }
0x309: {  	s17 =	simm.s32 $0x16000  }
0x30a: {  	[tilespmem:s17], [sflag:$0x2] =	stream.indirect_vreg.gather [hbm4b:s12+s3], $0x80, v20, vm0, $0xb8;
	[tilespmem:$0x18800] =	vst v63  }
0x30b: {  	s18 =	simm.s32 $0x16800  }
0x30c: {  	[tilespmem:s18], [sflag:$0x2] =	stream.indirect_vreg.gather [hbm4b:s2+s3], $0x80, v19, vm0, $0xb8;
	[tilespmem:$0x18800] =	vst v63  }
0x30d: {  	s22 =	simm.s32 $0x17000  }
0x30e: {  	[tilespmem:s22], [sflag:$0x2] =	stream.indirect_vreg.gather [hbm4b:s10+s3], $0x80, v19, vm0, $0xb8;
	[tilespmem:$0x18800] =	vst v63  }
0x30f: {  	s23 =	simm.s32 $0x17800  }
0x310: {  	[tilespmem:s23], [sflag:$0x2] =	stream.indirect_vreg.gather [hbm4b:s11+s3], $0x80, v19, vm0, $0xb8;
	[tilespmem:$0x18800] =	vst v63  }
0x311: {  	s24 =	simm.s32 $0x18000  }
0x312: {  	[tilespmem:s24], [sflag:$0x2] =	stream.indirect_vreg.gather [hbm4b:s12+s3], $0x80, v19, vm0, $0xb8;
	[tilespmem:$0x18800] =	vst v63  }
0x313: {  	_ =	swait.ge [sflag:s30], $0x8000  }
0x314: {  	[sflag:s30] =	ssyncset.done $0x0  }
0x315: {  	[sflag:s30] =	ssyncadd.s32 $0xFFFF8000  }
0x316: {  	v19 =	vld [tilespmem:$0x380];
	_ =	sdelay $0x4  }
0x317: {  	v20 =	vshll.u32 v19, $0x3  }
0x318: {  	v19 =	vand.u32 $0x7, v19;
	v20 =	vand.u32 $0xFFFFFFC0, v20  }
0x319: {  	v19 =	vor.u32 v19, v20  }
0x31a: {  	v20 =	vperm.xlane v19, v16;
	_ =	sdelay $0x1  }
0x31b: {  	v20 =	vadd.s32 v17, v20;
	_ =	sdelay $0x4  }
0x31c: {  	[hbm4b:s4+s3] =	stream.indirect_vreg.scatter [tilespmem:s31], [sflag:$0x3], $0x80, v20, vm0, $0xb8;
	[tilespmem:$0x18800] =	vst v63  }
0x31d: {  	v19 =	vperm.xlane v19, v18  }
0x31e: {  	[hbm4b:s6+s3] =	stream.indirect_vreg.scatter [tilespmem:s0], [sflag:$0x3], $0x80, v20, vm0, $0xb8;
	[tilespmem:$0x18800] =	vst v63  }
0x31f: {  	v19 =	vadd.s32 v17, v19  }
0x320: {  	[hbm4b:s7+s3] =	stream.indirect_vreg.scatter [tilespmem:s28], [sflag:$0x3], $0x80, v20, vm0, $0xb8;
	[tilespmem:$0x18800] =	vst v63  }
0x321: {  	_ = 	snop  }
0x322: {  	[hbm4b:s8+s3] =	stream.indirect_vreg.scatter [tilespmem:s9], [sflag:$0x3], $0x80, v20, vm0, $0xb8;
	[tilespmem:$0x18800] =	vst v63  }
0x323: {  	_ = 	snop  }
0x324: {  	[hbm4b:s4+s3] =	stream.indirect_vreg.scatter [tilespmem:s13], [sflag:$0x3], $0x80, v19, vm0, $0xb8;
	[tilespmem:$0x18800] =	vst v63  }
0x325: {  	_ = 	snop  }
0x326: {  	[hbm4b:s6+s3] =	stream.indirect_vreg.scatter [tilespmem:s29], [sflag:$0x3], $0x80, v19, vm0, $0xb8;
	[tilespmem:$0x18800] =	vst v63  }
0x327: {  	_ = 	snop  }
0x328: {  	[hbm4b:s7+s3] =	stream.indirect_vreg.scatter [tilespmem:s14], [sflag:$0x3], $0x80, v19, vm0, $0xb8;
	[tilespmem:$0x18800] =	vst v63  }
0x329: {  	_ = 	snop  }
0x32a: {  	[hbm4b:s8+s3] =	stream.indirect_vreg.scatter [tilespmem:s25], [sflag:$0x3], $0x80, v19, vm0, $0xb8;
	[tilespmem:$0x18800] =	vst v63  }
0x32b: {  	v19 =	vld [tilespmem:$0x390];
	_ =	sdelay $0x4  }
0x32c: {  	v20 =	vshll.u32 v19, $0x3  }
0x32d: {  	v19 =	vand.u32 $0x7, v19;
	v20 =	vand.u32 $0xFFFFFFC0, v20  }
0x32e: {  	v19 =	vor.u32 v19, v20  }
0x32f: {  	v20 =	vperm.xlane v19, v16;
	_ =	sdelay $0x1  }
0x330: {  	v20 =	vadd.s32 v17, v20;
	_ =	sdelay $0x4  }
0x331: {  	[hbm4b:s4+s3] =	stream.indirect_vreg.scatter [tilespmem:s15], [sflag:$0x3], $0x80, v20, vm0, $0xb8;
	[tilespmem:$0x18800] =	vst v63  }
0x332: {  	v19 =	vperm.xlane v19, v18  }
0x333: {  	[hbm4b:s6+s3] =	stream.indirect_vreg.scatter [tilespmem:s26], [sflag:$0x3], $0x80, v20, vm0, $0xb8;
	[tilespmem:$0x18800] =	vst v63  }
0x334: {  	v19 =	vadd.s32 v17, v19  }
0x335: {  	[hbm4b:s7+s3] =	stream.indirect_vreg.scatter [tilespmem:s16], [sflag:$0x3], $0x80, v20, vm0, $0xb8;
	[tilespmem:$0x18800] =	vst v63  }
0x336: {  	_ = 	snop  }
0x337: {  	[hbm4b:s8+s3] =	stream.indirect_vreg.scatter [tilespmem:s17], [sflag:$0x3], $0x80, v20, vm0, $0xb8;
	[tilespmem:$0x18800] =	vst v63  }
0x338: {  	_ = 	snop  }
0x339: {  	[hbm4b:s4+s3] =	stream.indirect_vreg.scatter [tilespmem:s18], [sflag:$0x3], $0x80, v19, vm0, $0xb8;
	[tilespmem:$0x18800] =	vst v63  }
0x33a: {  	_ = 	snop  }
0x33b: {  	[hbm4b:s6+s3] =	stream.indirect_vreg.scatter [tilespmem:s22], [sflag:$0x3], $0x80, v19, vm0, $0xb8;
	[tilespmem:$0x18800] =	vst v63  }
0x33c: {  	_ = 	snop  }
0x33d: {  	[hbm4b:s7+s3] =	stream.indirect_vreg.scatter [tilespmem:s23], [sflag:$0x3], $0x80, v19, vm0, $0xb8;
	[tilespmem:$0x18800] =	vst v63  }
0x33e: {  	_ = 	snop  }
0x33f: {  	[hbm4b:s8+s3] =	stream.indirect_vreg.scatter [tilespmem:s24], [sflag:$0x3], $0x80, v19, vm0, $0xb8;
	[tilespmem:$0x18800] =	vst v63  }
0x340: {  	_ =	swait.ge [sflag:s19], $0x8000  }
0x341: {  	[sflag:s19] =	ssyncset.done $0x0  }
0x342: {  	[sflag:s19] =	ssyncadd.s32 $0xFFFF8000  }
0x343: {  	_ =	swait.ge [sflag:s19], $0x8000  }
0x344: {  	[sflag:s19] =	ssyncset.done $0x0  }
0x345: {  	s31 =	simm.s32 $0x1;
	[sflag:s19] =	ssyncadd.s32 $0xFFFF8000  }
0x346: {  	_ =	swait.ge [sflag:s31], $0x1000  }
0x347: {  	[sflag:s31] =	ssyncset.done $0x0  }
0x348: {  	[sflag:s31] =	ssyncadd.s32 $0xFFFFF000  }
0x349: {  	_ =	swait.ge [sflag:s31], $0x1000  }
0x34a: {  	[sflag:s31] =	ssyncset.done $0x0  }
0x34b: {  	[sflag:s31] =	ssyncadd.s32 $0xFFFFF000  }
0x34c: {  	_ =	swait.ge [sflag:s31], $0x1000  }
0x34d: {  	[sflag:s31] =	ssyncset.done $0x0  }
0x34e: {  	[sflag:s31] =	ssyncadd.s32 $0xFFFFF000  }
0x34f: {  	_ =	swait.ge [sflag:s31], $0x1000  }
0x350: {  	[sflag:s31] =	ssyncset.done $0x0  }
0x351: {  	[sflag:s31] =	ssyncadd.s32 $0xFFFFF000  }
0x352: {  	_ =	swait.ge [sflag:s31], $0x1000  }
0x353: {  	[sflag:s31] =	ssyncset.done $0x0  }
0x354: {  	[sflag:s31] =	ssyncadd.s32 $0xFFFFF000  }
0x355: {  	_ =	swait.ge [sflag:s31], $0x1000  }
0x356: {  	[sflag:s31] =	ssyncset.done $0x0  }
0x357: {  	[sflag:s31] =	ssyncadd.s32 $0xFFFFF000  }
0x358: {  	p0 =	sne.s32 s1, $0x1;
	_ =	swait.ge [sflag:s31], $0x1000  }
.Ltmp0:
0x359: {  	[sflag:s31] =	ssyncset.done $0x0;
	(pc) =	sbr.rel @p0 .LBB2_1-.Ltmp0, $4  }
0x35a: {  	[sflag:s31] =	ssyncadd.s32 $0xFFFFF000  }
0x35b: {  	_ =	swait.ge [sflag:s31], $0x1000  }
0x35c: {  	[sflag:s31] =	ssyncset.done $0x0  }
0x35d: {  	s1 =	sadd.s32 $0xFFFFFFFF, s1;
	[sflag:s31] =	ssyncadd.s32 $0xFFFFF000  }
0x35e: {  	_ =	sfence.sel $0x180000  }
0x35f: {  	[bflag:$0x0] =	sbarrier.arrive $0xFFFF  }
0x360: {  	_ =	strace $0x9000004A  }
0x361: {  	s0 =	stileid.u32;
	[bflag:$0x2] =	sbarrier.arrive $0xFFFF  }
0x362: {  	p0 =	sne.s32 s0, $0x0;
	s0 =	rddreg [dreg:$0x2]  }
0x363: {  	s0 =	sadd.s32 @!p0 $0x100000, s0  }
0x364: {  	[sflag:s0] =	ssyncadd.tile.s32 @!p0 $0x1;
	_ =	shalt  }
.Lfunc_end2:
_tile_overlayer_lowered:
.L_overlay_start_2:
0x365: {  	(tag) =	ssettag $0x2  }
0x366: {  	s0 =	rddreg [dreg:$0x0];
	s2 =	stileid.u32  }
0x367: {  	s1 =	rddreg [dreg:$0x1];
	p0 =	sne.s32 s2, $0x0  }
0x368: {  	s3 =	rddreg [dreg:$0x2];
	[bflag:$0x3] =	sbarrier.arrive $0xFFFF;
	s2 =	simm.s32 @!p0 $0x1C04  }
0x369: {  	[timem:s3], [sflag:s2] =	dma.local @!p0 [hbm:s0], s1  }
0x36a: {  	s0 =	simm.s32 @!p0 $0x4  }
0x36b: {  	_ =	swait.ge @!p0 [sflag:s0], s1  }
0x36c: {  	s1 =	ssub.s32 @!p0 $0x0, s1;
	[sflag:s0] =	ssyncset.done @!p0 $0x0  }
0x36d: {  	[sflag:s0] =	ssyncadd.s32 @!p0 s1  }
0x36e: {  	[bflag:$0x3] =	sbarrier.arrive $0xFFFF  }
0x36f: {  	_ =	shalt  }

// kernel: scatter_offload_async_start
scs
__scs_entry_jumppad:
0x0: {  	(pc) =	sbr.rel $0x88, $3  }
0x1: {  	(tag) =	ssettag $0x0;
	lr =	simm.s32 $0x1  }
0x2: {  	[smem:$0x3F93] =	sst lr;
	_ =	strace $0xD0000000  }
0x3: {  	_ = 	snop  }
0x4: {  	_ = 	snop  }
0x5: {  	_ = 	snop  }
0x6: {  	_ = 	snop  }
0x7: {  	_ = 	snop  }
__scs_overlays_trampoline_lowered:
0x8: {  	[smem:$0x3FA2] =	sst s0  }
0x9: {  	[smem:$0x3FA3] =	sst s1  }
0xa: {  	[smem:$0x3FA4] =	sst s2  }
0xb: {  	[smem:$0x3FA5] =	sst s3  }
0xc: {  	[smem:$0x3FA6] =	sst s4  }
0xd: {  	[smem:$0x3FA7] =	sst s5  }
0xe: {  	[smem:$0x3FA8] =	sst s6  }
0xf: {  	[smem:$0x3FA9] =	sst s7  }
0x10: {  	[smem:$0x3FAA] =	sst s8  }
0x11: {  	[smem:$0x3FAB] =	sst s9;
	s0 =	simm.s32 @!p0 $0x0  }
0x12: {  	s1 =	sld [smem:$0x3F91];
	s0 =	simm.s32 @p0 $0x1  }
0x13: {  	[smem:$0x3FAC] =	sst s0;
	s0 =	simm.s32 @!p1 $0x0  }
0x14: {  	s2 =	sld [smem:$0x3F90];
	s0 =	simm.s32 @p1 $0x1  }
0x15: {  	[smem:$0x3FAD] =	sst s0;
	s0 =	simm.s32 @!p2 $0x0  }
0x16: {  	s3 =	sld [smem:$0x3FDB];
	s0 =	simm.s32 @p2 $0x1  }
0x17: {  	s4 =	simm.s32 $0x1BF5;
	[smem:$0x3FAF] =	sst s0  }
0x18: {  	s0 =	sld [smem:$0x3F92];
	_ =	swait.ge [sflag:s4], $0x0  }
0x19: {  	s7 =	sld [smem:$0x3F93]  }
0x1a: {  	s8 =	sadd.s32 $0xFFFFE003, lr  }
0x1b: {  	s9 =	sadd.s32 $0xFFFFFEF7, lr;
	s5 =	simm.s32 $0xFFFFFFFF;
	p2 =	slt.u32 s8, $0xFFFFF086  }
0x1c: {  	p1 =	slt.u32 s9, $0xF7A;
	s5 =	simm.s32 @!p2 $0x0  }
0x1d: {  	s5 =	simm.s32 @p1 $0x1;
	p0 =	seq.s32 s7, s2  }
0x1e: {  	s7 =	smul.u32 @!p0 $0xF7A, s2;
	p2 =	seq.s32 @!p0 s5, $0x0  }
0x1f: {  	s9 =	smul.u32 $0xF7A, s1;
	s8 =	simm.s32 @!p0 $0x1BF5;
	p2 =	por !p2, p0  }
0x20: {  	[sflag:s8] =	ssyncset.s32 @!p0 $0xFFFFF086;
	s6 =	sadd.s32 @!p0 s3, s7;
	s7 =	simm.s32 @!p0 $0x108  }
0x21: {  	s3 =	sadd.s32 s3, s9;
	s6 =	sadd.s32 @!p0 $0x88, s6;
	s7 =	simm.s32 @p2 $0x1082  }
0x22: {  	[simem:s7], [sflag:s8] =	dma.local @!p0 [hbm:s6], $0xF7A  }
0x23: {  	s9 =	sor.u32 $0xD0000000, s2;
	s6 =	simm.s32 $0x108;
	_ =	swait.ge @!p0 [sflag:s8], $0x0  }
0x24: {  	s3 =	sadd.s32 $0x88, s3;
	s6 =	simm.s32 @!p1 $0x1082;
	[sflag:s4] =	ssyncset.s32 $0xFFFFF086  }
0x25: {  	[simem:s6], [sflag:s4] =	dma.local [hbm:s3], $0xF7A  }
0x26: {  	[smem:$0x3F93] =	sst s1;
	(tag) =	ssettag s2;
	_ =	strace s9  }
0x27: {  	s1 =	sld [smem:$0x3FA3]  }
0x28: {  	s2 =	sld [smem:$0x3FA4]  }
0x29: {  	s4 =	sld [smem:$0x3FA6]  }
0x2a: {  	p0 =	seq.s32 s5, $0x0;
	s5 =	sld [smem:$0x3FA7]  }
0x2b: {  	s6 =	sld [smem:$0x3FA8]  }
0x2c: {  	s7 =	sld [smem:$0x3FA9]  }
0x2d: {  	s3 =	simm.s32 $0x108;
	s8 =	sld [smem:$0x3FAA]  }
0x2e: {  	s3 =	simm.s32 @!p0 $0x1082;
	s9 =	sld [smem:$0x3FAB]  }
0x2f: {  	lr =	sadd.s32 s0, s3;
	s0 =	sld [smem:$0x3FA2]  }
0x30: {  	s3 =	sld [smem:$0x3FA5]  }
0x31: {  	[smem:$0x3FAE] =	sst s10  }
0x32: {  	s10 =	sld [smem:$0x3FAC];
	_ =	sdelay $0x3  }
0x33: {  	p0 =	seq.s32 s10, $0x1;
	s10 =	sld [smem:$0x3FAE];
	_ =	sdelay $0x3  }
0x34: {  	[smem:$0x3FAE] =	sst s10  }
0x35: {  	s10 =	sld [smem:$0x3FAD];
	_ =	sdelay $0x3  }
0x36: {  	p1 =	seq.s32 s10, $0x1;
	s10 =	sld [smem:$0x3FAE];
	_ =	sdelay $0x3  }
0x37: {  	[smem:$0x3FAE] =	sst s10  }
0x38: {  	s10 =	sld [smem:$0x3FAF]  }
0x39: {  	_ = 	snop;
	(pc) =	sbr.ind lr, $3  }
0x3a: {  	_ = 	snop  }
0x3b: {  	_ = 	snop  }
0x3c: {  	p2 =	seq.s32 s10, $0x1;
	s10 =	sld [smem:$0x3FAE]  }
0x3d: {  	_ =	shalt  }
0x3e: {  	_ =	shalt  }
0x3f: {  	_ =	shalt  }
0x40: {  	_ =	shalt  }
0x41: {  	_ =	shalt  }
0x42: {  	_ =	shalt  }
0x43: {  	_ =	shalt  }
0x44: {  	_ =	shalt  }
0x45: {  	_ =	shalt  }
0x46: {  	_ =	shalt  }
0x47: {  	_ =	shalt  }
0x48: {  	_ =	shalt  }
0x49: {  	_ =	shalt  }
0x4a: {  	_ =	shalt  }
0x4b: {  	_ =	shalt  }
0x4c: {  	_ =	shalt  }
0x4d: {  	_ =	shalt  }
0x4e: {  	_ =	shalt  }
0x4f: {  	_ =	shalt  }
0x50: {  	_ =	shalt  }
0x51: {  	_ =	shalt  }
0x52: {  	_ =	shalt  }
0x53: {  	_ =	shalt  }
0x54: {  	_ =	shalt  }
0x55: {  	_ =	shalt  }
0x56: {  	_ =	shalt  }
0x57: {  	_ =	shalt  }
0x58: {  	_ =	shalt  }
0x59: {  	_ =	shalt  }
0x5a: {  	_ =	shalt  }
0x5b: {  	_ =	shalt  }
0x5c: {  	_ =	shalt  }
0x5d: {  	_ =	shalt  }
0x5e: {  	_ =	shalt  }
0x5f: {  	_ =	shalt  }
0x60: {  	_ =	shalt  }
0x61: {  	_ =	shalt  }
0x62: {  	_ =	shalt  }
0x63: {  	_ =	shalt  }
0x64: {  	_ =	shalt  }
0x65: {  	_ =	shalt  }
0x66: {  	_ =	shalt  }
0x67: {  	_ =	shalt  }
0x68: {  	_ =	shalt  }
0x69: {  	_ =	shalt  }
0x6a: {  	_ =	shalt  }
0x6b: {  	_ =	shalt  }
0x6c: {  	_ =	shalt  }
0x6d: {  	_ =	shalt  }
0x6e: {  	_ =	shalt  }
0x6f: {  	_ =	shalt  }
0x70: {  	_ =	shalt  }
0x71: {  	_ =	shalt  }
0x72: {  	_ =	shalt  }
0x73: {  	_ =	shalt  }
0x74: {  	_ =	shalt  }
0x75: {  	_ =	shalt  }
0x76: {  	_ =	shalt  }
0x77: {  	_ =	shalt  }
0x78: {  	_ =	shalt  }
0x79: {  	_ =	shalt  }
0x7a: {  	_ =	shalt  }
0x7b: {  	_ =	shalt  }
0x7c: {  	_ =	shalt  }
0x7d: {  	_ =	shalt  }
0x7e: {  	_ =	shalt  }
0x7f: {  	_ =	shalt  }
0x80: {  	_ =	shalt  }
0x81: {  	_ =	shalt  }
0x82: {  	_ =	shalt  }
0x83: {  	_ =	shalt  }
0x84: {  	_ =	shalt  }
0x85: {  	_ =	shalt  }
0x86: {  	_ =	shalt  }
0x87: {  	_ =	shalt  }
.Lfunc_end0:
.L_simem_size_0:
called_computation_lowered:
.L_overlay_start_0:
0x88: {  	s0 =	sld [smem:$0x3FD9]  }
0x89: {  	s1 =	sld [smem:$0x3FFE];
	_ =	sdelay $0x3  }
0x8a: {  	s0 =	sadd.s32 s1, s0  }
0x8b: {  	[smem:$0x3FBA] =	sst s0  }
0x8c: {  	_ = 	snop  }
0x8d: {  	(tm) =	ssettm $0x1  }
0x8e: {  	s15 =	sld [smem:$0x3FFB];
	_ =	sdelay $0x3  }
0x8f: {  	_ =	strace s15  }
0x90: {  	s0 =	sld [smem:$0x3FFC];
	_ =	sdelay $0x3  }
0x91: {  	_ =	strace s0  }
0x92: {  	s0 =	sld [smem:$0x3FFD];
	_ =	sdelay $0x3  }
0x93: {  	_ =	strace s0  }
0x94: {  	_ =	strace $0x8FFFFFFF  }
0x95: {  	s16 =	sld [smem:$0x3FDB];
	_ =	sdelay $0x1  }
0x96: {  	s17 =	simm.s32 $_scs_section_size  }
0x97: {  	s2 =	simm.s32 $_size__tile_overlayer_lowered;
	s3 =	simm.s32 $_tile_overlayer_lowered  }
0x98: {  	s20 =	simm.s32 $0x1BFF;
	s19 =	sshll.u32 s3, $0x1;
	s0 =	sadd.s32 s17, s16  }
0x99: {  	s4 =	simm.s32 $0x0;
	s18 =	sshll.u32 s2, $0x1;
	s2 =	sadd.s32 s19, s0  }
0x9a: {  	[timem:s4], [sflag:s20] =	dma.local [hbm:s2], s18  }
0x9b: {  	_ =	swait.ge [sflag:s20], s18  }
0x9c: {  	s1 =	ssub.s32 $0x0, s18;
	[sflag:s20] =	ssyncset.done $0x0  }
0x9d: {  	[sflag:s20] =	ssyncadd.s32 s1;
	_ =	sdelay $0x1  }
0x9e: {  	s21 =	simm.s32 $0x1B8B  }
0x9f: {  	_ =	swait.ge [sflag:s21], $0x1  }
0xa0: {  	[sflag:s21] =	ssyncset.done $0x0  }
0xa1: {  	s23 =	simm.s32 $0x1B8E;
	s22 =	sld [smem:$0x3FFE];
	[sflag:s21] =	ssyncadd.s32 $0xFFFFFFFF  }
0xa2: {  	s24 =	simm.s32 $execute0_lowered;
	[smem:$0x3FD2] =	sst s23  }
0xa3: {  	s2 =	sshll.u32 s24, $0x1;
	_ =	strace $0x80000046;
	[dreg:$0x1] =	wrdreg $0xFFFFFFFF  }
0xa4: {  	s25 =	simm.s32 $_size_execute0_lowered;
	s0 =	sadd.s32 s0, s2;
	[dreg:$0x0] =	wrdreg $0x0  }
0xa5: {  	s2 =	sshll.u32 s25, $0x1;
	[dreg:$0x2] =	wrdreg s0  }
0xa6: {  	[dreg:$0x3] =	wrdreg s2  }
0xa7: {  	[dreg:$0x4] =	wrdreg $0xC0  }
0xa8: {  	_ =	task [dreg:s4], $0x5FFFF  }
0xa9: {  	[dreg:$0x1] =	wrdreg $0xFFFFFFFF  }
0xaa: {  	[dreg:$0x0] =	wrdreg $0x60  }
0xab: {  	[dreg:$0x2] =	wrdreg s22  }
0xac: {  	[dreg:$0x3] =	wrdreg $0x9  }
0xad: {  	_ =	task.clear_ibuf [dreg:s4], $0x4FFFF;
	_ =	strace $0x90000046  }
0xae: {  	s26 =	simm.s32 $0x9;
	_ =	strace $0x80000048  }
0xaf: {  	_ =	swait.ge [sflag:s26], $0x1  }
0xb0: {  	[sflag:s26] =	ssyncadd.s32 $0xFFFFFFFF  }
0xb1: {  	_ =	strace $0x90000048  }
0xb2: {  	_ =	sfence  }
0xb3: {  	s28 =	sld [smem:$0x0];
	_ =	sdelay $0x1  }
0xb4: {  	s29 =	srdreg.scid  }
0xb5: {  	s30 =	sshll.u32 s29, $0xD;
	s31 =	sshrl.u32 s29, $0x2  }
0xb6: {  	s1 =	sand.u32 $0x1, s29;
	s2 =	sand.u32 $0x4000, s30;
	s0 =	sadd.s32 s31, s28  }
0xb7: {  	s1 =	sor.u32 s2, s1;
	s0 =	sshll.u32 s0, $0x11  }
0xb8: {  	s0 =	sor.u32 s0, s1  }
0xb9: {  	s0 =	sadd.s32 $0x8F2B, s0  }
0xba: {  	[sflag:s0] =	ssyncadd.remote.s32 $0x1  }
0xbb: {  	_ =	sfence.sel $0xFFFF  }
0xbc: {  	[dreg:$0x0] =	wrdreg $0xFFFFFFFF;
	(pc) =	sbr.abs _section_cstart, $3  }
0xbd: {  	[dreg:$0x1] =	wrdreg $0xFFFFFFFF  }
0xbe: {  	_ =	task.clear_ibuf [dreg:s4], $0x2FFFF;
	_ =	strace $0x9FFFFFFF  }
0xbf: {  	(tm) =	ssettm $0x7FFFFFFF  }
tec
execute0_lowered:
.L_overlay_start_1:
0x0: {  	(tag) =	ssettag $0x1  }
0x1: {  	s1 =	rddreg [dreg:$0x0]  }
0x2: {  	s0 =	rddreg [dreg:$0x1];
	_ =	strace $0x80000047;
	s2 =	stileid.u32  }
0x3: {  	s4 =	simm.s32 $0x3E;
	s3 =	sadd.s32 $0x21000, s1;
	p0 =	sne.s32 s2, $0x0  }
0x4: {  	[sflag:s4] =	ssyncpa.u1 $0x0;
	s5 =	simm.s32 @!p0 $0x1C3E;
	s6 =	simm.s32 @!p0 $0x0  }
0x5: {  	[spmem:s6], [sflag:s5] =	dma.local @!p0 [hbm:s3], $0x10  }
0x6: {  	s5 =	simm.s32 @!p0 $0x3E  }
0x7: {  	_ =	swait.ge @!p0 [sflag:s5], $0x10  }
0x8: {  	[sflag:s5] =	ssyncset.done @!p0 $0x0  }
0x9: {  	s28 =	simm.s32 $0x1;
	[sflag:s5] =	ssyncadd.s32 @!p0 $0xFFFFFFF0  }
0xa: {  	s7 =	simm.s32 $0x2;
	s8 =	simm.s32 $0x0;
	[bflag:$0x0] =	sbarrier.arrive $0xFFFF  }
0xb: {  	s9 =	simm.s32 $0x18;
	s29 =	sadd.s32 $0x20E00, s1;
	[sflag:s4] =	ssyncpa.u1 $0x1  }
0xc: {  	s1 =	sadd.s32 $0x21200, s1;
	s2 =	sshll.u32 s2, $0x1;
	[sflag:s28] =	ssyncpa.u1 $0x0  }
0xd: {  	s5 =	sadd.s32 s29, s2;
	(ifvalue) =	ssetifvalue $0x80;
	[sflag:s7] =	ssyncpa.u1 $0x0  }
0xe: {  	[tilespmem:s9], [sflag:$0x2] =	stream.linear.gather [hbm4b:s5+s8], $0x10, $0x38;
	[tilespmem:$0x48] =	vst v63  }
0xf: {  	s30 =	simm.s32 $0x38;
	s1 =	sadd.s32 s1, s2  }
0x10: {  	[tilespmem:s30], [sflag:$0x2] =	stream.linear.gather [hbm4b:s1+s8], $0x10, $0x38;
	[tilespmem:$0x48] =	vst v63  }
0x11: {  	_ =	swait.ge [sflag:s7], $0x20  }
0x12: {  	[sflag:s7] =	ssyncset.done $0x0  }
0x13: {  	[sflag:s7] =	ssyncadd.s32 $0xFFFFFFE0  }
0x14: {  	v0 =	vld.msk [tilespmem:s9+$0x0 ss:$0x1], $0xffff;
	_ =	sdelay $0x4  }
0x15: {  	v0 =	vmin.u32 v0, $0x80;
	_ =	sdelay $0x3  }
0x16: {  	vm0 =	vmmov $0xffff  }
0x17: {  	[spmem:s8] =	stream.indirect_vreg.scatter.add.s32 [tilespmem:s30], [sflag:$0x1], $0x1, v0, vm0, $0x4038;
	[tilespmem:$0x48] =	vst v63  }
0x18: {  	_ =	swait.ge [sflag:s28], $0x10  }
0x19: {  	[sflag:s28] =	ssyncset.done $0x0  }
0x1a: {  	[sflag:s28] =	ssyncadd.s32 $0xFFFFFFF0  }
0x1b: {  	_ =	sfence.sel $0x180000  }
0x1c: {  	[bflag:$0x0] =	sbarrier.arrive $0xFFFF  }
0x1d: {  	[sflag:s7] =	ssyncpa.u1 $0x1  }
0x1e: {  	[sflag:s28] =	ssyncpa.u1 $0x1  }
0x1f: {  	_ =	sfence.stream.spmem  }
0x20: {  	s31 =	simm.s32 $0x3D;
	[bflag:$0x0] =	sbarrier.arrive $0xFFFF  }
0x21: {  	s1 =	simm.s32 @p0 $0x3D;
	[sflag:s31] =	ssyncpa.u1 $0x0  }
0x22: {  	[sflag:s1] =	ssyncpa.u1 @p0 $0x1  }
0x23: {  	[bflag:$0x0] =	sbarrier.arrive @p0 $0xFFFF  }
0x24: {  	_ =	strace @p0 $0x90000047  }
0x25: {  	s1 =	simm.s32 @!p0 $0x1C3D;
	[bflag:$0x2] =	sbarrier.arrive @p0 $0xFFFF  }
0x26: {  	[hbm:s3], [sflag:s1] =	dma.local @!p0 [spmem:s6], $0x10  }
0x27: {  	s1 =	simm.s32 @!p0 $0x3D  }
0x28: {  	_ =	swait.ge @!p0 [sflag:s1], $0x10  }
0x29: {  	[sflag:s1] =	ssyncset.done @!p0 $0x0  }
0x2a: {  	[sflag:s1] =	ssyncadd.s32 @!p0 $0xFFFFFFF0  }
0x2b: {  	[sflag:s1] =	ssyncpa.u1 @!p0 $0x1  }
0x2c: {  	[bflag:$0x0] =	sbarrier.arrive @!p0 $0xFFFF  }
0x2d: {  	_ =	strace @!p0 $0x90000047  }
0x2e: {  	s0 =	sadd.s32 @!p0 $0x100000, s0;
	[bflag:$0x2] =	sbarrier.arrive @!p0 $0xFFFF  }
0x2f: {  	[sflag:s0] =	ssyncadd.tile.s32 @!p0 $0x1;
	_ =	shalt  }
.Lfunc_end2:
_tile_overlayer_lowered:
.L_overlay_start_2:
0x30: {  	(tag) =	ssettag $0x2  }
0x31: {  	s0 =	rddreg [dreg:$0x0];
	s2 =	stileid.u32  }
0x32: {  	s1 =	rddreg [dreg:$0x1];
	p0 =	sne.s32 s2, $0x0  }
0x33: {  	s3 =	rddreg [dreg:$0x2];
	[bflag:$0x3] =	sbarrier.arrive $0xFFFF;
	s2 =	simm.s32 @!p0 $0x1C01  }
0x34: {  	[timem:s3], [sflag:s2] =	dma.local @!p0 [hbm:s0], s1  }
0x35: {  	s0 =	simm.s32 @!p0 $0x1  }
0x36: {  	_ =	swait.ge @!p0 [sflag:s0], s1  }
0x37: {  	s1 =	ssub.s32 @!p0 $0x0, s1;
	[sflag:s0] =	ssyncset.done @!p0 $0x0  }
0x38: {  	[sflag:s0] =	ssyncadd.s32 @!p0 s1  }
0x39: {  	[bflag:$0x3] =	sbarrier.arrive $0xFFFF  }
0x3a: {  	_ =	shalt  }

</sc_bundles>
